<compile_context>
chip_gen: v7x
topology: tpu7x:2x2x1
jax: 0.10.2.dev20260603
libtpu: 0.0.44.dev20260713+nightly
codegen_flags: <defaults>
</compile_context>

<pallas_src>
import functools

import jax
import jax.numpy as jnp
from jax import lax
from jax.experimental import pallas as pl
from jax.experimental.pallas import tpu as pltpu
import jax.experimental.pallas.tpu_sc as plsc

N_NODES = 10000
N_EDGES = 320000
D_NODE = 128
D_EDGE = 16
D_OUT = 128

NC = 2
NS = 16
NW = NC * NS
EPW = N_EDGES // NW
CH = 40
NCHUNK = EPW // CH
N_PAD = 10240
ROWS_PT = N_PAD // NS
LANES = 16
GRP = D_OUT // LANES
D_HALF = D_OUT // 2



def _pack_pairs(v):
    lo = lax.bitcast_convert_type(
        v[:, :D_HALF].astype(jnp.bfloat16), jnp.uint16).astype(jnp.uint32)
    hi = lax.bitcast_convert_type(
        v[:, D_HALF:].astype(jnp.bfloat16), jnp.uint16).astype(jnp.uint32)
    return lax.bitcast_convert_type(lo | (hi << 16), jnp.int32)


def _g_body(x_ref, wx_ref, g_ref):
    g_ref[...] = lax.dot_general(
        x_ref[...], wx_ref[...], (((1,), (1,)), ((), ())),
        preferred_element_type=jnp.float32)


def _a_body(ea_ref, we_ref, b_ref, a_ref):
    a = lax.dot_general(
        ea_ref[...], we_ref[...], (((1,), (1,)), ((), ())),
        preferred_element_type=jnp.float32) + b_ref[...]
    a_ref[...] = _pack_pairs(a)



NBUF = 3


def _sc_body(g_hbm, src_hbm, dst_hbm, a_hbm, zero_hbm, out_hbm,
             sidx0, sidx1, sidx2, didx0, didx1, didx2,
             rows0, rows1, ain0, ain1, ain2, mout0, mout1, acc,
             sg0, sg1, sa0, sa1, sa2,
             sis0, sis1, sis2, sid0, sid1, sid2, ss0, ss1):
    sidx = (sidx0, sidx1, sidx2)
    didx = (didx0, didx1, didx2)
    rows = (rows0, rows1)
    ain = (ain0, ain1, ain2)
    mout = (mout0, mout1)
    sg = (sg0, sg1)
    sa = (sa0, sa1, sa2)
    sis = (sis0, sis1, sis2)
    sdi = (sid0, sid1, sid2)
    ss = (ss0, ss1)

    cid = lax.axis_index("c")
    sid_ax = lax.axis_index("s")
    wid = sid_ax * NC + cid
    ebase = wid * EPW

    def issue_sidx(c, b3):
        off = ebase + c * CH
        pltpu.async_copy(src_hbm.at[pl.ds(off, CH)], sidx[b3], sis[b3])

    def issue_dain(c, b3):
        off = ebase + c * CH
        pltpu.async_copy(dst_hbm.at[pl.ds(off, CH)], didx[b3], sdi[b3])
        pltpu.async_copy(a_hbm.at[pl.ds(off, CH)], ain[b3], sa[b3])

    def issue_gather(b3, b2):
        pltpu.make_async_copy(
            src_hbm.at[pl.ds(0, CH)], sidx[b3], sis[b3]).wait()
        pltpu.async_copy(g_hbm.at[sidx[b3]], rows[b2], sg[b2])

    def wait_feeds(b3, b2):
        pltpu.make_async_copy(dst_hbm.at[pl.ds(0, CH)], didx[b3], sdi[b3]).wait()
        pltpu.make_async_copy(a_hbm.at[pl.ds(0, CH)], ain[b3], sa[b3]).wait()
        pltpu.make_async_copy(g_hbm.at[sidx[b3]], rows[b2], sg[b2]).wait()

    def compute_scatter(b3, b2):
        mask = jnp.int32(-65536)

        @plsc.parallel_loop(0, CH, 1, unroll=4)
        def edge_body(e):
            for k in range(D_HALF // LANES):
                s = pl.ds(k * LANES, LANES)
                wa = ain[b3][e, s]
                alo = lax.bitcast_convert_type(wa << 16, jnp.float32)
                ahi = lax.bitcast_convert_type(wa & mask, jnp.float32)
                sh = pl.ds(D_HALF + k * LANES, LANES)
                mout[b2][e, s] = jnp.maximum(rows[b2][e, s] + alo, 0.0)
                mout[b2][e, sh] = jnp.maximum(rows[b2][e, sh] + ahi, 0.0)

        pltpu.async_copy(mout[b2], acc.at[didx[b3]], ss[b2], add=True)

    def wait_scatter(b3, b2):
        pltpu.make_async_copy(mout[b2], acc.at[didx[b3]], ss[b2]).wait()

    issue_sidx(0, 0)
    issue_sidx(1, 1)
    issue_dain(0, 0)
    issue_dain(1, 1)
    issue_gather(0, 0)
    pltpu.sync_copy(zero_hbm.at[pl.ds(sid_ax * ROWS_PT, ROWS_PT)],
                    acc.at[pl.ds(sid_ax * ROWS_PT, ROWS_PT)])
    plsc.subcore_barrier()

    issue_sidx(2, 2)
    issue_gather(1, 1)
    wait_feeds(0, 0)
    compute_scatter(0, 0)
    issue_dain(2, 2)

    issue_sidx(3, 0)
    issue_gather(2, 0)
    wait_feeds(1, 1)
    compute_scatter(1, 1)
    wait_scatter(0, 0)
    issue_dain(3, 0)

    @pl.loop(0, (NCHUNK - 4) // 6)
    def _grp(k):
        for b in range(6):
            c = 6 * k + 2 + b
            b3 = (2 + b) % 3
            b2 = b % 2
            issue_sidx(c + 2, (b3 + 2) % 3)
            issue_gather((b3 + 1) % 3, 1 - b2)
            wait_feeds(b3, b2)
            compute_scatter(b3, b2)
            wait_scatter((b3 + 2) % 3, 1 - b2)
            issue_dain(c + 2, (b3 + 2) % 3)

    issue_gather(0, 1)
    wait_feeds(2, 0)
    compute_scatter(2, 0)
    wait_scatter(1, 1)

    wait_feeds(0, 1)
    compute_scatter(0, 1)
    wait_scatter(2, 0)
    wait_scatter(0, 1)

    plsc.subcore_barrier()
    pltpu.sync_copy(acc.at[pl.ds(sid_ax * ROWS_PT, ROWS_PT)],
                    out_hbm.at[cid, pl.ds(sid_ax * ROWS_PT, ROWS_PT)])



def _combine_body(p_ref, o_ref):
    o_ref[...] = p_ref[0] + p_ref[1]


def kernel(x, edge_index, edge_attr, W, b):
    src = edge_index[0].astype(jnp.int32)
    dst = edge_index[1].astype(jnp.int32)
    We = W[:, :D_EDGE]
    Wx = W[:, D_EDGE:]
    b2 = b.reshape(1, D_OUT)
    zeros = jnp.zeros((N_PAD, D_OUT), jnp.float32)

    g = pl.pallas_call(
        _g_body,
        out_shape=jax.ShapeDtypeStruct((N_NODES, D_NODE), jnp.float32),
        grid=(5,),
        in_specs=[
            pl.BlockSpec((N_NODES // 5, D_NODE), lambda i: (i, 0)),
            pl.BlockSpec((D_OUT, D_NODE), lambda i: (0, 0)),
        ],
        out_specs=pl.BlockSpec((N_NODES // 5, D_OUT), lambda i: (i, 0)),
    )(x, Wx)

    BLK_E = 6400
    a = pl.pallas_call(
        _a_body,
        out_shape=jax.ShapeDtypeStruct((N_EDGES, D_HALF), jnp.int32),
        grid=(N_EDGES // BLK_E,),
        in_specs=[
            pl.BlockSpec((BLK_E, D_EDGE), lambda i: (i, 0)),
            pl.BlockSpec((D_OUT, D_EDGE), lambda i: (0, 0)),
            pl.BlockSpec((1, D_OUT), lambda i: (0, 0)),
        ],
        out_specs=pl.BlockSpec((BLK_E, D_HALF), lambda i: (i, 0)),
    )(edge_attr, We, b2)

    sc_call = pl.kernel(
        _sc_body,
        out_type=jax.ShapeDtypeStruct((NC, N_PAD, D_OUT), jnp.float32),
        mesh=plsc.VectorSubcoreMesh(core_axis_name="c", subcore_axis_name="s"),
        scratch_types=(
            [pltpu.VMEM((CH,), jnp.int32) for _ in range(6)]
            + [pltpu.VMEM((CH, D_OUT), jnp.float32) for _ in range(2)]
            + [pltpu.VMEM((CH, D_HALF), jnp.int32) for _ in range(3)]
            + [pltpu.VMEM((CH, D_OUT), jnp.float32) for _ in range(2)]
            + [pltpu.VMEM_SHARED((N_PAD, D_OUT), jnp.float32)]
            + [pltpu.SemaphoreType.DMA for _ in range(13)]
        ),
    )
    partials = sc_call(g, src, dst, a, zeros)

    out = pl.pallas_call(
        _combine_body,
        out_shape=jax.ShapeDtypeStruct((N_NODES, D_OUT), jnp.float32),
        grid=(5,),
        in_specs=[pl.BlockSpec((NC, N_NODES // 5, D_OUT), lambda i: (0, i, 0))],
        out_specs=pl.BlockSpec((N_NODES // 5, D_OUT), lambda i: (i, 0)),
    )(partials)
    return out

# --- scband reference (transcript-rebuilt; emitter-appended) ---
"""Pipeline reference for scband-gnnbranch-36807869727435 (READ-ONLY COPY).

The authoritative reference and input builder live on the scoring server;
editing this copy changes nothing except your own understanding.
"""

import jax, jax.numpy as jnp
import numpy as np

N_NODES = 10000
N_EDGES = 320000
D_NODE = 128
D_EDGE = 16
D_OUT = 128

def setup_inputs(seed: int = 0) -> dict:
    key = jax.random.key(seed)
    k1, k2, k3, k4, k5 = jax.random.split(key, 5)
    x = jax.random.normal(k1, (N_NODES, D_NODE), dtype=jnp.float32)
    edge_index = jax.random.randint(k2, (2, N_EDGES), 0, N_NODES, dtype=jnp.int64)
    edge_attr = jax.random.normal(k3, (N_EDGES, D_EDGE), dtype=jnp.float32)
    fan_in = D_NODE + D_EDGE
    bound = 1.0 / np.sqrt(fan_in)
    W = jax.random.uniform(k4, (D_OUT, fan_in), dtype=jnp.float32, minval=-bound, maxval=bound)
    b = jax.random.uniform(k5, (D_OUT,), dtype=jnp.float32, minval=-bound, maxval=bound)
    return {"x": x, "edge_index": edge_index, "edge_attr": edge_attr, "W": W, "b": b}

def reference(x, edge_index, edge_attr, W, b):
    # PyG MessagePassing with flow='source_to_target':
    # x_j = x[edge_index[0]] (source), aggregate to edge_index[1] (target), aggr='add'
    src = edge_index[0]
    dst = edge_index[1]
    x_j = jnp.take(x, src, axis=0)                     # gather: [E, D_NODE]
    feats = jnp.concatenate([edge_attr, x_j], axis=1)  # [E, D_EDGE + D_NODE]
    msg = jax.nn.relu(feats @ W.T + b)                 # [E, D_OUT]
    out = jax.ops.segment_sum(msg, dst, num_segments=x.shape[0])  # scatter-add: [N, D_OUT]
    return out

if __name__ == "__main__":
    import jax
    _d = setup_inputs()
    print(jax.jit(kernel)(*tuple(_d.values())))

</pallas_src>

<mosaic_0001>
#map = affine_map<(d0, d1) -> (0, 0)>
#map1 = affine_map<(d0, d1) -> (0)>
#map2 = affine_map<(d0, d1) -> (0, 0, 0)>
module attributes {stable_mosaic.version = 14 : i64} {
  func.func @_sc_body(%arg0: i32, %arg1: i32, %arg2: memref<10000x128xf32, #tpu.memory_space<hbm>>, %arg3: memref<320000xi32, #tpu.memory_space<hbm>>, %arg4: memref<320000xi32, #tpu.memory_space<hbm>>, %arg5: memref<320000x64xi32, #tpu.memory_space<hbm>>, %arg6: memref<10240x128xf32, #tpu.memory_space<hbm>>, %arg7: memref<2x10240x128xf32, #tpu.memory_space<hbm>>, %arg8: memref<40xi32, #tpu.memory_space<vmem>>, %arg9: memref<40xi32, #tpu.memory_space<vmem>>, %arg10: memref<40xi32, #tpu.memory_space<vmem>>, %arg11: memref<40xi32, #tpu.memory_space<vmem>>, %arg12: memref<40xi32, #tpu.memory_space<vmem>>, %arg13: memref<40xi32, #tpu.memory_space<vmem>>, %arg14: memref<40x128xf32, #tpu.memory_space<vmem>>, %arg15: memref<40x128xf32, #tpu.memory_space<vmem>>, %arg16: memref<40x64xi32, #tpu.memory_space<vmem>>, %arg17: memref<40x64xi32, #tpu.memory_space<vmem>>, %arg18: memref<40x64xi32, #tpu.memory_space<vmem>>, %arg19: memref<40x128xf32, #tpu.memory_space<vmem>>, %arg20: memref<40x128xf32, #tpu.memory_space<vmem>>, %arg21: memref<10240x128xf32, #tpu.memory_space<vmem_shared>>, %arg22: memref<!tpu.dma_semaphore, #tpu.memory_space<semaphore_mem>>, %arg23: memref<!tpu.dma_semaphore, #tpu.memory_space<semaphore_mem>>, %arg24: memref<!tpu.dma_semaphore, #tpu.memory_space<semaphore_mem>>, %arg25: memref<!tpu.dma_semaphore, #tpu.memory_space<semaphore_mem>>, %arg26: memref<!tpu.dma_semaphore, #tpu.memory_space<semaphore_mem>>, %arg27: memref<!tpu.dma_semaphore, #tpu.memory_space<semaphore_mem>>, %arg28: memref<!tpu.dma_semaphore, #tpu.memory_space<semaphore_mem>>, %arg29: memref<!tpu.dma_semaphore, #tpu.memory_space<semaphore_mem>>, %arg30: memref<!tpu.dma_semaphore, #tpu.memory_space<semaphore_mem>>, %arg31: memref<!tpu.dma_semaphore, #tpu.memory_space<semaphore_mem>>, %arg32: memref<!tpu.dma_semaphore, #tpu.memory_space<semaphore_mem>>, %arg33: memref<!tpu.dma_semaphore, #tpu.memory_space<semaphore_mem>>, %arg34: memref<!tpu.dma_semaphore, #tpu.memory_space<semaphore_mem>>) attributes {dimension_semantics = [#tpu.dimension_semantics<core_parallel>, #tpu.dimension_semantics<subcore_parallel>], iteration_bounds = array<i64: 2, 16>, scalar_prefetch = 0 : i64, scratch_operands = 27 : i64, tpu.core_type = #tpu.core_type<sc_vector_subcore>, window_params = [{transform_indices = #map}, {transform_indices = #map1}, {transform_indices = #map1}, {transform_indices = #map}, {transform_indices = #map}, {transform_indices = #map2}]} {
    %mul3A = arith.constant 2 : i32
    %mul3A_0 = arith.muli %arg1, %mul3A : i32
    %add3A = arith.addi %mul3A_0, %arg0 : i32
    %mul3A_1 = arith.constant 10000 : i32
    %mul3A_2 = arith.muli %add3A, %mul3A_1 : i32
    %add3A_3 = arith.constant 0 : i32
    %add3A_4 = arith.addi %mul3A_2, %add3A_3 : i32
    %dma_start3A = tpu.memref_slice %arg3[%add3A_4] : memref<320000xi32, #tpu.memory_space<hbm>> -> memref<40xi32, #tpu.memory_space<hbm>>
    %dma_start3A_5 = tpu.memref_slice %arg3[%add3A_4] : memref<320000xi32, #tpu.memory_space<hbm>> -> memref<40xi32, #tpu.memory_space<hbm>>
    tpu.enqueue_dma source(%dma_start3A_5 : memref<40xi32, #tpu.memory_space<hbm>>) target(%arg8 : memref<40xi32, #tpu.memory_space<vmem>>) target_semaphore(%arg27 : memref<!tpu.dma_semaphore, #tpu.memory_space<semaphore_mem>>)
    %add3A_6 = arith.constant 40 : i32
    %add3A_7 = arith.addi %mul3A_2, %add3A_6 : i32
    %dma_start3A_8 = tpu.memref_slice %arg3[%add3A_7] : memref<320000xi32, #tpu.memory_space<hbm>> -> memref<40xi32, #tpu.memory_space<hbm>>
    %dma_start3A_9 = tpu.memref_slice %arg3[%add3A_7] : memref<320000xi32, #tpu.memory_space<hbm>> -> memref<40xi32, #tpu.memory_space<hbm>>
    tpu.enqueue_dma source(%dma_start3A_9 : memref<40xi32, #tpu.memory_space<hbm>>) target(%arg9 : memref<40xi32, #tpu.memory_space<vmem>>) target_semaphore(%arg28 : memref<!tpu.dma_semaphore, #tpu.memory_space<semaphore_mem>>)
    %add3A_10 = arith.constant 0 : i32
    %add3A_11 = arith.addi %mul3A_2, %add3A_10 : i32
    %dma_start3A_12 = tpu.memref_slice %arg4[%add3A_11] : memref<320000xi32, #tpu.memory_space<hbm>> -> memref<40xi32, #tpu.memory_space<hbm>>
    %dma_start3A_13 = tpu.memref_slice %arg4[%add3A_11] : memref<320000xi32, #tpu.memory_space<hbm>> -> memref<40xi32, #tpu.memory_space<hbm>>
    tpu.enqueue_dma source(%dma_start3A_13 : memref<40xi32, #tpu.memory_space<hbm>>) target(%arg11 : memref<40xi32, #tpu.memory_space<vmem>>) target_semaphore(%arg30 : memref<!tpu.dma_semaphore, #tpu.memory_space<semaphore_mem>>)
    %dma_start3A_14 = arith.constant 0 : i32
    %dma_start3A_15 = tpu.memref_slice %arg5[%add3A_11, %dma_start3A_14] : memref<320000x64xi32, #tpu.memory_space<hbm>> -> memref<40x64xi32, #tpu.memory_space<hbm>>
    %dma_start3A_16 = arith.constant 0 : i32
    %dma_start3A_17 = tpu.memref_slice %arg5[%add3A_11, %dma_start3A_16] : memref<320000x64xi32, #tpu.memory_space<hbm>> -> memref<40x64xi32, #tpu.memory_space<hbm>>
    tpu.enqueue_dma source(%dma_start3A_17 : memref<40x64xi32, #tpu.memory_space<hbm>>) target(%arg16 : memref<40x64xi32, #tpu.memory_space<vmem>>) target_semaphore(%arg24 : memref<!tpu.dma_semaphore, #tpu.memory_space<semaphore_mem>>)
    %add3A_18 = arith.constant 40 : i32
    %add3A_19 = arith.addi %mul3A_2, %add3A_18 : i32
    %dma_start3A_20 = tpu.memref_slice %arg4[%add3A_19] : memref<320000xi32, #tpu.memory_space<hbm>> -> memref<40xi32, #tpu.memory_space<hbm>>
    %dma_start3A_21 = tpu.memref_slice %arg4[%add3A_19] : memref<320000xi32, #tpu.memory_space<hbm>> -> memref<40xi32, #tpu.memory_space<hbm>>
    tpu.enqueue_dma source(%dma_start3A_21 : memref<40xi32, #tpu.memory_space<hbm>>) target(%arg12 : memref<40xi32, #tpu.memory_space<vmem>>) target_semaphore(%arg31 : memref<!tpu.dma_semaphore, #tpu.memory_space<semaphore_mem>>)
    %dma_start3A_22 = arith.constant 0 : i32
    %dma_start3A_23 = tpu.memref_slice %arg5[%add3A_19, %dma_start3A_22] : memref<320000x64xi32, #tpu.memory_space<hbm>> -> memref<40x64xi32, #tpu.memory_space<hbm>>
    %dma_start3A_24 = arith.constant 0 : i32
    %dma_start3A_25 = tpu.memref_slice %arg5[%add3A_19, %dma_start3A_24] : memref<320000x64xi32, #tpu.memory_space<hbm>> -> memref<40x64xi32, #tpu.memory_space<hbm>>
    tpu.enqueue_dma source(%dma_start3A_25 : memref<40x64xi32, #tpu.memory_space<hbm>>) target(%arg17 : memref<40x64xi32, #tpu.memory_space<vmem>>) target_semaphore(%arg25 : memref<!tpu.dma_semaphore, #tpu.memory_space<semaphore_mem>>)
    %dma_wait3A = arith.constant 0 : i32
    %dma_wait3A_26 = tpu.memref_slice %arg3[%dma_wait3A] : memref<320000xi32, #tpu.memory_space<hbm>> -> memref<40xi32, #tpu.memory_space<hbm>>
    %dma_wait3A_27 = arith.constant 0 : i32
    %dma_wait3A_28 = tpu.memref_slice %arg3[%dma_wait3A_27] : memref<320000xi32, #tpu.memory_space<hbm>> -> memref<40xi32, #tpu.memory_space<hbm>>
    tpu.wait_dma2 semaphore(%arg27 : memref<!tpu.dma_semaphore, #tpu.memory_space<semaphore_mem>>) src(%dma_wait3A_28 : memref<40xi32, #tpu.memory_space<hbm>>) dst(%arg8 : memref<40xi32, #tpu.memory_space<vmem>>)
    %dma_start3A_29 = arith.constant 0 : i32
    %dma_start3A_30 = arith.constant 0 : i32
    %dma_start3A_31 = tpu.memref_slice %arg2[%dma_start3A_29, %dma_start3A_30] : memref<10000x128xf32, #tpu.memory_space<hbm>> -> memref<10000x128xf32, #tpu.memory_space<hbm>>
    tpu.enqueue_indirect_dma source(%dma_start3A_31 : memref<10000x128xf32, #tpu.memory_space<hbm>>) target(%arg14 : memref<40x128xf32, #tpu.memory_space<vmem>>) offsets(%arg8 : memref<40xi32, #tpu.memory_space<vmem>>) semaphore(%arg22 : memref<!tpu.dma_semaphore, #tpu.memory_space<semaphore_mem>>)
    %mul3A_32 = arith.constant 640 : i32
    %mul3A_33 = arith.muli %arg1, %mul3A_32 : i32
    %mul3A_34 = arith.constant 640 : i32
    %mul3A_35 = arith.muli %arg1, %mul3A_34 : i32
    "tpu.region"() ({
      %run_scoped3A = tpu.sem_alloc : memref<!tpu.dma_semaphore, #tpu.memory_space<semaphore_mem>>
      %dma_start3A_181 = arith.constant 0 : i32
      %dma_start3A_182 = tpu.memref_slice %arg21[%mul3A_35, %dma_start3A_181] : memref<10240x128xf32, #tpu.memory_space<vmem_shared>> -> memref<640x128xf32, #tpu.memory_space<vmem_shared>>
      %dma_start3A_183 = arith.constant 0 : i32
      %dma_start3A_184 = tpu.memref_slice %arg6[%mul3A_33, %dma_start3A_183] : memref<10240x128xf32, #tpu.memory_space<hbm>> -> memref<640x128xf32, #tpu.memory_space<hbm>>
      tpu.enqueue_dma source(%dma_start3A_184 : memref<640x128xf32, #tpu.memory_space<hbm>>) target(%dma_start3A_182 : memref<640x128xf32, #tpu.memory_space<vmem_shared>>) target_semaphore(%run_scoped3A : memref<!tpu.dma_semaphore, #tpu.memory_space<semaphore_mem>>)
      %dma_wait3A_185 = arith.constant 0 : i32
      %dma_wait3A_186 = tpu.memref_slice %arg21[%mul3A_35, %dma_wait3A_185] : memref<10240x128xf32, #tpu.memory_space<vmem_shared>> -> memref<640x128xf32, #tpu.memory_space<vmem_shared>>
      %dma_wait3A_187 = arith.constant 0 : i32
      %dma_wait3A_188 = tpu.memref_slice %arg6[%mul3A_33, %dma_wait3A_187] : memref<10240x128xf32, #tpu.memory_space<hbm>> -> memref<640x128xf32, #tpu.memory_space<hbm>>
      tpu.wait_dma2 semaphore(%run_scoped3A : memref<!tpu.dma_semaphore, #tpu.memory_space<semaphore_mem>>) src(%dma_wait3A_188 : memref<640x128xf32, #tpu.memory_space<hbm>>) dst(%dma_wait3A_186 : memref<640x128xf32, #tpu.memory_space<vmem_shared>>)
      tpu.yield
    }) : () -> ()
    %barrier3A = arith.constant 0 : index
    tpu.barrier barrier_id(%barrier3A)
    %add3A_36 = arith.constant 80 : i32
    %add3A_37 = arith.addi %mul3A_2, %add3A_36 : i32
    %dma_start3A_38 = tpu.memref_slice %arg3[%add3A_37] : memref<320000xi32, #tpu.memory_space<hbm>> -> memref<40xi32, #tpu.memory_space<hbm>>
    %dma_start3A_39 = tpu.memref_slice %arg3[%add3A_37] : memref<320000xi32, #tpu.memory_space<hbm>> -> memref<40xi32, #tpu.memory_space<hbm>>
    tpu.enqueue_dma source(%dma_start3A_39 : memref<40xi32, #tpu.memory_space<hbm>>) target(%arg10 : memref<40xi32, #tpu.memory_space<vmem>>) target_semaphore(%arg29 : memref<!tpu.dma_semaphore, #tpu.memory_space<semaphore_mem>>)
    %dma_wait3A_40 = arith.constant 0 : i32
    %dma_wait3A_41 = tpu.memref_slice %arg3[%dma_wait3A_40] : memref<320000xi32, #tpu.memory_space<hbm>> -> memref<40xi32, #tpu.memory_space<hbm>>
    %dma_wait3A_42 = arith.constant 0 : i32
    %dma_wait3A_43 = tpu.memref_slice %arg3[%dma_wait3A_42] : memref<320000xi32, #tpu.memory_space<hbm>> -> memref<40xi32, #tpu.memory_space<hbm>>
    tpu.wait_dma2 semaphore(%arg28 : memref<!tpu.dma_semaphore, #tpu.memory_space<semaphore_mem>>) src(%dma_wait3A_43 : memref<40xi32, #tpu.memory_space<hbm>>) dst(%arg9 : memref<40xi32, #tpu.memory_space<vmem>>)
    %dma_start3A_44 = arith.constant 0 : i32
    %dma_start3A_45 = arith.constant 0 : i32
    %dma_start3A_46 = tpu.memref_slice %arg2[%dma_start3A_44, %dma_start3A_45] : memref<10000x128xf32, #tpu.memory_space<hbm>> -> memref<10000x128xf32, #tpu.memory_space<hbm>>
    tpu.enqueue_indirect_dma source(%dma_start3A_46 : memref<10000x128xf32, #tpu.memory_space<hbm>>) target(%arg15 : memref<40x128xf32, #tpu.memory_space<vmem>>) offsets(%arg9 : memref<40xi32, #tpu.memory_space<vmem>>) semaphore(%arg23 : memref<!tpu.dma_semaphore, #tpu.memory_space<semaphore_mem>>)
    %dma_wait3A_47 = arith.constant 0 : i32
    %dma_wait3A_48 = tpu.memref_slice %arg4[%dma_wait3A_47] : memref<320000xi32, #tpu.memory_space<hbm>> -> memref<40xi32, #tpu.memory_space<hbm>>
    %dma_wait3A_49 = arith.constant 0 : i32
    %dma_wait3A_50 = tpu.memref_slice %arg4[%dma_wait3A_49] : memref<320000xi32, #tpu.memory_space<hbm>> -> memref<40xi32, #tpu.memory_space<hbm>>
    tpu.wait_dma2 semaphore(%arg30 : memref<!tpu.dma_semaphore, #tpu.memory_space<semaphore_mem>>) src(%dma_wait3A_50 : memref<40xi32, #tpu.memory_space<hbm>>) dst(%arg11 : memref<40xi32, #tpu.memory_space<vmem>>)
    %dma_wait3A_51 = arith.constant 0 : i32
    %dma_wait3A_52 = arith.constant 0 : i32
    %dma_wait3A_53 = tpu.memref_slice %arg5[%dma_wait3A_51, %dma_wait3A_52] : memref<320000x64xi32, #tpu.memory_space<hbm>> -> memref<40x64xi32, #tpu.memory_space<hbm>>
    %dma_wait3A_54 = arith.constant 0 : i32
    %dma_wait3A_55 = arith.constant 0 : i32
    %dma_wait3A_56 = tpu.memref_slice %arg5[%dma_wait3A_54, %dma_wait3A_55] : memref<320000x64xi32, #tpu.memory_space<hbm>> -> memref<40x64xi32, #tpu.memory_space<hbm>>
    tpu.wait_dma2 semaphore(%arg24 : memref<!tpu.dma_semaphore, #tpu.memory_space<semaphore_mem>>) src(%dma_wait3A_56 : memref<40x64xi32, #tpu.memory_space<hbm>>) dst(%arg16 : memref<40x64xi32, #tpu.memory_space<vmem>>)
    %dma_wait3A_57 = arith.constant 0 : i32
    %dma_wait3A_58 = arith.constant 0 : i32
    %dma_wait3A_59 = tpu.memref_slice %arg2[%dma_wait3A_57, %dma_wait3A_58] : memref<10000x128xf32, #tpu.memory_space<hbm>> -> memref<10000x128xf32, #tpu.memory_space<hbm>>
    tpu.wait_indirect_dma semaphore(%arg22 : memref<!tpu.dma_semaphore, #tpu.memory_space<semaphore_mem>>) src(%dma_wait3A_59 : memref<10000x128xf32, #tpu.memory_space<hbm>>) dst(%arg14 : memref<40x128xf32, #tpu.memory_space<vmem>>)
    %parallel_loop3A = arith.constant 0 : i32
    %parallel_loop3A_60 = arith.constant 40 : i32
    %parallel_loop3A_61 = arith.constant 1 : i32
    %parallel_loop3A_62 = arith.constant -65536 : i32
    scf.for %parallel_loop3A_181 = %parallel_loop3A to %parallel_loop3A_60 step %parallel_loop3A_61  : i32 {
      %parallel_loop3A_182 = arith.index_cast %parallel_loop3A_181 : i32 to index
      %parallel_loop3A_183 = arith.constant 0 : index
      %parallel_loop3A_184 = tpu.vector_load %arg16[%parallel_loop3A_182, %parallel_loop3A_183] {strides = array<i32>} : memref<40x64xi32, #tpu.memory_space<vmem>>, vector<1x16xi32>,
      %parallel_loop3A_185 = vector.shape_cast %parallel_loop3A_184 : vector<1x16xi32> to vector<16xi32>
      %parallel_loop3A_186 = arith.constant 16 : i32
      %parallel_loop3A_187 = vector.broadcast %parallel_loop3A_186 : i32 to vector<16xi32>
      %parallel_loop3A_188 = arith.shli %parallel_loop3A_185, %parallel_loop3A_187 : vector<16xi32>
      %parallel_loop3A_189 = tpu.bitcast %parallel_loop3A_188 : vector<16xi32> -> vector<16xf32>
      %parallel_loop3A_190 = vector.broadcast %parallel_loop3A_62 : i32 to vector<16xi32>
      %parallel_loop3A_191 = arith.andi %parallel_loop3A_185, %parallel_loop3A_190 : vector<16xi32>
      %parallel_loop3A_192 = tpu.bitcast %parallel_loop3A_191 : vector<16xi32> -> vector<16xf32>
      %parallel_loop3A_193 = arith.index_cast %parallel_loop3A_181 : i32 to index
      %parallel_loop3A_194 = arith.constant 0 : index
      %parallel_loop3A_195 = tpu.vector_load %arg14[%parallel_loop3A_193, %parallel_loop3A_194] {strides = array<i32>} : memref<40x128xf32, #tpu.memory_space<vmem>>, vector<1x16xf32>,
      %parallel_loop3A_196 = vector.shape_cast %parallel_loop3A_195 : vector<1x16xf32> to vector<16xf32>
      %parallel_loop3A_197 = arith.addf %parallel_loop3A_196, %parallel_loop3A_189 : vector<16xf32>
      %parallel_loop3A_198 = arith.constant 0.000000e+00 : f32
      %parallel_loop3A_199 = vector.broadcast %parallel_loop3A_198 : f32 to vector<16xf32>
      %parallel_loop3A_200 = arith.maximumf %parallel_loop3A_197, %parallel_loop3A_199 : vector<16xf32>
      %parallel_loop3A_201 = arith.index_cast %parallel_loop3A_181 : i32 to index
      %parallel_loop3A_202 = arith.constant 0 : index
      %parallel_loop3A_203 = tpu.vector_load %arg19[%parallel_loop3A_201, %parallel_loop3A_202] {strides = array<i32>} : memref<40x128xf32, #tpu.memory_space<vmem>>, vector<1x16xf32>,
      %parallel_loop3A_204 = vector.shape_cast %parallel_loop3A_203 : vector<1x16xf32> to vector<16xf32>
      %parallel_loop3A_205 = vector.shape_cast %parallel_loop3A_200 : vector<16xf32> to vector<1x16xf32>
      tpu.vector_store %arg19[%parallel_loop3A_201, %parallel_loop3A_202], %parallel_loop3A_205 {strides = array<i32>} : memref<40x128xf32, #tpu.memory_space<vmem>>, vector<1x16xf32>,
      %parallel_loop3A_206 = arith.index_cast %parallel_loop3A_181 : i32 to index
      %parallel_loop3A_207 = arith.constant 64 : index
      %parallel_loop3A_208 = tpu.vector_load %arg14[%parallel_loop3A_206, %parallel_loop3A_207] {strides = array<i32>} : memref<40x128xf32, #tpu.memory_space<vmem>>, vector<1x16xf32>,
      %parallel_loop3A_209 = vector.shape_cast %parallel_loop3A_208 : vector<1x16xf32> to vector<16xf32>
      %parallel_loop3A_210 = arith.addf %parallel_loop3A_209, %parallel_loop3A_192 : vector<16xf32>
      %parallel_loop3A_211 = arith.constant 0.000000e+00 : f32
      %parallel_loop3A_212 = vector.broadcast %parallel_loop3A_211 : f32 to vector<16xf32>
      %parallel_loop3A_213 = arith.maximumf %parallel_loop3A_210, %parallel_loop3A_212 : vector<16xf32>
      %parallel_loop3A_214 = arith.index_cast %parallel_loop3A_181 : i32 to index
      %parallel_loop3A_215 = arith.constant 64 : index
      %parallel_loop3A_216 = tpu.vector_load %arg19[%parallel_loop3A_214, %parallel_loop3A_215] {strides = array<i32>} : memref<40x128xf32, #tpu.memory_space<vmem>>, vector<1x16xf32>,
      %parallel_loop3A_217 = vector.shape_cast %parallel_loop3A_216 : vector<1x16xf32> to vector<16xf32>
      %parallel_loop3A_218 = vector.shape_cast %parallel_loop3A_213 : vector<16xf32> to vector<1x16xf32>
      tpu.vector_store %arg19[%parallel_loop3A_214, %parallel_loop3A_215], %parallel_loop3A_218 {strides = array<i32>} : memref<40x128xf32, #tpu.memory_space<vmem>>, vector<1x16xf32>,
      %parallel_loop3A_219 = arith.index_cast %parallel_loop3A_181 : i32 to index
      %parallel_loop3A_220 = arith.constant 16 : index
      %parallel_loop3A_221 = tpu.vector_load %arg16[%parallel_loop3A_219, %parallel_loop3A_220] {strides = array<i32>} : memref<40x64xi32, #tpu.memory_space<vmem>>, vector<1x16xi32>,
      %parallel_loop3A_222 = vector.shape_cast %parallel_loop3A_221 : vector<1x16xi32> to vector<16xi32>
      %parallel_loop3A_223 = arith.constant 16 : i32
      %parallel_loop3A_224 = vector.broadcast %parallel_loop3A_223 : i32 to vector<16xi32>
      %parallel_loop3A_225 = arith.shli %parallel_loop3A_222, %parallel_loop3A_224 : vector<16xi32>
      %parallel_loop3A_226 = tpu.bitcast %parallel_loop3A_225 : vector<16xi32> -> vector<16xf32>
      %parallel_loop3A_227 = vector.broadcast %parallel_loop3A_62 : i32 to vector<16xi32>
      %parallel_loop3A_228 = arith.andi %parallel_loop3A_222, %parallel_loop3A_227 : vector<16xi32>
      %parallel_loop3A_229 = tpu.bitcast %parallel_loop3A_228 : vector<16xi32> -> vector<16xf32>
      %parallel_loop3A_230 = arith.index_cast %parallel_loop3A_181 : i32 to index
      %parallel_loop3A_231 = arith.constant 16 : index
      %parallel_loop3A_232 = tpu.vector_load %arg14[%parallel_loop3A_230, %parallel_loop3A_231] {strides = array<i32>} : memref<40x128xf32, #tpu.memory_space<vmem>>, vector<1x16xf32>,
      %parallel_loop3A_233 = vector.shape_cast %parallel_loop3A_232 : vector<1x16xf32> to vector<16xf32>
      %parallel_loop3A_234 = arith.addf %parallel_loop3A_233, %parallel_loop3A_226 : vector<16xf32>
      %parallel_loop3A_235 = arith.constant 0.000000e+00 : f32
      %parallel_loop3A_236 = vector.broadcast %parallel_loop3A_235 : f32 to vector<16xf32>
      %parallel_loop3A_237 = arith.maximumf %parallel_loop3A_234, %parallel_loop3A_236 : vector<16xf32>
      %parallel_loop3A_238 = arith.index_cast %parallel_loop3A_181 : i32 to index
      %parallel_loop3A_239 = arith.constant 16 : index
      %parallel_loop3A_240 = tpu.vector_load %arg19[%parallel_loop3A_238, %parallel_loop3A_239] {strides = array<i32>} : memref<40x128xf32, #tpu.memory_space<vmem>>, vector<1x16xf32>,
      %parallel_loop3A_241 = vector.shape_cast %parallel_loop3A_240 : vector<1x16xf32> to vector<16xf32>
      %parallel_loop3A_242 = vector.shape_cast %parallel_loop3A_237 : vector<16xf32> to vector<1x16xf32>
      tpu.vector_store %arg19[%parallel_loop3A_238, %parallel_loop3A_239], %parallel_loop3A_242 {strides = array<i32>} : memref<40x128xf32, #tpu.memory_space<vmem>>, vector<1x16xf32>,
      %parallel_loop3A_243 = arith.index_cast %parallel_loop3A_181 : i32 to index
      %parallel_loop3A_244 = arith.constant 80 : index
      %parallel_loop3A_245 = tpu.vector_load %arg14[%parallel_loop3A_243, %parallel_loop3A_244] {strides = array<i32>} : memref<40x128xf32, #tpu.memory_space<vmem>>, vector<1x16xf32>,
      %parallel_loop3A_246 = vector.shape_cast %parallel_loop3A_245 : vector<1x16xf32> to vector<16xf32>
      %parallel_loop3A_247 = arith.addf %parallel_loop3A_246, %parallel_loop3A_229 : vector<16xf32>
      %parallel_loop3A_248 = arith.constant 0.000000e+00 : f32
      %parallel_loop3A_249 = vector.broadcast %parallel_loop3A_248 : f32 to vector<16xf32>
      %parallel_loop3A_250 = arith.maximumf %parallel_loop3A_247, %parallel_loop3A_249 : vector<16xf32>
      %parallel_loop3A_251 = arith.index_cast %parallel_loop3A_181 : i32 to index
      %parallel_loop3A_252 = arith.constant 80 : index
      %parallel_loop3A_253 = tpu.vector_load %arg19[%parallel_loop3A_251, %parallel_loop3A_252] {strides = array<i32>} : memref<40x128xf32, #tpu.memory_space<vmem>>, vector<1x16xf32>,
      %parallel_loop3A_254 = vector.shape_cast %parallel_loop3A_253 : vector<1x16xf32> to vector<16xf32>
      %parallel_loop3A_255 = vector.shape_cast %parallel_loop3A_250 : vector<16xf32> to vector<1x16xf32>
      tpu.vector_store %arg19[%parallel_loop3A_251, %parallel_loop3A_252], %parallel_loop3A_255 {strides = array<i32>} : memref<40x128xf32, #tpu.memory_space<vmem>>, vector<1x16xf32>,
      %parallel_loop3A_256 = arith.index_cast %parallel_loop3A_181 : i32 to index
      %parallel_loop3A_257 = arith.constant 32 : index
      %parallel_loop3A_258 = tpu.vector_load %arg16[%parallel_loop3A_256, %parallel_loop3A_257] {strides = array<i32>} : memref<40x64xi32, #tpu.memory_space<vmem>>, vector<1x16xi32>,
      %parallel_loop3A_259 = vector.shape_cast %parallel_loop3A_258 : vector<1x16xi32> to vector<16xi32>
      %parallel_loop3A_260 = arith.constant 16 : i32
      %parallel_loop3A_261 = vector.broadcast %parallel_loop3A_260 : i32 to vector<16xi32>
      %parallel_loop3A_262 = arith.shli %parallel_loop3A_259, %parallel_loop3A_261 : vector<16xi32>
      %parallel_loop3A_263 = tpu.bitcast %parallel_loop3A_262 : vector<16xi32> -> vector<16xf32>
      %parallel_loop3A_264 = vector.broadcast %parallel_loop3A_62 : i32 to vector<16xi32>
      %parallel_loop3A_265 = arith.andi %parallel_loop3A_259, %parallel_loop3A_264 : vector<16xi32>
      %parallel_loop3A_266 = tpu.bitcast %parallel_loop3A_265 : vector<16xi32> -> vector<16xf32>
      %parallel_loop3A_267 = arith.index_cast %parallel_loop3A_181 : i32 to index
      %parallel_loop3A_268 = arith.constant 32 : index
      %parallel_loop3A_269 = tpu.vector_load %arg14[%parallel_loop3A_267, %parallel_loop3A_268] {strides = array<i32>} : memref<40x128xf32, #tpu.memory_space<vmem>>, vector<1x16xf32>,
      %parallel_loop3A_270 = vector.shape_cast %parallel_loop3A_269 : vector<1x16xf32> to vector<16xf32>
      %parallel_loop3A_271 = arith.addf %parallel_loop3A_270, %parallel_loop3A_263 : vector<16xf32>
      %parallel_loop3A_272 = arith.constant 0.000000e+00 : f32
      %parallel_loop3A_273 = vector.broadcast %parallel_loop3A_272 : f32 to vector<16xf32>
      %parallel_loop3A_274 = arith.maximumf %parallel_loop3A_271, %parallel_loop3A_273 : vector<16xf32>
      %parallel_loop3A_275 = arith.index_cast %parallel_loop3A_181 : i32 to index
      %parallel_loop3A_276 = arith.constant 32 : index
      %parallel_loop3A_277 = tpu.vector_load %arg19[%parallel_loop3A_275, %parallel_loop3A_276] {strides = array<i32>} : memref<40x128xf32, #tpu.memory_space<vmem>>, vector<1x16xf32>,
      %parallel_loop3A_278 = vector.shape_cast %parallel_loop3A_277 : vector<1x16xf32> to vector<16xf32>
      %parallel_loop3A_279 = vector.shape_cast %parallel_loop3A_274 : vector<16xf32> to vector<1x16xf32>
      tpu.vector_store %arg19[%parallel_loop3A_275, %parallel_loop3A_276], %parallel_loop3A_279 {strides = array<i32>} : memref<40x128xf32, #tpu.memory_space<vmem>>, vector<1x16xf32>,
      %parallel_loop3A_280 = arith.index_cast %parallel_loop3A_181 : i32 to index
      %parallel_loop3A_281 = arith.constant 96 : index
      %parallel_loop3A_282 = tpu.vector_load %arg14[%parallel_loop3A_280, %parallel_loop3A_281] {strides = array<i32>} : memref<40x128xf32, #tpu.memory_space<vmem>>, vector<1x16xf32>,
      %parallel_loop3A_283 = vector.shape_cast %parallel_loop3A_282 : vector<1x16xf32> to vector<16xf32>
      %parallel_loop3A_284 = arith.addf %parallel_loop3A_283, %parallel_loop3A_266 : vector<16xf32>
      %parallel_loop3A_285 = arith.constant 0.000000e+00 : f32
      %parallel_loop3A_286 = vector.broadcast %parallel_loop3A_285 : f32 to vector<16xf32>
      %parallel_loop3A_287 = arith.maximumf %parallel_loop3A_284, %parallel_loop3A_286 : vector<16xf32>
      %parallel_loop3A_288 = arith.index_cast %parallel_loop3A_181 : i32 to index
      %parallel_loop3A_289 = arith.constant 96 : index
      %parallel_loop3A_290 = tpu.vector_load %arg19[%parallel_loop3A_288, %parallel_loop3A_289] {strides = array<i32>} : memref<40x128xf32, #tpu.memory_space<vmem>>, vector<1x16xf32>,
      %parallel_loop3A_291 = vector.shape_cast %parallel_loop3A_290 : vector<1x16xf32> to vector<16xf32>
      %parallel_loop3A_292 = vector.shape_cast %parallel_loop3A_287 : vector<16xf32> to vector<1x16xf32>
      tpu.vector_store %arg19[%parallel_loop3A_288, %parallel_loop3A_289], %parallel_loop3A_292 {strides = array<i32>} : memref<40x128xf32, #tpu.memory_space<vmem>>, vector<1x16xf32>,
      %parallel_loop3A_293 = arith.index_cast %parallel_loop3A_181 : i32 to index
      %parallel_loop3A_294 = arith.constant 48 : index
      %parallel_loop3A_295 = tpu.vector_load %arg16[%parallel_loop3A_293, %parallel_loop3A_294] {strides = array<i32>} : memref<40x64xi32, #tpu.memory_space<vmem>>, vector<1x16xi32>,
      %parallel_loop3A_296 = vector.shape_cast %parallel_loop3A_295 : vector<1x16xi32> to vector<16xi32>
      %parallel_loop3A_297 = arith.constant 16 : i32
      %parallel_loop3A_298 = vector.broadcast %parallel_loop3A_297 : i32 to vector<16xi32>
      %parallel_loop3A_299 = arith.shli %parallel_loop3A_296, %parallel_loop3A_298 : vector<16xi32>
      %parallel_loop3A_300 = tpu.bitcast %parallel_loop3A_299 : vector<16xi32> -> vector<16xf32>
      %parallel_loop3A_301 = vector.broadcast %parallel_loop3A_62 : i32 to vector<16xi32>
      %parallel_loop3A_302 = arith.andi %parallel_loop3A_296, %parallel_loop3A_301 : vector<16xi32>
      %parallel_loop3A_303 = tpu.bitcast %parallel_loop3A_302 : vector<16xi32> -> vector<16xf32>
      %parallel_loop3A_304 = arith.index_cast %parallel_loop3A_181 : i32 to index
      %parallel_loop3A_305 = arith.constant 48 : index
      %parallel_loop3A_306 = tpu.vector_load %arg14[%parallel_loop3A_304, %parallel_loop3A_305] {strides = array<i32>} : memref<40x128xf32, #tpu.memory_space<vmem>>, vector<1x16xf32>,
      %parallel_loop3A_307 = vector.shape_cast %parallel_loop3A_306 : vector<1x16xf32> to vector<16xf32>
      %parallel_loop3A_308 = arith.addf %parallel_loop3A_307, %parallel_loop3A_300 : vector<16xf32>
      %parallel_loop3A_309 = arith.constant 0.000000e+00 : f32
      %parallel_loop3A_310 = vector.broadcast %parallel_loop3A_309 : f32 to vector<16xf32>
      %parallel_loop3A_311 = arith.maximumf %parallel_loop3A_308, %parallel_loop3A_310 : vector<16xf32>
      %parallel_loop3A_312 = arith.index_cast %parallel_loop3A_181 : i32 to index
      %parallel_loop3A_313 = arith.constant 48 : index
      %parallel_loop3A_314 = tpu.vector_load %arg19[%parallel_loop3A_312, %parallel_loop3A_313] {strides = array<i32>} : memref<40x128xf32, #tpu.memory_space<vmem>>, vector<1x16xf32>,
      %parallel_loop3A_315 = vector.shape_cast %parallel_loop3A_314 : vector<1x16xf32> to vector<16xf32>
      %parallel_loop3A_316 = vector.shape_cast %parallel_loop3A_311 : vector<16xf32> to vector<1x16xf32>
      tpu.vector_store %arg19[%parallel_loop3A_312, %parallel_loop3A_313], %parallel_loop3A_316 {strides = array<i32>} : memref<40x128xf32, #tpu.memory_space<vmem>>, vector<1x16xf32>,
      %parallel_loop3A_317 = arith.index_cast %parallel_loop3A_181 : i32 to index
      %parallel_loop3A_318 = arith.constant 112 : index
      %parallel_loop3A_319 = tpu.vector_load %arg14[%parallel_loop3A_317, %parallel_loop3A_318] {strides = array<i32>} : memref<40x128xf32, #tpu.memory_space<vmem>>, vector<1x16xf32>,
      %parallel_loop3A_320 = vector.shape_cast %parallel_loop3A_319 : vector<1x16xf32> to vector<16xf32>
      %parallel_loop3A_321 = arith.addf %parallel_loop3A_320, %parallel_loop3A_303 : vector<16xf32>
      %parallel_loop3A_322 = arith.constant 0.000000e+00 : f32
      %parallel_loop3A_323 = vector.broadcast %parallel_loop3A_322 : f32 to vector<16xf32>
      %parallel_loop3A_324 = arith.maximumf %parallel_loop3A_321, %parallel_loop3A_323 : vector<16xf32>
      %parallel_loop3A_325 = arith.index_cast %parallel_loop3A_181 : i32 to index
      %parallel_loop3A_326 = arith.constant 112 : index
      %parallel_loop3A_327 = tpu.vector_load %arg19[%parallel_loop3A_325, %parallel_loop3A_326] {strides = array<i32>} : memref<40x128xf32, #tpu.memory_space<vmem>>, vector<1x16xf32>,
      %parallel_loop3A_328 = vector.shape_cast %parallel_loop3A_327 : vector<1x16xf32> to vector<16xf32>
      %parallel_loop3A_329 = vector.shape_cast %parallel_loop3A_324 : vector<16xf32> to vector<1x16xf32>
      tpu.vector_store %arg19[%parallel_loop3A_325, %parallel_loop3A_326], %parallel_loop3A_329 {strides = array<i32>} : memref<40x128xf32, #tpu.memory_space<vmem>>, vector<1x16xf32>,
    } {sc.loop_unroll_factor = 4 : i64, sc.parallel_access}
    %dma_start3A_63 = arith.constant 0 : i32
    %dma_start3A_64 = arith.constant 0 : i32
    %dma_start3A_65 = tpu.memref_slice %arg21[%dma_start3A_63, %dma_start3A_64] : memref<10240x128xf32, #tpu.memory_space<vmem_shared>> -> memref<10240x128xf32, #tpu.memory_space<vmem_shared>>
    tpu.enqueue_indirect_dma source(%arg19 : memref<40x128xf32, #tpu.memory_space<vmem>>) target(%dma_start3A_65 : memref<10240x128xf32, #tpu.memory_space<vmem_shared>>) offsets(%arg11 : memref<40xi32, #tpu.memory_space<vmem>>) semaphore(%arg33 : memref<!tpu.dma_semaphore, #tpu.memory_space<semaphore_mem>>) {add = true}
    %add3A_66 = arith.constant 80 : i32
    %add3A_67 = arith.addi %mul3A_2, %add3A_66 : i32
    %dma_start3A_68 = tpu.memref_slice %arg4[%add3A_67] : memref<320000xi32, #tpu.memory_space<hbm>> -> memref<40xi32, #tpu.memory_space<hbm>>
    %dma_start3A_69 = tpu.memref_slice %arg4[%add3A_67] : memref<320000xi32, #tpu.memory_space<hbm>> -> memref<40xi32, #tpu.memory_space<hbm>>
    tpu.enqueue_dma source(%dma_start3A_69 : memref<40xi32, #tpu.memory_space<hbm>>) target(%arg13 : memref<40xi32, #tpu.memory_space<vmem>>) target_semaphore(%arg32 : memref<!tpu.dma_semaphore, #tpu.memory_space<semaphore_mem>>)
    %dma_start3A_70 = arith.constant 0 : i32
    %dma_start3A_71 = tpu.memref_slice %arg5[%add3A_67, %dma_start3A_70] : memref<320000x64xi32, #tpu.memory_space<hbm>> -> memref<40x64xi32, #tpu.memory_space<hbm>>
    %dma_start3A_72 = arith.constant 0 : i32
    %dma_start3A_73 = tpu.memref_slice %arg5[%add3A_67, %dma_start3A_72] : memref<320000x64xi32, #tpu.memory_space<hbm>> -> memref<40x64xi32, #tpu.memory_space<hbm>>
    tpu.enqueue_dma source(%dma_start3A_73 : memref<40x64xi32, #tpu.memory_space<hbm>>) target(%arg18 : memref<40x64xi32, #tpu.memory_space<vmem>>) target_semaphore(%arg26 : memref<!tpu.dma_semaphore, #tpu.memory_space<semaphore_mem>>)
    %add3A_74 = arith.constant 120 : i32
    %add3A_75 = arith.addi %mul3A_2, %add3A_74 : i32
    %dma_start3A_76 = tpu.memref_slice %arg3[%add3A_75] : memref<320000xi32, #tpu.memory_space<hbm>> -> memref<40xi32, #tpu.memory_space<hbm>>
    %dma_start3A_77 = tpu.memref_slice %arg3[%add3A_75] : memref<320000xi32, #tpu.memory_space<hbm>> -> memref<40xi32, #tpu.memory_space<hbm>>
    tpu.enqueue_dma source(%dma_start3A_77 : memref<40xi32, #tpu.memory_space<hbm>>) target(%arg8 : memref<40xi32, #tpu.memory_space<vmem>>) target_semaphore(%arg27 : memref<!tpu.dma_semaphore, #tpu.memory_space<semaphore_mem>>)
    %dma_wait3A_78 = arith.constant 0 : i32
    %dma_wait3A_79 = tpu.memref_slice %arg3[%dma_wait3A_78] : memref<320000xi32, #tpu.memory_space<hbm>> -> memref<40xi32, #tpu.memory_space<hbm>>
    %dma_wait3A_80 = arith.constant 0 : i32
    %dma_wait3A_81 = tpu.memref_slice %arg3[%dma_wait3A_80] : memref<320000xi32, #tpu.memory_space<hbm>> -> memref<40xi32, #tpu.memory_space<hbm>>
    tpu.wait_dma2 semaphore(%arg29 : memref<!tpu.dma_semaphore, #tpu.memory_space<semaphore_mem>>) src(%dma_wait3A_81 : memref<40xi32, #tpu.memory_space<hbm>>) dst(%arg10 : memref<40xi32, #tpu.memory_space<vmem>>)
    %dma_start3A_82 = arith.constant 0 : i32
    %dma_start3A_83 = arith.constant 0 : i32
    %dma_start3A_84 = tpu.memref_slice %arg2[%dma_start3A_82, %dma_start3A_83] : memref<10000x128xf32, #tpu.memory_space<hbm>> -> memref<10000x128xf32, #tpu.memory_space<hbm>>
    tpu.enqueue_indirect_dma source(%dma_start3A_84 : memref<10000x128xf32, #tpu.memory_space<hbm>>) target(%arg14 : memref<40x128xf32, #tpu.memory_space<vmem>>) offsets(%arg10 : memref<40xi32, #tpu.memory_space<vmem>>) semaphore(%arg22 : memref<!tpu.dma_semaphore, #tpu.memory_space<semaphore_mem>>)
    %dma_wait3A_85 = arith.constant 0 : i32
    %dma_wait3A_86 = tpu.memref_slice %arg4[%dma_wait3A_85] : memref<320000xi32, #tpu.memory_space<hbm>> -> memref<40xi32, #tpu.memory_space<hbm>>
    %dma_wait3A_87 = arith.constant 0 : i32
    %dma_wait3A_88 = tpu.memref_slice %arg4[%dma_wait3A_87] : memref<320000xi32, #tpu.memory_space<hbm>> -> memref<40xi32, #tpu.memory_space<hbm>>
    tpu.wait_dma2 semaphore(%arg31 : memref<!tpu.dma_semaphore, #tpu.memory_space<semaphore_mem>>) src(%dma_wait3A_88 : memref<40xi32, #tpu.memory_space<hbm>>) dst(%arg12 : memref<40xi32, #tpu.memory_space<vmem>>)
    %dma_wait3A_89 = arith.constant 0 : i32
    %dma_wait3A_90 = arith.constant 0 : i32
    %dma_wait3A_91 = tpu.memref_slice %arg5[%dma_wait3A_89, %dma_wait3A_90] : memref<320000x64xi32, #tpu.memory_space<hbm>> -> memref<40x64xi32, #tpu.memory_space<hbm>>
    %dma_wait3A_92 = arith.constant 0 : i32
    %dma_wait3A_93 = arith.constant 0 : i32
    %dma_wait3A_94 = tpu.memref_slice %arg5[%dma_wait3A_92, %dma_wait3A_93] : memref<320000x64xi32, #tpu.memory_space<hbm>> -> memref<40x64xi32, #tpu.memory_space<hbm>>
    tpu.wait_dma2 semaphore(%arg25 : memref<!tpu.dma_semaphore, #tpu.memory_space<semaphore_mem>>) src(%dma_wait3A_94 : memref<40x64xi32, #tpu.memory_space<hbm>>) dst(%arg17 : memref<40x64xi32, #tpu.memory_space<vmem>>)
    %dma_wait3A_95 = arith.constant 0 : i32
    %dma_wait3A_96 = arith.constant 0 : i32
    %dma_wait3A_97 = tpu.memref_slice %arg2[%dma_wait3A_95, %dma_wait3A_96] : memref<10000x128xf32, #tpu.memory_space<hbm>> -> memref<10000x128xf32, #tpu.memory_space<hbm>>
    tpu.wait_indirect_dma semaphore(%arg23 : memref<!tpu.dma_semaphore, #tpu.memory_space<semaphore_mem>>) src(%dma_wait3A_97 : memref<10000x128xf32, #tpu.memory_space<hbm>>) dst(%arg15 : memref<40x128xf32, #tpu.memory_space<vmem>>)
    %parallel_loop3A_98 = arith.constant 0 : i32
    %parallel_loop3A_99 = arith.constant 40 : i32
    %parallel_loop3A_100 = arith.constant 1 : i32
    %parallel_loop3A_101 = arith.constant -65536 : i32
    scf.for %parallel_loop3A_181 = %parallel_loop3A_98 to %parallel_loop3A_99 step %parallel_loop3A_100  : i32 {
      %parallel_loop3A_182 = arith.index_cast %parallel_loop3A_181 : i32 to index
      %parallel_loop3A_183 = arith.constant 0 : index
      %parallel_loop3A_184 = tpu.vector_load %arg17[%parallel_loop3A_182, %parallel_loop3A_183] {strides = array<i32>} : memref<40x64xi32, #tpu.memory_space<vmem>>, vector<1x16xi32>,
      %parallel_loop3A_185 = vector.shape_cast %parallel_loop3A_184 : vector<1x16xi32> to vector<16xi32>
      %parallel_loop3A_186 = arith.constant 16 : i32
      %parallel_loop3A_187 = vector.broadcast %parallel_loop3A_186 : i32 to vector<16xi32>
      %parallel_loop3A_188 = arith.shli %parallel_loop3A_185, %parallel_loop3A_187 : vector<16xi32>
      %parallel_loop3A_189 = tpu.bitcast %parallel_loop3A_188 : vector<16xi32> -> vector<16xf32>
      %parallel_loop3A_190 = vector.broadcast %parallel_loop3A_101 : i32 to vector<16xi32>
      %parallel_loop3A_191 = arith.andi %parallel_loop3A_185, %parallel_loop3A_190 : vector<16xi32>
      %parallel_loop3A_192 = tpu.bitcast %parallel_loop3A_191 : vector<16xi32> -> vector<16xf32>
      %parallel_loop3A_193 = arith.index_cast %parallel_loop3A_181 : i32 to index
      %parallel_loop3A_194 = arith.constant 0 : index
      %parallel_loop3A_195 = tpu.vector_load %arg15[%parallel_loop3A_193, %parallel_loop3A_194] {strides = array<i32>} : memref<40x128xf32, #tpu.memory_space<vmem>>, vector<1x16xf32>,
      %parallel_loop3A_196 = vector.shape_cast %parallel_loop3A_195 : vector<1x16xf32> to vector<16xf32>
      %parallel_loop3A_197 = arith.addf %parallel_loop3A_196, %parallel_loop3A_189 : vector<16xf32>
      %parallel_loop3A_198 = arith.constant 0.000000e+00 : f32
      %parallel_loop3A_199 = vector.broadcast %parallel_loop3A_198 : f32 to vector<16xf32>
      %parallel_loop3A_200 = arith.maximumf %parallel_loop3A_197, %parallel_loop3A_199 : vector<16xf32>
      %parallel_loop3A_201 = arith.index_cast %parallel_loop3A_181 : i32 to index
      %parallel_loop3A_202 = arith.constant 0 : index
      %parallel_loop3A_203 = tpu.vector_load %arg20[%parallel_loop3A_201, %parallel_loop3A_202] {strides = array<i32>} : memref<40x128xf32, #tpu.memory_space<vmem>>, vector<1x16xf32>,
      %parallel_loop3A_204 = vector.shape_cast %parallel_loop3A_203 : vector<1x16xf32> to vector<16xf32>
      %parallel_loop3A_205 = vector.shape_cast %parallel_loop3A_200 : vector<16xf32> to vector<1x16xf32>
      tpu.vector_store %arg20[%parallel_loop3A_201, %parallel_loop3A_202], %parallel_loop3A_205 {strides = array<i32>} : memref<40x128xf32, #tpu.memory_space<vmem>>, vector<1x16xf32>,
      %parallel_loop3A_206 = arith.index_cast %parallel_loop3A_181 : i32 to index
      %parallel_loop3A_207 = arith.constant 64 : index
      %parallel_loop3A_208 = tpu.vector_load %arg15[%parallel_loop3A_206, %parallel_loop3A_207] {strides = array<i32>} : memref<40x128xf32, #tpu.memory_space<vmem>>, vector<1x16xf32>,
      %parallel_loop3A_209 = vector.shape_cast %parallel_loop3A_208 : vector<1x16xf32> to vector<16xf32>
      %parallel_loop3A_210 = arith.addf %parallel_loop3A_209, %parallel_loop3A_192 : vector<16xf32>
      %parallel_loop3A_211 = arith.constant 0.000000e+00 : f32
      %parallel_loop3A_212 = vector.broadcast %parallel_loop3A_211 : f32 to vector<16xf32>
      %parallel_loop3A_213 = arith.maximumf %parallel_loop3A_210, %parallel_loop3A_212 : vector<16xf32>
      %parallel_loop3A_214 = arith.index_cast %parallel_loop3A_181 : i32 to index
      %parallel_loop3A_215 = arith.constant 64 : index
      %parallel_loop3A_216 = tpu.vector_load %arg20[%parallel_loop3A_214, %parallel_loop3A_215] {strides = array<i32>} : memref<40x128xf32, #tpu.memory_space<vmem>>, vector<1x16xf32>,
      %parallel_loop3A_217 = vector.shape_cast %parallel_loop3A_216 : vector<1x16xf32> to vector<16xf32>
      %parallel_loop3A_218 = vector.shape_cast %parallel_loop3A_213 : vector<16xf32> to vector<1x16xf32>
      tpu.vector_store %arg20[%parallel_loop3A_214, %parallel_loop3A_215], %parallel_loop3A_218 {strides = array<i32>} : memref<40x128xf32, #tpu.memory_space<vmem>>, vector<1x16xf32>,
      %parallel_loop3A_219 = arith.index_cast %parallel_loop3A_181 : i32 to index
      %parallel_loop3A_220 = arith.constant 16 : index
      %parallel_loop3A_221 = tpu.vector_load %arg17[%parallel_loop3A_219, %parallel_loop3A_220] {strides = array<i32>} : memref<40x64xi32, #tpu.memory_space<vmem>>, vector<1x16xi32>,
      %parallel_loop3A_222 = vector.shape_cast %parallel_loop3A_221 : vector<1x16xi32> to vector<16xi32>
      %parallel_loop3A_223 = arith.constant 16 : i32
      %parallel_loop3A_224 = vector.broadcast %parallel_loop3A_223 : i32 to vector<16xi32>
      %parallel_loop3A_225 = arith.shli %parallel_loop3A_222, %parallel_loop3A_224 : vector<16xi32>
      %parallel_loop3A_226 = tpu.bitcast %parallel_loop3A_225 : vector<16xi32> -> vector<16xf32>
      %parallel_loop3A_227 = vector.broadcast %parallel_loop3A_101 : i32 to vector<16xi32>
      %parallel_loop3A_228 = arith.andi %parallel_loop3A_222, %parallel_loop3A_227 : vector<16xi32>
      %parallel_loop3A_229 = tpu.bitcast %parallel_loop3A_228 : vector<16xi32> -> vector<16xf32>
      %parallel_loop3A_230 = arith.index_cast %parallel_loop3A_181 : i32 to index
      %parallel_loop3A_231 = arith.constant 16 : index
      %parallel_loop3A_232 = tpu.vector_load %arg15[%parallel_loop3A_230, %parallel_loop3A_231] {strides = array<i32>} : memref<40x128xf32, #tpu.memory_space<vmem>>, vector<1x16xf32>,
      %parallel_loop3A_233 = vector.shape_cast %parallel_loop3A_232 : vector<1x16xf32> to vector<16xf32>
      %parallel_loop3A_234 = arith.addf %parallel_loop3A_233, %parallel_loop3A_226 : vector<16xf32>
      %parallel_loop3A_235 = arith.constant 0.000000e+00 : f32
      %parallel_loop3A_236 = vector.broadcast %parallel_loop3A_235 : f32 to vector<16xf32>
      %parallel_loop3A_237 = arith.maximumf %parallel_loop3A_234, %parallel_loop3A_236 : vector<16xf32>
      %parallel_loop3A_238 = arith.index_cast %parallel_loop3A_181 : i32 to index
      %parallel_loop3A_239 = arith.constant 16 : index
      %parallel_loop3A_240 = tpu.vector_load %arg20[%parallel_loop3A_238, %parallel_loop3A_239] {strides = array<i32>} : memref<40x128xf32, #tpu.memory_space<vmem>>, vector<1x16xf32>,
      %parallel_loop3A_241 = vector.shape_cast %parallel_loop3A_240 : vector<1x16xf32> to vector<16xf32>
      %parallel_loop3A_242 = vector.shape_cast %parallel_loop3A_237 : vector<16xf32> to vector<1x16xf32>
      tpu.vector_store %arg20[%parallel_loop3A_238, %parallel_loop3A_239], %parallel_loop3A_242 {strides = array<i32>} : memref<40x128xf32, #tpu.memory_space<vmem>>, vector<1x16xf32>,
      %parallel_loop3A_243 = arith.index_cast %parallel_loop3A_181 : i32 to index
      %parallel_loop3A_244 = arith.constant 80 : index
      %parallel_loop3A_245 = tpu.vector_load %arg15[%parallel_loop3A_243, %parallel_loop3A_244] {strides = array<i32>} : memref<40x128xf32, #tpu.memory_space<vmem>>, vector<1x16xf32>,
      %parallel_loop3A_246 = vector.shape_cast %parallel_loop3A_245 : vector<1x16xf32> to vector<16xf32>
      %parallel_loop3A_247 = arith.addf %parallel_loop3A_246, %parallel_loop3A_229 : vector<16xf32>
      %parallel_loop3A_248 = arith.constant 0.000000e+00 : f32
      %parallel_loop3A_249 = vector.broadcast %parallel_loop3A_248 : f32 to vector<16xf32>
      %parallel_loop3A_250 = arith.maximumf %parallel_loop3A_247, %parallel_loop3A_249 : vector<16xf32>
      %parallel_loop3A_251 = arith.index_cast %parallel_loop3A_181 : i32 to index
      %parallel_loop3A_252 = arith.constant 80 : index
      %parallel_loop3A_253 = tpu.vector_load %arg20[%parallel_loop3A_251, %parallel_loop3A_252] {strides = array<i32>} : memref<40x128xf32, #tpu.memory_space<vmem>>, vector<1x16xf32>,
      %parallel_loop3A_254 = vector.shape_cast %parallel_loop3A_253 : vector<1x16xf32> to vector<16xf32>
      %parallel_loop3A_255 = vector.shape_cast %parallel_loop3A_250 : vector<16xf32> to vector<1x16xf32>
      tpu.vector_store %arg20[%parallel_loop3A_251, %parallel_loop3A_252], %parallel_loop3A_255 {strides = array<i32>} : memref<40x128xf32, #tpu.memory_space<vmem>>, vector<1x16xf32>,
      %parallel_loop3A_256 = arith.index_cast %parallel_loop3A_181 : i32 to index
      %parallel_loop3A_257 = arith.constant 32 : index
      %parallel_loop3A_258 = tpu.vector_load %arg17[%parallel_loop3A_256, %parallel_loop3A_257] {strides = array<i32>} : memref<40x64xi32, #tpu.memory_space<vmem>>, vector<1x16xi32>,
      %parallel_loop3A_259 = vector.shape_cast %parallel_loop3A_258 : vector<1x16xi32> to vector<16xi32>
      %parallel_loop3A_260 = arith.constant 16 : i32
      %parallel_loop3A_261 = vector.broadcast %parallel_loop3A_260 : i32 to vector<16xi32>
      %parallel_loop3A_262 = arith.shli %parallel_loop3A_259, %parallel_loop3A_261 : vector<16xi32>
      %parallel_loop3A_263 = tpu.bitcast %parallel_loop3A_262 : vector<16xi32> -> vector<16xf32>
      %parallel_loop3A_264 = vector.broadcast %parallel_loop3A_101 : i32 to vector<16xi32>
      %parallel_loop3A_265 = arith.andi %parallel_loop3A_259, %parallel_loop3A_264 : vector<16xi32>
      %parallel_loop3A_266 = tpu.bitcast %parallel_loop3A_265 : vector<16xi32> -> vector<16xf32>
      %parallel_loop3A_267 = arith.index_cast %parallel_loop3A_181 : i32 to index
      %parallel_loop3A_268 = arith.constant 32 : index
      %parallel_loop3A_269 = tpu.vector_load %arg15[%parallel_loop3A_267, %parallel_loop3A_268] {strides = array<i32>} : memref<40x128xf32, #tpu.memory_space<vmem>>, vector<1x16xf32>,
      %parallel_loop3A_270 = vector.shape_cast %parallel_loop3A_269 : vector<1x16xf32> to vector<16xf32>
      %parallel_loop3A_271 = arith.addf %parallel_loop3A_270, %parallel_loop3A_263 : vector<16xf32>
      %parallel_loop3A_272 = arith.constant 0.000000e+00 : f32
      %parallel_loop3A_273 = vector.broadcast %parallel_loop3A_272 : f32 to vector<16xf32>
      %parallel_loop3A_274 = arith.maximumf %parallel_loop3A_271, %parallel_loop3A_273 : vector<16xf32>
      %parallel_loop3A_275 = arith.index_cast %parallel_loop3A_181 : i32 to index
      %parallel_loop3A_276 = arith.constant 32 : index
      %parallel_loop3A_277 = tpu.vector_load %arg20[%parallel_loop3A_275, %parallel_loop3A_276] {strides = array<i32>} : memref<40x128xf32, #tpu.memory_space<vmem>>, vector<1x16xf32>,
      %parallel_loop3A_278 = vector.shape_cast %parallel_loop3A_277 : vector<1x16xf32> to vector<16xf32>
      %parallel_loop3A_279 = vector.shape_cast %parallel_loop3A_274 : vector<16xf32> to vector<1x16xf32>
      tpu.vector_store %arg20[%parallel_loop3A_275, %parallel_loop3A_276], %parallel_loop3A_279 {strides = array<i32>} : memref<40x128xf32, #tpu.memory_space<vmem>>, vector<1x16xf32>,
      %parallel_loop3A_280 = arith.index_cast %parallel_loop3A_181 : i32 to index
      %parallel_loop3A_281 = arith.constant 96 : index
      %parallel_loop3A_282 = tpu.vector_load %arg15[%parallel_loop3A_280, %parallel_loop3A_281] {strides = array<i32>} : memref<40x128xf32, #tpu.memory_space<vmem>>, vector<1x16xf32>,
      %parallel_loop3A_283 = vector.shape_cast %parallel_loop3A_282 : vector<1x16xf32> to vector<16xf32>
      %parallel_loop3A_284 = arith.addf %parallel_loop3A_283, %parallel_loop3A_266 : vector<16xf32>
      %parallel_loop3A_285 = arith.constant 0.000000e+00 : f32
      %parallel_loop3A_286 = vector.broadcast %parallel_loop3A_285 : f32 to vector<16xf32>
      %parallel_loop3A_287 = arith.maximumf %parallel_loop3A_284, %parallel_loop3A_286 : vector<16xf32>
      %parallel_loop3A_288 = arith.index_cast %parallel_loop3A_181 : i32 to index
      %parallel_loop3A_289 = arith.constant 96 : index
      %parallel_loop3A_290 = tpu.vector_load %arg20[%parallel_loop3A_288, %parallel_loop3A_289] {strides = array<i32>} : memref<40x128xf32, #tpu.memory_space<vmem>>, vector<1x16xf32>,
      %parallel_loop3A_291 = vector.shape_cast %parallel_loop3A_290 : vector<1x16xf32> to vector<16xf32>
      %parallel_loop3A_292 = vector.shape_cast %parallel_loop3A_287 : vector<16xf32> to vector<1x16xf32>
      tpu.vector_store %arg20[%parallel_loop3A_288, %parallel_loop3A_289], %parallel_loop3A_292 {strides = array<i32>} : memref<40x128xf32, #tpu.memory_space<vmem>>, vector<1x16xf32>,
      %parallel_loop3A_293 = arith.index_cast %parallel_loop3A_181 : i32 to index
      %parallel_loop3A_294 = arith.constant 48 : index
      %parallel_loop3A_295 = tpu.vector_load %arg17[%parallel_loop3A_293, %parallel_loop3A_294] {strides = array<i32>} : memref<40x64xi32, #tpu.memory_space<vmem>>, vector<1x16xi32>,
      %parallel_loop3A_296 = vector.shape_cast %parallel_loop3A_295 : vector<1x16xi32> to vector<16xi32>
      %parallel_loop3A_297 = arith.constant 16 : i32
      %parallel_loop3A_298 = vector.broadcast %parallel_loop3A_297 : i32 to vector<16xi32>
      %parallel_loop3A_299 = arith.shli %parallel_loop3A_296, %parallel_loop3A_298 : vector<16xi32>
      %parallel_loop3A_300 = tpu.bitcast %parallel_loop3A_299 : vector<16xi32> -> vector<16xf32>
      %parallel_loop3A_301 = vector.broadcast %parallel_loop3A_101 : i32 to vector<16xi32>
      %parallel_loop3A_302 = arith.andi %parallel_loop3A_296, %parallel_loop3A_301 : vector<16xi32>
      %parallel_loop3A_303 = tpu.bitcast %parallel_loop3A_302 : vector<16xi32> -> vector<16xf32>
      %parallel_loop3A_304 = arith.index_cast %parallel_loop3A_181 : i32 to index
      %parallel_loop3A_305 = arith.constant 48 : index
      %parallel_loop3A_306 = tpu.vector_load %arg15[%parallel_loop3A_304, %parallel_loop3A_305] {strides = array<i32>} : memref<40x128xf32, #tpu.memory_space<vmem>>, vector<1x16xf32>,
      %parallel_loop3A_307 = vector.shape_cast %parallel_loop3A_306 : vector<1x16xf32> to vector<16xf32>
      %parallel_loop3A_308 = arith.addf %parallel_loop3A_307, %parallel_loop3A_300 : vector<16xf32>
      %parallel_loop3A_309 = arith.constant 0.000000e+00 : f32
      %parallel_loop3A_310 = vector.broadcast %parallel_loop3A_309 : f32 to vector<16xf32>
      %parallel_loop3A_311 = arith.maximumf %parallel_loop3A_308, %parallel_loop3A_310 : vector<16xf32>
      %parallel_loop3A_312 = arith.index_cast %parallel_loop3A_181 : i32 to index
      %parallel_loop3A_313 = arith.constant 48 : index
      %parallel_loop3A_314 = tpu.vector_load %arg20[%parallel_loop3A_312, %parallel_loop3A_313] {strides = array<i32>} : memref<40x128xf32, #tpu.memory_space<vmem>>, vector<1x16xf32>,
      %parallel_loop3A_315 = vector.shape_cast %parallel_loop3A_314 : vector<1x16xf32> to vector<16xf32>
      %parallel_loop3A_316 = vector.shape_cast %parallel_loop3A_311 : vector<16xf32> to vector<1x16xf32>
      tpu.vector_store %arg20[%parallel_loop3A_312, %parallel_loop3A_313], %parallel_loop3A_316 {strides = array<i32>} : memref<40x128xf32, #tpu.memory_space<vmem>>, vector<1x16xf32>,
      %parallel_loop3A_317 = arith.index_cast %parallel_loop3A_181 : i32 to index
      %parallel_loop3A_318 = arith.constant 112 : index
      %parallel_loop3A_319 = tpu.vector_load %arg15[%parallel_loop3A_317, %parallel_loop3A_318] {strides = array<i32>} : memref<40x128xf32, #tpu.memory_space<vmem>>, vector<1x16xf32>,
      %parallel_loop3A_320 = vector.shape_cast %parallel_loop3A_319 : vector<1x16xf32> to vector<16xf32>
      %parallel_loop3A_321 = arith.addf %parallel_loop3A_320, %parallel_loop3A_303 : vector<16xf32>
      %parallel_loop3A_322 = arith.constant 0.000000e+00 : f32
      %parallel_loop3A_323 = vector.broadcast %parallel_loop3A_322 : f32 to vector<16xf32>
      %parallel_loop3A_324 = arith.maximumf %parallel_loop3A_321, %parallel_loop3A_323 : vector<16xf32>
      %parallel_loop3A_325 = arith.index_cast %parallel_loop3A_181 : i32 to index
      %parallel_loop3A_326 = arith.constant 112 : index
      %parallel_loop3A_327 = tpu.vector_load %arg20[%parallel_loop3A_325, %parallel_loop3A_326] {strides = array<i32>} : memref<40x128xf32, #tpu.memory_space<vmem>>, vector<1x16xf32>,
      %parallel_loop3A_328 = vector.shape_cast %parallel_loop3A_327 : vector<1x16xf32> to vector<16xf32>
      %parallel_loop3A_329 = vector.shape_cast %parallel_loop3A_324 : vector<16xf32> to vector<1x16xf32>
      tpu.vector_store %arg20[%parallel_loop3A_325, %parallel_loop3A_326], %parallel_loop3A_329 {strides = array<i32>} : memref<40x128xf32, #tpu.memory_space<vmem>>, vector<1x16xf32>,
    } {sc.loop_unroll_factor = 4 : i64, sc.parallel_access}
    %dma_start3A_102 = arith.constant 0 : i32
    %dma_start3A_103 = arith.constant 0 : i32
    %dma_start3A_104 = tpu.memref_slice %arg21[%dma_start3A_102, %dma_start3A_103] : memref<10240x128xf32, #tpu.memory_space<vmem_shared>> -> memref<10240x128xf32, #tpu.memory_space<vmem_shared>>
    tpu.enqueue_indirect_dma source(%arg20 : memref<40x128xf32, #tpu.memory_space<vmem>>) target(%dma_start3A_104 : memref<10240x128xf32, #tpu.memory_space<vmem_shared>>) offsets(%arg12 : memref<40xi32, #tpu.memory_space<vmem>>) semaphore(%arg34 : memref<!tpu.dma_semaphore, #tpu.memory_space<semaphore_mem>>) {add = true}
    %dma_wait3A_105 = arith.constant 0 : i32
    %dma_wait3A_106 = arith.constant 0 : i32
    %dma_wait3A_107 = tpu.memref_slice %arg21[%dma_wait3A_105, %dma_wait3A_106] : memref<10240x128xf32, #tpu.memory_space<vmem_shared>> -> memref<10240x128xf32, #tpu.memory_space<vmem_shared>>
    tpu.wait_indirect_dma semaphore(%arg33 : memref<!tpu.dma_semaphore, #tpu.memory_space<semaphore_mem>>) src(%arg19 : memref<40x128xf32, #tpu.memory_space<vmem>>) dst(%dma_wait3A_107 : memref<10240x128xf32, #tpu.memory_space<vmem_shared>>)
    %add3A_108 = arith.constant 120 : i32
    %add3A_109 = arith.addi %mul3A_2, %add3A_108 : i32
    %dma_start3A_110 = tpu.memref_slice %arg4[%add3A_109] : memref<320000xi32, #tpu.memory_space<hbm>> -> memref<40xi32, #tpu.memory_space<hbm>>
    %dma_start3A_111 = tpu.memref_slice %arg4[%add3A_109] : memref<320000xi32, #tpu.memory_space<hbm>> -> memref<40xi32, #tpu.memory_space<hbm>>
    tpu.enqueue_dma source(%dma_start3A_111 : memref<40xi32, #tpu.memory_space<hbm>>) target(%arg11 : memref<40xi32, #tpu.memory_space<vmem>>) target_semaphore(%arg30 : memref<!tpu.dma_semaphore, #tpu.memory_space<semaphore_mem>>)
    %dma_start3A_112 = arith.constant 0 : i32
    %dma_start3A_113 = tpu.memref_slice %arg5[%add3A_109, %dma_start3A_112] : memref<320000x64xi32, #tpu.memory_space<hbm>> -> memref<40x64xi32, #tpu.memory_space<hbm>>
    %dma_start3A_114 = arith.constant 0 : i32
    %dma_start3A_115 = tpu.memref_slice %arg5[%add3A_109, %dma_start3A_114] : memref<320000x64xi32, #tpu.memory_space<hbm>> -> memref<40x64xi32, #tpu.memory_space<hbm>>
    tpu.enqueue_dma source(%dma_start3A_115 : memref<40x64xi32, #tpu.memory_space<hbm>>) target(%arg16 : memref<40x64xi32, #tpu.memory_space<vmem>>) target_semaphore(%arg24 : memref<!tpu.dma_semaphore, #tpu.memory_space<semaphore_mem>>)
    %scan3A = arith.constant 0 : i32
    %scan3A_116 = arith.constant 41 : i32
    %scan3A_117 = arith.addi %scan3A, %scan3A_116 : i32
    %scan3A_118 = arith.constant 1 : i32
    scf.for %scan3A_181 = %scan3A to %scan3A_117 step %scan3A_118  : i32 {
      %mul3A_182 = arith.constant 1 : i32
      %mul3A_183 = arith.muli %scan3A_181, %mul3A_182 : i32
      %add3A_184 = arith.constant 0 : i32
      %add3A_185 = arith.addi %add3A_184, %mul3A_183 : i32
      %mul3A_186 = arith.constant 6 : i32
      %mul3A_187 = arith.muli %mul3A_186, %add3A_185 : i32
      %add3A_188 = arith.constant 2 : i32
      %add3A_189 = arith.addi %mul3A_187, %add3A_188 : i32
      %add3A_190 = arith.constant 0 : i32
      %add3A_191 = arith.addi %add3A_189, %add3A_190 : i32
      %add3A_192 = arith.constant 2 : i32
      %add3A_193 = arith.addi %add3A_191, %add3A_192 : i32
      %mul3A_194 = arith.constant 40 : i32
      %mul3A_195 = arith.muli %add3A_193, %mul3A_194 : i32
      %add3A_196 = arith.addi %mul3A_2, %mul3A_195 : i32
      %dma_start3A_197 = tpu.memref_slice %arg3[%add3A_196] : memref<320000xi32, #tpu.memory_space<hbm>> -> memref<40xi32, #tpu.memory_space<hbm>>
      %dma_start3A_198 = tpu.memref_slice %arg3[%add3A_196] : memref<320000xi32, #tpu.memory_space<hbm>> -> memref<40xi32, #tpu.memory_space<hbm>>
      tpu.enqueue_dma source(%dma_start3A_198 : memref<40xi32, #tpu.memory_space<hbm>>) target(%arg9 : memref<40xi32, #tpu.memory_space<vmem>>) target_semaphore(%arg28 : memref<!tpu.dma_semaphore, #tpu.memory_space<semaphore_mem>>)
      %dma_wait3A_199 = arith.constant 0 : i32
      %dma_wait3A_200 = tpu.memref_slice %arg3[%dma_wait3A_199] : memref<320000xi32, #tpu.memory_space<hbm>> -> memref<40xi32, #tpu.memory_space<hbm>>
      %dma_wait3A_201 = arith.constant 0 : i32
      %dma_wait3A_202 = tpu.memref_slice %arg3[%dma_wait3A_201] : memref<320000xi32, #tpu.memory_space<hbm>> -> memref<40xi32, #tpu.memory_space<hbm>>
      tpu.wait_dma2 semaphore(%arg27 : memref<!tpu.dma_semaphore, #tpu.memory_space<semaphore_mem>>) src(%dma_wait3A_202 : memref<40xi32, #tpu.memory_space<hbm>>) dst(%arg8 : memref<40xi32, #tpu.memory_space<vmem>>)
      %dma_start3A_203 = arith.constant 0 : i32
      %dma_start3A_204 = arith.constant 0 : i32
      %dma_start3A_205 = tpu.memref_slice %arg2[%dma_start3A_203, %dma_start3A_204] : memref<10000x128xf32, #tpu.memory_space<hbm>> -> memref<10000x128xf32, #tpu.memory_space<hbm>>
      tpu.enqueue_indirect_dma source(%dma_start3A_205 : memref<10000x128xf32, #tpu.memory_space<hbm>>) target(%arg15 : memref<40x128xf32, #tpu.memory_space<vmem>>) offsets(%arg8 : memref<40xi32, #tpu.memory_space<vmem>>) semaphore(%arg23 : memref<!tpu.dma_semaphore, #tpu.memory_space<semaphore_mem>>)
      %dma_wait3A_206 = arith.constant 0 : i32
      %dma_wait3A_207 = tpu.memref_slice %arg4[%dma_wait3A_206] : memref<320000xi32, #tpu.memory_space<hbm>> -> memref<40xi32, #tpu.memory_space<hbm>>
      %dma_wait3A_208 = arith.constant 0 : i32
      %dma_wait3A_209 = tpu.memref_slice %arg4[%dma_wait3A_208] : memref<320000xi32, #tpu.memory_space<hbm>> -> memref<40xi32, #tpu.memory_space<hbm>>
      tpu.wait_dma2 semaphore(%arg32 : memref<!tpu.dma_semaphore, #tpu.memory_space<semaphore_mem>>) src(%dma_wait3A_209 : memref<40xi32, #tpu.memory_space<hbm>>) dst(%arg13 : memref<40xi32, #tpu.memory_space<vmem>>)
      %dma_wait3A_210 = arith.constant 0 : i32
      %dma_wait3A_211 = arith.constant 0 : i32
      %dma_wait3A_212 = tpu.memref_slice %arg5[%dma_wait3A_210, %dma_wait3A_211] : memref<320000x64xi32, #tpu.memory_space<hbm>> -> memref<40x64xi32, #tpu.memory_space<hbm>>
      %dma_wait3A_213 = arith.constant 0 : i32
      %dma_wait3A_214 = arith.constant 0 : i32
      %dma_wait3A_215 = tpu.memref_slice %arg5[%dma_wait3A_213, %dma_wait3A_214] : memref<320000x64xi32, #tpu.memory_space<hbm>> -> memref<40x64xi32, #tpu.memory_space<hbm>>
      tpu.wait_dma2 semaphore(%arg26 : memref<!tpu.dma_semaphore, #tpu.memory_space<semaphore_mem>>) src(%dma_wait3A_215 : memref<40x64xi32, #tpu.memory_space<hbm>>) dst(%arg18 : memref<40x64xi32, #tpu.memory_space<vmem>>)
      %dma_wait3A_216 = arith.constant 0 : i32
      %dma_wait3A_217 = arith.constant 0 : i32
      %dma_wait3A_218 = tpu.memref_slice %arg2[%dma_wait3A_216, %dma_wait3A_217] : memref<10000x128xf32, #tpu.memory_space<hbm>> -> memref<10000x128xf32, #tpu.memory_space<hbm>>
      tpu.wait_indirect_dma semaphore(%arg22 : memref<!tpu.dma_semaphore, #tpu.memory_space<semaphore_mem>>) src(%dma_wait3A_218 : memref<10000x128xf32, #tpu.memory_space<hbm>>) dst(%arg14 : memref<40x128xf32, #tpu.memory_space<vmem>>)
      %parallel_loop3A_219 = arith.constant 0 : i32
      %parallel_loop3A_220 = arith.constant 40 : i32
      %parallel_loop3A_221 = arith.constant 1 : i32
      %parallel_loop3A_222 = arith.constant -65536 : i32
      scf.for %parallel_loop3A_510 = %parallel_loop3A_219 to %parallel_loop3A_220 step %parallel_loop3A_221  : i32 {
        %parallel_loop3A_511 = arith.index_cast %parallel_loop3A_510 : i32 to index
        %parallel_loop3A_512 = arith.constant 0 : index
        %parallel_loop3A_513 = tpu.vector_load %arg18[%parallel_loop3A_511, %parallel_loop3A_512] {strides = array<i32>} : memref<40x64xi32, #tpu.memory_space<vmem>>, vector<1x16xi32>,
        %parallel_loop3A_514 = vector.shape_cast %parallel_loop3A_513 : vector<1x16xi32> to vector<16xi32>
        %parallel_loop3A_515 = arith.constant 16 : i32
        %parallel_loop3A_516 = vector.broadcast %parallel_loop3A_515 : i32 to vector<16xi32>
        %parallel_loop3A_517 = arith.shli %parallel_loop3A_514, %parallel_loop3A_516 : vector<16xi32>
        %parallel_loop3A_518 = tpu.bitcast %parallel_loop3A_517 : vector<16xi32> -> vector<16xf32>
        %parallel_loop3A_519 = vector.broadcast %parallel_loop3A_222 : i32 to vector<16xi32>
        %parallel_loop3A_520 = arith.andi %parallel_loop3A_514, %parallel_loop3A_519 : vector<16xi32>
        %parallel_loop3A_521 = tpu.bitcast %parallel_loop3A_520 : vector<16xi32> -> vector<16xf32>
        %parallel_loop3A_522 = arith.index_cast %parallel_loop3A_510 : i32 to index
        %parallel_loop3A_523 = arith.constant 0 : index
        %parallel_loop3A_524 = tpu.vector_load %arg14[%parallel_loop3A_522, %parallel_loop3A_523] {strides = array<i32>} : memref<40x128xf32, #tpu.memory_space<vmem>>, vector<1x16xf32>,
        %parallel_loop3A_525 = vector.shape_cast %parallel_loop3A_524 : vector<1x16xf32> to vector<16xf32>
        %parallel_loop3A_526 = arith.addf %parallel_loop3A_525, %parallel_loop3A_518 : vector<16xf32>
        %parallel_loop3A_527 = arith.constant 0.000000e+00 : f32
        %parallel_loop3A_528 = vector.broadcast %parallel_loop3A_527 : f32 to vector<16xf32>
        %parallel_loop3A_529 = arith.maximumf %parallel_loop3A_526, %parallel_loop3A_528 : vector<16xf32>
        %parallel_loop3A_530 = arith.index_cast %parallel_loop3A_510 : i32 to index
        %parallel_loop3A_531 = arith.constant 0 : index
        %parallel_loop3A_532 = tpu.vector_load %arg19[%parallel_loop3A_530, %parallel_loop3A_531] {strides = array<i32>} : memref<40x128xf32, #tpu.memory_space<vmem>>, vector<1x16xf32>,
        %parallel_loop3A_533 = vector.shape_cast %parallel_loop3A_532 : vector<1x16xf32> to vector<16xf32>
        %parallel_loop3A_534 = vector.shape_cast %parallel_loop3A_529 : vector<16xf32> to vector<1x16xf32>
        tpu.vector_store %arg19[%parallel_loop3A_530, %parallel_loop3A_531], %parallel_loop3A_534 {strides = array<i32>} : memref<40x128xf32, #tpu.memory_space<vmem>>, vector<1x16xf32>,
        %parallel_loop3A_535 = arith.index_cast %parallel_loop3A_510 : i32 to index
        %parallel_loop3A_536 = arith.constant 64 : index
        %parallel_loop3A_537 = tpu.vector_load %arg14[%parallel_loop3A_535, %parallel_loop3A_536] {strides = array<i32>} : memref<40x128xf32, #tpu.memory_space<vmem>>, vector<1x16xf32>,
        %parallel_loop3A_538 = vector.shape_cast %parallel_loop3A_537 : vector<1x16xf32> to vector<16xf32>
        %parallel_loop3A_539 = arith.addf %parallel_loop3A_538, %parallel_loop3A_521 : vector<16xf32>
        %parallel_loop3A_540 = arith.constant 0.000000e+00 : f32
        %parallel_loop3A_541 = vector.broadcast %parallel_loop3A_540 : f32 to vector<16xf32>
        %parallel_loop3A_542 = arith.maximumf %parallel_loop3A_539, %parallel_loop3A_541 : vector<16xf32>
        %parallel_loop3A_543 = arith.index_cast %parallel_loop3A_510 : i32 to index
        %parallel_loop3A_544 = arith.constant 64 : index
        %parallel_loop3A_545 = tpu.vector_load %arg19[%parallel_loop3A_543, %parallel_loop3A_544] {strides = array<i32>} : memref<40x128xf32, #tpu.memory_space<vmem>>, vector<1x16xf32>,
        %parallel_loop3A_546 = vector.shape_cast %parallel_loop3A_545 : vector<1x16xf32> to vector<16xf32>
        %parallel_loop3A_547 = vector.shape_cast %parallel_loop3A_542 : vector<16xf32> to vector<1x16xf32>
        tpu.vector_store %arg19[%parallel_loop3A_543, %parallel_loop3A_544], %parallel_loop3A_547 {strides = array<i32>} : memref<40x128xf32, #tpu.memory_space<vmem>>, vector<1x16xf32>,
        %parallel_loop3A_548 = arith.index_cast %parallel_loop3A_510 : i32 to index
        %parallel_loop3A_549 = arith.constant 16 : index
        %parallel_loop3A_550 = tpu.vector_load %arg18[%parallel_loop3A_548, %parallel_loop3A_549] {strides = array<i32>} : memref<40x64xi32, #tpu.memory_space<vmem>>, vector<1x16xi32>,
        %parallel_loop3A_551 = vector.shape_cast %parallel_loop3A_550 : vector<1x16xi32> to vector<16xi32>
        %parallel_loop3A_552 = arith.constant 16 : i32
        %parallel_loop3A_553 = vector.broadcast %parallel_loop3A_552 : i32 to vector<16xi32>
        %parallel_loop3A_554 = arith.shli %parallel_loop3A_551, %parallel_loop3A_553 : vector<16xi32>
        %parallel_loop3A_555 = tpu.bitcast %parallel_loop3A_554 : vector<16xi32> -> vector<16xf32>
        %parallel_loop3A_556 = vector.broadcast %parallel_loop3A_222 : i32 to vector<16xi32>
        %parallel_loop3A_557 = arith.andi %parallel_loop3A_551, %parallel_loop3A_556 : vector<16xi32>
        %parallel_loop3A_558 = tpu.bitcast %parallel_loop3A_557 : vector<16xi32> -> vector<16xf32>
        %parallel_loop3A_559 = arith.index_cast %parallel_loop3A_510 : i32 to index
        %parallel_loop3A_560 = arith.constant 16 : index
        %parallel_loop3A_561 = tpu.vector_load %arg14[%parallel_loop3A_559, %parallel_loop3A_560] {strides = array<i32>} : memref<40x128xf32, #tpu.memory_space<vmem>>, vector<1x16xf32>,
        %parallel_loop3A_562 = vector.shape_cast %parallel_loop3A_561 : vector<1x16xf32> to vector<16xf32>
        %parallel_loop3A_563 = arith.addf %parallel_loop3A_562, %parallel_loop3A_555 : vector<16xf32>
        %parallel_loop3A_564 = arith.constant 0.000000e+00 : f32
        %parallel_loop3A_565 = vector.broadcast %parallel_loop3A_564 : f32 to vector<16xf32>
        %parallel_loop3A_566 = arith.maximumf %parallel_loop3A_563, %parallel_loop3A_565 : vector<16xf32>
        %parallel_loop3A_567 = arith.index_cast %parallel_loop3A_510 : i32 to index
        %parallel_loop3A_568 = arith.constant 16 : index
        %parallel_loop3A_569 = tpu.vector_load %arg19[%parallel_loop3A_567, %parallel_loop3A_568] {strides = array<i32>} : memref<40x128xf32, #tpu.memory_space<vmem>>, vector<1x16xf32>,
        %parallel_loop3A_570 = vector.shape_cast %parallel_loop3A_569 : vector<1x16xf32> to vector<16xf32>
        %parallel_loop3A_571 = vector.shape_cast %parallel_loop3A_566 : vector<16xf32> to vector<1x16xf32>
        tpu.vector_store %arg19[%parallel_loop3A_567, %parallel_loop3A_568], %parallel_loop3A_571 {strides = array<i32>} : memref<40x128xf32, #tpu.memory_space<vmem>>, vector<1x16xf32>,
        %parallel_loop3A_572 = arith.index_cast %parallel_loop3A_510 : i32 to index
        %parallel_loop3A_573 = arith.constant 80 : index
        %parallel_loop3A_574 = tpu.vector_load %arg14[%parallel_loop3A_572, %parallel_loop3A_573] {strides = array<i32>} : memref<40x128xf32, #tpu.memory_space<vmem>>, vector<1x16xf32>,
        %parallel_loop3A_575 = vector.shape_cast %parallel_loop3A_574 : vector<1x16xf32> to vector<16xf32>
        %parallel_loop3A_576 = arith.addf %parallel_loop3A_575, %parallel_loop3A_558 : vector<16xf32>
        %parallel_loop3A_577 = arith.constant 0.000000e+00 : f32
        %parallel_loop3A_578 = vector.broadcast %parallel_loop3A_577 : f32 to vector<16xf32>
        %parallel_loop3A_579 = arith.maximumf %parallel_loop3A_576, %parallel_loop3A_578 : vector<16xf32>
        %parallel_loop3A_580 = arith.index_cast %parallel_loop3A_510 : i32 to index
        %parallel_loop3A_581 = arith.constant 80 : index
        %parallel_loop3A_582 = tpu.vector_load %arg19[%parallel_loop3A_580, %parallel_loop3A_581] {strides = array<i32>} : memref<40x128xf32, #tpu.memory_space<vmem>>, vector<1x16xf32>,
        %parallel_loop3A_583 = vector.shape_cast %parallel_loop3A_582 : vector<1x16xf32> to vector<16xf32>
        %parallel_loop3A_584 = vector.shape_cast %parallel_loop3A_579 : vector<16xf32> to vector<1x16xf32>
        tpu.vector_store %arg19[%parallel_loop3A_580, %parallel_loop3A_581], %parallel_loop3A_584 {strides = array<i32>} : memref<40x128xf32, #tpu.memory_space<vmem>>, vector<1x16xf32>,
        %parallel_loop3A_585 = arith.index_cast %parallel_loop3A_510 : i32 to index
        %parallel_loop3A_586 = arith.constant 32 : index
        %parallel_loop3A_587 = tpu.vector_load %arg18[%parallel_loop3A_585, %parallel_loop3A_586] {strides = array<i32>} : memref<40x64xi32, #tpu.memory_space<vmem>>, vector<1x16xi32>,
        %parallel_loop3A_588 = vector.shape_cast %parallel_loop3A_587 : vector<1x16xi32> to vector<16xi32>
        %parallel_loop3A_589 = arith.constant 16 : i32
        %parallel_loop3A_590 = vector.broadcast %parallel_loop3A_589 : i32 to vector<16xi32>
        %parallel_loop3A_591 = arith.shli %parallel_loop3A_588, %parallel_loop3A_590 : vector<16xi32>
        %parallel_loop3A_592 = tpu.bitcast %parallel_loop3A_591 : vector<16xi32> -> vector<16xf32>
        %parallel_loop3A_593 = vector.broadcast %parallel_loop3A_222 : i32 to vector<16xi32>
        %parallel_loop3A_594 = arith.andi %parallel_loop3A_588, %parallel_loop3A_593 : vector<16xi32>
        %parallel_loop3A_595 = tpu.bitcast %parallel_loop3A_594 : vector<16xi32> -> vector<16xf32>
        %parallel_loop3A_596 = arith.index_cast %parallel_loop3A_510 : i32 to index
        %parallel_loop3A_597 = arith.constant 32 : index
        %parallel_loop3A_598 = tpu.vector_load %arg14[%parallel_loop3A_596, %parallel_loop3A_597] {strides = array<i32>} : memref<40x128xf32, #tpu.memory_space<vmem>>, vector<1x16xf32>,
        %parallel_loop3A_599 = vector.shape_cast %parallel_loop3A_598 : vector<1x16xf32> to vector<16xf32>
        %parallel_loop3A_600 = arith.addf %parallel_loop3A_599, %parallel_loop3A_592 : vector<16xf32>
        %parallel_loop3A_601 = arith.constant 0.000000e+00 : f32
        %parallel_loop3A_602 = vector.broadcast %parallel_loop3A_601 : f32 to vector<16xf32>
        %parallel_loop3A_603 = arith.maximumf %parallel_loop3A_600, %parallel_loop3A_602 : vector<16xf32>
        %parallel_loop3A_604 = arith.index_cast %parallel_loop3A_510 : i32 to index
        %parallel_loop3A_605 = arith.constant 32 : index
        %parallel_loop3A_606 = tpu.vector_load %arg19[%parallel_loop3A_604, %parallel_loop3A_605] {strides = array<i32>} : memref<40x128xf32, #tpu.memory_space<vmem>>, vector<1x16xf32>,
        %parallel_loop3A_607 = vector.shape_cast %parallel_loop3A_606 : vector<1x16xf32> to vector<16xf32>
        %parallel_loop3A_608 = vector.shape_cast %parallel_loop3A_603 : vector<16xf32> to vector<1x16xf32>
        tpu.vector_store %arg19[%parallel_loop3A_604, %parallel_loop3A_605], %parallel_loop3A_608 {strides = array<i32>} : memref<40x128xf32, #tpu.memory_space<vmem>>, vector<1x16xf32>,
        %parallel_loop3A_609 = arith.index_cast %parallel_loop3A_510 : i32 to index
        %parallel_loop3A_610 = arith.constant 96 : index
        %parallel_loop3A_611 = tpu.vector_load %arg14[%parallel_loop3A_609, %parallel_loop3A_610] {strides = array<i32>} : memref<40x128xf32, #tpu.memory_space<vmem>>, vector<1x16xf32>,
        %parallel_loop3A_612 = vector.shape_cast %parallel_loop3A_611 : vector<1x16xf32> to vector<16xf32>
        %parallel_loop3A_613 = arith.addf %parallel_loop3A_612, %parallel_loop3A_595 : vector<16xf32>
        %parallel_loop3A_614 = arith.constant 0.000000e+00 : f32
        %parallel_loop3A_615 = vector.broadcast %parallel_loop3A_614 : f32 to vector<16xf32>
        %parallel_loop3A_616 = arith.maximumf %parallel_loop3A_613, %parallel_loop3A_615 : vector<16xf32>
        %parallel_loop3A_617 = arith.index_cast %parallel_loop3A_510 : i32 to index
        %parallel_loop3A_618 = arith.constant 96 : index
        %parallel_loop3A_619 = tpu.vector_load %arg19[%parallel_loop3A_617, %parallel_loop3A_618] {strides = array<i32>} : memref<40x128xf32, #tpu.memory_space<vmem>>, vector<1x16xf32>,
        %parallel_loop3A_620 = vector.shape_cast %parallel_loop3A_619 : vector<1x16xf32> to vector<16xf32>
        %parallel_loop3A_621 = vector.shape_cast %parallel_loop3A_616 : vector<16xf32> to vector<1x16xf32>
        tpu.vector_store %arg19[%parallel_loop3A_617, %parallel_loop3A_618], %parallel_loop3A_621 {strides = array<i32>} : memref<40x128xf32, #tpu.memory_space<vmem>>, vector<1x16xf32>,
        %parallel_loop3A_622 = arith.index_cast %parallel_loop3A_510 : i32 to index
        %parallel_loop3A_623 = arith.constant 48 : index
        %parallel_loop3A_624 = tpu.vector_load %arg18[%parallel_loop3A_622, %parallel_loop3A_623] {strides = array<i32>} : memref<40x64xi32, #tpu.memory_space<vmem>>, vector<1x16xi32>,
        %parallel_loop3A_625 = vector.shape_cast %parallel_loop3A_624 : vector<1x16xi32> to vector<16xi32>
        %parallel_loop3A_626 = arith.constant 16 : i32
        %parallel_loop3A_627 = vector.broadcast %parallel_loop3A_626 : i32 to vector<16xi32>
        %parallel_loop3A_628 = arith.shli %parallel_loop3A_625, %parallel_loop3A_627 : vector<16xi32>
        %parallel_loop3A_629 = tpu.bitcast %parallel_loop3A_628 : vector<16xi32> -> vector<16xf32>
        %parallel_loop3A_630 = vector.broadcast %parallel_loop3A_222 : i32 to vector<16xi32>
        %parallel_loop3A_631 = arith.andi %parallel_loop3A_625, %parallel_loop3A_630 : vector<16xi32>
        %parallel_loop3A_632 = tpu.bitcast %parallel_loop3A_631 : vector<16xi32> -> vector<16xf32>
        %parallel_loop3A_633 = arith.index_cast %parallel_loop3A_510 : i32 to index
        %parallel_loop3A_634 = arith.constant 48 : index
        %parallel_loop3A_635 = tpu.vector_load %arg14[%parallel_loop3A_633, %parallel_loop3A_634] {strides = array<i32>} : memref<40x128xf32, #tpu.memory_space<vmem>>, vector<1x16xf32>,
        %parallel_loop3A_636 = vector.shape_cast %parallel_loop3A_635 : vector<1x16xf32> to vector<16xf32>
        %parallel_loop3A_637 = arith.addf %parallel_loop3A_636, %parallel_loop3A_629 : vector<16xf32>
        %parallel_loop3A_638 = arith.constant 0.000000e+00 : f32
        %parallel_loop3A_639 = vector.broadcast %parallel_loop3A_638 : f32 to vector<16xf32>
        %parallel_loop3A_640 = arith.maximumf %parallel_loop3A_637, %parallel_loop3A_639 : vector<16xf32>
        %parallel_loop3A_641 = arith.index_cast %parallel_loop3A_510 : i32 to index
        %parallel_loop3A_642 = arith.constant 48 : index
        %parallel_loop3A_643 = tpu.vector_load %arg19[%parallel_loop3A_641, %parallel_loop3A_642] {strides = array<i32>} : memref<40x128xf32, #tpu.memory_space<vmem>>, vector<1x16xf32>,
        %parallel_loop3A_644 = vector.shape_cast %parallel_loop3A_643 : vector<1x16xf32> to vector<16xf32>
        %parallel_loop3A_645 = vector.shape_cast %parallel_loop3A_640 : vector<16xf32> to vector<1x16xf32>
        tpu.vector_store %arg19[%parallel_loop3A_641, %parallel_loop3A_642], %parallel_loop3A_645 {strides = array<i32>} : memref<40x128xf32, #tpu.memory_space<vmem>>, vector<1x16xf32>,
        %parallel_loop3A_646 = arith.index_cast %parallel_loop3A_510 : i32 to index
        %parallel_loop3A_647 = arith.constant 112 : index
        %parallel_loop3A_648 = tpu.vector_load %arg14[%parallel_loop3A_646, %parallel_loop3A_647] {strides = array<i32>} : memref<40x128xf32, #tpu.memory_space<vmem>>, vector<1x16xf32>,
        %parallel_loop3A_649 = vector.shape_cast %parallel_loop3A_648 : vector<1x16xf32> to vector<16xf32>
        %parallel_loop3A_650 = arith.addf %parallel_loop3A_649, %parallel_loop3A_632 : vector<16xf32>
        %parallel_loop3A_651 = arith.constant 0.000000e+00 : f32
        %parallel_loop3A_652 = vector.broadcast %parallel_loop3A_651 : f32 to vector<16xf32>
        %parallel_loop3A_653 = arith.maximumf %parallel_loop3A_650, %parallel_loop3A_652 : vector<16xf32>
        %parallel_loop3A_654 = arith.index_cast %parallel_loop3A_510 : i32 to index
        %parallel_loop3A_655 = arith.constant 112 : index
        %parallel_loop3A_656 = tpu.vector_load %arg19[%parallel_loop3A_654, %parallel_loop3A_655] {strides = array<i32>} : memref<40x128xf32, #tpu.memory_space<vmem>>, vector<1x16xf32>,
        %parallel_loop3A_657 = vector.shape_cast %parallel_loop3A_656 : vector<1x16xf32> to vector<16xf32>
        %parallel_loop3A_658 = vector.shape_cast %parallel_loop3A_653 : vector<16xf32> to vector<1x16xf32>
        tpu.vector_store %arg19[%parallel_loop3A_654, %parallel_loop3A_655], %parallel_loop3A_658 {strides = array<i32>} : memref<40x128xf32, #tpu.memory_space<vmem>>, vector<1x16xf32>,
      } {sc.loop_unroll_factor = 4 : i64, sc.parallel_access}
      %dma_start3A_223 = arith.constant 0 : i32
      %dma_start3A_224 = arith.constant 0 : i32
      %dma_start3A_225 = tpu.memref_slice %arg21[%dma_start3A_223, %dma_start3A_224] : memref<10240x128xf32, #tpu.memory_space<vmem_shared>> -> memref<10240x128xf32, #tpu.memory_space<vmem_shared>>
      tpu.enqueue_indirect_dma source(%arg19 : memref<40x128xf32, #tpu.memory_space<vmem>>) target(%dma_start3A_225 : memref<10240x128xf32, #tpu.memory_space<vmem_shared>>) offsets(%arg13 : memref<40xi32, #tpu.memory_space<vmem>>) semaphore(%arg33 : memref<!tpu.dma_semaphore, #tpu.memory_space<semaphore_mem>>) {add = true}
      %dma_wait3A_226 = arith.constant 0 : i32
      %dma_wait3A_227 = arith.constant 0 : i32
      %dma_wait3A_228 = tpu.memref_slice %arg21[%dma_wait3A_226, %dma_wait3A_227] : memref<10240x128xf32, #tpu.memory_space<vmem_shared>> -> memref<10240x128xf32, #tpu.memory_space<vmem_shared>>
      tpu.wait_indirect_dma semaphore(%arg34 : memref<!tpu.dma_semaphore, #tpu.memory_space<semaphore_mem>>) src(%arg20 : memref<40x128xf32, #tpu.memory_space<vmem>>) dst(%dma_wait3A_228 : memref<10240x128xf32, #tpu.memory_space<vmem_shared>>)
      %add3A_229 = arith.constant 2 : i32
      %add3A_230 = arith.addi %add3A_191, %add3A_229 : i32
      %mul3A_231 = arith.constant 40 : i32
      %mul3A_232 = arith.muli %add3A_230, %mul3A_231 : i32
      %add3A_233 = arith.addi %mul3A_2, %mul3A_232 : i32
      %dma_start3A_234 = tpu.memref_slice %arg4[%add3A_233] : memref<320000xi32, #tpu.memory_space<hbm>> -> memref<40xi32, #tpu.memory_space<hbm>>
      %dma_start3A_235 = tpu.memref_slice %arg4[%add3A_233] : memref<320000xi32, #tpu.memory_space<hbm>> -> memref<40xi32, #tpu.memory_space<hbm>>
      tpu.enqueue_dma source(%dma_start3A_235 : memref<40xi32, #tpu.memory_space<hbm>>) target(%arg12 : memref<40xi32, #tpu.memory_space<vmem>>) target_semaphore(%arg31 : memref<!tpu.dma_semaphore, #tpu.memory_space<semaphore_mem>>)
      %dma_start3A_236 = arith.constant 0 : i32
      %dma_start3A_237 = tpu.memref_slice %arg5[%add3A_233, %dma_start3A_236] : memref<320000x64xi32, #tpu.memory_space<hbm>> -> memref<40x64xi32, #tpu.memory_space<hbm>>
      %dma_start3A_238 = arith.constant 0 : i32
      %dma_start3A_239 = tpu.memref_slice %arg5[%add3A_233, %dma_start3A_238] : memref<320000x64xi32, #tpu.memory_space<hbm>> -> memref<40x64xi32, #tpu.memory_space<hbm>>
      tpu.enqueue_dma source(%dma_start3A_239 : memref<40x64xi32, #tpu.memory_space<hbm>>) target(%arg17 : memref<40x64xi32, #tpu.memory_space<vmem>>) target_semaphore(%arg25 : memref<!tpu.dma_semaphore, #tpu.memory_space<semaphore_mem>>)
      %mul3A_240 = arith.constant 6 : i32
      %mul3A_241 = arith.muli %mul3A_240, %add3A_185 : i32
      %add3A_242 = arith.constant 2 : i32
      %add3A_243 = arith.addi %mul3A_241, %add3A_242 : i32
      %add3A_244 = arith.constant 1 : i32
      %add3A_245 = arith.addi %add3A_243, %add3A_244 : i32
      %add3A_246 = arith.constant 2 : i32
      %add3A_247 = arith.addi %add3A_245, %add3A_246 : i32
      %mul3A_248 = arith.constant 40 : i32
      %mul3A_249 = arith.muli %add3A_247, %mul3A_248 : i32
      %add3A_250 = arith.addi %mul3A_2, %mul3A_249 : i32
      %dma_start3A_251 = tpu.memref_slice %arg3[%add3A_250] : memref<320000xi32, #tpu.memory_space<hbm>> -> memref<40xi32, #tpu.memory_space<hbm>>
      %dma_start3A_252 = tpu.memref_slice %arg3[%add3A_250] : memref<320000xi32, #tpu.memory_space<hbm>> -> memref<40xi32, #tpu.memory_space<hbm>>
      tpu.enqueue_dma source(%dma_start3A_252 : memref<40xi32, #tpu.memory_space<hbm>>) target(%arg10 : memref<40xi32, #tpu.memory_space<vmem>>) target_semaphore(%arg29 : memref<!tpu.dma_semaphore, #tpu.memory_space<semaphore_mem>>)
      %dma_wait3A_253 = arith.constant 0 : i32
      %dma_wait3A_254 = tpu.memref_slice %arg3[%dma_wait3A_253] : memref<320000xi32, #tpu.memory_space<hbm>> -> memref<40xi32, #tpu.memory_space<hbm>>
      %dma_wait3A_255 = arith.constant 0 : i32
      %dma_wait3A_256 = tpu.memref_slice %arg3[%dma_wait3A_255] : memref<320000xi32, #tpu.memory_space<hbm>> -> memref<40xi32, #tpu.memory_space<hbm>>
      tpu.wait_dma2 semaphore(%arg28 : memref<!tpu.dma_semaphore, #tpu.memory_space<semaphore_mem>>) src(%dma_wait3A_256 : memref<40xi32, #tpu.memory_space<hbm>>) dst(%arg9 : memref<40xi32, #tpu.memory_space<vmem>>)
      %dma_start3A_257 = arith.constant 0 : i32
      %dma_start3A_258 = arith.constant 0 : i32
      %dma_start3A_259 = tpu.memref_slice %arg2[%dma_start3A_257, %dma_start3A_258] : memref<10000x128xf32, #tpu.memory_space<hbm>> -> memref<10000x128xf32, #tpu.memory_space<hbm>>
      tpu.enqueue_indirect_dma source(%dma_start3A_259 : memref<10000x128xf32, #tpu.memory_space<hbm>>) target(%arg14 : memref<40x128xf32, #tpu.memory_space<vmem>>) offsets(%arg9 : memref<40xi32, #tpu.memory_space<vmem>>) semaphore(%arg22 : memref<!tpu.dma_semaphore, #tpu.memory_space<semaphore_mem>>)
      %dma_wait3A_260 = arith.constant 0 : i32
      %dma_wait3A_261 = tpu.memref_slice %arg4[%dma_wait3A_260] : memref<320000xi32, #tpu.memory_space<hbm>> -> memref<40xi32, #tpu.memory_space<hbm>>
      %dma_wait3A_262 = arith.constant 0 : i32
      %dma_wait3A_263 = tpu.memref_slice %arg4[%dma_wait3A_262] : memref<320000xi32, #tpu.memory_space<hbm>> -> memref<40xi32, #tpu.memory_space<hbm>>
      tpu.wait_dma2 semaphore(%arg30 : memref<!tpu.dma_semaphore, #tpu.memory_space<semaphore_mem>>) src(%dma_wait3A_263 : memref<40xi32, #tpu.memory_space<hbm>>) dst(%arg11 : memref<40xi32, #tpu.memory_space<vmem>>)
      %dma_wait3A_264 = arith.constant 0 : i32
      %dma_wait3A_265 = arith.constant 0 : i32
      %dma_wait3A_266 = tpu.memref_slice %arg5[%dma_wait3A_264, %dma_wait3A_265] : memref<320000x64xi32, #tpu.memory_space<hbm>> -> memref<40x64xi32, #tpu.memory_space<hbm>>
      %dma_wait3A_267 = arith.constant 0 : i32
      %dma_wait3A_268 = arith.constant 0 : i32
      %dma_wait3A_269 = tpu.memref_slice %arg5[%dma_wait3A_267, %dma_wait3A_268] : memref<320000x64xi32, #tpu.memory_space<hbm>> -> memref<40x64xi32, #tpu.memory_space<hbm>>
      tpu.wait_dma2 semaphore(%arg24 : memref<!tpu.dma_semaphore, #tpu.memory_space<semaphore_mem>>) src(%dma_wait3A_269 : memref<40x64xi32, #tpu.memory_space<hbm>>) dst(%arg16 : memref<40x64xi32, #tpu.memory_space<vmem>>)
      %dma_wait3A_270 = arith.constant 0 : i32
      %dma_wait3A_271 = arith.constant 0 : i32
      %dma_wait3A_272 = tpu.memref_slice %arg2[%dma_wait3A_270, %dma_wait3A_271] : memref<10000x128xf32, #tpu.memory_space<hbm>> -> memref<10000x128xf32, #tpu.memory_space<hbm>>
      tpu.wait_indirect_dma semaphore(%arg23 : memref<!tpu.dma_semaphore, #tpu.memory_space<semaphore_mem>>) src(%dma_wait3A_272 : memref<10000x128xf32, #tpu.memory_space<hbm>>) dst(%arg15 : memref<40x128xf32, #tpu.memory_space<vmem>>)
      %parallel_loop3A_273 = arith.constant 0 : i32
      %parallel_loop3A_274 = arith.constant 40 : i32
      %parallel_loop3A_275 = arith.constant 1 : i32
      %parallel_loop3A_276 = arith.constant -65536 : i32
      scf.for %parallel_loop3A_510 = %parallel_loop3A_273 to %parallel_loop3A_274 step %parallel_loop3A_275  : i32 {
        %parallel_loop3A_511 = arith.index_cast %parallel_loop3A_510 : i32 to index
        %parallel_loop3A_512 = arith.constant 0 : index
        %parallel_loop3A_513 = tpu.vector_load %arg16[%parallel_loop3A_511, %parallel_loop3A_512] {strides = array<i32>} : memref<40x64xi32, #tpu.memory_space<vmem>>, vector<1x16xi32>,
        %parallel_loop3A_514 = vector.shape_cast %parallel_loop3A_513 : vector<1x16xi32> to vector<16xi32>
        %parallel_loop3A_515 = arith.constant 16 : i32
        %parallel_loop3A_516 = vector.broadcast %parallel_loop3A_515 : i32 to vector<16xi32>
        %parallel_loop3A_517 = arith.shli %parallel_loop3A_514, %parallel_loop3A_516 : vector<16xi32>
        %parallel_loop3A_518 = tpu.bitcast %parallel_loop3A_517 : vector<16xi32> -> vector<16xf32>
        %parallel_loop3A_519 = vector.broadcast %parallel_loop3A_276 : i32 to vector<16xi32>
        %parallel_loop3A_520 = arith.andi %parallel_loop3A_514, %parallel_loop3A_519 : vector<16xi32>
        %parallel_loop3A_521 = tpu.bitcast %parallel_loop3A_520 : vector<16xi32> -> vector<16xf32>
        %parallel_loop3A_522 = arith.index_cast %parallel_loop3A_510 : i32 to index
        %parallel_loop3A_523 = arith.constant 0 : index
        %parallel_loop3A_524 = tpu.vector_load %arg15[%parallel_loop3A_522, %parallel_loop3A_523] {strides = array<i32>} : memref<40x128xf32, #tpu.memory_space<vmem>>, vector<1x16xf32>,
        %parallel_loop3A_525 = vector.shape_cast %parallel_loop3A_524 : vector<1x16xf32> to vector<16xf32>
        %parallel_loop3A_526 = arith.addf %parallel_loop3A_525, %parallel_loop3A_518 : vector<16xf32>
        %parallel_loop3A_527 = arith.constant 0.000000e+00 : f32
        %parallel_loop3A_528 = vector.broadcast %parallel_loop3A_527 : f32 to vector<16xf32>
        %parallel_loop3A_529 = arith.maximumf %parallel_loop3A_526, %parallel_loop3A_528 : vector<16xf32>
        %parallel_loop3A_530 = arith.index_cast %parallel_loop3A_510 : i32 to index
        %parallel_loop3A_531 = arith.constant 0 : index
        %parallel_loop3A_532 = tpu.vector_load %arg20[%parallel_loop3A_530, %parallel_loop3A_531] {strides = array<i32>} : memref<40x128xf32, #tpu.memory_space<vmem>>, vector<1x16xf32>,
        %parallel_loop3A_533 = vector.shape_cast %parallel_loop3A_532 : vector<1x16xf32> to vector<16xf32>
        %parallel_loop3A_534 = vector.shape_cast %parallel_loop3A_529 : vector<16xf32> to vector<1x16xf32>
        tpu.vector_store %arg20[%parallel_loop3A_530, %parallel_loop3A_531], %parallel_loop3A_534 {strides = array<i32>} : memref<40x128xf32, #tpu.memory_space<vmem>>, vector<1x16xf32>,
        %parallel_loop3A_535 = arith.index_cast %parallel_loop3A_510 : i32 to index
        %parallel_loop3A_536 = arith.constant 64 : index
        %parallel_loop3A_537 = tpu.vector_load %arg15[%parallel_loop3A_535, %parallel_loop3A_536] {strides = array<i32>} : memref<40x128xf32, #tpu.memory_space<vmem>>, vector<1x16xf32>,
        %parallel_loop3A_538 = vector.shape_cast %parallel_loop3A_537 : vector<1x16xf32> to vector<16xf32>
        %parallel_loop3A_539 = arith.addf %parallel_loop3A_538, %parallel_loop3A_521 : vector<16xf32>
        %parallel_loop3A_540 = arith.constant 0.000000e+00 : f32
        %parallel_loop3A_541 = vector.broadcast %parallel_loop3A_540 : f32 to vector<16xf32>
        %parallel_loop3A_542 = arith.maximumf %parallel_loop3A_539, %parallel_loop3A_541 : vector<16xf32>
        %parallel_loop3A_543 = arith.index_cast %parallel_loop3A_510 : i32 to index
        %parallel_loop3A_544 = arith.constant 64 : index
        %parallel_loop3A_545 = tpu.vector_load %arg20[%parallel_loop3A_543, %parallel_loop3A_544] {strides = array<i32>} : memref<40x128xf32, #tpu.memory_space<vmem>>, vector<1x16xf32>,
        %parallel_loop3A_546 = vector.shape_cast %parallel_loop3A_545 : vector<1x16xf32> to vector<16xf32>
        %parallel_loop3A_547 = vector.shape_cast %parallel_loop3A_542 : vector<16xf32> to vector<1x16xf32>
        tpu.vector_store %arg20[%parallel_loop3A_543, %parallel_loop3A_544], %parallel_loop3A_547 {strides = array<i32>} : memref<40x128xf32, #tpu.memory_space<vmem>>, vector<1x16xf32>,
        %parallel_loop3A_548 = arith.index_cast %parallel_loop3A_510 : i32 to index
        %parallel_loop3A_549 = arith.constant 16 : index
        %parallel_loop3A_550 = tpu.vector_load %arg16[%parallel_loop3A_548, %parallel_loop3A_549] {strides = array<i32>} : memref<40x64xi32, #tpu.memory_space<vmem>>, vector<1x16xi32>,
        %parallel_loop3A_551 = vector.shape_cast %parallel_loop3A_550 : vector<1x16xi32> to vector<16xi32>
        %parallel_loop3A_552 = arith.constant 16 : i32
        %parallel_loop3A_553 = vector.broadcast %parallel_loop3A_552 : i32 to vector<16xi32>
        %parallel_loop3A_554 = arith.shli %parallel_loop3A_551, %parallel_loop3A_553 : vector<16xi32>
        %parallel_loop3A_555 = tpu.bitcast %parallel_loop3A_554 : vector<16xi32> -> vector<16xf32>
        %parallel_loop3A_556 = vector.broadcast %parallel_loop3A_276 : i32 to vector<16xi32>
        %parallel_loop3A_557 = arith.andi %parallel_loop3A_551, %parallel_loop3A_556 : vector<16xi32>
        %parallel_loop3A_558 = tpu.bitcast %parallel_loop3A_557 : vector<16xi32> -> vector<16xf32>
        %parallel_loop3A_559 = arith.index_cast %parallel_loop3A_510 : i32 to index
        %parallel_loop3A_560 = arith.constant 16 : index
        %parallel_loop3A_561 = tpu.vector_load %arg15[%parallel_loop3A_559, %parallel_loop3A_560] {strides = array<i32>} : memref<40x128xf32, #tpu.memory_space<vmem>>, vector<1x16xf32>,
        %parallel_loop3A_562 = vector.shape_cast %parallel_loop3A_561 : vector<1x16xf32> to vector<16xf32>
        %parallel_loop3A_563 = arith.addf %parallel_loop3A_562, %parallel_loop3A_555 : vector<16xf32>
        %parallel_loop3A_564 = arith.constant 0.000000e+00 : f32
        %parallel_loop3A_565 = vector.broadcast %parallel_loop3A_564 : f32 to vector<16xf32>
        %parallel_loop3A_566 = arith.maximumf %parallel_loop3A_563, %parallel_loop3A_565 : vector<16xf32>
        %parallel_loop3A_567 = arith.index_cast %parallel_loop3A_510 : i32 to index
        %parallel_loop3A_568 = arith.constant 16 : index
        %parallel_loop3A_569 = tpu.vector_load %arg20[%parallel_loop3A_567, %parallel_loop3A_568] {strides = array<i32>} : memref<40x128xf32, #tpu.memory_space<vmem>>, vector<1x16xf32>,
        %parallel_loop3A_570 = vector.shape_cast %parallel_loop3A_569 : vector<1x16xf32> to vector<16xf32>
        %parallel_loop3A_571 = vector.shape_cast %parallel_loop3A_566 : vector<16xf32> to vector<1x16xf32>
        tpu.vector_store %arg20[%parallel_loop3A_567, %parallel_loop3A_568], %parallel_loop3A_571 {strides = array<i32>} : memref<40x128xf32, #tpu.memory_space<vmem>>, vector<1x16xf32>,
        %parallel_loop3A_572 = arith.index_cast %parallel_loop3A_510 : i32 to index
        %parallel_loop3A_573 = arith.constant 80 : index
        %parallel_loop3A_574 = tpu.vector_load %arg15[%parallel_loop3A_572, %parallel_loop3A_573] {strides = array<i32>} : memref<40x128xf32, #tpu.memory_space<vmem>>, vector<1x16xf32>,
        %parallel_loop3A_575 = vector.shape_cast %parallel_loop3A_574 : vector<1x16xf32> to vector<16xf32>
        %parallel_loop3A_576 = arith.addf %parallel_loop3A_575, %parallel_loop3A_558 : vector<16xf32>
        %parallel_loop3A_577 = arith.constant 0.000000e+00 : f32
        %parallel_loop3A_578 = vector.broadcast %parallel_loop3A_577 : f32 to vector<16xf32>
        %parallel_loop3A_579 = arith.maximumf %parallel_loop3A_576, %parallel_loop3A_578 : vector<16xf32>
        %parallel_loop3A_580 = arith.index_cast %parallel_loop3A_510 : i32 to index
        %parallel_loop3A_581 = arith.constant 80 : index
        %parallel_loop3A_582 = tpu.vector_load %arg20[%parallel_loop3A_580, %parallel_loop3A_581] {strides = array<i32>} : memref<40x128xf32, #tpu.memory_space<vmem>>, vector<1x16xf32>,
        %parallel_loop3A_583 = vector.shape_cast %parallel_loop3A_582 : vector<1x16xf32> to vector<16xf32>
        %parallel_loop3A_584 = vector.shape_cast %parallel_loop3A_579 : vector<16xf32> to vector<1x16xf32>
        tpu.vector_store %arg20[%parallel_loop3A_580, %parallel_loop3A_581], %parallel_loop3A_584 {strides = array<i32>} : memref<40x128xf32, #tpu.memory_space<vmem>>, vector<1x16xf32>,
        %parallel_loop3A_585 = arith.index_cast %parallel_loop3A_510 : i32 to index
        %parallel_loop3A_586 = arith.constant 32 : index
        %parallel_loop3A_587 = tpu.vector_load %arg16[%parallel_loop3A_585, %parallel_loop3A_586] {strides = array<i32>} : memref<40x64xi32, #tpu.memory_space<vmem>>, vector<1x16xi32>,
        %parallel_loop3A_588 = vector.shape_cast %parallel_loop3A_587 : vector<1x16xi32> to vector<16xi32>
        %parallel_loop3A_589 = arith.constant 16 : i32
        %parallel_loop3A_590 = vector.broadcast %parallel_loop3A_589 : i32 to vector<16xi32>
        %parallel_loop3A_591 = arith.shli %parallel_loop3A_588, %parallel_loop3A_590 : vector<16xi32>
        %parallel_loop3A_592 = tpu.bitcast %parallel_loop3A_591 : vector<16xi32> -> vector<16xf32>
        %parallel_loop3A_593 = vector.broadcast %parallel_loop3A_276 : i32 to vector<16xi32>
        %parallel_loop3A_594 = arith.andi %parallel_loop3A_588, %parallel_loop3A_593 : vector<16xi32>
        %parallel_loop3A_595 = tpu.bitcast %parallel_loop3A_594 : vector<16xi32> -> vector<16xf32>
        %parallel_loop3A_596 = arith.index_cast %parallel_loop3A_510 : i32 to index
        %parallel_loop3A_597 = arith.constant 32 : index
        %parallel_loop3A_598 = tpu.vector_load %arg15[%parallel_loop3A_596, %parallel_loop3A_597] {strides = array<i32>} : memref<40x128xf32, #tpu.memory_space<vmem>>, vector<1x16xf32>,
        %parallel_loop3A_599 = vector.shape_cast %parallel_loop3A_598 : vector<1x16xf32> to vector<16xf32>
        %parallel_loop3A_600 = arith.addf %parallel_loop3A_599, %parallel_loop3A_592 : vector<16xf32>
        %parallel_loop3A_601 = arith.constant 0.000000e+00 : f32
        %parallel_loop3A_602 = vector.broadcast %parallel_loop3A_601 : f32 to vector<16xf32>
        %parallel_loop3A_603 = arith.maximumf %parallel_loop3A_600, %parallel_loop3A_602 : vector<16xf32>
        %parallel_loop3A_604 = arith.index_cast %parallel_loop3A_510 : i32 to index
        %parallel_loop3A_605 = arith.constant 32 : index
        %parallel_loop3A_606 = tpu.vector_load %arg20[%parallel_loop3A_604, %parallel_loop3A_605] {strides = array<i32>} : memref<40x128xf32, #tpu.memory_space<vmem>>, vector<1x16xf32>,
        %parallel_loop3A_607 = vector.shape_cast %parallel_loop3A_606 : vector<1x16xf32> to vector<16xf32>
        %parallel_loop3A_608 = vector.shape_cast %parallel_loop3A_603 : vector<16xf32> to vector<1x16xf32>
        tpu.vector_store %arg20[%parallel_loop3A_604, %parallel_loop3A_605], %parallel_loop3A_608 {strides = array<i32>} : memref<40x128xf32, #tpu.memory_space<vmem>>, vector<1x16xf32>,
        %parallel_loop3A_609 = arith.index_cast %parallel_loop3A_510 : i32 to index
        %parallel_loop3A_610 = arith.constant 96 : index
        %parallel_loop3A_611 = tpu.vector_load %arg15[%parallel_loop3A_609, %parallel_loop3A_610] {strides = array<i32>} : memref<40x128xf32, #tpu.memory_space<vmem>>, vector<1x16xf32>,
        %parallel_loop3A_612 = vector.shape_cast %parallel_loop3A_611 : vector<1x16xf32> to vector<16xf32>
        %parallel_loop3A_613 = arith.addf %parallel_loop3A_612, %parallel_loop3A_595 : vector<16xf32>
        %parallel_loop3A_614 = arith.constant 0.000000e+00 : f32
        %parallel_loop3A_615 = vector.broadcast %parallel_loop3A_614 : f32 to vector<16xf32>
        %parallel_loop3A_616 = arith.maximumf %parallel_loop3A_613, %parallel_loop3A_615 : vector<16xf32>
        %parallel_loop3A_617 = arith.index_cast %parallel_loop3A_510 : i32 to index
        %parallel_loop3A_618 = arith.constant 96 : index
        %parallel_loop3A_619 = tpu.vector_load %arg20[%parallel_loop3A_617, %parallel_loop3A_618] {strides = array<i32>} : memref<40x128xf32, #tpu.memory_space<vmem>>, vector<1x16xf32>,
        %parallel_loop3A_620 = vector.shape_cast %parallel_loop3A_619 : vector<1x16xf32> to vector<16xf32>
        %parallel_loop3A_621 = vector.shape_cast %parallel_loop3A_616 : vector<16xf32> to vector<1x16xf32>
        tpu.vector_store %arg20[%parallel_loop3A_617, %parallel_loop3A_618], %parallel_loop3A_621 {strides = array<i32>} : memref<40x128xf32, #tpu.memory_space<vmem>>, vector<1x16xf32>,
        %parallel_loop3A_622 = arith.index_cast %parallel_loop3A_510 : i32 to index
        %parallel_loop3A_623 = arith.constant 48 : index
        %parallel_loop3A_624 = tpu.vector_load %arg16[%parallel_loop3A_622, %parallel_loop3A_623] {strides = array<i32>} : memref<40x64xi32, #tpu.memory_space<vmem>>, vector<1x16xi32>,
        %parallel_loop3A_625 = vector.shape_cast %parallel_loop3A_624 : vector<1x16xi32> to vector<16xi32>
        %parallel_loop3A_626 = arith.constant 16 : i32
        %parallel_loop3A_627 = vector.broadcast %parallel_loop3A_626 : i32 to vector<16xi32>
        %parallel_loop3A_628 = arith.shli %parallel_loop3A_625, %parallel_loop3A_627 : vector<16xi32>
        %parallel_loop3A_629 = tpu.bitcast %parallel_loop3A_628 : vector<16xi32> -> vector<16xf32>
        %parallel_loop3A_630 = vector.broadcast %parallel_loop3A_276 : i32 to vector<16xi32>
        %parallel_loop3A_631 = arith.andi %parallel_loop3A_625, %parallel_loop3A_630 : vector<16xi32>
        %parallel_loop3A_632 = tpu.bitcast %parallel_loop3A_631 : vector<16xi32> -> vector<16xf32>
        %parallel_loop3A_633 = arith.index_cast %parallel_loop3A_510 : i32 to index
        %parallel_loop3A_634 = arith.constant 48 : index
        %parallel_loop3A_635 = tpu.vector_load %arg15[%parallel_loop3A_633, %parallel_loop3A_634] {strides = array<i32>} : memref<40x128xf32, #tpu.memory_space<vmem>>, vector<1x16xf32>,
        %parallel_loop3A_636 = vector.shape_cast %parallel_loop3A_635 : vector<1x16xf32> to vector<16xf32>
        %parallel_loop3A_637 = arith.addf %parallel_loop3A_636, %parallel_loop3A_629 : vector<16xf32>
        %parallel_loop3A_638 = arith.constant 0.000000e+00 : f32
        %parallel_loop3A_639 = vector.broadcast %parallel_loop3A_638 : f32 to vector<16xf32>
        %parallel_loop3A_640 = arith.maximumf %parallel_loop3A_637, %parallel_loop3A_639 : vector<16xf32>
        %parallel_loop3A_641 = arith.index_cast %parallel_loop3A_510 : i32 to index
        %parallel_loop3A_642 = arith.constant 48 : index
        %parallel_loop3A_643 = tpu.vector_load %arg20[%parallel_loop3A_641, %parallel_loop3A_642] {strides = array<i32>} : memref<40x128xf32, #tpu.memory_space<vmem>>, vector<1x16xf32>,
        %parallel_loop3A_644 = vector.shape_cast %parallel_loop3A_643 : vector<1x16xf32> to vector<16xf32>
        %parallel_loop3A_645 = vector.shape_cast %parallel_loop3A_640 : vector<16xf32> to vector<1x16xf32>
        tpu.vector_store %arg20[%parallel_loop3A_641, %parallel_loop3A_642], %parallel_loop3A_645 {strides = array<i32>} : memref<40x128xf32, #tpu.memory_space<vmem>>, vector<1x16xf32>,
        %parallel_loop3A_646 = arith.index_cast %parallel_loop3A_510 : i32 to index
        %parallel_loop3A_647 = arith.constant 112 : index
        %parallel_loop3A_648 = tpu.vector_load %arg15[%parallel_loop3A_646, %parallel_loop3A_647] {strides = array<i32>} : memref<40x128xf32, #tpu.memory_space<vmem>>, vector<1x16xf32>,
        %parallel_loop3A_649 = vector.shape_cast %parallel_loop3A_648 : vector<1x16xf32> to vector<16xf32>
        %parallel_loop3A_650 = arith.addf %parallel_loop3A_649, %parallel_loop3A_632 : vector<16xf32>
        %parallel_loop3A_651 = arith.constant 0.000000e+00 : f32
        %parallel_loop3A_652 = vector.broadcast %parallel_loop3A_651 : f32 to vector<16xf32>
        %parallel_loop3A_653 = arith.maximumf %parallel_loop3A_650, %parallel_loop3A_652 : vector<16xf32>
        %parallel_loop3A_654 = arith.index_cast %parallel_loop3A_510 : i32 to index
        %parallel_loop3A_655 = arith.constant 112 : index
        %parallel_loop3A_656 = tpu.vector_load %arg20[%parallel_loop3A_654, %parallel_loop3A_655] {strides = array<i32>} : memref<40x128xf32, #tpu.memory_space<vmem>>, vector<1x16xf32>,
        %parallel_loop3A_657 = vector.shape_cast %parallel_loop3A_656 : vector<1x16xf32> to vector<16xf32>
        %parallel_loop3A_658 = vector.shape_cast %parallel_loop3A_653 : vector<16xf32> to vector<1x16xf32>
        tpu.vector_store %arg20[%parallel_loop3A_654, %parallel_loop3A_655], %parallel_loop3A_658 {strides = array<i32>} : memref<40x128xf32, #tpu.memory_space<vmem>>, vector<1x16xf32>,
      } {sc.loop_unroll_factor = 4 : i64, sc.parallel_access}
      %dma_start3A_277 = arith.constant 0 : i32
      %dma_start3A_278 = arith.constant 0 : i32
      %dma_start3A_279 = tpu.memref_slice %arg21[%dma_start3A_277, %dma_start3A_278] : memref<10240x128xf32, #tpu.memory_space<vmem_shared>> -> memref<10240x128xf32, #tpu.memory_space<vmem_shared>>
      tpu.enqueue_indirect_dma source(%arg20 : memref<40x128xf32, #tpu.memory_space<vmem>>) target(%dma_start3A_279 : memref<10240x128xf32, #tpu.memory_space<vmem_shared>>) offsets(%arg11 : memref<40xi32, #tpu.memory_space<vmem>>) semaphore(%arg34 : memref<!tpu.dma_semaphore, #tpu.memory_space<semaphore_mem>>) {add = true}
      %dma_wait3A_280 = arith.constant 0 : i32
      %dma_wait3A_281 = arith.constant 0 : i32
      %dma_wait3A_282 = tpu.memref_slice %arg21[%dma_wait3A_280, %dma_wait3A_281] : memref<10240x128xf32, #tpu.memory_space<vmem_shared>> -> memref<10240x128xf32, #tpu.memory_space<vmem_shared>>
      tpu.wait_indirect_dma semaphore(%arg33 : memref<!tpu.dma_semaphore, #tpu.memory_space<semaphore_mem>>) src(%arg19 : memref<40x128xf32, #tpu.memory_space<vmem>>) dst(%dma_wait3A_282 : memref<10240x128xf32, #tpu.memory_space<vmem_shared>>)
      %add3A_283 = arith.constant 2 : i32
      %add3A_284 = arith.addi %add3A_245, %add3A_283 : i32
      %mul3A_285 = arith.constant 40 : i32
      %mul3A_286 = arith.muli %add3A_284, %mul3A_285 : i32
      %add3A_287 = arith.addi %mul3A_2, %mul3A_286 : i32
      %dma_start3A_288 = tpu.memref_slice %arg4[%add3A_287] : memref<320000xi32, #tpu.memory_space<hbm>> -> memref<40xi32, #tpu.memory_space<hbm>>
      %dma_start3A_289 = tpu.memref_slice %arg4[%add3A_287] : memref<320000xi32, #tpu.memory_space<hbm>> -> memref<40xi32, #tpu.memory_space<hbm>>
      tpu.enqueue_dma source(%dma_start3A_289 : memref<40xi32, #tpu.memory_space<hbm>>) target(%arg13 : memref<40xi32, #tpu.memory_space<vmem>>) target_semaphore(%arg32 : memref<!tpu.dma_semaphore, #tpu.memory_space<semaphore_mem>>)
      %dma_start3A_290 = arith.constant 0 : i32
      %dma_start3A_291 = tpu.memref_slice %arg5[%add3A_287, %dma_start3A_290] : memref<320000x64xi32, #tpu.memory_space<hbm>> -> memref<40x64xi32, #tpu.memory_space<hbm>>
      %dma_start3A_292 = arith.constant 0 : i32
      %dma_start3A_293 = tpu.memref_slice %arg5[%add3A_287, %dma_start3A_292] : memref<320000x64xi32, #tpu.memory_space<hbm>> -> memref<40x64xi32, #tpu.memory_space<hbm>>
      tpu.enqueue_dma source(%dma_start3A_293 : memref<40x64xi32, #tpu.memory_space<hbm>>) target(%arg18 : memref<40x64xi32, #tpu.memory_space<vmem>>) target_semaphore(%arg26 : memref<!tpu.dma_semaphore, #tpu.memory_space<semaphore_mem>>)
      %mul3A_294 = arith.constant 6 : i32
      %mul3A_295 = arith.muli %mul3A_294, %add3A_185 : i32
      %add3A_296 = arith.constant 2 : i32
      %add3A_297 = arith.addi %mul3A_295, %add3A_296 : i32
      %add3A_298 = arith.constant 2 : i32
      %add3A_299 = arith.addi %add3A_297, %add3A_298 : i32
      %add3A_300 = arith.constant 2 : i32
      %add3A_301 = arith.addi %add3A_299, %add3A_300 : i32
      %mul3A_302 = arith.constant 40 : i32
      %mul3A_303 = arith.muli %add3A_301, %mul3A_302 : i32
      %add3A_304 = arith.addi %mul3A_2, %mul3A_303 : i32
      %dma_start3A_305 = tpu.memref_slice %arg3[%add3A_304] : memref<320000xi32, #tpu.memory_space<hbm>> -> memref<40xi32, #tpu.memory_space<hbm>>
      %dma_start3A_306 = tpu.memref_slice %arg3[%add3A_304] : memref<320000xi32, #tpu.memory_space<hbm>> -> memref<40xi32, #tpu.memory_space<hbm>>
      tpu.enqueue_dma source(%dma_start3A_306 : memref<40xi32, #tpu.memory_space<hbm>>) target(%arg8 : memref<40xi32, #tpu.memory_space<vmem>>) target_semaphore(%arg27 : memref<!tpu.dma_semaphore, #tpu.memory_space<semaphore_mem>>)
      %dma_wait3A_307 = arith.constant 0 : i32
      %dma_wait3A_308 = tpu.memref_slice %arg3[%dma_wait3A_307] : memref<320000xi32, #tpu.memory_space<hbm>> -> memref<40xi32, #tpu.memory_space<hbm>>
      %dma_wait3A_309 = arith.constant 0 : i32
      %dma_wait3A_310 = tpu.memref_slice %arg3[%dma_wait3A_309] : memref<320000xi32, #tpu.memory_space<hbm>> -> memref<40xi32, #tpu.memory_space<hbm>>
      tpu.wait_dma2 semaphore(%arg29 : memref<!tpu.dma_semaphore, #tpu.memory_space<semaphore_mem>>) src(%dma_wait3A_310 : memref<40xi32, #tpu.memory_space<hbm>>) dst(%arg10 : memref<40xi32, #tpu.memory_space<vmem>>)
      %dma_start3A_311 = arith.constant 0 : i32
      %dma_start3A_312 = arith.constant 0 : i32
      %dma_start3A_313 = tpu.memref_slice %arg2[%dma_start3A_311, %dma_start3A_312] : memref<10000x128xf32, #tpu.memory_space<hbm>> -> memref<10000x128xf32, #tpu.memory_space<hbm>>
      tpu.enqueue_indirect_dma source(%dma_start3A_313 : memref<10000x128xf32, #tpu.memory_space<hbm>>) target(%arg15 : memref<40x128xf32, #tpu.memory_space<vmem>>) offsets(%arg10 : memref<40xi32, #tpu.memory_space<vmem>>) semaphore(%arg23 : memref<!tpu.dma_semaphore, #tpu.memory_space<semaphore_mem>>)
      %dma_wait3A_314 = arith.constant 0 : i32
      %dma_wait3A_315 = tpu.memref_slice %arg4[%dma_wait3A_314] : memref<320000xi32, #tpu.memory_space<hbm>> -> memref<40xi32, #tpu.memory_space<hbm>>
      %dma_wait3A_316 = arith.constant 0 : i32
      %dma_wait3A_317 = tpu.memref_slice %arg4[%dma_wait3A_316] : memref<320000xi32, #tpu.memory_space<hbm>> -> memref<40xi32, #tpu.memory_space<hbm>>
      tpu.wait_dma2 semaphore(%arg31 : memref<!tpu.dma_semaphore, #tpu.memory_space<semaphore_mem>>) src(%dma_wait3A_317 : memref<40xi32, #tpu.memory_space<hbm>>) dst(%arg12 : memref<40xi32, #tpu.memory_space<vmem>>)
      %dma_wait3A_318 = arith.constant 0 : i32
      %dma_wait3A_319 = arith.constant 0 : i32
      %dma_wait3A_320 = tpu.memref_slice %arg5[%dma_wait3A_318, %dma_wait3A_319] : memref<320000x64xi32, #tpu.memory_space<hbm>> -> memref<40x64xi32, #tpu.memory_space<hbm>>
      %dma_wait3A_321 = arith.constant 0 : i32
      %dma_wait3A_322 = arith.constant 0 : i32
      %dma_wait3A_323 = tpu.memref_slice %arg5[%dma_wait3A_321, %dma_wait3A_322] : memref<320000x64xi32, #tpu.memory_space<hbm>> -> memref<40x64xi32, #tpu.memory_space<hbm>>
      tpu.wait_dma2 semaphore(%arg25 : memref<!tpu.dma_semaphore, #tpu.memory_space<semaphore_mem>>) src(%dma_wait3A_323 : memref<40x64xi32, #tpu.memory_space<hbm>>) dst(%arg17 : memref<40x64xi32, #tpu.memory_space<vmem>>)
      %dma_wait3A_324 = arith.constant 0 : i32
      %dma_wait3A_325 = arith.constant 0 : i32
      %dma_wait3A_326 = tpu.memref_slice %arg2[%dma_wait3A_324, %dma_wait3A_325] : memref<10000x128xf32, #tpu.memory_space<hbm>> -> memref<10000x128xf32, #tpu.memory_space<hbm>>
      tpu.wait_indirect_dma semaphore(%arg22 : memref<!tpu.dma_semaphore, #tpu.memory_space<semaphore_mem>>) src(%dma_wait3A_326 : memref<10000x128xf32, #tpu.memory_space<hbm>>) dst(%arg14 : memref<40x128xf32, #tpu.memory_space<vmem>>)
      %parallel_loop3A_327 = arith.constant 0 : i32
      %parallel_loop3A_328 = arith.constant 40 : i32
      %parallel_loop3A_329 = arith.constant 1 : i32
      %parallel_loop3A_330 = arith.constant -65536 : i32
      scf.for %parallel_loop3A_510 = %parallel_loop3A_327 to %parallel_loop3A_328 step %parallel_loop3A_329  : i32 {
        %parallel_loop3A_511 = arith.index_cast %parallel_loop3A_510 : i32 to index
        %parallel_loop3A_512 = arith.constant 0 : index
        %parallel_loop3A_513 = tpu.vector_load %arg17[%parallel_loop3A_511, %parallel_loop3A_512] {strides = array<i32>} : memref<40x64xi32, #tpu.memory_space<vmem>>, vector<1x16xi32>,
        %parallel_loop3A_514 = vector.shape_cast %parallel_loop3A_513 : vector<1x16xi32> to vector<16xi32>
        %parallel_loop3A_515 = arith.constant 16 : i32
        %parallel_loop3A_516 = vector.broadcast %parallel_loop3A_515 : i32 to vector<16xi32>
        %parallel_loop3A_517 = arith.shli %parallel_loop3A_514, %parallel_loop3A_516 : vector<16xi32>
        %parallel_loop3A_518 = tpu.bitcast %parallel_loop3A_517 : vector<16xi32> -> vector<16xf32>
        %parallel_loop3A_519 = vector.broadcast %parallel_loop3A_330 : i32 to vector<16xi32>
        %parallel_loop3A_520 = arith.andi %parallel_loop3A_514, %parallel_loop3A_519 : vector<16xi32>
        %parallel_loop3A_521 = tpu.bitcast %parallel_loop3A_520 : vector<16xi32> -> vector<16xf32>
        %parallel_loop3A_522 = arith.index_cast %parallel_loop3A_510 : i32 to index
        %parallel_loop3A_523 = arith.constant 0 : index
        %parallel_loop3A_524 = tpu.vector_load %arg14[%parallel_loop3A_522, %parallel_loop3A_523] {strides = array<i32>} : memref<40x128xf32, #tpu.memory_space<vmem>>, vector<1x16xf32>,
        %parallel_loop3A_525 = vector.shape_cast %parallel_loop3A_524 : vector<1x16xf32> to vector<16xf32>
        %parallel_loop3A_526 = arith.addf %parallel_loop3A_525, %parallel_loop3A_518 : vector<16xf32>
        %parallel_loop3A_527 = arith.constant 0.000000e+00 : f32
        %parallel_loop3A_528 = vector.broadcast %parallel_loop3A_527 : f32 to vector<16xf32>
        %parallel_loop3A_529 = arith.maximumf %parallel_loop3A_526, %parallel_loop3A_528 : vector<16xf32>
        %parallel_loop3A_530 = arith.index_cast %parallel_loop3A_510 : i32 to index
        %parallel_loop3A_531 = arith.constant 0 : index
        %parallel_loop3A_532 = tpu.vector_load %arg19[%parallel_loop3A_530, %parallel_loop3A_531] {strides = array<i32>} : memref<40x128xf32, #tpu.memory_space<vmem>>, vector<1x16xf32>,
        %parallel_loop3A_533 = vector.shape_cast %parallel_loop3A_532 : vector<1x16xf32> to vector<16xf32>
        %parallel_loop3A_534 = vector.shape_cast %parallel_loop3A_529 : vector<16xf32> to vector<1x16xf32>
        tpu.vector_store %arg19[%parallel_loop3A_530, %parallel_loop3A_531], %parallel_loop3A_534 {strides = array<i32>} : memref<40x128xf32, #tpu.memory_space<vmem>>, vector<1x16xf32>,
        %parallel_loop3A_535 = arith.index_cast %parallel_loop3A_510 : i32 to index
        %parallel_loop3A_536 = arith.constant 64 : index
        %parallel_loop3A_537 = tpu.vector_load %arg14[%parallel_loop3A_535, %parallel_loop3A_536] {strides = array<i32>} : memref<40x128xf32, #tpu.memory_space<vmem>>, vector<1x16xf32>,
        %parallel_loop3A_538 = vector.shape_cast %parallel_loop3A_537 : vector<1x16xf32> to vector<16xf32>
        %parallel_loop3A_539 = arith.addf %parallel_loop3A_538, %parallel_loop3A_521 : vector<16xf32>
        %parallel_loop3A_540 = arith.constant 0.000000e+00 : f32
        %parallel_loop3A_541 = vector.broadcast %parallel_loop3A_540 : f32 to vector<16xf32>
        %parallel_loop3A_542 = arith.maximumf %parallel_loop3A_539, %parallel_loop3A_541 : vector<16xf32>
        %parallel_loop3A_543 = arith.index_cast %parallel_loop3A_510 : i32 to index
        %parallel_loop3A_544 = arith.constant 64 : index
        %parallel_loop3A_545 = tpu.vector_load %arg19[%parallel_loop3A_543, %parallel_loop3A_544] {strides = array<i32>} : memref<40x128xf32, #tpu.memory_space<vmem>>, vector<1x16xf32>,
        %parallel_loop3A_546 = vector.shape_cast %parallel_loop3A_545 : vector<1x16xf32> to vector<16xf32>
        %parallel_loop3A_547 = vector.shape_cast %parallel_loop3A_542 : vector<16xf32> to vector<1x16xf32>
        tpu.vector_store %arg19[%parallel_loop3A_543, %parallel_loop3A_544], %parallel_loop3A_547 {strides = array<i32>} : memref<40x128xf32, #tpu.memory_space<vmem>>, vector<1x16xf32>,
        %parallel_loop3A_548 = arith.index_cast %parallel_loop3A_510 : i32 to index
        %parallel_loop3A_549 = arith.constant 16 : index
        %parallel_loop3A_550 = tpu.vector_load %arg17[%parallel_loop3A_548, %parallel_loop3A_549] {strides = array<i32>} : memref<40x64xi32, #tpu.memory_space<vmem>>, vector<1x16xi32>,
        %parallel_loop3A_551 = vector.shape_cast %parallel_loop3A_550 : vector<1x16xi32> to vector<16xi32>
        %parallel_loop3A_552 = arith.constant 16 : i32
        %parallel_loop3A_553 = vector.broadcast %parallel_loop3A_552 : i32 to vector<16xi32>
        %parallel_loop3A_554 = arith.shli %parallel_loop3A_551, %parallel_loop3A_553 : vector<16xi32>
        %parallel_loop3A_555 = tpu.bitcast %parallel_loop3A_554 : vector<16xi32> -> vector<16xf32>
        %parallel_loop3A_556 = vector.broadcast %parallel_loop3A_330 : i32 to vector<16xi32>
        %parallel_loop3A_557 = arith.andi %parallel_loop3A_551, %parallel_loop3A_556 : vector<16xi32>
        %parallel_loop3A_558 = tpu.bitcast %parallel_loop3A_557 : vector<16xi32> -> vector<16xf32>
        %parallel_loop3A_559 = arith.index_cast %parallel_loop3A_510 : i32 to index
        %parallel_loop3A_560 = arith.constant 16 : index
        %parallel_loop3A_561 = tpu.vector_load %arg14[%parallel_loop3A_559, %parallel_loop3A_560] {strides = array<i32>} : memref<40x128xf32, #tpu.memory_space<vmem>>, vector<1x16xf32>,
        %parallel_loop3A_562 = vector.shape_cast %parallel_loop3A_561 : vector<1x16xf32> to vector<16xf32>
        %parallel_loop3A_563 = arith.addf %parallel_loop3A_562, %parallel_loop3A_555 : vector<16xf32>
        %parallel_loop3A_564 = arith.constant 0.000000e+00 : f32
        %parallel_loop3A_565 = vector.broadcast %parallel_loop3A_564 : f32 to vector<16xf32>
        %parallel_loop3A_566 = arith.maximumf %parallel_loop3A_563, %parallel_loop3A_565 : vector<16xf32>
        %parallel_loop3A_567 = arith.index_cast %parallel_loop3A_510 : i32 to index
        %parallel_loop3A_568 = arith.constant 16 : index
        %parallel_loop3A_569 = tpu.vector_load %arg19[%parallel_loop3A_567, %parallel_loop3A_568] {strides = array<i32>} : memref<40x128xf32, #tpu.memory_space<vmem>>, vector<1x16xf32>,
        %parallel_loop3A_570 = vector.shape_cast %parallel_loop3A_569 : vector<1x16xf32> to vector<16xf32>
        %parallel_loop3A_571 = vector.shape_cast %parallel_loop3A_566 : vector<16xf32> to vector<1x16xf32>
        tpu.vector_store %arg19[%parallel_loop3A_567, %parallel_loop3A_568], %parallel_loop3A_571 {strides = array<i32>} : memref<40x128xf32, #tpu.memory_space<vmem>>, vector<1x16xf32>,
        %parallel_loop3A_572 = arith.index_cast %parallel_loop3A_510 : i32 to index
        %parallel_loop3A_573 = arith.constant 80 : index
        %parallel_loop3A_574 = tpu.vector_load %arg14[%parallel_loop3A_572, %parallel_loop3A_573] {strides = array<i32>} : memref<40x128xf32, #tpu.memory_space<vmem>>, vector<1x16xf32>,
        %parallel_loop3A_575 = vector.shape_cast %parallel_loop3A_574 : vector<1x16xf32> to vector<16xf32>
        %parallel_loop3A_576 = arith.addf %parallel_loop3A_575, %parallel_loop3A_558 : vector<16xf32>
        %parallel_loop3A_577 = arith.constant 0.000000e+00 : f32
        %parallel_loop3A_578 = vector.broadcast %parallel_loop3A_577 : f32 to vector<16xf32>
        %parallel_loop3A_579 = arith.maximumf %parallel_loop3A_576, %parallel_loop3A_578 : vector<16xf32>
        %parallel_loop3A_580 = arith.index_cast %parallel_loop3A_510 : i32 to index
        %parallel_loop3A_581 = arith.constant 80 : index
        %parallel_loop3A_582 = tpu.vector_load %arg19[%parallel_loop3A_580, %parallel_loop3A_581] {strides = array<i32>} : memref<40x128xf32, #tpu.memory_space<vmem>>, vector<1x16xf32>,
        %parallel_loop3A_583 = vector.shape_cast %parallel_loop3A_582 : vector<1x16xf32> to vector<16xf32>
        %parallel_loop3A_584 = vector.shape_cast %parallel_loop3A_579 : vector<16xf32> to vector<1x16xf32>
        tpu.vector_store %arg19[%parallel_loop3A_580, %parallel_loop3A_581], %parallel_loop3A_584 {strides = array<i32>} : memref<40x128xf32, #tpu.memory_space<vmem>>, vector<1x16xf32>,
        %parallel_loop3A_585 = arith.index_cast %parallel_loop3A_510 : i32 to index
        %parallel_loop3A_586 = arith.constant 32 : index
        %parallel_loop3A_587 = tpu.vector_load %arg17[%parallel_loop3A_585, %parallel_loop3A_586] {strides = array<i32>} : memref<40x64xi32, #tpu.memory_space<vmem>>, vector<1x16xi32>,
        %parallel_loop3A_588 = vector.shape_cast %parallel_loop3A_587 : vector<1x16xi32> to vector<16xi32>
        %parallel_loop3A_589 = arith.constant 16 : i32
        %parallel_loop3A_590 = vector.broadcast %parallel_loop3A_589 : i32 to vector<16xi32>
        %parallel_loop3A_591 = arith.shli %parallel_loop3A_588, %parallel_loop3A_590 : vector<16xi32>
        %parallel_loop3A_592 = tpu.bitcast %parallel_loop3A_591 : vector<16xi32> -> vector<16xf32>
        %parallel_loop3A_593 = vector.broadcast %parallel_loop3A_330 : i32 to vector<16xi32>
        %parallel_loop3A_594 = arith.andi %parallel_loop3A_588, %parallel_loop3A_593 : vector<16xi32>
        %parallel_loop3A_595 = tpu.bitcast %parallel_loop3A_594 : vector<16xi32> -> vector<16xf32>
        %parallel_loop3A_596 = arith.index_cast %parallel_loop3A_510 : i32 to index
        %parallel_loop3A_597 = arith.constant 32 : index
        %parallel_loop3A_598 = tpu.vector_load %arg14[%parallel_loop3A_596, %parallel_loop3A_597] {strides = array<i32>} : memref<40x128xf32, #tpu.memory_space<vmem>>, vector<1x16xf32>,
        %parallel_loop3A_599 = vector.shape_cast %parallel_loop3A_598 : vector<1x16xf32> to vector<16xf32>
        %parallel_loop3A_600 = arith.addf %parallel_loop3A_599, %parallel_loop3A_592 : vector<16xf32>
        %parallel_loop3A_601 = arith.constant 0.000000e+00 : f32
        %parallel_loop3A_602 = vector.broadcast %parallel_loop3A_601 : f32 to vector<16xf32>
        %parallel_loop3A_603 = arith.maximumf %parallel_loop3A_600, %parallel_loop3A_602 : vector<16xf32>
        %parallel_loop3A_604 = arith.index_cast %parallel_loop3A_510 : i32 to index
        %parallel_loop3A_605 = arith.constant 32 : index
        %parallel_loop3A_606 = tpu.vector_load %arg19[%parallel_loop3A_604, %parallel_loop3A_605] {strides = array<i32>} : memref<40x128xf32, #tpu.memory_space<vmem>>, vector<1x16xf32>,
        %parallel_loop3A_607 = vector.shape_cast %parallel_loop3A_606 : vector<1x16xf32> to vector<16xf32>
        %parallel_loop3A_608 = vector.shape_cast %parallel_loop3A_603 : vector<16xf32> to vector<1x16xf32>
        tpu.vector_store %arg19[%parallel_loop3A_604, %parallel_loop3A_605], %parallel_loop3A_608 {strides = array<i32>} : memref<40x128xf32, #tpu.memory_space<vmem>>, vector<1x16xf32>,
        %parallel_loop3A_609 = arith.index_cast %parallel_loop3A_510 : i32 to index
        %parallel_loop3A_610 = arith.constant 96 : index
        %parallel_loop3A_611 = tpu.vector_load %arg14[%parallel_loop3A_609, %parallel_loop3A_610] {strides = array<i32>} : memref<40x128xf32, #tpu.memory_space<vmem>>, vector<1x16xf32>,
        %parallel_loop3A_612 = vector.shape_cast %parallel_loop3A_611 : vector<1x16xf32> to vector<16xf32>
        %parallel_loop3A_613 = arith.addf %parallel_loop3A_612, %parallel_loop3A_595 : vector<16xf32>
        %parallel_loop3A_614 = arith.constant 0.000000e+00 : f32
        %parallel_loop3A_615 = vector.broadcast %parallel_loop3A_614 : f32 to vector<16xf32>
        %parallel_loop3A_616 = arith.maximumf %parallel_loop3A_613, %parallel_loop3A_615 : vector<16xf32>
        %parallel_loop3A_617 = arith.index_cast %parallel_loop3A_510 : i32 to index
        %parallel_loop3A_618 = arith.constant 96 : index
        %parallel_loop3A_619 = tpu.vector_load %arg19[%parallel_loop3A_617, %parallel_loop3A_618] {strides = array<i32>} : memref<40x128xf32, #tpu.memory_space<vmem>>, vector<1x16xf32>,
        %parallel_loop3A_620 = vector.shape_cast %parallel_loop3A_619 : vector<1x16xf32> to vector<16xf32>
        %parallel_loop3A_621 = vector.shape_cast %parallel_loop3A_616 : vector<16xf32> to vector<1x16xf32>
        tpu.vector_store %arg19[%parallel_loop3A_617, %parallel_loop3A_618], %parallel_loop3A_621 {strides = array<i32>} : memref<40x128xf32, #tpu.memory_space<vmem>>, vector<1x16xf32>,
        %parallel_loop3A_622 = arith.index_cast %parallel_loop3A_510 : i32 to index
        %parallel_loop3A_623 = arith.constant 48 : index
        %parallel_loop3A_624 = tpu.vector_load %arg17[%parallel_loop3A_622, %parallel_loop3A_623] {strides = array<i32>} : memref<40x64xi32, #tpu.memory_space<vmem>>, vector<1x16xi32>,
        %parallel_loop3A_625 = vector.shape_cast %parallel_loop3A_624 : vector<1x16xi32> to vector<16xi32>
        %parallel_loop3A_626 = arith.constant 16 : i32
        %parallel_loop3A_627 = vector.broadcast %parallel_loop3A_626 : i32 to vector<16xi32>
        %parallel_loop3A_628 = arith.shli %parallel_loop3A_625, %parallel_loop3A_627 : vector<16xi32>
        %parallel_loop3A_629 = tpu.bitcast %parallel_loop3A_628 : vector<16xi32> -> vector<16xf32>
        %parallel_loop3A_630 = vector.broadcast %parallel_loop3A_330 : i32 to vector<16xi32>
        %parallel_loop3A_631 = arith.andi %parallel_loop3A_625, %parallel_loop3A_630 : vector<16xi32>
        %parallel_loop3A_632 = tpu.bitcast %parallel_loop3A_631 : vector<16xi32> -> vector<16xf32>
        %parallel_loop3A_633 = arith.index_cast %parallel_loop3A_510 : i32 to index
        %parallel_loop3A_634 = arith.constant 48 : index
        %parallel_loop3A_635 = tpu.vector_load %arg14[%parallel_loop3A_633, %parallel_loop3A_634] {strides = array<i32>} : memref<40x128xf32, #tpu.memory_space<vmem>>, vector<1x16xf32>,
        %parallel_loop3A_636 = vector.shape_cast %parallel_loop3A_635 : vector<1x16xf32> to vector<16xf32>
        %parallel_loop3A_637 = arith.addf %parallel_loop3A_636, %parallel_loop3A_629 : vector<16xf32>
        %parallel_loop3A_638 = arith.constant 0.000000e+00 : f32
        %parallel_loop3A_639 = vector.broadcast %parallel_loop3A_638 : f32 to vector<16xf32>
        %parallel_loop3A_640 = arith.maximumf %parallel_loop3A_637, %parallel_loop3A_639 : vector<16xf32>
        %parallel_loop3A_641 = arith.index_cast %parallel_loop3A_510 : i32 to index
        %parallel_loop3A_642 = arith.constant 48 : index
        %parallel_loop3A_643 = tpu.vector_load %arg19[%parallel_loop3A_641, %parallel_loop3A_642] {strides = array<i32>} : memref<40x128xf32, #tpu.memory_space<vmem>>, vector<1x16xf32>,
        %parallel_loop3A_644 = vector.shape_cast %parallel_loop3A_643 : vector<1x16xf32> to vector<16xf32>
        %parallel_loop3A_645 = vector.shape_cast %parallel_loop3A_640 : vector<16xf32> to vector<1x16xf32>
        tpu.vector_store %arg19[%parallel_loop3A_641, %parallel_loop3A_642], %parallel_loop3A_645 {strides = array<i32>} : memref<40x128xf32, #tpu.memory_space<vmem>>, vector<1x16xf32>,
        %parallel_loop3A_646 = arith.index_cast %parallel_loop3A_510 : i32 to index
        %parallel_loop3A_647 = arith.constant 112 : index
        %parallel_loop3A_648 = tpu.vector_load %arg14[%parallel_loop3A_646, %parallel_loop3A_647] {strides = array<i32>} : memref<40x128xf32, #tpu.memory_space<vmem>>, vector<1x16xf32>,
        %parallel_loop3A_649 = vector.shape_cast %parallel_loop3A_648 : vector<1x16xf32> to vector<16xf32>
        %parallel_loop3A_650 = arith.addf %parallel_loop3A_649, %parallel_loop3A_632 : vector<16xf32>
        %parallel_loop3A_651 = arith.constant 0.000000e+00 : f32
        %parallel_loop3A_652 = vector.broadcast %parallel_loop3A_651 : f32 to vector<16xf32>
        %parallel_loop3A_653 = arith.maximumf %parallel_loop3A_650, %parallel_loop3A_652 : vector<16xf32>
        %parallel_loop3A_654 = arith.index_cast %parallel_loop3A_510 : i32 to index
        %parallel_loop3A_655 = arith.constant 112 : index
        %parallel_loop3A_656 = tpu.vector_load %arg19[%parallel_loop3A_654, %parallel_loop3A_655] {strides = array<i32>} : memref<40x128xf32, #tpu.memory_space<vmem>>, vector<1x16xf32>,
        %parallel_loop3A_657 = vector.shape_cast %parallel_loop3A_656 : vector<1x16xf32> to vector<16xf32>
        %parallel_loop3A_658 = vector.shape_cast %parallel_loop3A_653 : vector<16xf32> to vector<1x16xf32>
        tpu.vector_store %arg19[%parallel_loop3A_654, %parallel_loop3A_655], %parallel_loop3A_658 {strides = array<i32>} : memref<40x128xf32, #tpu.memory_space<vmem>>, vector<1x16xf32>,
      } {sc.loop_unroll_factor = 4 : i64, sc.parallel_access}
      %dma_start3A_331 = arith.constant 0 : i32
      %dma_start3A_332 = arith.constant 0 : i32
      %dma_start3A_333 = tpu.memref_slice %arg21[%dma_start3A_331, %dma_start3A_332] : memref<10240x128xf32, #tpu.memory_space<vmem_shared>> -> memref<10240x128xf32, #tpu.memory_space<vmem_shared>>
      tpu.enqueue_indirect_dma source(%arg19 : memref<40x128xf32, #tpu.memory_space<vmem>>) target(%dma_start3A_333 : memref<10240x128xf32, #tpu.memory_space<vmem_shared>>) offsets(%arg12 : memref<40xi32, #tpu.memory_space<vmem>>) semaphore(%arg33 : memref<!tpu.dma_semaphore, #tpu.memory_space<semaphore_mem>>) {add = true}
      %dma_wait3A_334 = arith.constant 0 : i32
      %dma_wait3A_335 = arith.constant 0 : i32
      %dma_wait3A_336 = tpu.memref_slice %arg21[%dma_wait3A_334, %dma_wait3A_335] : memref<10240x128xf32, #tpu.memory_space<vmem_shared>> -> memref<10240x128xf32, #tpu.memory_space<vmem_shared>>
      tpu.wait_indirect_dma semaphore(%arg34 : memref<!tpu.dma_semaphore, #tpu.memory_space<semaphore_mem>>) src(%arg20 : memref<40x128xf32, #tpu.memory_space<vmem>>) dst(%dma_wait3A_336 : memref<10240x128xf32, #tpu.memory_space<vmem_shared>>)
      %add3A_337 = arith.constant 2 : i32
      %add3A_338 = arith.addi %add3A_299, %add3A_337 : i32
      %mul3A_339 = arith.constant 40 : i32
      %mul3A_340 = arith.muli %add3A_338, %mul3A_339 : i32
      %add3A_341 = arith.addi %mul3A_2, %mul3A_340 : i32
      %dma_start3A_342 = tpu.memref_slice %arg4[%add3A_341] : memref<320000xi32, #tpu.memory_space<hbm>> -> memref<40xi32, #tpu.memory_space<hbm>>
      %dma_start3A_343 = tpu.memref_slice %arg4[%add3A_341] : memref<320000xi32, #tpu.memory_space<hbm>> -> memref<40xi32, #tpu.memory_space<hbm>>
      tpu.enqueue_dma source(%dma_start3A_343 : memref<40xi32, #tpu.memory_space<hbm>>) target(%arg11 : memref<40xi32, #tpu.memory_space<vmem>>) target_semaphore(%arg30 : memref<!tpu.dma_semaphore, #tpu.memory_space<semaphore_mem>>)
      %dma_start3A_344 = arith.constant 0 : i32
      %dma_start3A_345 = tpu.memref_slice %arg5[%add3A_341, %dma_start3A_344] : memref<320000x64xi32, #tpu.memory_space<hbm>> -> memref<40x64xi32, #tpu.memory_space<hbm>>
      %dma_start3A_346 = arith.constant 0 : i32
      %dma_start3A_347 = tpu.memref_slice %arg5[%add3A_341, %dma_start3A_346] : memref<320000x64xi32, #tpu.memory_space<hbm>> -> memref<40x64xi32, #tpu.memory_space<hbm>>
      tpu.enqueue_dma source(%dma_start3A_347 : memref<40x64xi32, #tpu.memory_space<hbm>>) target(%arg16 : memref<40x64xi32, #tpu.memory_space<vmem>>) target_semaphore(%arg24 : memref<!tpu.dma_semaphore, #tpu.memory_space<semaphore_mem>>)
      %mul3A_348 = arith.constant 6 : i32
      %mul3A_349 = arith.muli %mul3A_348, %add3A_185 : i32
      %add3A_350 = arith.constant 2 : i32
      %add3A_351 = arith.addi %mul3A_349, %add3A_350 : i32
      %add3A_352 = arith.constant 3 : i32
      %add3A_353 = arith.addi %add3A_351, %add3A_352 : i32
      %add3A_354 = arith.constant 2 : i32
      %add3A_355 = arith.addi %add3A_353, %add3A_354 : i32
      %mul3A_356 = arith.constant 40 : i32
      %mul3A_357 = arith.muli %add3A_355, %mul3A_356 : i32
      %add3A_358 = arith.addi %mul3A_2, %mul3A_357 : i32
      %dma_start3A_359 = tpu.memref_slice %arg3[%add3A_358] : memref<320000xi32, #tpu.memory_space<hbm>> -> memref<40xi32, #tpu.memory_space<hbm>>
      %dma_start3A_360 = tpu.memref_slice %arg3[%add3A_358] : memref<320000xi32, #tpu.memory_space<hbm>> -> memref<40xi32, #tpu.memory_space<hbm>>
      tpu.enqueue_dma source(%dma_start3A_360 : memref<40xi32, #tpu.memory_space<hbm>>) target(%arg9 : memref<40xi32, #tpu.memory_space<vmem>>) target_semaphore(%arg28 : memref<!tpu.dma_semaphore, #tpu.memory_space<semaphore_mem>>)
      %dma_wait3A_361 = arith.constant 0 : i32
      %dma_wait3A_362 = tpu.memref_slice %arg3[%dma_wait3A_361] : memref<320000xi32, #tpu.memory_space<hbm>> -> memref<40xi32, #tpu.memory_space<hbm>>
      %dma_wait3A_363 = arith.constant 0 : i32
      %dma_wait3A_364 = tpu.memref_slice %arg3[%dma_wait3A_363] : memref<320000xi32, #tpu.memory_space<hbm>> -> memref<40xi32, #tpu.memory_space<hbm>>
      tpu.wait_dma2 semaphore(%arg27 : memref<!tpu.dma_semaphore, #tpu.memory_space<semaphore_mem>>) src(%dma_wait3A_364 : memref<40xi32, #tpu.memory_space<hbm>>) dst(%arg8 : memref<40xi32, #tpu.memory_space<vmem>>)
      %dma_start3A_365 = arith.constant 0 : i32
      %dma_start3A_366 = arith.constant 0 : i32
      %dma_start3A_367 = tpu.memref_slice %arg2[%dma_start3A_365, %dma_start3A_366] : memref<10000x128xf32, #tpu.memory_space<hbm>> -> memref<10000x128xf32, #tpu.memory_space<hbm>>
      tpu.enqueue_indirect_dma source(%dma_start3A_367 : memref<10000x128xf32, #tpu.memory_space<hbm>>) target(%arg14 : memref<40x128xf32, #tpu.memory_space<vmem>>) offsets(%arg8 : memref<40xi32, #tpu.memory_space<vmem>>) semaphore(%arg22 : memref<!tpu.dma_semaphore, #tpu.memory_space<semaphore_mem>>)
      %dma_wait3A_368 = arith.constant 0 : i32
      %dma_wait3A_369 = tpu.memref_slice %arg4[%dma_wait3A_368] : memref<320000xi32, #tpu.memory_space<hbm>> -> memref<40xi32, #tpu.memory_space<hbm>>
      %dma_wait3A_370 = arith.constant 0 : i32
      %dma_wait3A_371 = tpu.memref_slice %arg4[%dma_wait3A_370] : memref<320000xi32, #tpu.memory_space<hbm>> -> memref<40xi32, #tpu.memory_space<hbm>>
      tpu.wait_dma2 semaphore(%arg32 : memref<!tpu.dma_semaphore, #tpu.memory_space<semaphore_mem>>) src(%dma_wait3A_371 : memref<40xi32, #tpu.memory_space<hbm>>) dst(%arg13 : memref<40xi32, #tpu.memory_space<vmem>>)
      %dma_wait3A_372 = arith.constant 0 : i32
      %dma_wait3A_373 = arith.constant 0 : i32
      %dma_wait3A_374 = tpu.memref_slice %arg5[%dma_wait3A_372, %dma_wait3A_373] : memref<320000x64xi32, #tpu.memory_space<hbm>> -> memref<40x64xi32, #tpu.memory_space<hbm>>
      %dma_wait3A_375 = arith.constant 0 : i32
      %dma_wait3A_376 = arith.constant 0 : i32
      %dma_wait3A_377 = tpu.memref_slice %arg5[%dma_wait3A_375, %dma_wait3A_376] : memref<320000x64xi32, #tpu.memory_space<hbm>> -> memref<40x64xi32, #tpu.memory_space<hbm>>
      tpu.wait_dma2 semaphore(%arg26 : memref<!tpu.dma_semaphore, #tpu.memory_space<semaphore_mem>>) src(%dma_wait3A_377 : memref<40x64xi32, #tpu.memory_space<hbm>>) dst(%arg18 : memref<40x64xi32, #tpu.memory_space<vmem>>)
      %dma_wait3A_378 = arith.constant 0 : i32
      %dma_wait3A_379 = arith.constant 0 : i32
      %dma_wait3A_380 = tpu.memref_slice %arg2[%dma_wait3A_378, %dma_wait3A_379] : memref<10000x128xf32, #tpu.memory_space<hbm>> -> memref<10000x128xf32, #tpu.memory_space<hbm>>
      tpu.wait_indirect_dma semaphore(%arg23 : memref<!tpu.dma_semaphore, #tpu.memory_space<semaphore_mem>>) src(%dma_wait3A_380 : memref<10000x128xf32, #tpu.memory_space<hbm>>) dst(%arg15 : memref<40x128xf32, #tpu.memory_space<vmem>>)
      %parallel_loop3A_381 = arith.constant 0 : i32
      %parallel_loop3A_382 = arith.constant 40 : i32
      %parallel_loop3A_383 = arith.constant 1 : i32
      %parallel_loop3A_384 = arith.constant -65536 : i32
      scf.for %parallel_loop3A_510 = %parallel_loop3A_381 to %parallel_loop3A_382 step %parallel_loop3A_383  : i32 {
        %parallel_loop3A_511 = arith.index_cast %parallel_loop3A_510 : i32 to index
        %parallel_loop3A_512 = arith.constant 0 : index
        %parallel_loop3A_513 = tpu.vector_load %arg18[%parallel_loop3A_511, %parallel_loop3A_512] {strides = array<i32>} : memref<40x64xi32, #tpu.memory_space<vmem>>, vector<1x16xi32>,
        %parallel_loop3A_514 = vector.shape_cast %parallel_loop3A_513 : vector<1x16xi32> to vector<16xi32>
        %parallel_loop3A_515 = arith.constant 16 : i32
        %parallel_loop3A_516 = vector.broadcast %parallel_loop3A_515 : i32 to vector<16xi32>
        %parallel_loop3A_517 = arith.shli %parallel_loop3A_514, %parallel_loop3A_516 : vector<16xi32>
        %parallel_loop3A_518 = tpu.bitcast %parallel_loop3A_517 : vector<16xi32> -> vector<16xf32>
        %parallel_loop3A_519 = vector.broadcast %parallel_loop3A_384 : i32 to vector<16xi32>
        %parallel_loop3A_520 = arith.andi %parallel_loop3A_514, %parallel_loop3A_519 : vector<16xi32>
        %parallel_loop3A_521 = tpu.bitcast %parallel_loop3A_520 : vector<16xi32> -> vector<16xf32>
        %parallel_loop3A_522 = arith.index_cast %parallel_loop3A_510 : i32 to index
        %parallel_loop3A_523 = arith.constant 0 : index
        %parallel_loop3A_524 = tpu.vector_load %arg15[%parallel_loop3A_522, %parallel_loop3A_523] {strides = array<i32>} : memref<40x128xf32, #tpu.memory_space<vmem>>, vector<1x16xf32>,
        %parallel_loop3A_525 = vector.shape_cast %parallel_loop3A_524 : vector<1x16xf32> to vector<16xf32>
        %parallel_loop3A_526 = arith.addf %parallel_loop3A_525, %parallel_loop3A_518 : vector<16xf32>
        %parallel_loop3A_527 = arith.constant 0.000000e+00 : f32
        %parallel_loop3A_528 = vector.broadcast %parallel_loop3A_527 : f32 to vector<16xf32>
        %parallel_loop3A_529 = arith.maximumf %parallel_loop3A_526, %parallel_loop3A_528 : vector<16xf32>
        %parallel_loop3A_530 = arith.index_cast %parallel_loop3A_510 : i32 to index
        %parallel_loop3A_531 = arith.constant 0 : index
        %parallel_loop3A_532 = tpu.vector_load %arg20[%parallel_loop3A_530, %parallel_loop3A_531] {strides = array<i32>} : memref<40x128xf32, #tpu.memory_space<vmem>>, vector<1x16xf32>,
        %parallel_loop3A_533 = vector.shape_cast %parallel_loop3A_532 : vector<1x16xf32> to vector<16xf32>
        %parallel_loop3A_534 = vector.shape_cast %parallel_loop3A_529 : vector<16xf32> to vector<1x16xf32>
        tpu.vector_store %arg20[%parallel_loop3A_530, %parallel_loop3A_531], %parallel_loop3A_534 {strides = array<i32>} : memref<40x128xf32, #tpu.memory_space<vmem>>, vector<1x16xf32>,
        %parallel_loop3A_535 = arith.index_cast %parallel_loop3A_510 : i32 to index
        %parallel_loop3A_536 = arith.constant 64 : index
        %parallel_loop3A_537 = tpu.vector_load %arg15[%parallel_loop3A_535, %parallel_loop3A_536] {strides = array<i32>} : memref<40x128xf32, #tpu.memory_space<vmem>>, vector<1x16xf32>,
        %parallel_loop3A_538 = vector.shape_cast %parallel_loop3A_537 : vector<1x16xf32> to vector<16xf32>
        %parallel_loop3A_539 = arith.addf %parallel_loop3A_538, %parallel_loop3A_521 : vector<16xf32>
        %parallel_loop3A_540 = arith.constant 0.000000e+00 : f32
        %parallel_loop3A_541 = vector.broadcast %parallel_loop3A_540 : f32 to vector<16xf32>
        %parallel_loop3A_542 = arith.maximumf %parallel_loop3A_539, %parallel_loop3A_541 : vector<16xf32>
        %parallel_loop3A_543 = arith.index_cast %parallel_loop3A_510 : i32 to index
        %parallel_loop3A_544 = arith.constant 64 : index
        %parallel_loop3A_545 = tpu.vector_load %arg20[%parallel_loop3A_543, %parallel_loop3A_544] {strides = array<i32>} : memref<40x128xf32, #tpu.memory_space<vmem>>, vector<1x16xf32>,
        %parallel_loop3A_546 = vector.shape_cast %parallel_loop3A_545 : vector<1x16xf32> to vector<16xf32>
        %parallel_loop3A_547 = vector.shape_cast %parallel_loop3A_542 : vector<16xf32> to vector<1x16xf32>
        tpu.vector_store %arg20[%parallel_loop3A_543, %parallel_loop3A_544], %parallel_loop3A_547 {strides = array<i32>} : memref<40x128xf32, #tpu.memory_space<vmem>>, vector<1x16xf32>,
        %parallel_loop3A_548 = arith.index_cast %parallel_loop3A_510 : i32 to index
        %parallel_loop3A_549 = arith.constant 16 : index
        %parallel_loop3A_550 = tpu.vector_load %arg18[%parallel_loop3A_548, %parallel_loop3A_549] {strides = array<i32>} : memref<40x64xi32, #tpu.memory_space<vmem>>, vector<1x16xi32>,
        %parallel_loop3A_551 = vector.shape_cast %parallel_loop3A_550 : vector<1x16xi32> to vector<16xi32>
        %parallel_loop3A_552 = arith.constant 16 : i32
        %parallel_loop3A_553 = vector.broadcast %parallel_loop3A_552 : i32 to vector<16xi32>
        %parallel_loop3A_554 = arith.shli %parallel_loop3A_551, %parallel_loop3A_553 : vector<16xi32>
        %parallel_loop3A_555 = tpu.bitcast %parallel_loop3A_554 : vector<16xi32> -> vector<16xf32>
        %parallel_loop3A_556 = vector.broadcast %parallel_loop3A_384 : i32 to vector<16xi32>
        %parallel_loop3A_557 = arith.andi %parallel_loop3A_551, %parallel_loop3A_556 : vector<16xi32>
        %parallel_loop3A_558 = tpu.bitcast %parallel_loop3A_557 : vector<16xi32> -> vector<16xf32>
        %parallel_loop3A_559 = arith.index_cast %parallel_loop3A_510 : i32 to index
        %parallel_loop3A_560 = arith.constant 16 : index
        %parallel_loop3A_561 = tpu.vector_load %arg15[%parallel_loop3A_559, %parallel_loop3A_560] {strides = array<i32>} : memref<40x128xf32, #tpu.memory_space<vmem>>, vector<1x16xf32>,
        %parallel_loop3A_562 = vector.shape_cast %parallel_loop3A_561 : vector<1x16xf32> to vector<16xf32>
        %parallel_loop3A_563 = arith.addf %parallel_loop3A_562, %parallel_loop3A_555 : vector<16xf32>
        %parallel_loop3A_564 = arith.constant 0.000000e+00 : f32
        %parallel_loop3A_565 = vector.broadcast %parallel_loop3A_564 : f32 to vector<16xf32>
        %parallel_loop3A_566 = arith.maximumf %parallel_loop3A_563, %parallel_loop3A_565 : vector<16xf32>
        %parallel_loop3A_567 = arith.index_cast %parallel_loop3A_510 : i32 to index
        %parallel_loop3A_568 = arith.constant 16 : index
        %parallel_loop3A_569 = tpu.vector_load %arg20[%parallel_loop3A_567, %parallel_loop3A_568] {strides = array<i32>} : memref<40x128xf32, #tpu.memory_space<vmem>>, vector<1x16xf32>,
        %parallel_loop3A_570 = vector.shape_cast %parallel_loop3A_569 : vector<1x16xf32> to vector<16xf32>
        %parallel_loop3A_571 = vector.shape_cast %parallel_loop3A_566 : vector<16xf32> to vector<1x16xf32>
        tpu.vector_store %arg20[%parallel_loop3A_567, %parallel_loop3A_568], %parallel_loop3A_571 {strides = array<i32>} : memref<40x128xf32, #tpu.memory_space<vmem>>, vector<1x16xf32>,
        %parallel_loop3A_572 = arith.index_cast %parallel_loop3A_510 : i32 to index
        %parallel_loop3A_573 = arith.constant 80 : index
        %parallel_loop3A_574 = tpu.vector_load %arg15[%parallel_loop3A_572, %parallel_loop3A_573] {strides = array<i32>} : memref<40x128xf32, #tpu.memory_space<vmem>>, vector<1x16xf32>,
        %parallel_loop3A_575 = vector.shape_cast %parallel_loop3A_574 : vector<1x16xf32> to vector<16xf32>
        %parallel_loop3A_576 = arith.addf %parallel_loop3A_575, %parallel_loop3A_558 : vector<16xf32>
        %parallel_loop3A_577 = arith.constant 0.000000e+00 : f32
        %parallel_loop3A_578 = vector.broadcast %parallel_loop3A_577 : f32 to vector<16xf32>
        %parallel_loop3A_579 = arith.maximumf %parallel_loop3A_576, %parallel_loop3A_578 : vector<16xf32>
        %parallel_loop3A_580 = arith.index_cast %parallel_loop3A_510 : i32 to index
        %parallel_loop3A_581 = arith.constant 80 : index
        %parallel_loop3A_582 = tpu.vector_load %arg20[%parallel_loop3A_580, %parallel_loop3A_581] {strides = array<i32>} : memref<40x128xf32, #tpu.memory_space<vmem>>, vector<1x16xf32>,
        %parallel_loop3A_583 = vector.shape_cast %parallel_loop3A_582 : vector<1x16xf32> to vector<16xf32>
        %parallel_loop3A_584 = vector.shape_cast %parallel_loop3A_579 : vector<16xf32> to vector<1x16xf32>
        tpu.vector_store %arg20[%parallel_loop3A_580, %parallel_loop3A_581], %parallel_loop3A_584 {strides = array<i32>} : memref<40x128xf32, #tpu.memory_space<vmem>>, vector<1x16xf32>,
        %parallel_loop3A_585 = arith.index_cast %parallel_loop3A_510 : i32 to index
        %parallel_loop3A_586 = arith.constant 32 : index
        %parallel_loop3A_587 = tpu.vector_load %arg18[%parallel_loop3A_585, %parallel_loop3A_586] {strides = array<i32>} : memref<40x64xi32, #tpu.memory_space<vmem>>, vector<1x16xi32>,
        %parallel_loop3A_588 = vector.shape_cast %parallel_loop3A_587 : vector<1x16xi32> to vector<16xi32>
        %parallel_loop3A_589 = arith.constant 16 : i32
        %parallel_loop3A_590 = vector.broadcast %parallel_loop3A_589 : i32 to vector<16xi32>
        %parallel_loop3A_591 = arith.shli %parallel_loop3A_588, %parallel_loop3A_590 : vector<16xi32>
        %parallel_loop3A_592 = tpu.bitcast %parallel_loop3A_591 : vector<16xi32> -> vector<16xf32>
        %parallel_loop3A_593 = vector.broadcast %parallel_loop3A_384 : i32 to vector<16xi32>
        %parallel_loop3A_594 = arith.andi %parallel_loop3A_588, %parallel_loop3A_593 : vector<16xi32>
        %parallel_loop3A_595 = tpu.bitcast %parallel_loop3A_594 : vector<16xi32> -> vector<16xf32>
        %parallel_loop3A_596 = arith.index_cast %parallel_loop3A_510 : i32 to index
        %parallel_loop3A_597 = arith.constant 32 : index
        %parallel_loop3A_598 = tpu.vector_load %arg15[%parallel_loop3A_596, %parallel_loop3A_597] {strides = array<i32>} : memref<40x128xf32, #tpu.memory_space<vmem>>, vector<1x16xf32>,
        %parallel_loop3A_599 = vector.shape_cast %parallel_loop3A_598 : vector<1x16xf32> to vector<16xf32>
        %parallel_loop3A_600 = arith.addf %parallel_loop3A_599, %parallel_loop3A_592 : vector<16xf32>
        %parallel_loop3A_601 = arith.constant 0.000000e+00 : f32
        %parallel_loop3A_602 = vector.broadcast %parallel_loop3A_601 : f32 to vector<16xf32>
        %parallel_loop3A_603 = arith.maximumf %parallel_loop3A_600, %parallel_loop3A_602 : vector<16xf32>
        %parallel_loop3A_604 = arith.index_cast %parallel_loop3A_510 : i32 to index
        %parallel_loop3A_605 = arith.constant 32 : index
        %parallel_loop3A_606 = tpu.vector_load %arg20[%parallel_loop3A_604, %parallel_loop3A_605] {strides = array<i32>} : memref<40x128xf32, #tpu.memory_space<vmem>>, vector<1x16xf32>,
        %parallel_loop3A_607 = vector.shape_cast %parallel_loop3A_606 : vector<1x16xf32> to vector<16xf32>
        %parallel_loop3A_608 = vector.shape_cast %parallel_loop3A_603 : vector<16xf32> to vector<1x16xf32>
        tpu.vector_store %arg20[%parallel_loop3A_604, %parallel_loop3A_605], %parallel_loop3A_608 {strides = array<i32>} : memref<40x128xf32, #tpu.memory_space<vmem>>, vector<1x16xf32>,
        %parallel_loop3A_609 = arith.index_cast %parallel_loop3A_510 : i32 to index
        %parallel_loop3A_610 = arith.constant 96 : index
        %parallel_loop3A_611 = tpu.vector_load %arg15[%parallel_loop3A_609, %parallel_loop3A_610] {strides = array<i32>} : memref<40x128xf32, #tpu.memory_space<vmem>>, vector<1x16xf32>,
        %parallel_loop3A_612 = vector.shape_cast %parallel_loop3A_611 : vector<1x16xf32> to vector<16xf32>
        %parallel_loop3A_613 = arith.addf %parallel_loop3A_612, %parallel_loop3A_595 : vector<16xf32>
        %parallel_loop3A_614 = arith.constant 0.000000e+00 : f32
        %parallel_loop3A_615 = vector.broadcast %parallel_loop3A_614 : f32 to vector<16xf32>
        %parallel_loop3A_616 = arith.maximumf %parallel_loop3A_613, %parallel_loop3A_615 : vector<16xf32>
        %parallel_loop3A_617 = arith.index_cast %parallel_loop3A_510 : i32 to index
        %parallel_loop3A_618 = arith.constant 96 : index
        %parallel_loop3A_619 = tpu.vector_load %arg20[%parallel_loop3A_617, %parallel_loop3A_618] {strides = array<i32>} : memref<40x128xf32, #tpu.memory_space<vmem>>, vector<1x16xf32>,
        %parallel_loop3A_620 = vector.shape_cast %parallel_loop3A_619 : vector<1x16xf32> to vector<16xf32>
        %parallel_loop3A_621 = vector.shape_cast %parallel_loop3A_616 : vector<16xf32> to vector<1x16xf32>
        tpu.vector_store %arg20[%parallel_loop3A_617, %parallel_loop3A_618], %parallel_loop3A_621 {strides = array<i32>} : memref<40x128xf32, #tpu.memory_space<vmem>>, vector<1x16xf32>,
        %parallel_loop3A_622 = arith.index_cast %parallel_loop3A_510 : i32 to index
        %parallel_loop3A_623 = arith.constant 48 : index
        %parallel_loop3A_624 = tpu.vector_load %arg18[%parallel_loop3A_622, %parallel_loop3A_623] {strides = array<i32>} : memref<40x64xi32, #tpu.memory_space<vmem>>, vector<1x16xi32>,
        %parallel_loop3A_625 = vector.shape_cast %parallel_loop3A_624 : vector<1x16xi32> to vector<16xi32>
        %parallel_loop3A_626 = arith.constant 16 : i32
        %parallel_loop3A_627 = vector.broadcast %parallel_loop3A_626 : i32 to vector<16xi32>
        %parallel_loop3A_628 = arith.shli %parallel_loop3A_625, %parallel_loop3A_627 : vector<16xi32>
        %parallel_loop3A_629 = tpu.bitcast %parallel_loop3A_628 : vector<16xi32> -> vector<16xf32>
        %parallel_loop3A_630 = vector.broadcast %parallel_loop3A_384 : i32 to vector<16xi32>
        %parallel_loop3A_631 = arith.andi %parallel_loop3A_625, %parallel_loop3A_630 : vector<16xi32>
        %parallel_loop3A_632 = tpu.bitcast %parallel_loop3A_631 : vector<16xi32> -> vector<16xf32>
        %parallel_loop3A_633 = arith.index_cast %parallel_loop3A_510 : i32 to index
        %parallel_loop3A_634 = arith.constant 48 : index
        %parallel_loop3A_635 = tpu.vector_load %arg15[%parallel_loop3A_633, %parallel_loop3A_634] {strides = array<i32>} : memref<40x128xf32, #tpu.memory_space<vmem>>, vector<1x16xf32>,
        %parallel_loop3A_636 = vector.shape_cast %parallel_loop3A_635 : vector<1x16xf32> to vector<16xf32>
        %parallel_loop3A_637 = arith.addf %parallel_loop3A_636, %parallel_loop3A_629 : vector<16xf32>
        %parallel_loop3A_638 = arith.constant 0.000000e+00 : f32
        %parallel_loop3A_639 = vector.broadcast %parallel_loop3A_638 : f32 to vector<16xf32>
        %parallel_loop3A_640 = arith.maximumf %parallel_loop3A_637, %parallel_loop3A_639 : vector<16xf32>
        %parallel_loop3A_641 = arith.index_cast %parallel_loop3A_510 : i32 to index
        %parallel_loop3A_642 = arith.constant 48 : index
        %parallel_loop3A_643 = tpu.vector_load %arg20[%parallel_loop3A_641, %parallel_loop3A_642] {strides = array<i32>} : memref<40x128xf32, #tpu.memory_space<vmem>>, vector<1x16xf32>,
        %parallel_loop3A_644 = vector.shape_cast %parallel_loop3A_643 : vector<1x16xf32> to vector<16xf32>
        %parallel_loop3A_645 = vector.shape_cast %parallel_loop3A_640 : vector<16xf32> to vector<1x16xf32>
        tpu.vector_store %arg20[%parallel_loop3A_641, %parallel_loop3A_642], %parallel_loop3A_645 {strides = array<i32>} : memref<40x128xf32, #tpu.memory_space<vmem>>, vector<1x16xf32>,
        %parallel_loop3A_646 = arith.index_cast %parallel_loop3A_510 : i32 to index
        %parallel_loop3A_647 = arith.constant 112 : index
        %parallel_loop3A_648 = tpu.vector_load %arg15[%parallel_loop3A_646, %parallel_loop3A_647] {strides = array<i32>} : memref<40x128xf32, #tpu.memory_space<vmem>>, vector<1x16xf32>,
        %parallel_loop3A_649 = vector.shape_cast %parallel_loop3A_648 : vector<1x16xf32> to vector<16xf32>
        %parallel_loop3A_650 = arith.addf %parallel_loop3A_649, %parallel_loop3A_632 : vector<16xf32>
        %parallel_loop3A_651 = arith.constant 0.000000e+00 : f32
        %parallel_loop3A_652 = vector.broadcast %parallel_loop3A_651 : f32 to vector<16xf32>
        %parallel_loop3A_653 = arith.maximumf %parallel_loop3A_650, %parallel_loop3A_652 : vector<16xf32>
        %parallel_loop3A_654 = arith.index_cast %parallel_loop3A_510 : i32 to index
        %parallel_loop3A_655 = arith.constant 112 : index
        %parallel_loop3A_656 = tpu.vector_load %arg20[%parallel_loop3A_654, %parallel_loop3A_655] {strides = array<i32>} : memref<40x128xf32, #tpu.memory_space<vmem>>, vector<1x16xf32>,
        %parallel_loop3A_657 = vector.shape_cast %parallel_loop3A_656 : vector<1x16xf32> to vector<16xf32>
        %parallel_loop3A_658 = vector.shape_cast %parallel_loop3A_653 : vector<16xf32> to vector<1x16xf32>
        tpu.vector_store %arg20[%parallel_loop3A_654, %parallel_loop3A_655], %parallel_loop3A_658 {strides = array<i32>} : memref<40x128xf32, #tpu.memory_space<vmem>>, vector<1x16xf32>,
      } {sc.loop_unroll_factor = 4 : i64, sc.parallel_access}
      %dma_start3A_385 = arith.constant 0 : i32
      %dma_start3A_386 = arith.constant 0 : i32
      %dma_start3A_387 = tpu.memref_slice %arg21[%dma_start3A_385, %dma_start3A_386] : memref<10240x128xf32, #tpu.memory_space<vmem_shared>> -> memref<10240x128xf32, #tpu.memory_space<vmem_shared>>
      tpu.enqueue_indirect_dma source(%arg20 : memref<40x128xf32, #tpu.memory_space<vmem>>) target(%dma_start3A_387 : memref<10240x128xf32, #tpu.memory_space<vmem_shared>>) offsets(%arg13 : memref<40xi32, #tpu.memory_space<vmem>>) semaphore(%arg34 : memref<!tpu.dma_semaphore, #tpu.memory_space<semaphore_mem>>) {add = true}
      %dma_wait3A_388 = arith.constant 0 : i32
      %dma_wait3A_389 = arith.constant 0 : i32
      %dma_wait3A_390 = tpu.memref_slice %arg21[%dma_wait3A_388, %dma_wait3A_389] : memref<10240x128xf32, #tpu.memory_space<vmem_shared>> -> memref<10240x128xf32, #tpu.memory_space<vmem_shared>>
      tpu.wait_indirect_dma semaphore(%arg33 : memref<!tpu.dma_semaphore, #tpu.memory_space<semaphore_mem>>) src(%arg19 : memref<40x128xf32, #tpu.memory_space<vmem>>) dst(%dma_wait3A_390 : memref<10240x128xf32, #tpu.memory_space<vmem_shared>>)
      %add3A_391 = arith.constant 2 : i32
      %add3A_392 = arith.addi %add3A_353, %add3A_391 : i32
      %mul3A_393 = arith.constant 40 : i32
      %mul3A_394 = arith.muli %add3A_392, %mul3A_393 : i32
      %add3A_395 = arith.addi %mul3A_2, %mul3A_394 : i32
      %dma_start3A_396 = tpu.memref_slice %arg4[%add3A_395] : memref<320000xi32, #tpu.memory_space<hbm>> -> memref<40xi32, #tpu.memory_space<hbm>>
      %dma_start3A_397 = tpu.memref_slice %arg4[%add3A_395] : memref<320000xi32, #tpu.memory_space<hbm>> -> memref<40xi32, #tpu.memory_space<hbm>>
      tpu.enqueue_dma source(%dma_start3A_397 : memref<40xi32, #tpu.memory_space<hbm>>) target(%arg12 : memref<40xi32, #tpu.memory_space<vmem>>) target_semaphore(%arg31 : memref<!tpu.dma_semaphore, #tpu.memory_space<semaphore_mem>>)
      %dma_start3A_398 = arith.constant 0 : i32
      %dma_start3A_399 = tpu.memref_slice %arg5[%add3A_395, %dma_start3A_398] : memref<320000x64xi32, #tpu.memory_space<hbm>> -> memref<40x64xi32, #tpu.memory_space<hbm>>
      %dma_start3A_400 = arith.constant 0 : i32
      %dma_start3A_401 = tpu.memref_slice %arg5[%add3A_395, %dma_start3A_400] : memref<320000x64xi32, #tpu.memory_space<hbm>> -> memref<40x64xi32, #tpu.memory_space<hbm>>
      tpu.enqueue_dma source(%dma_start3A_401 : memref<40x64xi32, #tpu.memory_space<hbm>>) target(%arg17 : memref<40x64xi32, #tpu.memory_space<vmem>>) target_semaphore(%arg25 : memref<!tpu.dma_semaphore, #tpu.memory_space<semaphore_mem>>)
      %mul3A_402 = arith.constant 6 : i32
      %mul3A_403 = arith.muli %mul3A_402, %add3A_185 : i32
      %add3A_404 = arith.constant 2 : i32
      %add3A_405 = arith.addi %mul3A_403, %add3A_404 : i32
      %add3A_406 = arith.constant 4 : i32
      %add3A_407 = arith.addi %add3A_405, %add3A_406 : i32
      %add3A_408 = arith.constant 2 : i32
      %add3A_409 = arith.addi %add3A_407, %add3A_408 : i32
      %mul3A_410 = arith.constant 40 : i32
      %mul3A_411 = arith.muli %add3A_409, %mul3A_410 : i32
      %add3A_412 = arith.addi %mul3A_2, %mul3A_411 : i32
      %dma_start3A_413 = tpu.memref_slice %arg3[%add3A_412] : memref<320000xi32, #tpu.memory_space<hbm>> -> memref<40xi32, #tpu.memory_space<hbm>>
      %dma_start3A_414 = tpu.memref_slice %arg3[%add3A_412] : memref<320000xi32, #tpu.memory_space<hbm>> -> memref<40xi32, #tpu.memory_space<hbm>>
      tpu.enqueue_dma source(%dma_start3A_414 : memref<40xi32, #tpu.memory_space<hbm>>) target(%arg10 : memref<40xi32, #tpu.memory_space<vmem>>) target_semaphore(%arg29 : memref<!tpu.dma_semaphore, #tpu.memory_space<semaphore_mem>>)
      %dma_wait3A_415 = arith.constant 0 : i32
      %dma_wait3A_416 = tpu.memref_slice %arg3[%dma_wait3A_415] : memref<320000xi32, #tpu.memory_space<hbm>> -> memref<40xi32, #tpu.memory_space<hbm>>
      %dma_wait3A_417 = arith.constant 0 : i32
      %dma_wait3A_418 = tpu.memref_slice %arg3[%dma_wait3A_417] : memref<320000xi32, #tpu.memory_space<hbm>> -> memref<40xi32, #tpu.memory_space<hbm>>
      tpu.wait_dma2 semaphore(%arg28 : memref<!tpu.dma_semaphore, #tpu.memory_space<semaphore_mem>>) src(%dma_wait3A_418 : memref<40xi32, #tpu.memory_space<hbm>>) dst(%arg9 : memref<40xi32, #tpu.memory_space<vmem>>)
      %dma_start3A_419 = arith.constant 0 : i32
      %dma_start3A_420 = arith.constant 0 : i32
      %dma_start3A_421 = tpu.memref_slice %arg2[%dma_start3A_419, %dma_start3A_420] : memref<10000x128xf32, #tpu.memory_space<hbm>> -> memref<10000x128xf32, #tpu.memory_space<hbm>>
      tpu.enqueue_indirect_dma source(%dma_start3A_421 : memref<10000x128xf32, #tpu.memory_space<hbm>>) target(%arg15 : memref<40x128xf32, #tpu.memory_space<vmem>>) offsets(%arg9 : memref<40xi32, #tpu.memory_space<vmem>>) semaphore(%arg23 : memref<!tpu.dma_semaphore, #tpu.memory_space<semaphore_mem>>)
      %dma_wait3A_422 = arith.constant 0 : i32
      %dma_wait3A_423 = tpu.memref_slice %arg4[%dma_wait3A_422] : memref<320000xi32, #tpu.memory_space<hbm>> -> memref<40xi32, #tpu.memory_space<hbm>>
      %dma_wait3A_424 = arith.constant 0 : i32
      %dma_wait3A_425 = tpu.memref_slice %arg4[%dma_wait3A_424] : memref<320000xi32, #tpu.memory_space<hbm>> -> memref<40xi32, #tpu.memory_space<hbm>>
      tpu.wait_dma2 semaphore(%arg30 : memref<!tpu.dma_semaphore, #tpu.memory_space<semaphore_mem>>) src(%dma_wait3A_425 : memref<40xi32, #tpu.memory_space<hbm>>) dst(%arg11 : memref<40xi32, #tpu.memory_space<vmem>>)
      %dma_wait3A_426 = arith.constant 0 : i32
      %dma_wait3A_427 = arith.constant 0 : i32
      %dma_wait3A_428 = tpu.memref_slice %arg5[%dma_wait3A_426, %dma_wait3A_427] : memref<320000x64xi32, #tpu.memory_space<hbm>> -> memref<40x64xi32, #tpu.memory_space<hbm>>
      %dma_wait3A_429 = arith.constant 0 : i32
      %dma_wait3A_430 = arith.constant 0 : i32
      %dma_wait3A_431 = tpu.memref_slice %arg5[%dma_wait3A_429, %dma_wait3A_430] : memref<320000x64xi32, #tpu.memory_space<hbm>> -> memref<40x64xi32, #tpu.memory_space<hbm>>
      tpu.wait_dma2 semaphore(%arg24 : memref<!tpu.dma_semaphore, #tpu.memory_space<semaphore_mem>>) src(%dma_wait3A_431 : memref<40x64xi32, #tpu.memory_space<hbm>>) dst(%arg16 : memref<40x64xi32, #tpu.memory_space<vmem>>)
      %dma_wait3A_432 = arith.constant 0 : i32
      %dma_wait3A_433 = arith.constant 0 : i32
      %dma_wait3A_434 = tpu.memref_slice %arg2[%dma_wait3A_432, %dma_wait3A_433] : memref<10000x128xf32, #tpu.memory_space<hbm>> -> memref<10000x128xf32, #tpu.memory_space<hbm>>
      tpu.wait_indirect_dma semaphore(%arg22 : memref<!tpu.dma_semaphore, #tpu.memory_space<semaphore_mem>>) src(%dma_wait3A_434 : memref<10000x128xf32, #tpu.memory_space<hbm>>) dst(%arg14 : memref<40x128xf32, #tpu.memory_space<vmem>>)
      %parallel_loop3A_435 = arith.constant 0 : i32
      %parallel_loop3A_436 = arith.constant 40 : i32
      %parallel_loop3A_437 = arith.constant 1 : i32
      %parallel_loop3A_438 = arith.constant -65536 : i32
      scf.for %parallel_loop3A_510 = %parallel_loop3A_435 to %parallel_loop3A_436 step %parallel_loop3A_437  : i32 {
        %parallel_loop3A_511 = arith.index_cast %parallel_loop3A_510 : i32 to index
        %parallel_loop3A_512 = arith.constant 0 : index
        %parallel_loop3A_513 = tpu.vector_load %arg16[%parallel_loop3A_511, %parallel_loop3A_512] {strides = array<i32>} : memref<40x64xi32, #tpu.memory_space<vmem>>, vector<1x16xi32>,
        %parallel_loop3A_514 = vector.shape_cast %parallel_loop3A_513 : vector<1x16xi32> to vector<16xi32>
        %parallel_loop3A_515 = arith.constant 16 : i32
        %parallel_loop3A_516 = vector.broadcast %parallel_loop3A_515 : i32 to vector<16xi32>
        %parallel_loop3A_517 = arith.shli %parallel_loop3A_514, %parallel_loop3A_516 : vector<16xi32>
        %parallel_loop3A_518 = tpu.bitcast %parallel_loop3A_517 : vector<16xi32> -> vector<16xf32>
        %parallel_loop3A_519 = vector.broadcast %parallel_loop3A_438 : i32 to vector<16xi32>
        %parallel_loop3A_520 = arith.andi %parallel_loop3A_514, %parallel_loop3A_519 : vector<16xi32>
        %parallel_loop3A_521 = tpu.bitcast %parallel_loop3A_520 : vector<16xi32> -> vector<16xf32>
        %parallel_loop3A_522 = arith.index_cast %parallel_loop3A_510 : i32 to index
        %parallel_loop3A_523 = arith.constant 0 : index
        %parallel_loop3A_524 = tpu.vector_load %arg14[%parallel_loop3A_522, %parallel_loop3A_523] {strides = array<i32>} : memref<40x128xf32, #tpu.memory_space<vmem>>, vector<1x16xf32>,
        %parallel_loop3A_525 = vector.shape_cast %parallel_loop3A_524 : vector<1x16xf32> to vector<16xf32>
        %parallel_loop3A_526 = arith.addf %parallel_loop3A_525, %parallel_loop3A_518 : vector<16xf32>
        %parallel_loop3A_527 = arith.constant 0.000000e+00 : f32
        %parallel_loop3A_528 = vector.broadcast %parallel_loop3A_527 : f32 to vector<16xf32>
        %parallel_loop3A_529 = arith.maximumf %parallel_loop3A_526, %parallel_loop3A_528 : vector<16xf32>
        %parallel_loop3A_530 = arith.index_cast %parallel_loop3A_510 : i32 to index
        %parallel_loop3A_531 = arith.constant 0 : index
        %parallel_loop3A_532 = tpu.vector_load %arg19[%parallel_loop3A_530, %parallel_loop3A_531] {strides = array<i32>} : memref<40x128xf32, #tpu.memory_space<vmem>>, vector<1x16xf32>,
        %parallel_loop3A_533 = vector.shape_cast %parallel_loop3A_532 : vector<1x16xf32> to vector<16xf32>
        %parallel_loop3A_534 = vector.shape_cast %parallel_loop3A_529 : vector<16xf32> to vector<1x16xf32>
        tpu.vector_store %arg19[%parallel_loop3A_530, %parallel_loop3A_531], %parallel_loop3A_534 {strides = array<i32>} : memref<40x128xf32, #tpu.memory_space<vmem>>, vector<1x16xf32>,
        %parallel_loop3A_535 = arith.index_cast %parallel_loop3A_510 : i32 to index
        %parallel_loop3A_536 = arith.constant 64 : index
        %parallel_loop3A_537 = tpu.vector_load %arg14[%parallel_loop3A_535, %parallel_loop3A_536] {strides = array<i32>} : memref<40x128xf32, #tpu.memory_space<vmem>>, vector<1x16xf32>,
        %parallel_loop3A_538 = vector.shape_cast %parallel_loop3A_537 : vector<1x16xf32> to vector<16xf32>
        %parallel_loop3A_539 = arith.addf %parallel_loop3A_538, %parallel_loop3A_521 : vector<16xf32>
        %parallel_loop3A_540 = arith.constant 0.000000e+00 : f32
        %parallel_loop3A_541 = vector.broadcast %parallel_loop3A_540 : f32 to vector<16xf32>
        %parallel_loop3A_542 = arith.maximumf %parallel_loop3A_539, %parallel_loop3A_541 : vector<16xf32>
        %parallel_loop3A_543 = arith.index_cast %parallel_loop3A_510 : i32 to index
        %parallel_loop3A_544 = arith.constant 64 : index
        %parallel_loop3A_545 = tpu.vector_load %arg19[%parallel_loop3A_543, %parallel_loop3A_544] {strides = array<i32>} : memref<40x128xf32, #tpu.memory_space<vmem>>, vector<1x16xf32>,
        %parallel_loop3A_546 = vector.shape_cast %parallel_loop3A_545 : vector<1x16xf32> to vector<16xf32>
        %parallel_loop3A_547 = vector.shape_cast %parallel_loop3A_542 : vector<16xf32> to vector<1x16xf32>
        tpu.vector_store %arg19[%parallel_loop3A_543, %parallel_loop3A_544], %parallel_loop3A_547 {strides = array<i32>} : memref<40x128xf32, #tpu.memory_space<vmem>>, vector<1x16xf32>,
        %parallel_loop3A_548 = arith.index_cast %parallel_loop3A_510 : i32 to index
        %parallel_loop3A_549 = arith.constant 16 : index
        %parallel_loop3A_550 = tpu.vector_load %arg16[%parallel_loop3A_548, %parallel_loop3A_549] {strides = array<i32>} : memref<40x64xi32, #tpu.memory_space<vmem>>, vector<1x16xi32>,
        %parallel_loop3A_551 = vector.shape_cast %parallel_loop3A_550 : vector<1x16xi32> to vector<16xi32>
        %parallel_loop3A_552 = arith.constant 16 : i32
        %parallel_loop3A_553 = vector.broadcast %parallel_loop3A_552 : i32 to vector<16xi32>
        %parallel_loop3A_554 = arith.shli %parallel_loop3A_551, %parallel_loop3A_553 : vector<16xi32>
        %parallel_loop3A_555 = tpu.bitcast %parallel_loop3A_554 : vector<16xi32> -> vector<16xf32>
        %parallel_loop3A_556 = vector.broadcast %parallel_loop3A_438 : i32 to vector<16xi32>
        %parallel_loop3A_557 = arith.andi %parallel_loop3A_551, %parallel_loop3A_556 : vector<16xi32>
        %parallel_loop3A_558 = tpu.bitcast %parallel_loop3A_557 : vector<16xi32> -> vector<16xf32>
        %parallel_loop3A_559 = arith.index_cast %parallel_loop3A_510 : i32 to index
        %parallel_loop3A_560 = arith.constant 16 : index
        %parallel_loop3A_561 = tpu.vector_load %arg14[%parallel_loop3A_559, %parallel_loop3A_560] {strides = array<i32>} : memref<40x128xf32, #tpu.memory_space<vmem>>, vector<1x16xf32>,
        %parallel_loop3A_562 = vector.shape_cast %parallel_loop3A_561 : vector<1x16xf32> to vector<16xf32>
        %parallel_loop3A_563 = arith.addf %parallel_loop3A_562, %parallel_loop3A_555 : vector<16xf32>
        %parallel_loop3A_564 = arith.constant 0.000000e+00 : f32
        %parallel_loop3A_565 = vector.broadcast %parallel_loop3A_564 : f32 to vector<16xf32>
        %parallel_loop3A_566 = arith.maximumf %parallel_loop3A_563, %parallel_loop3A_565 : vector<16xf32>
        %parallel_loop3A_567 = arith.index_cast %parallel_loop3A_510 : i32 to index
        %parallel_loop3A_568 = arith.constant 16 : index
        %parallel_loop3A_569 = tpu.vector_load %arg19[%parallel_loop3A_567, %parallel_loop3A_568] {strides = array<i32>} : memref<40x128xf32, #tpu.memory_space<vmem>>, vector<1x16xf32>,
        %parallel_loop3A_570 = vector.shape_cast %parallel_loop3A_569 : vector<1x16xf32> to vector<16xf32>
        %parallel_loop3A_571 = vector.shape_cast %parallel_loop3A_566 : vector<16xf32> to vector<1x16xf32>
        tpu.vector_store %arg19[%parallel_loop3A_567, %parallel_loop3A_568], %parallel_loop3A_571 {strides = array<i32>} : memref<40x128xf32, #tpu.memory_space<vmem>>, vector<1x16xf32>,
        %parallel_loop3A_572 = arith.index_cast %parallel_loop3A_510 : i32 to index
        %parallel_loop3A_573 = arith.constant 80 : index
        %parallel_loop3A_574 = tpu.vector_load %arg14[%parallel_loop3A_572, %parallel_loop3A_573] {strides = array<i32>} : memref<40x128xf32, #tpu.memory_space<vmem>>, vector<1x16xf32>,
        %parallel_loop3A_575 = vector.shape_cast %parallel_loop3A_574 : vector<1x16xf32> to vector<16xf32>
        %parallel_loop3A_576 = arith.addf %parallel_loop3A_575, %parallel_loop3A_558 : vector<16xf32>
        %parallel_loop3A_577 = arith.constant 0.000000e+00 : f32
        %parallel_loop3A_578 = vector.broadcast %parallel_loop3A_577 : f32 to vector<16xf32>
        %parallel_loop3A_579 = arith.maximumf %parallel_loop3A_576, %parallel_loop3A_578 : vector<16xf32>
        %parallel_loop3A_580 = arith.index_cast %parallel_loop3A_510 : i32 to index
        %parallel_loop3A_581 = arith.constant 80 : index
        %parallel_loop3A_582 = tpu.vector_load %arg19[%parallel_loop3A_580, %parallel_loop3A_581] {strides = array<i32>} : memref<40x128xf32, #tpu.memory_space<vmem>>, vector<1x16xf32>,
        %parallel_loop3A_583 = vector.shape_cast %parallel_loop3A_582 : vector<1x16xf32> to vector<16xf32>
        %parallel_loop3A_584 = vector.shape_cast %parallel_loop3A_579 : vector<16xf32> to vector<1x16xf32>
        tpu.vector_store %arg19[%parallel_loop3A_580, %parallel_loop3A_581], %parallel_loop3A_584 {strides = array<i32>} : memref<40x128xf32, #tpu.memory_space<vmem>>, vector<1x16xf32>,
        %parallel_loop3A_585 = arith.index_cast %parallel_loop3A_510 : i32 to index
        %parallel_loop3A_586 = arith.constant 32 : index
        %parallel_loop3A_587 = tpu.vector_load %arg16[%parallel_loop3A_585, %parallel_loop3A_586] {strides = array<i32>} : memref<40x64xi32, #tpu.memory_space<vmem>>, vector<1x16xi32>,
        %parallel_loop3A_588 = vector.shape_cast %parallel_loop3A_587 : vector<1x16xi32> to vector<16xi32>
        %parallel_loop3A_589 = arith.constant 16 : i32
        %parallel_loop3A_590 = vector.broadcast %parallel_loop3A_589 : i32 to vector<16xi32>
        %parallel_loop3A_591 = arith.shli %parallel_loop3A_588, %parallel_loop3A_590 : vector<16xi32>
        %parallel_loop3A_592 = tpu.bitcast %parallel_loop3A_591 : vector<16xi32> -> vector<16xf32>
        %parallel_loop3A_593 = vector.broadcast %parallel_loop3A_438 : i32 to vector<16xi32>
        %parallel_loop3A_594 = arith.andi %parallel_loop3A_588, %parallel_loop3A_593 : vector<16xi32>
        %parallel_loop3A_595 = tpu.bitcast %parallel_loop3A_594 : vector<16xi32> -> vector<16xf32>
        %parallel_loop3A_596 = arith.index_cast %parallel_loop3A_510 : i32 to index
        %parallel_loop3A_597 = arith.constant 32 : index
        %parallel_loop3A_598 = tpu.vector_load %arg14[%parallel_loop3A_596, %parallel_loop3A_597] {strides = array<i32>} : memref<40x128xf32, #tpu.memory_space<vmem>>, vector<1x16xf32>,
        %parallel_loop3A_599 = vector.shape_cast %parallel_loop3A_598 : vector<1x16xf32> to vector<16xf32>
        %parallel_loop3A_600 = arith.addf %parallel_loop3A_599, %parallel_loop3A_592 : vector<16xf32>
        %parallel_loop3A_601 = arith.constant 0.000000e+00 : f32
        %parallel_loop3A_602 = vector.broadcast %parallel_loop3A_601 : f32 to vector<16xf32>
        %parallel_loop3A_603 = arith.maximumf %parallel_loop3A_600, %parallel_loop3A_602 : vector<16xf32>
        %parallel_loop3A_604 = arith.index_cast %parallel_loop3A_510 : i32 to index
        %parallel_loop3A_605 = arith.constant 32 : index
        %parallel_loop3A_606 = tpu.vector_load %arg19[%parallel_loop3A_604, %parallel_loop3A_605] {strides = array<i32>} : memref<40x128xf32, #tpu.memory_space<vmem>>, vector<1x16xf32>,
        %parallel_loop3A_607 = vector.shape_cast %parallel_loop3A_606 : vector<1x16xf32> to vector<16xf32>
        %parallel_loop3A_608 = vector.shape_cast %parallel_loop3A_603 : vector<16xf32> to vector<1x16xf32>
        tpu.vector_store %arg19[%parallel_loop3A_604, %parallel_loop3A_605], %parallel_loop3A_608 {strides = array<i32>} : memref<40x128xf32, #tpu.memory_space<vmem>>, vector<1x16xf32>,
        %parallel_loop3A_609 = arith.index_cast %parallel_loop3A_510 : i32 to index
        %parallel_loop3A_610 = arith.constant 96 : index
        %parallel_loop3A_611 = tpu.vector_load %arg14[%parallel_loop3A_609, %parallel_loop3A_610] {strides = array<i32>} : memref<40x128xf32, #tpu.memory_space<vmem>>, vector<1x16xf32>,
        %parallel_loop3A_612 = vector.shape_cast %parallel_loop3A_611 : vector<1x16xf32> to vector<16xf32>
        %parallel_loop3A_613 = arith.addf %parallel_loop3A_612, %parallel_loop3A_595 : vector<16xf32>
        %parallel_loop3A_614 = arith.constant 0.000000e+00 : f32
        %parallel_loop3A_615 = vector.broadcast %parallel_loop3A_614 : f32 to vector<16xf32>
        %parallel_loop3A_616 = arith.maximumf %parallel_loop3A_613, %parallel_loop3A_615 : vector<16xf32>
        %parallel_loop3A_617 = arith.index_cast %parallel_loop3A_510 : i32 to index
        %parallel_loop3A_618 = arith.constant 96 : index
        %parallel_loop3A_619 = tpu.vector_load %arg19[%parallel_loop3A_617, %parallel_loop3A_618] {strides = array<i32>} : memref<40x128xf32, #tpu.memory_space<vmem>>, vector<1x16xf32>,
        %parallel_loop3A_620 = vector.shape_cast %parallel_loop3A_619 : vector<1x16xf32> to vector<16xf32>
        %parallel_loop3A_621 = vector.shape_cast %parallel_loop3A_616 : vector<16xf32> to vector<1x16xf32>
        tpu.vector_store %arg19[%parallel_loop3A_617, %parallel_loop3A_618], %parallel_loop3A_621 {strides = array<i32>} : memref<40x128xf32, #tpu.memory_space<vmem>>, vector<1x16xf32>,
        %parallel_loop3A_622 = arith.index_cast %parallel_loop3A_510 : i32 to index
        %parallel_loop3A_623 = arith.constant 48 : index
        %parallel_loop3A_624 = tpu.vector_load %arg16[%parallel_loop3A_622, %parallel_loop3A_623] {strides = array<i32>} : memref<40x64xi32, #tpu.memory_space<vmem>>, vector<1x16xi32>,
        %parallel_loop3A_625 = vector.shape_cast %parallel_loop3A_624 : vector<1x16xi32> to vector<16xi32>
        %parallel_loop3A_626 = arith.constant 16 : i32
        %parallel_loop3A_627 = vector.broadcast %parallel_loop3A_626 : i32 to vector<16xi32>
        %parallel_loop3A_628 = arith.shli %parallel_loop3A_625, %parallel_loop3A_627 : vector<16xi32>
        %parallel_loop3A_629 = tpu.bitcast %parallel_loop3A_628 : vector<16xi32> -> vector<16xf32>
        %parallel_loop3A_630 = vector.broadcast %parallel_loop3A_438 : i32 to vector<16xi32>
        %parallel_loop3A_631 = arith.andi %parallel_loop3A_625, %parallel_loop3A_630 : vector<16xi32>
        %parallel_loop3A_632 = tpu.bitcast %parallel_loop3A_631 : vector<16xi32> -> vector<16xf32>
        %parallel_loop3A_633 = arith.index_cast %parallel_loop3A_510 : i32 to index
        %parallel_loop3A_634 = arith.constant 48 : index
        %parallel_loop3A_635 = tpu.vector_load %arg14[%parallel_loop3A_633, %parallel_loop3A_634] {strides = array<i32>} : memref<40x128xf32, #tpu.memory_space<vmem>>, vector<1x16xf32>,
        %parallel_loop3A_636 = vector.shape_cast %parallel_loop3A_635 : vector<1x16xf32> to vector<16xf32>
        %parallel_loop3A_637 = arith.addf %parallel_loop3A_636, %parallel_loop3A_629 : vector<16xf32>
        %parallel_loop3A_638 = arith.constant 0.000000e+00 : f32
        %parallel_loop3A_639 = vector.broadcast %parallel_loop3A_638 : f32 to vector<16xf32>
        %parallel_loop3A_640 = arith.maximumf %parallel_loop3A_637, %parallel_loop3A_639 : vector<16xf32>
        %parallel_loop3A_641 = arith.index_cast %parallel_loop3A_510 : i32 to index
        %parallel_loop3A_642 = arith.constant 48 : index
        %parallel_loop3A_643 = tpu.vector_load %arg19[%parallel_loop3A_641, %parallel_loop3A_642] {strides = array<i32>} : memref<40x128xf32, #tpu.memory_space<vmem>>, vector<1x16xf32>,
        %parallel_loop3A_644 = vector.shape_cast %parallel_loop3A_643 : vector<1x16xf32> to vector<16xf32>
        %parallel_loop3A_645 = vector.shape_cast %parallel_loop3A_640 : vector<16xf32> to vector<1x16xf32>
        tpu.vector_store %arg19[%parallel_loop3A_641, %parallel_loop3A_642], %parallel_loop3A_645 {strides = array<i32>} : memref<40x128xf32, #tpu.memory_space<vmem>>, vector<1x16xf32>,
        %parallel_loop3A_646 = arith.index_cast %parallel_loop3A_510 : i32 to index
        %parallel_loop3A_647 = arith.constant 112 : index
        %parallel_loop3A_648 = tpu.vector_load %arg14[%parallel_loop3A_646, %parallel_loop3A_647] {strides = array<i32>} : memref<40x128xf32, #tpu.memory_space<vmem>>, vector<1x16xf32>,
        %parallel_loop3A_649 = vector.shape_cast %parallel_loop3A_648 : vector<1x16xf32> to vector<16xf32>
        %parallel_loop3A_650 = arith.addf %parallel_loop3A_649, %parallel_loop3A_632 : vector<16xf32>
        %parallel_loop3A_651 = arith.constant 0.000000e+00 : f32
        %parallel_loop3A_652 = vector.broadcast %parallel_loop3A_651 : f32 to vector<16xf32>
        %parallel_loop3A_653 = arith.maximumf %parallel_loop3A_650, %parallel_loop3A_652 : vector<16xf32>
        %parallel_loop3A_654 = arith.index_cast %parallel_loop3A_510 : i32 to index
        %parallel_loop3A_655 = arith.constant 112 : index
        %parallel_loop3A_656 = tpu.vector_load %arg19[%parallel_loop3A_654, %parallel_loop3A_655] {strides = array<i32>} : memref<40x128xf32, #tpu.memory_space<vmem>>, vector<1x16xf32>,
        %parallel_loop3A_657 = vector.shape_cast %parallel_loop3A_656 : vector<1x16xf32> to vector<16xf32>
        %parallel_loop3A_658 = vector.shape_cast %parallel_loop3A_653 : vector<16xf32> to vector<1x16xf32>
        tpu.vector_store %arg19[%parallel_loop3A_654, %parallel_loop3A_655], %parallel_loop3A_658 {strides = array<i32>} : memref<40x128xf32, #tpu.memory_space<vmem>>, vector<1x16xf32>,
      } {sc.loop_unroll_factor = 4 : i64, sc.parallel_access}
      %dma_start3A_439 = arith.constant 0 : i32
      %dma_start3A_440 = arith.constant 0 : i32
      %dma_start3A_441 = tpu.memref_slice %arg21[%dma_start3A_439, %dma_start3A_440] : memref<10240x128xf32, #tpu.memory_space<vmem_shared>> -> memref<10240x128xf32, #tpu.memory_space<vmem_shared>>
      tpu.enqueue_indirect_dma source(%arg19 : memref<40x128xf32, #tpu.memory_space<vmem>>) target(%dma_start3A_441 : memref<10240x128xf32, #tpu.memory_space<vmem_shared>>) offsets(%arg11 : memref<40xi32, #tpu.memory_space<vmem>>) semaphore(%arg33 : memref<!tpu.dma_semaphore, #tpu.memory_space<semaphore_mem>>) {add = true}
      %dma_wait3A_442 = arith.constant 0 : i32
      %dma_wait3A_443 = arith.constant 0 : i32
      %dma_wait3A_444 = tpu.memref_slice %arg21[%dma_wait3A_442, %dma_wait3A_443] : memref<10240x128xf32, #tpu.memory_space<vmem_shared>> -> memref<10240x128xf32, #tpu.memory_space<vmem_shared>>
      tpu.wait_indirect_dma semaphore(%arg34 : memref<!tpu.dma_semaphore, #tpu.memory_space<semaphore_mem>>) src(%arg20 : memref<40x128xf32, #tpu.memory_space<vmem>>) dst(%dma_wait3A_444 : memref<10240x128xf32, #tpu.memory_space<vmem_shared>>)
      %add3A_445 = arith.constant 2 : i32
      %add3A_446 = arith.addi %add3A_407, %add3A_445 : i32
      %mul3A_447 = arith.constant 40 : i32
      %mul3A_448 = arith.muli %add3A_446, %mul3A_447 : i32
      %add3A_449 = arith.addi %mul3A_2, %mul3A_448 : i32
      %dma_start3A_450 = tpu.memref_slice %arg4[%add3A_449] : memref<320000xi32, #tpu.memory_space<hbm>> -> memref<40xi32, #tpu.memory_space<hbm>>
      %dma_start3A_451 = tpu.memref_slice %arg4[%add3A_449] : memref<320000xi32, #tpu.memory_space<hbm>> -> memref<40xi32, #tpu.memory_space<hbm>>
      tpu.enqueue_dma source(%dma_start3A_451 : memref<40xi32, #tpu.memory_space<hbm>>) target(%arg13 : memref<40xi32, #tpu.memory_space<vmem>>) target_semaphore(%arg32 : memref<!tpu.dma_semaphore, #tpu.memory_space<semaphore_mem>>)
      %dma_start3A_452 = arith.constant 0 : i32
      %dma_start3A_453 = tpu.memref_slice %arg5[%add3A_449, %dma_start3A_452] : memref<320000x64xi32, #tpu.memory_space<hbm>> -> memref<40x64xi32, #tpu.memory_space<hbm>>
      %dma_start3A_454 = arith.constant 0 : i32
      %dma_start3A_455 = tpu.memref_slice %arg5[%add3A_449, %dma_start3A_454] : memref<320000x64xi32, #tpu.memory_space<hbm>> -> memref<40x64xi32, #tpu.memory_space<hbm>>
      tpu.enqueue_dma source(%dma_start3A_455 : memref<40x64xi32, #tpu.memory_space<hbm>>) target(%arg18 : memref<40x64xi32, #tpu.memory_space<vmem>>) target_semaphore(%arg26 : memref<!tpu.dma_semaphore, #tpu.memory_space<semaphore_mem>>)
      %mul3A_456 = arith.constant 6 : i32
      %mul3A_457 = arith.muli %mul3A_456, %add3A_185 : i32
      %add3A_458 = arith.constant 2 : i32
      %add3A_459 = arith.addi %mul3A_457, %add3A_458 : i32
      %add3A_460 = arith.constant 5 : i32
      %add3A_461 = arith.addi %add3A_459, %add3A_460 : i32
      %add3A_462 = arith.constant 2 : i32
      %add3A_463 = arith.addi %add3A_461, %add3A_462 : i32
      %mul3A_464 = arith.constant 40 : i32
      %mul3A_465 = arith.muli %add3A_463, %mul3A_464 : i32
      %add3A_466 = arith.addi %mul3A_2, %mul3A_465 : i32
      %dma_start3A_467 = tpu.memref_slice %arg3[%add3A_466] : memref<320000xi32, #tpu.memory_space<hbm>> -> memref<40xi32, #tpu.memory_space<hbm>>
      %dma_start3A_468 = tpu.memref_slice %arg3[%add3A_466] : memref<320000xi32, #tpu.memory_space<hbm>> -> memref<40xi32, #tpu.memory_space<hbm>>
      tpu.enqueue_dma source(%dma_start3A_468 : memref<40xi32, #tpu.memory_space<hbm>>) target(%arg8 : memref<40xi32, #tpu.memory_space<vmem>>) target_semaphore(%arg27 : memref<!tpu.dma_semaphore, #tpu.memory_space<semaphore_mem>>)
      %dma_wait3A_469 = arith.constant 0 : i32
      %dma_wait3A_470 = tpu.memref_slice %arg3[%dma_wait3A_469] : memref<320000xi32, #tpu.memory_space<hbm>> -> memref<40xi32, #tpu.memory_space<hbm>>
      %dma_wait3A_471 = arith.constant 0 : i32
      %dma_wait3A_472 = tpu.memref_slice %arg3[%dma_wait3A_471] : memref<320000xi32, #tpu.memory_space<hbm>> -> memref<40xi32, #tpu.memory_space<hbm>>
      tpu.wait_dma2 semaphore(%arg29 : memref<!tpu.dma_semaphore, #tpu.memory_space<semaphore_mem>>) src(%dma_wait3A_472 : memref<40xi32, #tpu.memory_space<hbm>>) dst(%arg10 : memref<40xi32, #tpu.memory_space<vmem>>)
      %dma_start3A_473 = arith.constant 0 : i32
      %dma_start3A_474 = arith.constant 0 : i32
      %dma_start3A_475 = tpu.memref_slice %arg2[%dma_start3A_473, %dma_start3A_474] : memref<10000x128xf32, #tpu.memory_space<hbm>> -> memref<10000x128xf32, #tpu.memory_space<hbm>>
      tpu.enqueue_indirect_dma source(%dma_start3A_475 : memref<10000x128xf32, #tpu.memory_space<hbm>>) target(%arg14 : memref<40x128xf32, #tpu.memory_space<vmem>>) offsets(%arg10 : memref<40xi32, #tpu.memory_space<vmem>>) semaphore(%arg22 : memref<!tpu.dma_semaphore, #tpu.memory_space<semaphore_mem>>)
      %dma_wait3A_476 = arith.constant 0 : i32
      %dma_wait3A_477 = tpu.memref_slice %arg4[%dma_wait3A_476] : memref<320000xi32, #tpu.memory_space<hbm>> -> memref<40xi32, #tpu.memory_space<hbm>>
      %dma_wait3A_478 = arith.constant 0 : i32
      %dma_wait3A_479 = tpu.memref_slice %arg4[%dma_wait3A_478] : memref<320000xi32, #tpu.memory_space<hbm>> -> memref<40xi32, #tpu.memory_space<hbm>>
      tpu.wait_dma2 semaphore(%arg31 : memref<!tpu.dma_semaphore, #tpu.memory_space<semaphore_mem>>) src(%dma_wait3A_479 : memref<40xi32, #tpu.memory_space<hbm>>) dst(%arg12 : memref<40xi32, #tpu.memory_space<vmem>>)
      %dma_wait3A_480 = arith.constant 0 : i32
      %dma_wait3A_481 = arith.constant 0 : i32
      %dma_wait3A_482 = tpu.memref_slice %arg5[%dma_wait3A_480, %dma_wait3A_481] : memref<320000x64xi32, #tpu.memory_space<hbm>> -> memref<40x64xi32, #tpu.memory_space<hbm>>
      %dma_wait3A_483 = arith.constant 0 : i32
      %dma_wait3A_484 = arith.constant 0 : i32
      %dma_wait3A_485 = tpu.memref_slice %arg5[%dma_wait3A_483, %dma_wait3A_484] : memref<320000x64xi32, #tpu.memory_space<hbm>> -> memref<40x64xi32, #tpu.memory_space<hbm>>
      tpu.wait_dma2 semaphore(%arg25 : memref<!tpu.dma_semaphore, #tpu.memory_space<semaphore_mem>>) src(%dma_wait3A_485 : memref<40x64xi32, #tpu.memory_space<hbm>>) dst(%arg17 : memref<40x64xi32, #tpu.memory_space<vmem>>)
      %dma_wait3A_486 = arith.constant 0 : i32
      %dma_wait3A_487 = arith.constant 0 : i32
      %dma_wait3A_488 = tpu.memref_slice %arg2[%dma_wait3A_486, %dma_wait3A_487] : memref<10000x128xf32, #tpu.memory_space<hbm>> -> memref<10000x128xf32, #tpu.memory_space<hbm>>
      tpu.wait_indirect_dma semaphore(%arg23 : memref<!tpu.dma_semaphore, #tpu.memory_space<semaphore_mem>>) src(%dma_wait3A_488 : memref<10000x128xf32, #tpu.memory_space<hbm>>) dst(%arg15 : memref<40x128xf32, #tpu.memory_space<vmem>>)
      %parallel_loop3A_489 = arith.constant 0 : i32
      %parallel_loop3A_490 = arith.constant 40 : i32
      %parallel_loop3A_491 = arith.constant 1 : i32
      %parallel_loop3A_492 = arith.constant -65536 : i32
      scf.for %parallel_loop3A_510 = %parallel_loop3A_489 to %parallel_loop3A_490 step %parallel_loop3A_491  : i32 {
        %parallel_loop3A_511 = arith.index_cast %parallel_loop3A_510 : i32 to index
        %parallel_loop3A_512 = arith.constant 0 : index
        %parallel_loop3A_513 = tpu.vector_load %arg17[%parallel_loop3A_511, %parallel_loop3A_512] {strides = array<i32>} : memref<40x64xi32, #tpu.memory_space<vmem>>, vector<1x16xi32>,
        %parallel_loop3A_514 = vector.shape_cast %parallel_loop3A_513 : vector<1x16xi32> to vector<16xi32>
        %parallel_loop3A_515 = arith.constant 16 : i32
        %parallel_loop3A_516 = vector.broadcast %parallel_loop3A_515 : i32 to vector<16xi32>
        %parallel_loop3A_517 = arith.shli %parallel_loop3A_514, %parallel_loop3A_516 : vector<16xi32>
        %parallel_loop3A_518 = tpu.bitcast %parallel_loop3A_517 : vector<16xi32> -> vector<16xf32>
        %parallel_loop3A_519 = vector.broadcast %parallel_loop3A_492 : i32 to vector<16xi32>
        %parallel_loop3A_520 = arith.andi %parallel_loop3A_514, %parallel_loop3A_519 : vector<16xi32>
        %parallel_loop3A_521 = tpu.bitcast %parallel_loop3A_520 : vector<16xi32> -> vector<16xf32>
        %parallel_loop3A_522 = arith.index_cast %parallel_loop3A_510 : i32 to index
        %parallel_loop3A_523 = arith.constant 0 : index
        %parallel_loop3A_524 = tpu.vector_load %arg15[%parallel_loop3A_522, %parallel_loop3A_523] {strides = array<i32>} : memref<40x128xf32, #tpu.memory_space<vmem>>, vector<1x16xf32>,
        %parallel_loop3A_525 = vector.shape_cast %parallel_loop3A_524 : vector<1x16xf32> to vector<16xf32>
        %parallel_loop3A_526 = arith.addf %parallel_loop3A_525, %parallel_loop3A_518 : vector<16xf32>
        %parallel_loop3A_527 = arith.constant 0.000000e+00 : f32
        %parallel_loop3A_528 = vector.broadcast %parallel_loop3A_527 : f32 to vector<16xf32>
        %parallel_loop3A_529 = arith.maximumf %parallel_loop3A_526, %parallel_loop3A_528 : vector<16xf32>
        %parallel_loop3A_530 = arith.index_cast %parallel_loop3A_510 : i32 to index
        %parallel_loop3A_531 = arith.constant 0 : index
        %parallel_loop3A_532 = tpu.vector_load %arg20[%parallel_loop3A_530, %parallel_loop3A_531] {strides = array<i32>} : memref<40x128xf32, #tpu.memory_space<vmem>>, vector<1x16xf32>,
        %parallel_loop3A_533 = vector.shape_cast %parallel_loop3A_532 : vector<1x16xf32> to vector<16xf32>
        %parallel_loop3A_534 = vector.shape_cast %parallel_loop3A_529 : vector<16xf32> to vector<1x16xf32>
        tpu.vector_store %arg20[%parallel_loop3A_530, %parallel_loop3A_531], %parallel_loop3A_534 {strides = array<i32>} : memref<40x128xf32, #tpu.memory_space<vmem>>, vector<1x16xf32>,
        %parallel_loop3A_535 = arith.index_cast %parallel_loop3A_510 : i32 to index
        %parallel_loop3A_536 = arith.constant 64 : index
        %parallel_loop3A_537 = tpu.vector_load %arg15[%parallel_loop3A_535, %parallel_loop3A_536] {strides = array<i32>} : memref<40x128xf32, #tpu.memory_space<vmem>>, vector<1x16xf32>,
        %parallel_loop3A_538 = vector.shape_cast %parallel_loop3A_537 : vector<1x16xf32> to vector<16xf32>
        %parallel_loop3A_539 = arith.addf %parallel_loop3A_538, %parallel_loop3A_521 : vector<16xf32>
        %parallel_loop3A_540 = arith.constant 0.000000e+00 : f32
        %parallel_loop3A_541 = vector.broadcast %parallel_loop3A_540 : f32 to vector<16xf32>
        %parallel_loop3A_542 = arith.maximumf %parallel_loop3A_539, %parallel_loop3A_541 : vector<16xf32>
        %parallel_loop3A_543 = arith.index_cast %parallel_loop3A_510 : i32 to index
        %parallel_loop3A_544 = arith.constant 64 : index
        %parallel_loop3A_545 = tpu.vector_load %arg20[%parallel_loop3A_543, %parallel_loop3A_544] {strides = array<i32>} : memref<40x128xf32, #tpu.memory_space<vmem>>, vector<1x16xf32>,
        %parallel_loop3A_546 = vector.shape_cast %parallel_loop3A_545 : vector<1x16xf32> to vector<16xf32>
        %parallel_loop3A_547 = vector.shape_cast %parallel_loop3A_542 : vector<16xf32> to vector<1x16xf32>
        tpu.vector_store %arg20[%parallel_loop3A_543, %parallel_loop3A_544], %parallel_loop3A_547 {strides = array<i32>} : memref<40x128xf32, #tpu.memory_space<vmem>>, vector<1x16xf32>,
        %parallel_loop3A_548 = arith.index_cast %parallel_loop3A_510 : i32 to index
        %parallel_loop3A_549 = arith.constant 16 : index
        %parallel_loop3A_550 = tpu.vector_load %arg17[%parallel_loop3A_548, %parallel_loop3A_549] {strides = array<i32>} : memref<40x64xi32, #tpu.memory_space<vmem>>, vector<1x16xi32>,
        %parallel_loop3A_551 = vector.shape_cast %parallel_loop3A_550 : vector<1x16xi32> to vector<16xi32>
        %parallel_loop3A_552 = arith.constant 16 : i32
        %parallel_loop3A_553 = vector.broadcast %parallel_loop3A_552 : i32 to vector<16xi32>
        %parallel_loop3A_554 = arith.shli %parallel_loop3A_551, %parallel_loop3A_553 : vector<16xi32>
        %parallel_loop3A_555 = tpu.bitcast %parallel_loop3A_554 : vector<16xi32> -> vector<16xf32>
        %parallel_loop3A_556 = vector.broadcast %parallel_loop3A_492 : i32 to vector<16xi32>
        %parallel_loop3A_557 = arith.andi %parallel_loop3A_551, %parallel_loop3A_556 : vector<16xi32>
        %parallel_loop3A_558 = tpu.bitcast %parallel_loop3A_557 : vector<16xi32> -> vector<16xf32>
        %parallel_loop3A_559 = arith.index_cast %parallel_loop3A_510 : i32 to index
        %parallel_loop3A_560 = arith.constant 16 : index
        %parallel_loop3A_561 = tpu.vector_load %arg15[%parallel_loop3A_559, %parallel_loop3A_560] {strides = array<i32>} : memref<40x128xf32, #tpu.memory_space<vmem>>, vector<1x16xf32>,
        %parallel_loop3A_562 = vector.shape_cast %parallel_loop3A_561 : vector<1x16xf32> to vector<16xf32>
        %parallel_loop3A_563 = arith.addf %parallel_loop3A_562, %parallel_loop3A_555 : vector<16xf32>
        %parallel_loop3A_564 = arith.constant 0.000000e+00 : f32
        %parallel_loop3A_565 = vector.broadcast %parallel_loop3A_564 : f32 to vector<16xf32>
        %parallel_loop3A_566 = arith.maximumf %parallel_loop3A_563, %parallel_loop3A_565 : vector<16xf32>
        %parallel_loop3A_567 = arith.index_cast %parallel_loop3A_510 : i32 to index
        %parallel_loop3A_568 = arith.constant 16 : index
        %parallel_loop3A_569 = tpu.vector_load %arg20[%parallel_loop3A_567, %parallel_loop3A_568] {strides = array<i32>} : memref<40x128xf32, #tpu.memory_space<vmem>>, vector<1x16xf32>,
        %parallel_loop3A_570 = vector.shape_cast %parallel_loop3A_569 : vector<1x16xf32> to vector<16xf32>
        %parallel_loop3A_571 = vector.shape_cast %parallel_loop3A_566 : vector<16xf32> to vector<1x16xf32>
        tpu.vector_store %arg20[%parallel_loop3A_567, %parallel_loop3A_568], %parallel_loop3A_571 {strides = array<i32>} : memref<40x128xf32, #tpu.memory_space<vmem>>, vector<1x16xf32>,
        %parallel_loop3A_572 = arith.index_cast %parallel_loop3A_510 : i32 to index
        %parallel_loop3A_573 = arith.constant 80 : index
        %parallel_loop3A_574 = tpu.vector_load %arg15[%parallel_loop3A_572, %parallel_loop3A_573] {strides = array<i32>} : memref<40x128xf32, #tpu.memory_space<vmem>>, vector<1x16xf32>,
        %parallel_loop3A_575 = vector.shape_cast %parallel_loop3A_574 : vector<1x16xf32> to vector<16xf32>
        %parallel_loop3A_576 = arith.addf %parallel_loop3A_575, %parallel_loop3A_558 : vector<16xf32>
        %parallel_loop3A_577 = arith.constant 0.000000e+00 : f32
        %parallel_loop3A_578 = vector.broadcast %parallel_loop3A_577 : f32 to vector<16xf32>
        %parallel_loop3A_579 = arith.maximumf %parallel_loop3A_576, %parallel_loop3A_578 : vector<16xf32>
        %parallel_loop3A_580 = arith.index_cast %parallel_loop3A_510 : i32 to index
        %parallel_loop3A_581 = arith.constant 80 : index
        %parallel_loop3A_582 = tpu.vector_load %arg20[%parallel_loop3A_580, %parallel_loop3A_581] {strides = array<i32>} : memref<40x128xf32, #tpu.memory_space<vmem>>, vector<1x16xf32>,
        %parallel_loop3A_583 = vector.shape_cast %parallel_loop3A_582 : vector<1x16xf32> to vector<16xf32>
        %parallel_loop3A_584 = vector.shape_cast %parallel_loop3A_579 : vector<16xf32> to vector<1x16xf32>
        tpu.vector_store %arg20[%parallel_loop3A_580, %parallel_loop3A_581], %parallel_loop3A_584 {strides = array<i32>} : memref<40x128xf32, #tpu.memory_space<vmem>>, vector<1x16xf32>,
        %parallel_loop3A_585 = arith.index_cast %parallel_loop3A_510 : i32 to index
        %parallel_loop3A_586 = arith.constant 32 : index
        %parallel_loop3A_587 = tpu.vector_load %arg17[%parallel_loop3A_585, %parallel_loop3A_586] {strides = array<i32>} : memref<40x64xi32, #tpu.memory_space<vmem>>, vector<1x16xi32>,
        %parallel_loop3A_588 = vector.shape_cast %parallel_loop3A_587 : vector<1x16xi32> to vector<16xi32>
        %parallel_loop3A_589 = arith.constant 16 : i32
        %parallel_loop3A_590 = vector.broadcast %parallel_loop3A_589 : i32 to vector<16xi32>
        %parallel_loop3A_591 = arith.shli %parallel_loop3A_588, %parallel_loop3A_590 : vector<16xi32>
        %parallel_loop3A_592 = tpu.bitcast %parallel_loop3A_591 : vector<16xi32> -> vector<16xf32>
        %parallel_loop3A_593 = vector.broadcast %parallel_loop3A_492 : i32 to vector<16xi32>
        %parallel_loop3A_594 = arith.andi %parallel_loop3A_588, %parallel_loop3A_593 : vector<16xi32>
        %parallel_loop3A_595 = tpu.bitcast %parallel_loop3A_594 : vector<16xi32> -> vector<16xf32>
        %parallel_loop3A_596 = arith.index_cast %parallel_loop3A_510 : i32 to index
        %parallel_loop3A_597 = arith.constant 32 : index
        %parallel_loop3A_598 = tpu.vector_load %arg15[%parallel_loop3A_596, %parallel_loop3A_597] {strides = array<i32>} : memref<40x128xf32, #tpu.memory_space<vmem>>, vector<1x16xf32>,
        %parallel_loop3A_599 = vector.shape_cast %parallel_loop3A_598 : vector<1x16xf32> to vector<16xf32>
        %parallel_loop3A_600 = arith.addf %parallel_loop3A_599, %parallel_loop3A_592 : vector<16xf32>
        %parallel_loop3A_601 = arith.constant 0.000000e+00 : f32
        %parallel_loop3A_602 = vector.broadcast %parallel_loop3A_601 : f32 to vector<16xf32>
        %parallel_loop3A_603 = arith.maximumf %parallel_loop3A_600, %parallel_loop3A_602 : vector<16xf32>
        %parallel_loop3A_604 = arith.index_cast %parallel_loop3A_510 : i32 to index
        %parallel_loop3A_605 = arith.constant 32 : index
        %parallel_loop3A_606 = tpu.vector_load %arg20[%parallel_loop3A_604, %parallel_loop3A_605] {strides = array<i32>} : memref<40x128xf32, #tpu.memory_space<vmem>>, vector<1x16xf32>,
        %parallel_loop3A_607 = vector.shape_cast %parallel_loop3A_606 : vector<1x16xf32> to vector<16xf32>
        %parallel_loop3A_608 = vector.shape_cast %parallel_loop3A_603 : vector<16xf32> to vector<1x16xf32>
        tpu.vector_store %arg20[%parallel_loop3A_604, %parallel_loop3A_605], %parallel_loop3A_608 {strides = array<i32>} : memref<40x128xf32, #tpu.memory_space<vmem>>, vector<1x16xf32>,
        %parallel_loop3A_609 = arith.index_cast %parallel_loop3A_510 : i32 to index
        %parallel_loop3A_610 = arith.constant 96 : index
        %parallel_loop3A_611 = tpu.vector_load %arg15[%parallel_loop3A_609, %parallel_loop3A_610] {strides = array<i32>} : memref<40x128xf32, #tpu.memory_space<vmem>>, vector<1x16xf32>,
        %parallel_loop3A_612 = vector.shape_cast %parallel_loop3A_611 : vector<1x16xf32> to vector<16xf32>
        %parallel_loop3A_613 = arith.addf %parallel_loop3A_612, %parallel_loop3A_595 : vector<16xf32>
        %parallel_loop3A_614 = arith.constant 0.000000e+00 : f32
        %parallel_loop3A_615 = vector.broadcast %parallel_loop3A_614 : f32 to vector<16xf32>
        %parallel_loop3A_616 = arith.maximumf %parallel_loop3A_613, %parallel_loop3A_615 : vector<16xf32>
        %parallel_loop3A_617 = arith.index_cast %parallel_loop3A_510 : i32 to index
        %parallel_loop3A_618 = arith.constant 96 : index
        %parallel_loop3A_619 = tpu.vector_load %arg20[%parallel_loop3A_617, %parallel_loop3A_618] {strides = array<i32>} : memref<40x128xf32, #tpu.memory_space<vmem>>, vector<1x16xf32>,
        %parallel_loop3A_620 = vector.shape_cast %parallel_loop3A_619 : vector<1x16xf32> to vector<16xf32>
        %parallel_loop3A_621 = vector.shape_cast %parallel_loop3A_616 : vector<16xf32> to vector<1x16xf32>
        tpu.vector_store %arg20[%parallel_loop3A_617, %parallel_loop3A_618], %parallel_loop3A_621 {strides = array<i32>} : memref<40x128xf32, #tpu.memory_space<vmem>>, vector<1x16xf32>,
        %parallel_loop3A_622 = arith.index_cast %parallel_loop3A_510 : i32 to index
        %parallel_loop3A_623 = arith.constant 48 : index
        %parallel_loop3A_624 = tpu.vector_load %arg17[%parallel_loop3A_622, %parallel_loop3A_623] {strides = array<i32>} : memref<40x64xi32, #tpu.memory_space<vmem>>, vector<1x16xi32>,
        %parallel_loop3A_625 = vector.shape_cast %parallel_loop3A_624 : vector<1x16xi32> to vector<16xi32>
        %parallel_loop3A_626 = arith.constant 16 : i32
        %parallel_loop3A_627 = vector.broadcast %parallel_loop3A_626 : i32 to vector<16xi32>
        %parallel_loop3A_628 = arith.shli %parallel_loop3A_625, %parallel_loop3A_627 : vector<16xi32>
        %parallel_loop3A_629 = tpu.bitcast %parallel_loop3A_628 : vector<16xi32> -> vector<16xf32>
        %parallel_loop3A_630 = vector.broadcast %parallel_loop3A_492 : i32 to vector<16xi32>
        %parallel_loop3A_631 = arith.andi %parallel_loop3A_625, %parallel_loop3A_630 : vector<16xi32>
        %parallel_loop3A_632 = tpu.bitcast %parallel_loop3A_631 : vector<16xi32> -> vector<16xf32>
        %parallel_loop3A_633 = arith.index_cast %parallel_loop3A_510 : i32 to index
        %parallel_loop3A_634 = arith.constant 48 : index
        %parallel_loop3A_635 = tpu.vector_load %arg15[%parallel_loop3A_633, %parallel_loop3A_634] {strides = array<i32>} : memref<40x128xf32, #tpu.memory_space<vmem>>, vector<1x16xf32>,
        %parallel_loop3A_636 = vector.shape_cast %parallel_loop3A_635 : vector<1x16xf32> to vector<16xf32>
        %parallel_loop3A_637 = arith.addf %parallel_loop3A_636, %parallel_loop3A_629 : vector<16xf32>
        %parallel_loop3A_638 = arith.constant 0.000000e+00 : f32
        %parallel_loop3A_639 = vector.broadcast %parallel_loop3A_638 : f32 to vector<16xf32>
        %parallel_loop3A_640 = arith.maximumf %parallel_loop3A_637, %parallel_loop3A_639 : vector<16xf32>
        %parallel_loop3A_641 = arith.index_cast %parallel_loop3A_510 : i32 to index
        %parallel_loop3A_642 = arith.constant 48 : index
        %parallel_loop3A_643 = tpu.vector_load %arg20[%parallel_loop3A_641, %parallel_loop3A_642] {strides = array<i32>} : memref<40x128xf32, #tpu.memory_space<vmem>>, vector<1x16xf32>,
        %parallel_loop3A_644 = vector.shape_cast %parallel_loop3A_643 : vector<1x16xf32> to vector<16xf32>
        %parallel_loop3A_645 = vector.shape_cast %parallel_loop3A_640 : vector<16xf32> to vector<1x16xf32>
        tpu.vector_store %arg20[%parallel_loop3A_641, %parallel_loop3A_642], %parallel_loop3A_645 {strides = array<i32>} : memref<40x128xf32, #tpu.memory_space<vmem>>, vector<1x16xf32>,
        %parallel_loop3A_646 = arith.index_cast %parallel_loop3A_510 : i32 to index
        %parallel_loop3A_647 = arith.constant 112 : index
        %parallel_loop3A_648 = tpu.vector_load %arg15[%parallel_loop3A_646, %parallel_loop3A_647] {strides = array<i32>} : memref<40x128xf32, #tpu.memory_space<vmem>>, vector<1x16xf32>,
        %parallel_loop3A_649 = vector.shape_cast %parallel_loop3A_648 : vector<1x16xf32> to vector<16xf32>
        %parallel_loop3A_650 = arith.addf %parallel_loop3A_649, %parallel_loop3A_632 : vector<16xf32>
        %parallel_loop3A_651 = arith.constant 0.000000e+00 : f32
        %parallel_loop3A_652 = vector.broadcast %parallel_loop3A_651 : f32 to vector<16xf32>
        %parallel_loop3A_653 = arith.maximumf %parallel_loop3A_650, %parallel_loop3A_652 : vector<16xf32>
        %parallel_loop3A_654 = arith.index_cast %parallel_loop3A_510 : i32 to index
        %parallel_loop3A_655 = arith.constant 112 : index
        %parallel_loop3A_656 = tpu.vector_load %arg20[%parallel_loop3A_654, %parallel_loop3A_655] {strides = array<i32>} : memref<40x128xf32, #tpu.memory_space<vmem>>, vector<1x16xf32>,
        %parallel_loop3A_657 = vector.shape_cast %parallel_loop3A_656 : vector<1x16xf32> to vector<16xf32>
        %parallel_loop3A_658 = vector.shape_cast %parallel_loop3A_653 : vector<16xf32> to vector<1x16xf32>
        tpu.vector_store %arg20[%parallel_loop3A_654, %parallel_loop3A_655], %parallel_loop3A_658 {strides = array<i32>} : memref<40x128xf32, #tpu.memory_space<vmem>>, vector<1x16xf32>,
      } {sc.loop_unroll_factor = 4 : i64, sc.parallel_access}
      %dma_start3A_493 = arith.constant 0 : i32
      %dma_start3A_494 = arith.constant 0 : i32
      %dma_start3A_495 = tpu.memref_slice %arg21[%dma_start3A_493, %dma_start3A_494] : memref<10240x128xf32, #tpu.memory_space<vmem_shared>> -> memref<10240x128xf32, #tpu.memory_space<vmem_shared>>
      tpu.enqueue_indirect_dma source(%arg20 : memref<40x128xf32, #tpu.memory_space<vmem>>) target(%dma_start3A_495 : memref<10240x128xf32, #tpu.memory_space<vmem_shared>>) offsets(%arg12 : memref<40xi32, #tpu.memory_space<vmem>>) semaphore(%arg34 : memref<!tpu.dma_semaphore, #tpu.memory_space<semaphore_mem>>) {add = true}
      %dma_wait3A_496 = arith.constant 0 : i32
      %dma_wait3A_497 = arith.constant 0 : i32
      %dma_wait3A_498 = tpu.memref_slice %arg21[%dma_wait3A_496, %dma_wait3A_497] : memref<10240x128xf32, #tpu.memory_space<vmem_shared>> -> memref<10240x128xf32, #tpu.memory_space<vmem_shared>>
      tpu.wait_indirect_dma semaphore(%arg33 : memref<!tpu.dma_semaphore, #tpu.memory_space<semaphore_mem>>) src(%arg19 : memref<40x128xf32, #tpu.memory_space<vmem>>) dst(%dma_wait3A_498 : memref<10240x128xf32, #tpu.memory_space<vmem_shared>>)
      %add3A_499 = arith.constant 2 : i32
      %add3A_500 = arith.addi %add3A_461, %add3A_499 : i32
      %mul3A_501 = arith.constant 40 : i32
      %mul3A_502 = arith.muli %add3A_500, %mul3A_501 : i32
      %add3A_503 = arith.addi %mul3A_2, %mul3A_502 : i32
      %dma_start3A_504 = tpu.memref_slice %arg4[%add3A_503] : memref<320000xi32, #tpu.memory_space<hbm>> -> memref<40xi32, #tpu.memory_space<hbm>>
      %dma_start3A_505 = tpu.memref_slice %arg4[%add3A_503] : memref<320000xi32, #tpu.memory_space<hbm>> -> memref<40xi32, #tpu.memory_space<hbm>>
      tpu.enqueue_dma source(%dma_start3A_505 : memref<40xi32, #tpu.memory_space<hbm>>) target(%arg11 : memref<40xi32, #tpu.memory_space<vmem>>) target_semaphore(%arg30 : memref<!tpu.dma_semaphore, #tpu.memory_space<semaphore_mem>>)
      %dma_start3A_506 = arith.constant 0 : i32
      %dma_start3A_507 = tpu.memref_slice %arg5[%add3A_503, %dma_start3A_506] : memref<320000x64xi32, #tpu.memory_space<hbm>> -> memref<40x64xi32, #tpu.memory_space<hbm>>
      %dma_start3A_508 = arith.constant 0 : i32
      %dma_start3A_509 = tpu.memref_slice %arg5[%add3A_503, %dma_start3A_508] : memref<320000x64xi32, #tpu.memory_space<hbm>> -> memref<40x64xi32, #tpu.memory_space<hbm>>
      tpu.enqueue_dma source(%dma_start3A_509 : memref<40x64xi32, #tpu.memory_space<hbm>>) target(%arg16 : memref<40x64xi32, #tpu.memory_space<vmem>>) target_semaphore(%arg24 : memref<!tpu.dma_semaphore, #tpu.memory_space<semaphore_mem>>)
    }
    %scan3A_119 = arith.constant 41 : i32
    %dma_wait3A_120 = arith.constant 0 : i32
    %dma_wait3A_121 = tpu.memref_slice %arg3[%dma_wait3A_120] : memref<320000xi32, #tpu.memory_space<hbm>> -> memref<40xi32, #tpu.memory_space<hbm>>
    %dma_wait3A_122 = arith.constant 0 : i32
    %dma_wait3A_123 = tpu.memref_slice %arg3[%dma_wait3A_122] : memref<320000xi32, #tpu.memory_space<hbm>> -> memref<40xi32, #tpu.memory_space<hbm>>
    tpu.wait_dma2 semaphore(%arg27 : memref<!tpu.dma_semaphore, #tpu.memory_space<semaphore_mem>>) src(%dma_wait3A_123 : memref<40xi32, #tpu.memory_space<hbm>>) dst(%arg8 : memref<40xi32, #tpu.memory_space<vmem>>)
    %dma_start3A_124 = arith.constant 0 : i32
    %dma_start3A_125 = arith.constant 0 : i32
    %dma_start3A_126 = tpu.memref_slice %arg2[%dma_start3A_124, %dma_start3A_125] : memref<10000x128xf32, #tpu.memory_space<hbm>> -> memref<10000x128xf32, #tpu.memory_space<hbm>>
    tpu.enqueue_indirect_dma source(%dma_start3A_126 : memref<10000x128xf32, #tpu.memory_space<hbm>>) target(%arg15 : memref<40x128xf32, #tpu.memory_space<vmem>>) offsets(%arg8 : memref<40xi32, #tpu.memory_space<vmem>>) semaphore(%arg23 : memref<!tpu.dma_semaphore, #tpu.memory_space<semaphore_mem>>)
    %dma_wait3A_127 = arith.constant 0 : i32
    %dma_wait3A_128 = tpu.memref_slice %arg4[%dma_wait3A_127] : memref<320000xi32, #tpu.memory_space<hbm>> -> memref<40xi32, #tpu.memory_space<hbm>>
    %dma_wait3A_129 = arith.constant 0 : i32
    %dma_wait3A_130 = tpu.memref_slice %arg4[%dma_wait3A_129] : memref<320000xi32, #tpu.memory_space<hbm>> -> memref<40xi32, #tpu.memory_space<hbm>>
    tpu.wait_dma2 semaphore(%arg32 : memref<!tpu.dma_semaphore, #tpu.memory_space<semaphore_mem>>) src(%dma_wait3A_130 : memref<40xi32, #tpu.memory_space<hbm>>) dst(%arg13 : memref<40xi32, #tpu.memory_space<vmem>>)
    %dma_wait3A_131 = arith.constant 0 : i32
    %dma_wait3A_132 = arith.constant 0 : i32
    %dma_wait3A_133 = tpu.memref_slice %arg5[%dma_wait3A_131, %dma_wait3A_132] : memref<320000x64xi32, #tpu.memory_space<hbm>> -> memref<40x64xi32, #tpu.memory_space<hbm>>
    %dma_wait3A_134 = arith.constant 0 : i32
    %dma_wait3A_135 = arith.constant 0 : i32
    %dma_wait3A_136 = tpu.memref_slice %arg5[%dma_wait3A_134, %dma_wait3A_135] : memref<320000x64xi32, #tpu.memory_space<hbm>> -> memref<40x64xi32, #tpu.memory_space<hbm>>
    tpu.wait_dma2 semaphore(%arg26 : memref<!tpu.dma_semaphore, #tpu.memory_space<semaphore_mem>>) src(%dma_wait3A_136 : memref<40x64xi32, #tpu.memory_space<hbm>>) dst(%arg18 : memref<40x64xi32, #tpu.memory_space<vmem>>)
    %dma_wait3A_137 = arith.constant 0 : i32
    %dma_wait3A_138 = arith.constant 0 : i32
    %dma_wait3A_139 = tpu.memref_slice %arg2[%dma_wait3A_137, %dma_wait3A_138] : memref<10000x128xf32, #tpu.memory_space<hbm>> -> memref<10000x128xf32, #tpu.memory_space<hbm>>
    tpu.wait_indirect_dma semaphore(%arg22 : memref<!tpu.dma_semaphore, #tpu.memory_space<semaphore_mem>>) src(%dma_wait3A_139 : memref<10000x128xf32, #tpu.memory_space<hbm>>) dst(%arg14 : memref<40x128xf32, #tpu.memory_space<vmem>>)
    %parallel_loop3A_140 = arith.constant 0 : i32
    %parallel_loop3A_141 = arith.constant 40 : i32
    %parallel_loop3A_142 = arith.constant 1 : i32
    %parallel_loop3A_143 = arith.constant -65536 : i32
    scf.for %parallel_loop3A_181 = %parallel_loop3A_140 to %parallel_loop3A_141 step %parallel_loop3A_142  : i32 {
      %parallel_loop3A_182 = arith.index_cast %parallel_loop3A_181 : i32 to index
      %parallel_loop3A_183 = arith.constant 0 : index
      %parallel_loop3A_184 = tpu.vector_load %arg18[%parallel_loop3A_182, %parallel_loop3A_183] {strides = array<i32>} : memref<40x64xi32, #tpu.memory_space<vmem>>, vector<1x16xi32>,
      %parallel_loop3A_185 = vector.shape_cast %parallel_loop3A_184 : vector<1x16xi32> to vector<16xi32>
      %parallel_loop3A_186 = arith.constant 16 : i32
      %parallel_loop3A_187 = vector.broadcast %parallel_loop3A_186 : i32 to vector<16xi32>
      %parallel_loop3A_188 = arith.shli %parallel_loop3A_185, %parallel_loop3A_187 : vector<16xi32>
      %parallel_loop3A_189 = tpu.bitcast %parallel_loop3A_188 : vector<16xi32> -> vector<16xf32>
      %parallel_loop3A_190 = vector.broadcast %parallel_loop3A_143 : i32 to vector<16xi32>
      %parallel_loop3A_191 = arith.andi %parallel_loop3A_185, %parallel_loop3A_190 : vector<16xi32>
      %parallel_loop3A_192 = tpu.bitcast %parallel_loop3A_191 : vector<16xi32> -> vector<16xf32>
      %parallel_loop3A_193 = arith.index_cast %parallel_loop3A_181 : i32 to index
      %parallel_loop3A_194 = arith.constant 0 : index
      %parallel_loop3A_195 = tpu.vector_load %arg14[%parallel_loop3A_193, %parallel_loop3A_194] {strides = array<i32>} : memref<40x128xf32, #tpu.memory_space<vmem>>, vector<1x16xf32>,
      %parallel_loop3A_196 = vector.shape_cast %parallel_loop3A_195 : vector<1x16xf32> to vector<16xf32>
      %parallel_loop3A_197 = arith.addf %parallel_loop3A_196, %parallel_loop3A_189 : vector<16xf32>
      %parallel_loop3A_198 = arith.constant 0.000000e+00 : f32
      %parallel_loop3A_199 = vector.broadcast %parallel_loop3A_198 : f32 to vector<16xf32>
      %parallel_loop3A_200 = arith.maximumf %parallel_loop3A_197, %parallel_loop3A_199 : vector<16xf32>
      %parallel_loop3A_201 = arith.index_cast %parallel_loop3A_181 : i32 to index
      %parallel_loop3A_202 = arith.constant 0 : index
      %parallel_loop3A_203 = tpu.vector_load %arg19[%parallel_loop3A_201, %parallel_loop3A_202] {strides = array<i32>} : memref<40x128xf32, #tpu.memory_space<vmem>>, vector<1x16xf32>,
      %parallel_loop3A_204 = vector.shape_cast %parallel_loop3A_203 : vector<1x16xf32> to vector<16xf32>
      %parallel_loop3A_205 = vector.shape_cast %parallel_loop3A_200 : vector<16xf32> to vector<1x16xf32>
      tpu.vector_store %arg19[%parallel_loop3A_201, %parallel_loop3A_202], %parallel_loop3A_205 {strides = array<i32>} : memref<40x128xf32, #tpu.memory_space<vmem>>, vector<1x16xf32>,
      %parallel_loop3A_206 = arith.index_cast %parallel_loop3A_181 : i32 to index
      %parallel_loop3A_207 = arith.constant 64 : index
      %parallel_loop3A_208 = tpu.vector_load %arg14[%parallel_loop3A_206, %parallel_loop3A_207] {strides = array<i32>} : memref<40x128xf32, #tpu.memory_space<vmem>>, vector<1x16xf32>,
      %parallel_loop3A_209 = vector.shape_cast %parallel_loop3A_208 : vector<1x16xf32> to vector<16xf32>
      %parallel_loop3A_210 = arith.addf %parallel_loop3A_209, %parallel_loop3A_192 : vector<16xf32>
      %parallel_loop3A_211 = arith.constant 0.000000e+00 : f32
      %parallel_loop3A_212 = vector.broadcast %parallel_loop3A_211 : f32 to vector<16xf32>
      %parallel_loop3A_213 = arith.maximumf %parallel_loop3A_210, %parallel_loop3A_212 : vector<16xf32>
      %parallel_loop3A_214 = arith.index_cast %parallel_loop3A_181 : i32 to index
      %parallel_loop3A_215 = arith.constant 64 : index
      %parallel_loop3A_216 = tpu.vector_load %arg19[%parallel_loop3A_214, %parallel_loop3A_215] {strides = array<i32>} : memref<40x128xf32, #tpu.memory_space<vmem>>, vector<1x16xf32>,
      %parallel_loop3A_217 = vector.shape_cast %parallel_loop3A_216 : vector<1x16xf32> to vector<16xf32>
      %parallel_loop3A_218 = vector.shape_cast %parallel_loop3A_213 : vector<16xf32> to vector<1x16xf32>
      tpu.vector_store %arg19[%parallel_loop3A_214, %parallel_loop3A_215], %parallel_loop3A_218 {strides = array<i32>} : memref<40x128xf32, #tpu.memory_space<vmem>>, vector<1x16xf32>,
      %parallel_loop3A_219 = arith.index_cast %parallel_loop3A_181 : i32 to index
      %parallel_loop3A_220 = arith.constant 16 : index
      %parallel_loop3A_221 = tpu.vector_load %arg18[%parallel_loop3A_219, %parallel_loop3A_220] {strides = array<i32>} : memref<40x64xi32, #tpu.memory_space<vmem>>, vector<1x16xi32>,
      %parallel_loop3A_222 = vector.shape_cast %parallel_loop3A_221 : vector<1x16xi32> to vector<16xi32>
      %parallel_loop3A_223 = arith.constant 16 : i32
      %parallel_loop3A_224 = vector.broadcast %parallel_loop3A_223 : i32 to vector<16xi32>
      %parallel_loop3A_225 = arith.shli %parallel_loop3A_222, %parallel_loop3A_224 : vector<16xi32>
      %parallel_loop3A_226 = tpu.bitcast %parallel_loop3A_225 : vector<16xi32> -> vector<16xf32>
      %parallel_loop3A_227 = vector.broadcast %parallel_loop3A_143 : i32 to vector<16xi32>
      %parallel_loop3A_228 = arith.andi %parallel_loop3A_222, %parallel_loop3A_227 : vector<16xi32>
      %parallel_loop3A_229 = tpu.bitcast %parallel_loop3A_228 : vector<16xi32> -> vector<16xf32>
      %parallel_loop3A_230 = arith.index_cast %parallel_loop3A_181 : i32 to index
      %parallel_loop3A_231 = arith.constant 16 : index
      %parallel_loop3A_232 = tpu.vector_load %arg14[%parallel_loop3A_230, %parallel_loop3A_231] {strides = array<i32>} : memref<40x128xf32, #tpu.memory_space<vmem>>, vector<1x16xf32>,
      %parallel_loop3A_233 = vector.shape_cast %parallel_loop3A_232 : vector<1x16xf32> to vector<16xf32>
      %parallel_loop3A_234 = arith.addf %parallel_loop3A_233, %parallel_loop3A_226 : vector<16xf32>
      %parallel_loop3A_235 = arith.constant 0.000000e+00 : f32
      %parallel_loop3A_236 = vector.broadcast %parallel_loop3A_235 : f32 to vector<16xf32>
      %parallel_loop3A_237 = arith.maximumf %parallel_loop3A_234, %parallel_loop3A_236 : vector<16xf32>
      %parallel_loop3A_238 = arith.index_cast %parallel_loop3A_181 : i32 to index
      %parallel_loop3A_239 = arith.constant 16 : index
      %parallel_loop3A_240 = tpu.vector_load %arg19[%parallel_loop3A_238, %parallel_loop3A_239] {strides = array<i32>} : memref<40x128xf32, #tpu.memory_space<vmem>>, vector<1x16xf32>,
      %parallel_loop3A_241 = vector.shape_cast %parallel_loop3A_240 : vector<1x16xf32> to vector<16xf32>
      %parallel_loop3A_242 = vector.shape_cast %parallel_loop3A_237 : vector<16xf32> to vector<1x16xf32>
      tpu.vector_store %arg19[%parallel_loop3A_238, %parallel_loop3A_239], %parallel_loop3A_242 {strides = array<i32>} : memref<40x128xf32, #tpu.memory_space<vmem>>, vector<1x16xf32>,
      %parallel_loop3A_243 = arith.index_cast %parallel_loop3A_181 : i32 to index
      %parallel_loop3A_244 = arith.constant 80 : index
      %parallel_loop3A_245 = tpu.vector_load %arg14[%parallel_loop3A_243, %parallel_loop3A_244] {strides = array<i32>} : memref<40x128xf32, #tpu.memory_space<vmem>>, vector<1x16xf32>,
      %parallel_loop3A_246 = vector.shape_cast %parallel_loop3A_245 : vector<1x16xf32> to vector<16xf32>
      %parallel_loop3A_247 = arith.addf %parallel_loop3A_246, %parallel_loop3A_229 : vector<16xf32>
      %parallel_loop3A_248 = arith.constant 0.000000e+00 : f32
      %parallel_loop3A_249 = vector.broadcast %parallel_loop3A_248 : f32 to vector<16xf32>
      %parallel_loop3A_250 = arith.maximumf %parallel_loop3A_247, %parallel_loop3A_249 : vector<16xf32>
      %parallel_loop3A_251 = arith.index_cast %parallel_loop3A_181 : i32 to index
      %parallel_loop3A_252 = arith.constant 80 : index
      %parallel_loop3A_253 = tpu.vector_load %arg19[%parallel_loop3A_251, %parallel_loop3A_252] {strides = array<i32>} : memref<40x128xf32, #tpu.memory_space<vmem>>, vector<1x16xf32>,
      %parallel_loop3A_254 = vector.shape_cast %parallel_loop3A_253 : vector<1x16xf32> to vector<16xf32>
      %parallel_loop3A_255 = vector.shape_cast %parallel_loop3A_250 : vector<16xf32> to vector<1x16xf32>
      tpu.vector_store %arg19[%parallel_loop3A_251, %parallel_loop3A_252], %parallel_loop3A_255 {strides = array<i32>} : memref<40x128xf32, #tpu.memory_space<vmem>>, vector<1x16xf32>,
      %parallel_loop3A_256 = arith.index_cast %parallel_loop3A_181 : i32 to index
      %parallel_loop3A_257 = arith.constant 32 : index
      %parallel_loop3A_258 = tpu.vector_load %arg18[%parallel_loop3A_256, %parallel_loop3A_257] {strides = array<i32>} : memref<40x64xi32, #tpu.memory_space<vmem>>, vector<1x16xi32>,
      %parallel_loop3A_259 = vector.shape_cast %parallel_loop3A_258 : vector<1x16xi32> to vector<16xi32>
      %parallel_loop3A_260 = arith.constant 16 : i32
      %parallel_loop3A_261 = vector.broadcast %parallel_loop3A_260 : i32 to vector<16xi32>
      %parallel_loop3A_262 = arith.shli %parallel_loop3A_259, %parallel_loop3A_261 : vector<16xi32>
      %parallel_loop3A_263 = tpu.bitcast %parallel_loop3A_262 : vector<16xi32> -> vector<16xf32>
      %parallel_loop3A_264 = vector.broadcast %parallel_loop3A_143 : i32 to vector<16xi32>
      %parallel_loop3A_265 = arith.andi %parallel_loop3A_259, %parallel_loop3A_264 : vector<16xi32>
      %parallel_loop3A_266 = tpu.bitcast %parallel_loop3A_265 : vector<16xi32> -> vector<16xf32>
      %parallel_loop3A_267 = arith.index_cast %parallel_loop3A_181 : i32 to index
      %parallel_loop3A_268 = arith.constant 32 : index
      %parallel_loop3A_269 = tpu.vector_load %arg14[%parallel_loop3A_267, %parallel_loop3A_268] {strides = array<i32>} : memref<40x128xf32, #tpu.memory_space<vmem>>, vector<1x16xf32>,
      %parallel_loop3A_270 = vector.shape_cast %parallel_loop3A_269 : vector<1x16xf32> to vector<16xf32>
      %parallel_loop3A_271 = arith.addf %parallel_loop3A_270, %parallel_loop3A_263 : vector<16xf32>
      %parallel_loop3A_272 = arith.constant 0.000000e+00 : f32
      %parallel_loop3A_273 = vector.broadcast %parallel_loop3A_272 : f32 to vector<16xf32>
      %parallel_loop3A_274 = arith.maximumf %parallel_loop3A_271, %parallel_loop3A_273 : vector<16xf32>
      %parallel_loop3A_275 = arith.index_cast %parallel_loop3A_181 : i32 to index
      %parallel_loop3A_276 = arith.constant 32 : index
      %parallel_loop3A_277 = tpu.vector_load %arg19[%parallel_loop3A_275, %parallel_loop3A_276] {strides = array<i32>} : memref<40x128xf32, #tpu.memory_space<vmem>>, vector<1x16xf32>,
      %parallel_loop3A_278 = vector.shape_cast %parallel_loop3A_277 : vector<1x16xf32> to vector<16xf32>
      %parallel_loop3A_279 = vector.shape_cast %parallel_loop3A_274 : vector<16xf32> to vector<1x16xf32>
      tpu.vector_store %arg19[%parallel_loop3A_275, %parallel_loop3A_276], %parallel_loop3A_279 {strides = array<i32>} : memref<40x128xf32, #tpu.memory_space<vmem>>, vector<1x16xf32>,
      %parallel_loop3A_280 = arith.index_cast %parallel_loop3A_181 : i32 to index
      %parallel_loop3A_281 = arith.constant 96 : index
      %parallel_loop3A_282 = tpu.vector_load %arg14[%parallel_loop3A_280, %parallel_loop3A_281] {strides = array<i32>} : memref<40x128xf32, #tpu.memory_space<vmem>>, vector<1x16xf32>,
      %parallel_loop3A_283 = vector.shape_cast %parallel_loop3A_282 : vector<1x16xf32> to vector<16xf32>
      %parallel_loop3A_284 = arith.addf %parallel_loop3A_283, %parallel_loop3A_266 : vector<16xf32>
      %parallel_loop3A_285 = arith.constant 0.000000e+00 : f32
      %parallel_loop3A_286 = vector.broadcast %parallel_loop3A_285 : f32 to vector<16xf32>
      %parallel_loop3A_287 = arith.maximumf %parallel_loop3A_284, %parallel_loop3A_286 : vector<16xf32>
      %parallel_loop3A_288 = arith.index_cast %parallel_loop3A_181 : i32 to index
      %parallel_loop3A_289 = arith.constant 96 : index
      %parallel_loop3A_290 = tpu.vector_load %arg19[%parallel_loop3A_288, %parallel_loop3A_289] {strides = array<i32>} : memref<40x128xf32, #tpu.memory_space<vmem>>, vector<1x16xf32>,
      %parallel_loop3A_291 = vector.shape_cast %parallel_loop3A_290 : vector<1x16xf32> to vector<16xf32>
      %parallel_loop3A_292 = vector.shape_cast %parallel_loop3A_287 : vector<16xf32> to vector<1x16xf32>
      tpu.vector_store %arg19[%parallel_loop3A_288, %parallel_loop3A_289], %parallel_loop3A_292 {strides = array<i32>} : memref<40x128xf32, #tpu.memory_space<vmem>>, vector<1x16xf32>,
      %parallel_loop3A_293 = arith.index_cast %parallel_loop3A_181 : i32 to index
      %parallel_loop3A_294 = arith.constant 48 : index
      %parallel_loop3A_295 = tpu.vector_load %arg18[%parallel_loop3A_293, %parallel_loop3A_294] {strides = array<i32>} : memref<40x64xi32, #tpu.memory_space<vmem>>, vector<1x16xi32>,
      %parallel_loop3A_296 = vector.shape_cast %parallel_loop3A_295 : vector<1x16xi32> to vector<16xi32>
      %parallel_loop3A_297 = arith.constant 16 : i32
      %parallel_loop3A_298 = vector.broadcast %parallel_loop3A_297 : i32 to vector<16xi32>
      %parallel_loop3A_299 = arith.shli %parallel_loop3A_296, %parallel_loop3A_298 : vector<16xi32>
      %parallel_loop3A_300 = tpu.bitcast %parallel_loop3A_299 : vector<16xi32> -> vector<16xf32>
      %parallel_loop3A_301 = vector.broadcast %parallel_loop3A_143 : i32 to vector<16xi32>
      %parallel_loop3A_302 = arith.andi %parallel_loop3A_296, %parallel_loop3A_301 : vector<16xi32>
      %parallel_loop3A_303 = tpu.bitcast %parallel_loop3A_302 : vector<16xi32> -> vector<16xf32>
      %parallel_loop3A_304 = arith.index_cast %parallel_loop3A_181 : i32 to index
      %parallel_loop3A_305 = arith.constant 48 : index
      %parallel_loop3A_306 = tpu.vector_load %arg14[%parallel_loop3A_304, %parallel_loop3A_305] {strides = array<i32>} : memref<40x128xf32, #tpu.memory_space<vmem>>, vector<1x16xf32>,
      %parallel_loop3A_307 = vector.shape_cast %parallel_loop3A_306 : vector<1x16xf32> to vector<16xf32>
      %parallel_loop3A_308 = arith.addf %parallel_loop3A_307, %parallel_loop3A_300 : vector<16xf32>
      %parallel_loop3A_309 = arith.constant 0.000000e+00 : f32
      %parallel_loop3A_310 = vector.broadcast %parallel_loop3A_309 : f32 to vector<16xf32>
      %parallel_loop3A_311 = arith.maximumf %parallel_loop3A_308, %parallel_loop3A_310 : vector<16xf32>
      %parallel_loop3A_312 = arith.index_cast %parallel_loop3A_181 : i32 to index
      %parallel_loop3A_313 = arith.constant 48 : index
      %parallel_loop3A_314 = tpu.vector_load %arg19[%parallel_loop3A_312, %parallel_loop3A_313] {strides = array<i32>} : memref<40x128xf32, #tpu.memory_space<vmem>>, vector<1x16xf32>,
      %parallel_loop3A_315 = vector.shape_cast %parallel_loop3A_314 : vector<1x16xf32> to vector<16xf32>
      %parallel_loop3A_316 = vector.shape_cast %parallel_loop3A_311 : vector<16xf32> to vector<1x16xf32>
      tpu.vector_store %arg19[%parallel_loop3A_312, %parallel_loop3A_313], %parallel_loop3A_316 {strides = array<i32>} : memref<40x128xf32, #tpu.memory_space<vmem>>, vector<1x16xf32>,
      %parallel_loop3A_317 = arith.index_cast %parallel_loop3A_181 : i32 to index
      %parallel_loop3A_318 = arith.constant 112 : index
      %parallel_loop3A_319 = tpu.vector_load %arg14[%parallel_loop3A_317, %parallel_loop3A_318] {strides = array<i32>} : memref<40x128xf32, #tpu.memory_space<vmem>>, vector<1x16xf32>,
      %parallel_loop3A_320 = vector.shape_cast %parallel_loop3A_319 : vector<1x16xf32> to vector<16xf32>
      %parallel_loop3A_321 = arith.addf %parallel_loop3A_320, %parallel_loop3A_303 : vector<16xf32>
      %parallel_loop3A_322 = arith.constant 0.000000e+00 : f32
      %parallel_loop3A_323 = vector.broadcast %parallel_loop3A_322 : f32 to vector<16xf32>
      %parallel_loop3A_324 = arith.maximumf %parallel_loop3A_321, %parallel_loop3A_323 : vector<16xf32>
      %parallel_loop3A_325 = arith.index_cast %parallel_loop3A_181 : i32 to index
      %parallel_loop3A_326 = arith.constant 112 : index
      %parallel_loop3A_327 = tpu.vector_load %arg19[%parallel_loop3A_325, %parallel_loop3A_326] {strides = array<i32>} : memref<40x128xf32, #tpu.memory_space<vmem>>, vector<1x16xf32>,
      %parallel_loop3A_328 = vector.shape_cast %parallel_loop3A_327 : vector<1x16xf32> to vector<16xf32>
      %parallel_loop3A_329 = vector.shape_cast %parallel_loop3A_324 : vector<16xf32> to vector<1x16xf32>
      tpu.vector_store %arg19[%parallel_loop3A_325, %parallel_loop3A_326], %parallel_loop3A_329 {strides = array<i32>} : memref<40x128xf32, #tpu.memory_space<vmem>>, vector<1x16xf32>,
    } {sc.loop_unroll_factor = 4 : i64, sc.parallel_access}
    %dma_start3A_144 = arith.constant 0 : i32
    %dma_start3A_145 = arith.constant 0 : i32
    %dma_start3A_146 = tpu.memref_slice %arg21[%dma_start3A_144, %dma_start3A_145] : memref<10240x128xf32, #tpu.memory_space<vmem_shared>> -> memref<10240x128xf32, #tpu.memory_space<vmem_shared>>
    tpu.enqueue_indirect_dma source(%arg19 : memref<40x128xf32, #tpu.memory_space<vmem>>) target(%dma_start3A_146 : memref<10240x128xf32, #tpu.memory_space<vmem_shared>>) offsets(%arg13 : memref<40xi32, #tpu.memory_space<vmem>>) semaphore(%arg33 : memref<!tpu.dma_semaphore, #tpu.memory_space<semaphore_mem>>) {add = true}
    %dma_wait3A_147 = arith.constant 0 : i32
    %dma_wait3A_148 = arith.constant 0 : i32
    %dma_wait3A_149 = tpu.memref_slice %arg21[%dma_wait3A_147, %dma_wait3A_148] : memref<10240x128xf32, #tpu.memory_space<vmem_shared>> -> memref<10240x128xf32, #tpu.memory_space<vmem_shared>>
    tpu.wait_indirect_dma semaphore(%arg34 : memref<!tpu.dma_semaphore, #tpu.memory_space<semaphore_mem>>) src(%arg20 : memref<40x128xf32, #tpu.memory_space<vmem>>) dst(%dma_wait3A_149 : memref<10240x128xf32, #tpu.memory_space<vmem_shared>>)
    %dma_wait3A_150 = arith.constant 0 : i32
    %dma_wait3A_151 = tpu.memref_slice %arg4[%dma_wait3A_150] : memref<320000xi32, #tpu.memory_space<hbm>> -> memref<40xi32, #tpu.memory_space<hbm>>
    %dma_wait3A_152 = arith.constant 0 : i32
    %dma_wait3A_153 = tpu.memref_slice %arg4[%dma_wait3A_152] : memref<320000xi32, #tpu.memory_space<hbm>> -> memref<40xi32, #tpu.memory_space<hbm>>
    tpu.wait_dma2 semaphore(%arg30 : memref<!tpu.dma_semaphore, #tpu.memory_space<semaphore_mem>>) src(%dma_wait3A_153 : memref<40xi32, #tpu.memory_space<hbm>>) dst(%arg11 : memref<40xi32, #tpu.memory_space<vmem>>)
    %dma_wait3A_154 = arith.constant 0 : i32
    %dma_wait3A_155 = arith.constant 0 : i32
    %dma_wait3A_156 = tpu.memref_slice %arg5[%dma_wait3A_154, %dma_wait3A_155] : memref<320000x64xi32, #tpu.memory_space<hbm>> -> memref<40x64xi32, #tpu.memory_space<hbm>>
    %dma_wait3A_157 = arith.constant 0 : i32
    %dma_wait3A_158 = arith.constant 0 : i32
    %dma_wait3A_159 = tpu.memref_slice %arg5[%dma_wait3A_157, %dma_wait3A_158] : memref<320000x64xi32, #tpu.memory_space<hbm>> -> memref<40x64xi32, #tpu.memory_space<hbm>>
    tpu.wait_dma2 semaphore(%arg24 : memref<!tpu.dma_semaphore, #tpu.memory_space<semaphore_mem>>) src(%dma_wait3A_159 : memref<40x64xi32, #tpu.memory_space<hbm>>) dst(%arg16 : memref<40x64xi32, #tpu.memory_space<vmem>>)
    %dma_wait3A_160 = arith.constant 0 : i32
    %dma_wait3A_161 = arith.constant 0 : i32
    %dma_wait3A_162 = tpu.memref_slice %arg2[%dma_wait3A_160, %dma_wait3A_161] : memref<10000x128xf32, #tpu.memory_space<hbm>> -> memref<10000x128xf32, #tpu.memory_space<hbm>>
    tpu.wait_indirect_dma semaphore(%arg23 : memref<!tpu.dma_semaphore, #tpu.memory_space<semaphore_mem>>) src(%dma_wait3A_162 : memref<10000x128xf32, #tpu.memory_space<hbm>>) dst(%arg15 : memref<40x128xf32, #tpu.memory_space<vmem>>)
    %parallel_loop3A_163 = arith.constant 0 : i32
    %parallel_loop3A_164 = arith.constant 40 : i32
    %parallel_loop3A_165 = arith.constant 1 : i32
    %parallel_loop3A_166 = arith.constant -65536 : i32
    scf.for %parallel_loop3A_181 = %parallel_loop3A_163 to %parallel_loop3A_164 step %parallel_loop3A_165  : i32 {
      %parallel_loop3A_182 = arith.index_cast %parallel_loop3A_181 : i32 to index
      %parallel_loop3A_183 = arith.constant 0 : index
      %parallel_loop3A_184 = tpu.vector_load %arg16[%parallel_loop3A_182, %parallel_loop3A_183] {strides = array<i32>} : memref<40x64xi32, #tpu.memory_space<vmem>>, vector<1x16xi32>,
      %parallel_loop3A_185 = vector.shape_cast %parallel_loop3A_184 : vector<1x16xi32> to vector<16xi32>
      %parallel_loop3A_186 = arith.constant 16 : i32
      %parallel_loop3A_187 = vector.broadcast %parallel_loop3A_186 : i32 to vector<16xi32>
      %parallel_loop3A_188 = arith.shli %parallel_loop3A_185, %parallel_loop3A_187 : vector<16xi32>
      %parallel_loop3A_189 = tpu.bitcast %parallel_loop3A_188 : vector<16xi32> -> vector<16xf32>
      %parallel_loop3A_190 = vector.broadcast %parallel_loop3A_166 : i32 to vector<16xi32>
      %parallel_loop3A_191 = arith.andi %parallel_loop3A_185, %parallel_loop3A_190 : vector<16xi32>
      %parallel_loop3A_192 = tpu.bitcast %parallel_loop3A_191 : vector<16xi32> -> vector<16xf32>
      %parallel_loop3A_193 = arith.index_cast %parallel_loop3A_181 : i32 to index
      %parallel_loop3A_194 = arith.constant 0 : index
      %parallel_loop3A_195 = tpu.vector_load %arg15[%parallel_loop3A_193, %parallel_loop3A_194] {strides = array<i32>} : memref<40x128xf32, #tpu.memory_space<vmem>>, vector<1x16xf32>,
      %parallel_loop3A_196 = vector.shape_cast %parallel_loop3A_195 : vector<1x16xf32> to vector<16xf32>
      %parallel_loop3A_197 = arith.addf %parallel_loop3A_196, %parallel_loop3A_189 : vector<16xf32>
      %parallel_loop3A_198 = arith.constant 0.000000e+00 : f32
      %parallel_loop3A_199 = vector.broadcast %parallel_loop3A_198 : f32 to vector<16xf32>
      %parallel_loop3A_200 = arith.maximumf %parallel_loop3A_197, %parallel_loop3A_199 : vector<16xf32>
      %parallel_loop3A_201 = arith.index_cast %parallel_loop3A_181 : i32 to index
      %parallel_loop3A_202 = arith.constant 0 : index
      %parallel_loop3A_203 = tpu.vector_load %arg20[%parallel_loop3A_201, %parallel_loop3A_202] {strides = array<i32>} : memref<40x128xf32, #tpu.memory_space<vmem>>, vector<1x16xf32>,
      %parallel_loop3A_204 = vector.shape_cast %parallel_loop3A_203 : vector<1x16xf32> to vector<16xf32>
      %parallel_loop3A_205 = vector.shape_cast %parallel_loop3A_200 : vector<16xf32> to vector<1x16xf32>
      tpu.vector_store %arg20[%parallel_loop3A_201, %parallel_loop3A_202], %parallel_loop3A_205 {strides = array<i32>} : memref<40x128xf32, #tpu.memory_space<vmem>>, vector<1x16xf32>,
      %parallel_loop3A_206 = arith.index_cast %parallel_loop3A_181 : i32 to index
      %parallel_loop3A_207 = arith.constant 64 : index
      %parallel_loop3A_208 = tpu.vector_load %arg15[%parallel_loop3A_206, %parallel_loop3A_207] {strides = array<i32>} : memref<40x128xf32, #tpu.memory_space<vmem>>, vector<1x16xf32>,
      %parallel_loop3A_209 = vector.shape_cast %parallel_loop3A_208 : vector<1x16xf32> to vector<16xf32>
      %parallel_loop3A_210 = arith.addf %parallel_loop3A_209, %parallel_loop3A_192 : vector<16xf32>
      %parallel_loop3A_211 = arith.constant 0.000000e+00 : f32
      %parallel_loop3A_212 = vector.broadcast %parallel_loop3A_211 : f32 to vector<16xf32>
      %parallel_loop3A_213 = arith.maximumf %parallel_loop3A_210, %parallel_loop3A_212 : vector<16xf32>
      %parallel_loop3A_214 = arith.index_cast %parallel_loop3A_181 : i32 to index
      %parallel_loop3A_215 = arith.constant 64 : index
      %parallel_loop3A_216 = tpu.vector_load %arg20[%parallel_loop3A_214, %parallel_loop3A_215] {strides = array<i32>} : memref<40x128xf32, #tpu.memory_space<vmem>>, vector<1x16xf32>,
      %parallel_loop3A_217 = vector.shape_cast %parallel_loop3A_216 : vector<1x16xf32> to vector<16xf32>
      %parallel_loop3A_218 = vector.shape_cast %parallel_loop3A_213 : vector<16xf32> to vector<1x16xf32>
      tpu.vector_store %arg20[%parallel_loop3A_214, %parallel_loop3A_215], %parallel_loop3A_218 {strides = array<i32>} : memref<40x128xf32, #tpu.memory_space<vmem>>, vector<1x16xf32>,
      %parallel_loop3A_219 = arith.index_cast %parallel_loop3A_181 : i32 to index
      %parallel_loop3A_220 = arith.constant 16 : index
      %parallel_loop3A_221 = tpu.vector_load %arg16[%parallel_loop3A_219, %parallel_loop3A_220] {strides = array<i32>} : memref<40x64xi32, #tpu.memory_space<vmem>>, vector<1x16xi32>,
      %parallel_loop3A_222 = vector.shape_cast %parallel_loop3A_221 : vector<1x16xi32> to vector<16xi32>
      %parallel_loop3A_223 = arith.constant 16 : i32
      %parallel_loop3A_224 = vector.broadcast %parallel_loop3A_223 : i32 to vector<16xi32>
      %parallel_loop3A_225 = arith.shli %parallel_loop3A_222, %parallel_loop3A_224 : vector<16xi32>
      %parallel_loop3A_226 = tpu.bitcast %parallel_loop3A_225 : vector<16xi32> -> vector<16xf32>
      %parallel_loop3A_227 = vector.broadcast %parallel_loop3A_166 : i32 to vector<16xi32>
      %parallel_loop3A_228 = arith.andi %parallel_loop3A_222, %parallel_loop3A_227 : vector<16xi32>
      %parallel_loop3A_229 = tpu.bitcast %parallel_loop3A_228 : vector<16xi32> -> vector<16xf32>
      %parallel_loop3A_230 = arith.index_cast %parallel_loop3A_181 : i32 to index
      %parallel_loop3A_231 = arith.constant 16 : index
      %parallel_loop3A_232 = tpu.vector_load %arg15[%parallel_loop3A_230, %parallel_loop3A_231] {strides = array<i32>} : memref<40x128xf32, #tpu.memory_space<vmem>>, vector<1x16xf32>,
      %parallel_loop3A_233 = vector.shape_cast %parallel_loop3A_232 : vector<1x16xf32> to vector<16xf32>
      %parallel_loop3A_234 = arith.addf %parallel_loop3A_233, %parallel_loop3A_226 : vector<16xf32>
      %parallel_loop3A_235 = arith.constant 0.000000e+00 : f32
      %parallel_loop3A_236 = vector.broadcast %parallel_loop3A_235 : f32 to vector<16xf32>
      %parallel_loop3A_237 = arith.maximumf %parallel_loop3A_234, %parallel_loop3A_236 : vector<16xf32>
      %parallel_loop3A_238 = arith.index_cast %parallel_loop3A_181 : i32 to index
      %parallel_loop3A_239 = arith.constant 16 : index
      %parallel_loop3A_240 = tpu.vector_load %arg20[%parallel_loop3A_238, %parallel_loop3A_239] {strides = array<i32>} : memref<40x128xf32, #tpu.memory_space<vmem>>, vector<1x16xf32>,
      %parallel_loop3A_241 = vector.shape_cast %parallel_loop3A_240 : vector<1x16xf32> to vector<16xf32>
      %parallel_loop3A_242 = vector.shape_cast %parallel_loop3A_237 : vector<16xf32> to vector<1x16xf32>
      tpu.vector_store %arg20[%parallel_loop3A_238, %parallel_loop3A_239], %parallel_loop3A_242 {strides = array<i32>} : memref<40x128xf32, #tpu.memory_space<vmem>>, vector<1x16xf32>,
      %parallel_loop3A_243 = arith.index_cast %parallel_loop3A_181 : i32 to index
      %parallel_loop3A_244 = arith.constant 80 : index
      %parallel_loop3A_245 = tpu.vector_load %arg15[%parallel_loop3A_243, %parallel_loop3A_244] {strides = array<i32>} : memref<40x128xf32, #tpu.memory_space<vmem>>, vector<1x16xf32>,
      %parallel_loop3A_246 = vector.shape_cast %parallel_loop3A_245 : vector<1x16xf32> to vector<16xf32>
      %parallel_loop3A_247 = arith.addf %parallel_loop3A_246, %parallel_loop3A_229 : vector<16xf32>
      %parallel_loop3A_248 = arith.constant 0.000000e+00 : f32
      %parallel_loop3A_249 = vector.broadcast %parallel_loop3A_248 : f32 to vector<16xf32>
      %parallel_loop3A_250 = arith.maximumf %parallel_loop3A_247, %parallel_loop3A_249 : vector<16xf32>
      %parallel_loop3A_251 = arith.index_cast %parallel_loop3A_181 : i32 to index
      %parallel_loop3A_252 = arith.constant 80 : index
      %parallel_loop3A_253 = tpu.vector_load %arg20[%parallel_loop3A_251, %parallel_loop3A_252] {strides = array<i32>} : memref<40x128xf32, #tpu.memory_space<vmem>>, vector<1x16xf32>,
      %parallel_loop3A_254 = vector.shape_cast %parallel_loop3A_253 : vector<1x16xf32> to vector<16xf32>
      %parallel_loop3A_255 = vector.shape_cast %parallel_loop3A_250 : vector<16xf32> to vector<1x16xf32>
      tpu.vector_store %arg20[%parallel_loop3A_251, %parallel_loop3A_252], %parallel_loop3A_255 {strides = array<i32>} : memref<40x128xf32, #tpu.memory_space<vmem>>, vector<1x16xf32>,
      %parallel_loop3A_256 = arith.index_cast %parallel_loop3A_181 : i32 to index
      %parallel_loop3A_257 = arith.constant 32 : index
      %parallel_loop3A_258 = tpu.vector_load %arg16[%parallel_loop3A_256, %parallel_loop3A_257] {strides = array<i32>} : memref<40x64xi32, #tpu.memory_space<vmem>>, vector<1x16xi32>,
      %parallel_loop3A_259 = vector.shape_cast %parallel_loop3A_258 : vector<1x16xi32> to vector<16xi32>
      %parallel_loop3A_260 = arith.constant 16 : i32
      %parallel_loop3A_261 = vector.broadcast %parallel_loop3A_260 : i32 to vector<16xi32>
      %parallel_loop3A_262 = arith.shli %parallel_loop3A_259, %parallel_loop3A_261 : vector<16xi32>
      %parallel_loop3A_263 = tpu.bitcast %parallel_loop3A_262 : vector<16xi32> -> vector<16xf32>
      %parallel_loop3A_264 = vector.broadcast %parallel_loop3A_166 : i32 to vector<16xi32>
      %parallel_loop3A_265 = arith.andi %parallel_loop3A_259, %parallel_loop3A_264 : vector<16xi32>
      %parallel_loop3A_266 = tpu.bitcast %parallel_loop3A_265 : vector<16xi32> -> vector<16xf32>
      %parallel_loop3A_267 = arith.index_cast %parallel_loop3A_181 : i32 to index
      %parallel_loop3A_268 = arith.constant 32 : index
      %parallel_loop3A_269 = tpu.vector_load %arg15[%parallel_loop3A_267, %parallel_loop3A_268] {strides = array<i32>} : memref<40x128xf32, #tpu.memory_space<vmem>>, vector<1x16xf32>,
      %parallel_loop3A_270 = vector.shape_cast %parallel_loop3A_269 : vector<1x16xf32> to vector<16xf32>
      %parallel_loop3A_271 = arith.addf %parallel_loop3A_270, %parallel_loop3A_263 : vector<16xf32>
      %parallel_loop3A_272 = arith.constant 0.000000e+00 : f32
      %parallel_loop3A_273 = vector.broadcast %parallel_loop3A_272 : f32 to vector<16xf32>
      %parallel_loop3A_274 = arith.maximumf %parallel_loop3A_271, %parallel_loop3A_273 : vector<16xf32>
      %parallel_loop3A_275 = arith.index_cast %parallel_loop3A_181 : i32 to index
      %parallel_loop3A_276 = arith.constant 32 : index
      %parallel_loop3A_277 = tpu.vector_load %arg20[%parallel_loop3A_275, %parallel_loop3A_276] {strides = array<i32>} : memref<40x128xf32, #tpu.memory_space<vmem>>, vector<1x16xf32>,
      %parallel_loop3A_278 = vector.shape_cast %parallel_loop3A_277 : vector<1x16xf32> to vector<16xf32>
      %parallel_loop3A_279 = vector.shape_cast %parallel_loop3A_274 : vector<16xf32> to vector<1x16xf32>
      tpu.vector_store %arg20[%parallel_loop3A_275, %parallel_loop3A_276], %parallel_loop3A_279 {strides = array<i32>} : memref<40x128xf32, #tpu.memory_space<vmem>>, vector<1x16xf32>,
      %parallel_loop3A_280 = arith.index_cast %parallel_loop3A_181 : i32 to index
      %parallel_loop3A_281 = arith.constant 96 : index
      %parallel_loop3A_282 = tpu.vector_load %arg15[%parallel_loop3A_280, %parallel_loop3A_281] {strides = array<i32>} : memref<40x128xf32, #tpu.memory_space<vmem>>, vector<1x16xf32>,
      %parallel_loop3A_283 = vector.shape_cast %parallel_loop3A_282 : vector<1x16xf32> to vector<16xf32>
      %parallel_loop3A_284 = arith.addf %parallel_loop3A_283, %parallel_loop3A_266 : vector<16xf32>
      %parallel_loop3A_285 = arith.constant 0.000000e+00 : f32
      %parallel_loop3A_286 = vector.broadcast %parallel_loop3A_285 : f32 to vector<16xf32>
      %parallel_loop3A_287 = arith.maximumf %parallel_loop3A_284, %parallel_loop3A_286 : vector<16xf32>
      %parallel_loop3A_288 = arith.index_cast %parallel_loop3A_181 : i32 to index
      %parallel_loop3A_289 = arith.constant 96 : index
      %parallel_loop3A_290 = tpu.vector_load %arg20[%parallel_loop3A_288, %parallel_loop3A_289] {strides = array<i32>} : memref<40x128xf32, #tpu.memory_space<vmem>>, vector<1x16xf32>,
      %parallel_loop3A_291 = vector.shape_cast %parallel_loop3A_290 : vector<1x16xf32> to vector<16xf32>
      %parallel_loop3A_292 = vector.shape_cast %parallel_loop3A_287 : vector<16xf32> to vector<1x16xf32>
      tpu.vector_store %arg20[%parallel_loop3A_288, %parallel_loop3A_289], %parallel_loop3A_292 {strides = array<i32>} : memref<40x128xf32, #tpu.memory_space<vmem>>, vector<1x16xf32>,
      %parallel_loop3A_293 = arith.index_cast %parallel_loop3A_181 : i32 to index
      %parallel_loop3A_294 = arith.constant 48 : index
      %parallel_loop3A_295 = tpu.vector_load %arg16[%parallel_loop3A_293, %parallel_loop3A_294] {strides = array<i32>} : memref<40x64xi32, #tpu.memory_space<vmem>>, vector<1x16xi32>,
      %parallel_loop3A_296 = vector.shape_cast %parallel_loop3A_295 : vector<1x16xi32> to vector<16xi32>
      %parallel_loop3A_297 = arith.constant 16 : i32
      %parallel_loop3A_298 = vector.broadcast %parallel_loop3A_297 : i32 to vector<16xi32>
      %parallel_loop3A_299 = arith.shli %parallel_loop3A_296, %parallel_loop3A_298 : vector<16xi32>
      %parallel_loop3A_300 = tpu.bitcast %parallel_loop3A_299 : vector<16xi32> -> vector<16xf32>
      %parallel_loop3A_301 = vector.broadcast %parallel_loop3A_166 : i32 to vector<16xi32>
      %parallel_loop3A_302 = arith.andi %parallel_loop3A_296, %parallel_loop3A_301 : vector<16xi32>
      %parallel_loop3A_303 = tpu.bitcast %parallel_loop3A_302 : vector<16xi32> -> vector<16xf32>
      %parallel_loop3A_304 = arith.index_cast %parallel_loop3A_181 : i32 to index
      %parallel_loop3A_305 = arith.constant 48 : index
      %parallel_loop3A_306 = tpu.vector_load %arg15[%parallel_loop3A_304, %parallel_loop3A_305] {strides = array<i32>} : memref<40x128xf32, #tpu.memory_space<vmem>>, vector<1x16xf32>,
      %parallel_loop3A_307 = vector.shape_cast %parallel_loop3A_306 : vector<1x16xf32> to vector<16xf32>
      %parallel_loop3A_308 = arith.addf %parallel_loop3A_307, %parallel_loop3A_300 : vector<16xf32>
      %parallel_loop3A_309 = arith.constant 0.000000e+00 : f32
      %parallel_loop3A_310 = vector.broadcast %parallel_loop3A_309 : f32 to vector<16xf32>
      %parallel_loop3A_311 = arith.maximumf %parallel_loop3A_308, %parallel_loop3A_310 : vector<16xf32>
      %parallel_loop3A_312 = arith.index_cast %parallel_loop3A_181 : i32 to index
      %parallel_loop3A_313 = arith.constant 48 : index
      %parallel_loop3A_314 = tpu.vector_load %arg20[%parallel_loop3A_312, %parallel_loop3A_313] {strides = array<i32>} : memref<40x128xf32, #tpu.memory_space<vmem>>, vector<1x16xf32>,
      %parallel_loop3A_315 = vector.shape_cast %parallel_loop3A_314 : vector<1x16xf32> to vector<16xf32>
      %parallel_loop3A_316 = vector.shape_cast %parallel_loop3A_311 : vector<16xf32> to vector<1x16xf32>
      tpu.vector_store %arg20[%parallel_loop3A_312, %parallel_loop3A_313], %parallel_loop3A_316 {strides = array<i32>} : memref<40x128xf32, #tpu.memory_space<vmem>>, vector<1x16xf32>,
      %parallel_loop3A_317 = arith.index_cast %parallel_loop3A_181 : i32 to index
      %parallel_loop3A_318 = arith.constant 112 : index
      %parallel_loop3A_319 = tpu.vector_load %arg15[%parallel_loop3A_317, %parallel_loop3A_318] {strides = array<i32>} : memref<40x128xf32, #tpu.memory_space<vmem>>, vector<1x16xf32>,
      %parallel_loop3A_320 = vector.shape_cast %parallel_loop3A_319 : vector<1x16xf32> to vector<16xf32>
      %parallel_loop3A_321 = arith.addf %parallel_loop3A_320, %parallel_loop3A_303 : vector<16xf32>
      %parallel_loop3A_322 = arith.constant 0.000000e+00 : f32
      %parallel_loop3A_323 = vector.broadcast %parallel_loop3A_322 : f32 to vector<16xf32>
      %parallel_loop3A_324 = arith.maximumf %parallel_loop3A_321, %parallel_loop3A_323 : vector<16xf32>
      %parallel_loop3A_325 = arith.index_cast %parallel_loop3A_181 : i32 to index
      %parallel_loop3A_326 = arith.constant 112 : index
      %parallel_loop3A_327 = tpu.vector_load %arg20[%parallel_loop3A_325, %parallel_loop3A_326] {strides = array<i32>} : memref<40x128xf32, #tpu.memory_space<vmem>>, vector<1x16xf32>,
      %parallel_loop3A_328 = vector.shape_cast %parallel_loop3A_327 : vector<1x16xf32> to vector<16xf32>
      %parallel_loop3A_329 = vector.shape_cast %parallel_loop3A_324 : vector<16xf32> to vector<1x16xf32>
      tpu.vector_store %arg20[%parallel_loop3A_325, %parallel_loop3A_326], %parallel_loop3A_329 {strides = array<i32>} : memref<40x128xf32, #tpu.memory_space<vmem>>, vector<1x16xf32>,
    } {sc.loop_unroll_factor = 4 : i64, sc.parallel_access}
    %dma_start3A_167 = arith.constant 0 : i32
    %dma_start3A_168 = arith.constant 0 : i32
    %dma_start3A_169 = tpu.memref_slice %arg21[%dma_start3A_167, %dma_start3A_168] : memref<10240x128xf32, #tpu.memory_space<vmem_shared>> -> memref<10240x128xf32, #tpu.memory_space<vmem_shared>>
    tpu.enqueue_indirect_dma source(%arg20 : memref<40x128xf32, #tpu.memory_space<vmem>>) target(%dma_start3A_169 : memref<10240x128xf32, #tpu.memory_space<vmem_shared>>) offsets(%arg11 : memref<40xi32, #tpu.memory_space<vmem>>) semaphore(%arg34 : memref<!tpu.dma_semaphore, #tpu.memory_space<semaphore_mem>>) {add = true}
    %dma_wait3A_170 = arith.constant 0 : i32
    %dma_wait3A_171 = arith.constant 0 : i32
    %dma_wait3A_172 = tpu.memref_slice %arg21[%dma_wait3A_170, %dma_wait3A_171] : memref<10240x128xf32, #tpu.memory_space<vmem_shared>> -> memref<10240x128xf32, #tpu.memory_space<vmem_shared>>
    tpu.wait_indirect_dma semaphore(%arg33 : memref<!tpu.dma_semaphore, #tpu.memory_space<semaphore_mem>>) src(%arg19 : memref<40x128xf32, #tpu.memory_space<vmem>>) dst(%dma_wait3A_172 : memref<10240x128xf32, #tpu.memory_space<vmem_shared>>)
    %dma_wait3A_173 = arith.constant 0 : i32
    %dma_wait3A_174 = arith.constant 0 : i32
    %dma_wait3A_175 = tpu.memref_slice %arg21[%dma_wait3A_173, %dma_wait3A_174] : memref<10240x128xf32, #tpu.memory_space<vmem_shared>> -> memref<10240x128xf32, #tpu.memory_space<vmem_shared>>
    tpu.wait_indirect_dma semaphore(%arg34 : memref<!tpu.dma_semaphore, #tpu.memory_space<semaphore_mem>>) src(%arg20 : memref<40x128xf32, #tpu.memory_space<vmem>>) dst(%dma_wait3A_175 : memref<10240x128xf32, #tpu.memory_space<vmem_shared>>)
    %barrier3A_176 = arith.constant 0 : index
    tpu.barrier barrier_id(%barrier3A_176)
    %mul3A_177 = arith.constant 640 : i32
    %mul3A_178 = arith.muli %arg1, %mul3A_177 : i32
    %mul3A_179 = arith.constant 640 : i32
    %mul3A_180 = arith.muli %arg1, %mul3A_179 : i32
    "tpu.region"() ({
      %run_scoped3A = tpu.sem_alloc : memref<!tpu.dma_semaphore, #tpu.memory_space<semaphore_mem>>
      %dma_start3A_181 = arith.constant 0 : i32
      %dma_start3A_182 = tpu.memref_slice %arg7[%arg0, %mul3A_180, %dma_start3A_181] : memref<2x10240x128xf32, #tpu.memory_space<hbm>> -> memref<1x640x128xf32, #tpu.memory_space<hbm>>
      %dma_start3A_183 = tpu.memref_squeeze %dma_start3A_182 : memref<1x640x128xf32, #tpu.memory_space<hbm>> -> memref<640x128xf32, #tpu.memory_space<hbm>>
      %dma_start3A_184 = arith.constant 0 : i32
      %dma_start3A_185 = tpu.memref_slice %arg21[%mul3A_178, %dma_start3A_184] : memref<10240x128xf32, #tpu.memory_space<vmem_shared>> -> memref<640x128xf32, #tpu.memory_space<vmem_shared>>
      tpu.enqueue_dma source(%dma_start3A_185 : memref<640x128xf32, #tpu.memory_space<vmem_shared>>) target(%dma_start3A_183 : memref<640x128xf32, #tpu.memory_space<hbm>>) target_semaphore(%run_scoped3A : memref<!tpu.dma_semaphore, #tpu.memory_space<semaphore_mem>>)
      %dma_wait3A_186 = arith.constant 0 : i32
      %dma_wait3A_187 = tpu.memref_slice %arg7[%arg0, %mul3A_180, %dma_wait3A_186] : memref<2x10240x128xf32, #tpu.memory_space<hbm>> -> memref<1x640x128xf32, #tpu.memory_space<hbm>>
      %dma_wait3A_188 = tpu.memref_squeeze %dma_wait3A_187 : memref<1x640x128xf32, #tpu.memory_space<hbm>> -> memref<640x128xf32, #tpu.memory_space<hbm>>
      %dma_wait3A_189 = arith.constant 0 : i32
      %dma_wait3A_190 = tpu.memref_slice %arg21[%mul3A_178, %dma_wait3A_189] : memref<10240x128xf32, #tpu.memory_space<vmem_shared>> -> memref<640x128xf32, #tpu.memory_space<vmem_shared>>
      tpu.wait_dma2 semaphore(%run_scoped3A : memref<!tpu.dma_semaphore, #tpu.memory_space<semaphore_mem>>) src(%dma_wait3A_190 : memref<640x128xf32, #tpu.memory_space<vmem_shared>>) dst(%dma_wait3A_188 : memref<640x128xf32, #tpu.memory_space<hbm>>)
      tpu.yield
    }) : () -> ()
    return
  }
}

module attributes {stable_mosaic.version = 14 : i64} {
  func.func @_g_body(%arg0: i32, %arg1: memref<2000x128xf32, #tpu.memory_space<vmem>>, %arg2: memref<128x128xf32, #tpu.memory_space<vmem>>, %arg3: memref<2000x128xf32, #tpu.memory_space<vmem>>) attributes {dimension_semantics = [#tpu.dimension_semantics<arbitrary>], iteration_bounds = array<i64: 5>, scalar_prefetch = 0 : i64, scratch_operands = 0 : i64, tpu.core_type = #tpu.core_type<tc>, window_params = [{transform_indices = @transform_0, window_bounds = array<i64: 2000, 128>}, {pipeline_mode = #tpu.pipeline_mode<synchronous>, transform_indices = @transform_1, window_bounds = array<i64: 128, 128>}, {transform_indices = @transform_2, window_bounds = array<i64: 2000, 128>}]} {
    %get3A = arith.constant 0 : index
    %get3A_0 = arith.constant 0 : index
    %get3A_1 = vector.load %arg1[%get3A, %get3A_0] : memref<2000x128xf32, #tpu.memory_space<vmem>>, vector<2000x128xf32>
    %get3A_2 = arith.constant 0 : index
    %get3A_3 = arith.constant 0 : index
    %get3A_4 = vector.load %arg2[%get3A_2, %get3A_3] : memref<128x128xf32, #tpu.memory_space<vmem>>, vector<128x128xf32>
    %dot_general3A = arith.constant dense<0.000000e+00> : vector<2000x128xf32>
    %dot_general3A_5 = tpu.matmul %get3A_1, %get3A_4, %dot_general3A {dimension_numbers = #tpu.dot_dimension_numbers<[1], [1], [0], [0], [0, 0, 1, 0], [], []>, transpose_lhs_hint = false} : vector<2000x128xf32>, vector<128x128xf32>, vector<2000x128xf32> -> vector<2000x128xf32>
    %swap3A = arith.constant 0 : index
    %swap3A_6 = arith.constant 0 : index
    %swap3A_7 = vector.load %arg3[%swap3A, %swap3A_6] : memref<2000x128xf32, #tpu.memory_space<vmem>>, vector<2000x128xf32>
    tpu.vector_store %arg3[%swap3A, %swap3A_6], %dot_general3A_5 {strides = array<i32>} : memref<2000x128xf32, #tpu.memory_space<vmem>>, vector<2000x128xf32>,
    return
  }
  func.func @transform_0(%arg0: i32) -> (i32, i32) {
    %c0_i32 = arith.constant 0 : i32
    %c0_i32_0 = arith.constant 0 : i32
    return %arg0, %c0_i32 : i32, i32
  }
  func.func @transform_1(%arg0: i32) -> (i32, i32) {
    %c0_i32 = arith.constant 0 : i32
    %c0_i32_0 = arith.constant 0 : i32
    %c0_i32_1 = arith.constant 0 : i32
    return %c0_i32, %c0_i32_0 : i32, i32
  }
  func.func @transform_2(%arg0: i32) -> (i32, i32) {
    %c0_i32 = arith.constant 0 : i32
    %c0_i32_0 = arith.constant 0 : i32
    return %arg0, %c0_i32 : i32, i32
  }
}

module attributes {stable_mosaic.version = 14 : i64} {
  func.func @_a_body(%arg0: i32, %arg1: memref<6400x16xf32, #tpu.memory_space<vmem>>, %arg2: memref<128x16xf32, #tpu.memory_space<vmem>>, %arg3: memref<1x128xf32, #tpu.memory_space<vmem>>, %arg4: memref<6400x64xi32, #tpu.memory_space<vmem>>) attributes {dimension_semantics = [#tpu.dimension_semantics<arbitrary>], iteration_bounds = array<i64: 50>, scalar_prefetch = 0 : i64, scratch_operands = 0 : i64, tpu.core_type = #tpu.core_type<tc>, window_params = [{transform_indices = @transform_0, window_bounds = array<i64: 6400, 16>}, {pipeline_mode = #tpu.pipeline_mode<synchronous>, transform_indices = @transform_1, window_bounds = array<i64: 128, 16>}, {pipeline_mode = #tpu.pipeline_mode<synchronous>, transform_indices = @transform_2, window_bounds = array<i64: 1, 128>}, {transform_indices = @transform_3, window_bounds = array<i64: 6400, 64>}]} {
    %get3A = arith.constant 0 : index
    %get3A_0 = arith.constant 0 : index
    %get3A_1 = vector.load %arg1[%get3A, %get3A_0] : memref<6400x16xf32, #tpu.memory_space<vmem>>, vector<6400x16xf32>
    %get3A_2 = arith.constant 0 : index
    %get3A_3 = arith.constant 0 : index
    %get3A_4 = vector.load %arg2[%get3A_2, %get3A_3] : memref<128x16xf32, #tpu.memory_space<vmem>>, vector<128x16xf32>
    %dot_general3A = arith.constant dense<0.000000e+00> : vector<6400x128xf32>
    %dot_general3A_5 = tpu.matmul %get3A_1, %get3A_4, %dot_general3A {dimension_numbers = #tpu.dot_dimension_numbers<[1], [1], [0], [0], [0, 0, 1, 0], [], []>, transpose_lhs_hint = false} : vector<6400x16xf32>, vector<128x16xf32>, vector<6400x128xf32> -> vector<6400x128xf32>
    %get3A_6 = arith.constant 0 : index
    %get3A_7 = arith.constant 0 : index
    %get3A_8 = vector.load %arg3[%get3A_6, %get3A_7] : memref<1x128xf32, #tpu.memory_space<vmem>>, vector<1x128xf32>
    %add3A = vector.broadcast %get3A_8 : vector<1x128xf32> to vector<6400x128xf32>
    %add3A_9 = arith.addf %dot_general3A_5, %add3A : vector<6400x128xf32>
    %slice3A = vector.extract_strided_slice %add3A_9 {offsets = [0, 0], sizes = [6400, 64], strides = [1, 1]} : vector<6400x128xf32> to vector<6400x64xf32>
    %convert_element_type3A = arith.truncf %slice3A : vector<6400x64xf32> to vector<6400x64xbf16>
    %bitcast_convert_type3A = tpu.bitcast %convert_element_type3A : vector<6400x64xbf16> -> vector<6400x64xi16>
    %convert_element_type3A_10 = arith.extui %bitcast_convert_type3A : vector<6400x64xi16> to vector<6400x64xi32>
    %slice3A_11 = vector.extract_strided_slice %add3A_9 {offsets = [0, 64], sizes = [6400, 64], strides = [1, 1]} : vector<6400x128xf32> to vector<6400x64xf32>
    %convert_element_type3A_12 = arith.truncf %slice3A_11 : vector<6400x64xf32> to vector<6400x64xbf16>
    %bitcast_convert_type3A_13 = tpu.bitcast %convert_element_type3A_12 : vector<6400x64xbf16> -> vector<6400x64xi16>
    %convert_element_type3A_14 = arith.extui %bitcast_convert_type3A_13 : vector<6400x64xi16> to vector<6400x64xi32>
    %shift_left3A = arith.constant 16 : i32
    %shift_left3A_15 = vector.broadcast %shift_left3A : i32 to vector<6400x64xi32>
    %shift_left3A_16 = arith.shli %convert_element_type3A_14, %shift_left3A_15 : vector<6400x64xi32>
    %or3A = arith.ori %convert_element_type3A_10, %shift_left3A_16 : vector<6400x64xi32>
    %bitcast_convert_type3A_17 = tpu.bitcast %or3A : vector<6400x64xi32> -> vector<6400x64xi32>
    %swap3A = arith.constant 0 : index
    %swap3A_18 = arith.constant 0 : index
    %swap3A_19 = vector.load %arg4[%swap3A, %swap3A_18] : memref<6400x64xi32, #tpu.memory_space<vmem>>, vector<6400x64xi32>
    tpu.vector_store %arg4[%swap3A, %swap3A_18], %bitcast_convert_type3A_17 {strides = array<i32>} : memref<6400x64xi32, #tpu.memory_space<vmem>>, vector<6400x64xi32>,
    return
  }
  func.func @transform_0(%arg0: i32) -> (i32, i32) {
    %c0_i32 = arith.constant 0 : i32
    %c0_i32_0 = arith.constant 0 : i32
    return %arg0, %c0_i32 : i32, i32
  }
  func.func @transform_1(%arg0: i32) -> (i32, i32) {
    %c0_i32 = arith.constant 0 : i32
    %c0_i32_0 = arith.constant 0 : i32
    %c0_i32_1 = arith.constant 0 : i32
    return %c0_i32, %c0_i32_0 : i32, i32
  }
  func.func @transform_2(%arg0: i32) -> (i32, i32) {
    %c0_i32 = arith.constant 0 : i32
    %c0_i32_0 = arith.constant 0 : i32
    %c0_i32_1 = arith.constant 0 : i32
    return %c0_i32, %c0_i32_0 : i32, i32
  }
  func.func @transform_3(%arg0: i32) -> (i32, i32) {
    %c0_i32 = arith.constant 0 : i32
    %c0_i32_0 = arith.constant 0 : i32
    return %arg0, %c0_i32 : i32, i32
  }
}

module attributes {stable_mosaic.version = 14 : i64} {
  func.func @_combine_body(%arg0: i32, %arg1: memref<2x2000x128xf32, #tpu.memory_space<vmem>>, %arg2: memref<2000x128xf32, #tpu.memory_space<vmem>>) attributes {dimension_semantics = [#tpu.dimension_semantics<arbitrary>], iteration_bounds = array<i64: 5>, scalar_prefetch = 0 : i64, scratch_operands = 0 : i64, tpu.core_type = #tpu.core_type<tc>, window_params = [{transform_indices = @transform_0, window_bounds = array<i64: 2, 2000, 128>}, {transform_indices = @transform_1, window_bounds = array<i64: 2000, 128>}]} {
    %get3A = arith.constant 0 : index
    %get3A_0 = arith.constant 0 : index
    %get3A_1 = arith.constant 0 : index
    %get3A_2 = vector.load %arg1[%get3A, %get3A_0, %get3A_1] : memref<2x2000x128xf32, #tpu.memory_space<vmem>>, vector<1x2000x128xf32>
    %get3A_3 = vector.shape_cast %get3A_2 : vector<1x2000x128xf32> to vector<2000x128xf32>
    %get3A_4 = arith.constant 1 : index
    %get3A_5 = arith.constant 0 : index
    %get3A_6 = arith.constant 0 : index
    %get3A_7 = vector.load %arg1[%get3A_4, %get3A_5, %get3A_6] : memref<2x2000x128xf32, #tpu.memory_space<vmem>>, vector<1x2000x128xf32>
    %get3A_8 = vector.shape_cast %get3A_7 : vector<1x2000x128xf32> to vector<2000x128xf32>
    %add3A = arith.addf %get3A_3, %get3A_8 : vector<2000x128xf32>
    %swap3A = arith.constant 0 : index
    %swap3A_9 = arith.constant 0 : index
    %swap3A_10 = vector.load %arg2[%swap3A, %swap3A_9] : memref<2000x128xf32, #tpu.memory_space<vmem>>, vector<2000x128xf32>
    tpu.vector_store %arg2[%swap3A, %swap3A_9], %add3A {strides = array<i32>} : memref<2000x128xf32, #tpu.memory_space<vmem>>, vector<2000x128xf32>,
    return
  }
  func.func @transform_0(%arg0: i32) -> (i32, i32, i32) {
    %c0_i32 = arith.constant 0 : i32
    %c0_i32_0 = arith.constant 0 : i32
    %c0_i32_1 = arith.constant 0 : i32
    return %c0_i32, %arg0, %c0_i32_0 : i32, i32, i32
  }
  func.func @transform_1(%arg0: i32) -> (i32, i32) {
    %c0_i32 = arith.constant 0 : i32
    %c0_i32_0 = arith.constant 0 : i32
    return %arg0, %c0_i32 : i32, i32
  }
}

</mosaic_0001>

<sc_bundles>
// kernel: kernel.6.cloned.1.call-start
scs
__scs_entry_jumppad:
0x0: {  	(pc) =	sbr.rel $0x88, $3  }
0x1: {  	(tag) =	ssettag $0x0;
	lr =	simm.s32 $0x1  }
0x2: {  	[smem:$0x3F9C] =	sst lr;
	_ =	strace $0xD0000000  }
0x3: {  	_ = 	snop  }
0x4: {  	_ = 	snop  }
0x5: {  	_ = 	snop  }
0x6: {  	_ = 	snop  }
0x7: {  	_ = 	snop  }
__scs_overlays_trampoline_lowered:
0x8: {  	[smem:$0x3FAB] =	sst s0  }
0x9: {  	[smem:$0x3FAC] =	sst s1  }
0xa: {  	[smem:$0x3FAD] =	sst s2  }
0xb: {  	[smem:$0x3FAE] =	sst s3  }
0xc: {  	[smem:$0x3FAF] =	sst s4  }
0xd: {  	[smem:$0x3FB0] =	sst s5  }
0xe: {  	[smem:$0x3FB1] =	sst s6  }
0xf: {  	[smem:$0x3FB2] =	sst s7  }
0x10: {  	[smem:$0x3FB3] =	sst s8  }
0x11: {  	[smem:$0x3FB4] =	sst s9;
	s0 =	simm.s32 @!p0 $0x0  }
0x12: {  	s1 =	sld [smem:$0x3F9A];
	s0 =	simm.s32 @p0 $0x1  }
0x13: {  	[smem:$0x3FB5] =	sst s0;
	s0 =	simm.s32 @!p1 $0x0  }
0x14: {  	s2 =	sld [smem:$0x3F99];
	s0 =	simm.s32 @p1 $0x1  }
0x15: {  	[smem:$0x3FB6] =	sst s0;
	s0 =	simm.s32 @!p2 $0x0  }
0x16: {  	s3 =	sld [smem:$0x3FDB];
	s0 =	simm.s32 @p2 $0x1  }
0x17: {  	s4 =	simm.s32 $0x1BF5;
	[smem:$0x3FB8] =	sst s0  }
0x18: {  	s0 =	sld [smem:$0x3F9B];
	_ =	swait.ge [sflag:s4], $0x0  }
0x19: {  	s7 =	sld [smem:$0x3F9C]  }
0x1a: {  	s8 =	sadd.s32 $0xFFFFE003, lr  }
0x1b: {  	s9 =	sadd.s32 $0xFFFFFEF7, lr;
	s5 =	simm.s32 $0xFFFFFFFF;
	p2 =	slt.u32 s8, $0xFFFFF086  }
0x1c: {  	p1 =	slt.u32 s9, $0xF7A;
	s5 =	simm.s32 @!p2 $0x0  }
0x1d: {  	s5 =	simm.s32 @p1 $0x1;
	p0 =	seq.s32 s7, s2  }
0x1e: {  	s7 =	smul.u32 @!p0 $0xF7A, s2;
	p2 =	seq.s32 @!p0 s5, $0x0  }
0x1f: {  	s9 =	smul.u32 $0xF7A, s1;
	s8 =	simm.s32 @!p0 $0x1BF5;
	p2 =	por !p2, p0  }
0x20: {  	[sflag:s8] =	ssyncset.s32 @!p0 $0xFFFFF086;
	s6 =	sadd.s32 @!p0 s3, s7;
	s7 =	simm.s32 @!p0 $0x108  }
0x21: {  	s3 =	sadd.s32 s3, s9;
	s6 =	sadd.s32 @!p0 $0x88, s6;
	s7 =	simm.s32 @p2 $0x1082  }
0x22: {  	[simem:s7], [sflag:s8] =	dma.local @!p0 [hbm:s6], $0xF7A  }
0x23: {  	s9 =	sor.u32 $0xD0000000, s2;
	s6 =	simm.s32 $0x108;
	_ =	swait.ge @!p0 [sflag:s8], $0x0  }
0x24: {  	s3 =	sadd.s32 $0x88, s3;
	s6 =	simm.s32 @!p1 $0x1082;
	[sflag:s4] =	ssyncset.s32 $0xFFFFF086  }
0x25: {  	[simem:s6], [sflag:s4] =	dma.local [hbm:s3], $0xF7A  }
0x26: {  	[smem:$0x3F9C] =	sst s1;
	(tag) =	ssettag s2;
	_ =	strace s9  }
0x27: {  	s1 =	sld [smem:$0x3FAC]  }
0x28: {  	s2 =	sld [smem:$0x3FAD]  }
0x29: {  	s4 =	sld [smem:$0x3FAF]  }
0x2a: {  	p0 =	seq.s32 s5, $0x0;
	s5 =	sld [smem:$0x3FB0]  }
0x2b: {  	s6 =	sld [smem:$0x3FB1]  }
0x2c: {  	s7 =	sld [smem:$0x3FB2]  }
0x2d: {  	s3 =	simm.s32 $0x108;
	s8 =	sld [smem:$0x3FB3]  }
0x2e: {  	s3 =	simm.s32 @!p0 $0x1082;
	s9 =	sld [smem:$0x3FB4]  }
0x2f: {  	lr =	sadd.s32 s0, s3;
	s0 =	sld [smem:$0x3FAB]  }
0x30: {  	s3 =	sld [smem:$0x3FAE]  }
0x31: {  	[smem:$0x3FB7] =	sst s10  }
0x32: {  	s10 =	sld [smem:$0x3FB5];
	_ =	sdelay $0x3  }
0x33: {  	p0 =	seq.s32 s10, $0x1;
	s10 =	sld [smem:$0x3FB7];
	_ =	sdelay $0x3  }
0x34: {  	[smem:$0x3FB7] =	sst s10  }
0x35: {  	s10 =	sld [smem:$0x3FB6];
	_ =	sdelay $0x3  }
0x36: {  	p1 =	seq.s32 s10, $0x1;
	s10 =	sld [smem:$0x3FB7];
	_ =	sdelay $0x3  }
0x37: {  	[smem:$0x3FB7] =	sst s10  }
0x38: {  	s10 =	sld [smem:$0x3FB8]  }
0x39: {  	_ = 	snop;
	(pc) =	sbr.ind lr, $3  }
0x3a: {  	_ = 	snop  }
0x3b: {  	_ = 	snop  }
0x3c: {  	p2 =	seq.s32 s10, $0x1;
	s10 =	sld [smem:$0x3FB7]  }
0x3d: {  	_ =	shalt  }
0x3e: {  	_ =	shalt  }
0x3f: {  	_ =	shalt  }
0x40: {  	_ =	shalt  }
0x41: {  	_ =	shalt  }
0x42: {  	_ =	shalt  }
0x43: {  	_ =	shalt  }
0x44: {  	_ =	shalt  }
0x45: {  	_ =	shalt  }
0x46: {  	_ =	shalt  }
0x47: {  	_ =	shalt  }
0x48: {  	_ =	shalt  }
0x49: {  	_ =	shalt  }
0x4a: {  	_ =	shalt  }
0x4b: {  	_ =	shalt  }
0x4c: {  	_ =	shalt  }
0x4d: {  	_ =	shalt  }
0x4e: {  	_ =	shalt  }
0x4f: {  	_ =	shalt  }
0x50: {  	_ =	shalt  }
0x51: {  	_ =	shalt  }
0x52: {  	_ =	shalt  }
0x53: {  	_ =	shalt  }
0x54: {  	_ =	shalt  }
0x55: {  	_ =	shalt  }
0x56: {  	_ =	shalt  }
0x57: {  	_ =	shalt  }
0x58: {  	_ =	shalt  }
0x59: {  	_ =	shalt  }
0x5a: {  	_ =	shalt  }
0x5b: {  	_ =	shalt  }
0x5c: {  	_ =	shalt  }
0x5d: {  	_ =	shalt  }
0x5e: {  	_ =	shalt  }
0x5f: {  	_ =	shalt  }
0x60: {  	_ =	shalt  }
0x61: {  	_ =	shalt  }
0x62: {  	_ =	shalt  }
0x63: {  	_ =	shalt  }
0x64: {  	_ =	shalt  }
0x65: {  	_ =	shalt  }
0x66: {  	_ =	shalt  }
0x67: {  	_ =	shalt  }
0x68: {  	_ =	shalt  }
0x69: {  	_ =	shalt  }
0x6a: {  	_ =	shalt  }
0x6b: {  	_ =	shalt  }
0x6c: {  	_ =	shalt  }
0x6d: {  	_ =	shalt  }
0x6e: {  	_ =	shalt  }
0x6f: {  	_ =	shalt  }
0x70: {  	_ =	shalt  }
0x71: {  	_ =	shalt  }
0x72: {  	_ =	shalt  }
0x73: {  	_ =	shalt  }
0x74: {  	_ =	shalt  }
0x75: {  	_ =	shalt  }
0x76: {  	_ =	shalt  }
0x77: {  	_ =	shalt  }
0x78: {  	_ =	shalt  }
0x79: {  	_ =	shalt  }
0x7a: {  	_ =	shalt  }
0x7b: {  	_ =	shalt  }
0x7c: {  	_ =	shalt  }
0x7d: {  	_ =	shalt  }
0x7e: {  	_ =	shalt  }
0x7f: {  	_ =	shalt  }
0x80: {  	_ =	shalt  }
0x81: {  	_ =	shalt  }
0x82: {  	_ =	shalt  }
0x83: {  	_ =	shalt  }
0x84: {  	_ =	shalt  }
0x85: {  	_ =	shalt  }
0x86: {  	_ =	shalt  }
0x87: {  	_ =	shalt  }
.Lfunc_end0:
.L_simem_size_0:
called_computation_lowered:
.L_overlay_start_0:
0x88: {  	s2 =	sld [smem:$0x3FD9]  }
0x89: {  	s3 =	sld [smem:$0x3FFE];
	_ =	sdelay $0x1  }
0x8a: {  	s1 =	srdreg.scid  }
0x8b: {  	s0 =	sand.u32 $0x1, s1  }
0x8c: {  	s17 =	sshll.u32 s0, $0xA;
	s2 =	sadd.s32 s3, s2  }
0x8d: {  	s2 =	sadd.s32 s2, s17  }
0x8e: {  	[smem:$0x3FC3] =	sst s2  }
0x8f: {  	_ = 	snop  }
0x90: {  	s2 =	sld [smem:$0x3FD0];
	(tm) =	ssettm $0x1  }
0x91: {  	s18 =	sld [smem:$0x3FFB];
	_ =	sdelay $0x3  }
0x92: {  	_ =	strace s18  }
0x93: {  	s3 =	sld [smem:$0x3FFC];
	_ =	sdelay $0x3  }
0x94: {  	_ =	strace s3  }
0x95: {  	s3 =	sld [smem:$0x3FFD];
	_ =	sdelay $0x3  }
0x96: {  	_ =	strace s3  }
0x97: {  	_ =	strace $0x8FFFFFFF  }
0x98: {  	s19 =	sld [smem:$0x3FDB];
	_ =	sdelay $0x1  }
0x99: {  	s4 =	simm.s32 $_scs_section_size  }
0x9a: {  	s5 =	simm.s32 $_size__tile_overlayer_lowered;
	s6 =	simm.s32 $_tile_overlayer_lowered  }
0x9b: {  	s22 =	simm.s32 $0x1BFF;
	s21 =	sshll.u32 s6, $0x1;
	s3 =	sadd.s32 s4, s19  }
0x9c: {  	s7 =	simm.s32 $0x0;
	s20 =	sshll.u32 s5, $0x1;
	s5 =	sadd.s32 s21, s3  }
0x9d: {  	[timem:s7], [sflag:s22] =	dma.local [hbm:s5], s20  }
0x9e: {  	_ =	swait.ge [sflag:s22], s20  }
0x9f: {  	s4 =	ssub.s32 $0x0, s20;
	[sflag:s22] =	ssyncset.done $0x0  }
0xa0: {  	[sflag:s22] =	ssyncadd.s32 s4;
	_ =	sdelay $0x1  }
0xa1: {  	s23 =	simm.s32 $0x1B8B  }
0xa2: {  	_ =	swait.ge [sflag:s23], $0x1  }
0xa3: {  	[sflag:s23] =	ssyncset.done $0x0  }
0xa4: {  	s25 =	simm.s32 $0x1B8E;
	s24 =	sld [smem:$0x3FFE];
	[sflag:s23] =	ssyncadd.s32 $0xFFFFFFFF  }
0xa5: {  	s26 =	simm.s32 $execute0_lowered;
	[smem:$0x3FD2] =	sst s25  }
0xa6: {  	s5 =	sshll.u32 s26, $0x1;
	_ =	strace $0x80000046;
	[dreg:$0x1] =	wrdreg $0xFFFFFFFF  }
0xa7: {  	s28 =	simm.s32 $_size_execute0_lowered;
	s3 =	sadd.s32 s3, s5;
	[dreg:$0x0] =	wrdreg $0x0  }
0xa8: {  	s5 =	sshll.u32 s28, $0x1;
	[dreg:$0x2] =	wrdreg s3  }
0xa9: {  	[dreg:$0x3] =	wrdreg s5  }
0xaa: {  	[dreg:$0x4] =	wrdreg $0xC0  }
0xab: {  	_ =	task [dreg:s7], $0x5FFFF  }
0xac: {  	[dreg:$0x1] =	wrdreg $0xFFFFFFFF  }
0xad: {  	[dreg:$0x0] =	wrdreg $0x60  }
0xae: {  	[dreg:$0x2] =	wrdreg s2  }
0xaf: {  	[dreg:$0x3] =	wrdreg s24  }
0xb0: {  	[dreg:$0x4] =	wrdreg $0x8F000  }
0xb1: {  	[dreg:$0x5] =	wrdreg $0x9  }
0xb2: {  	_ =	task.clear_ibuf [dreg:s7], $0x6FFFF;
	_ =	strace $0x90000046  }
0xb3: {  	s29 =	simm.s32 $0x9;
	_ =	strace $0x80000048  }
0xb4: {  	_ =	swait.ge [sflag:s29], $0x1  }
0xb5: {  	[sflag:s29] =	ssyncadd.s32 $0xFFFFFFFF  }
0xb6: {  	_ =	strace $0x90000048  }
0xb7: {  	_ =	sfence  }
0xb8: {  	s30 =	sld [smem:$0x0];
	_ =	sdelay $0x2  }
0xb9: {  	s31 =	sshll.u32 s1, $0xD;
	s1 =	sshrl.u32 s1, $0x2  }
0xba: {  	s3 =	sand.u32 $0x4000, s31;
	s1 =	sadd.s32 s1, s30  }
0xbb: {  	s0 =	sor.u32 s3, s0;
	s1 =	sshll.u32 s1, $0x11  }
0xbc: {  	s0 =	sor.u32 s1, s0  }
0xbd: {  	s0 =	sadd.s32 $0x8F2B, s0  }
0xbe: {  	[sflag:s0] =	ssyncadd.remote.s32 $0x1  }
0xbf: {  	_ =	sfence.sel $0xFFFF  }
0xc0: {  	[dreg:$0x0] =	wrdreg $0xFFFFFFFF;
	(pc) =	sbr.abs _section_cstart, $3  }
0xc1: {  	[dreg:$0x1] =	wrdreg $0xFFFFFFFF  }
0xc2: {  	_ =	task.clear_ibuf [dreg:s7], $0x2FFFF;
	_ =	strace $0x9FFFFFFF  }
0xc3: {  	(tm) =	ssettm $0x7FFFFFFF  }
tec
execute0_lowered:
.L_overlay_start_1:
0x0: {  	(tag) =	ssettag $0x1  }
0x1: {  	s0 =	rddreg [dreg:$0x1]  }
0x2: {  	s14 =	rddreg [dreg:$0x2]  }
0x3: {  	s4 =	simm.s32 $0x0;
	s13 =	stileid.u32;
	s1 =	srdreg.scid  }
0x4: {  	s31 =	simm.s32 $0x180;
	s30 =	simm.s32 $0x2B00;
	s28 =	simm.s32 $0x5  }
0x5: {  	[smem:$0x7FF] =	sst s4;
	s2 =	smul.u32 $0x14000, s13;
	s1 =	sand.u32 $0x1, s1  }
0x6: {  	s5 =	sadd.s32 $0xB000, s0;
	s8 =	sshll.u32 s13, $0x1;
	s24 =	smul.u32 $0x50000, s13  }
0x7: {  	s6 =	sadd.s32 $0x1200, s0;
	s7 =	sadd.s32 $0x4F6E00, s0;
	s3 =	smul.u32 $0x140000, s1  }
0x8: {  	s15 =	smov.u32 s14;
	s8 =	sor.u32 s1, s8;
	s1 =	ssub.s32 $0x2, s1  }
0x9: {  	s9 =	sshrl.u32 s2, $0x3;
	s2 =	sadd.s32 s2, s3;
	s3 =	smul.u32 $0x2710, s8  }
0xa: {  	_ =	strace $0x80000047;
	s19 =	sshrl.u32 s1, $0x1;
	s8 =	smul.u32 $0x27100, s8  }
0xb: {  	s9 =	sadd.s32 s9, s0;
	s1 =	ssub.s32 s1, s19;
	s2 =	sshrl.u32 s2, $0x3  }
0xc: {  	s0 =	sadd.s32 s2, s0;
	s11 =	sshrl.u32 s3, $0x3;
	s23 =	sadd.s32 s7, s8  }
0xd: {  	s2 =	sshrl.u32 s24, $0x2;
	s24 =	sadd.s32 $0x118, s3;
	[dreg:$0x7] =	wrdreg s23  }
0xe: {  	s10 =	sadd.s32 $0x28, s3;
	s20 =	sadd.s32 s5, s11;
	[dreg:$0x15] =	wrdreg s24  }
0xf: {  	s29 =	sadd.s32 $0x50, s3;
	s22 =	sadd.s32 s6, s11;
	[dreg:$0x4] =	wrdreg s20  }
0x10: {  	s17 =	sadd.s32 $0x78, s3;
	s2 =	sadd.s32 s2, s14;
	[dreg:$0x6] =	wrdreg s22  }
0x11: {  	s12 =	sshrl.u32 s10, $0x3;
	s23 =	sadd.s32 $0xF0, s3;
	[dreg:$0xa] =	wrdreg s2  }
0x12: {  	s11 =	sshrl.u32 s29, $0x3;
	s0 =	sadd.s32 $0x3CE00, s0;
	[dreg:$0x14] =	wrdreg s23  }
0x13: {  	s16 =	sshll.u32 s29, $0x4;
	s29 =	smax.u32 s1, $0x1;
	[dreg:$0x18] =	wrdreg s0  }
0x14: {  	s26 =	sshll.u32 s10, $0x4;
	s21 =	sadd.s32 s5, s12;
	[dreg:$0x19] =	wrdreg s29  }
0x15: {  	s18 =	sshrl.u32 s17, $0x3;
	s25 =	sadd.s32 s6, s12;
	[dreg:$0x5] =	wrdreg s21  }
0x16: {  	s10 =	simm.s32 $0x6;
	s8 =	sadd.s32 s7, s26;
	[dreg:$0x8] =	wrdreg s25  }
0x17: {  	s1 =	simm.s32 $0x0;
	s12 =	sadd.s32 $0x14E00, s9;
	[dreg:$0x9] =	wrdreg s8  }
0x18: {  	s13 =	sadd.s32 s5, s11;
	s14 =	sadd.s32 s6, s11;
	[dreg:$0xb] =	wrdreg s12  }
0x19: {  	s2 =	sadd.s32 s7, s16;
	s19 =	sadd.s32 s5, s18;
	[dreg:$0xc] =	wrdreg s13  }
0x1a: {  	s22 =	sadd.s32 $0xC8, s3;
	s26 =	sadd.s32 $0x168, s3;
	[dreg:$0xd] =	wrdreg s14  }
0x1b: {  	s11 =	simm.s32 $0x28;
	s23 =	simm.s32 $0x2;
	[dreg:$0xe] =	wrdreg s2  }
0x1c: {  	s9 =	simm.s32 $0xD;
	s8 =	sshll.u32 s17, $0x4;
	[dreg:$0xf] =	wrdreg s19  }
0x1d: {  	s2 =	sadd.s32 s6, s18;
	s21 =	sadd.s32 $0xA0, s3;
	[dreg:$0x13] =	wrdreg s22  }
0x1e: {  	s25 =	sadd.s32 $0x140, s3;
	[dreg:$0x17] =	wrdreg s26;
	s3 =	simm.s32 $0xE  }
0x1f: {  	s17 =	simm.s32 $0x9;
	s18 =	simm.s32 $0x3;
	[dreg:$0x10] =	wrdreg s2  }
0x20: {  	s19 =	simm.s32 $0x1;
	s13 =	simm.s32 $0xA;
	[dreg:$0x12] =	wrdreg s21  }
0x21: {  	s22 =	simm.s32 $0x4;
	s20 =	sadd.s32 s7, s8;
	[dreg:$0x16] =	wrdreg s25  }
0x22: {  	s26 =	simm.s32 $0xB;
	s25 =	simm.s32 $0xC;
	[dreg:$0x11] =	wrdreg s20  }
.LBB2_1:
0x23: {  	[dreg:$0x1a] =	wrdreg s1  }
0x24: {  	s0 =	rddreg [dreg:$0x4]  }
0x25: {  	[tilespmem:s4], [sflag:$0x6] =	stream.linear.gather [hbm4b:s0+s4], $0x28, $0x38;
	[tilespmem:$0x1CF00] =	vst v63  }
0x26: {  	s8 =	rddreg [dreg:$0x5];
	s2 =	simm.s32 $0x80  }
0x27: {  	[tilespmem:s2], [sflag:$0x7] =	stream.linear.gather [hbm4b:s8+s4], $0x28, $0x38;
	[tilespmem:$0x1CF00] =	vst v63  }
0x28: {  	s12 =	rddreg [dreg:$0x6]  }
0x29: {  	[tilespmem:s31], [sflag:$0x9] =	stream.linear.gather [hbm4b:s12+s4], $0x28, $0x38;
	[tilespmem:$0x1CF00] =	vst v63  }
0x2a: {  	s14 =	rddreg [dreg:$0x7];
	s8 =	stileid.u32  }
0x2b: {  	[tilespmem:s30], [sflag:$0x3] =	stream.linear.gather [hbm4b:s14+s4], $0x1400, $0x38;
	[tilespmem:$0x1CF00] =	vst v63  }
0x2c: {  	s16 =	rddreg [dreg:$0x8];
	s20 =	simm.s32 $0x200;
	s0 =	sshll.u32 s8, $0x6  }
0x2d: {  	[tilespmem:s20], [sflag:$0xA] =	stream.linear.gather [hbm4b:s16+s4], $0x28, $0x38;
	[tilespmem:$0x1CF00] =	vst v63  }
0x2e: {  	s21 =	rddreg [dreg:$0x9];
	s24 =	simm.s32 $0x3F00;
	s8 =	sor.u32 $0x1C0E, s0  }
0x2f: {  	[tilespmem:s24], [sflag:$0x4] =	stream.linear.gather [hbm4b:s21+s4], $0x1400, $0x38;
	[tilespmem:$0x1CF00] =	vst v63  }
0x30: {  	_ =	swait.ge [sflag:s10], $0x28;
	[dreg:$0x1b] =	wrdreg s8  }
0x31: {  	[sflag:s10] =	ssyncset.done $0x0;
	s12 =	rddreg [dreg:$0xa]  }
0x32: {  	s14 =	rddreg [dreg:$0xb];
	[sflag:s10] =	ssyncadd.s32 $0xFFFFFFD8  }
0x33: {  	s12 =	sshrl.u32 s12, $0x3;
	s1 =	rddreg [dreg:$0x0]  }
0x34: {  	s29 =	simm.s32 $0x300;
	[dreg:$0x1c] =	wrdreg s12  }
0x35: {  	[tilespmem:s29], [sflag:$0x1] =	stream.indirect.gather [hbm4b:s1+s11], $0x80, s4, s11, $0xb8;
	[tilespmem:$0x1CF00] =	vst v63  }
0x36: {  	[spmem:s12], [sflag:s8] =	dma.local [hbm:s14], $0x2800  }
0x37: {  	_ =	swait.ge [sflag:s3], $0x2800  }
0x38: {  	[sflag:s3] =	ssyncset.done $0x0  }
0x39: {  	[sflag:s3] =	ssyncadd.s32 $0xFFFFD800  }
0x3a: {  	[bflag:$0x0] =	sbarrier.arrive $0xFFFF  }
0x3b: {  	s20 =	simm.s32 $0x100;
	s21 =	simm.s32 $0x7;
	s16 =	rddreg [dreg:$0xc]  }
0x3c: {  	[tilespmem:s20], [sflag:$0x8] =	stream.linear.gather [hbm4b:s16+s4], $0x28, $0x38;
	[tilespmem:$0x1CF00] =	vst v63  }
0x3d: {  	_ =	swait.ge [sflag:s21], $0x28  }
0x3e: {  	[sflag:s21] =	ssyncset.done $0x0  }
0x3f: {  	s24 =	simm.s32 $0x1700;
	[sflag:s21] =	ssyncadd.s32 $0xFFFFFFD8  }
0x40: {  	[tilespmem:s24], [sflag:$0x2] =	stream.indirect.gather [hbm4b:s1+s11], $0x80, s2, s11, $0xb8;
	[tilespmem:$0x1CF00] =	vst v63  }
0x41: {  	_ =	swait.ge [sflag:s17], $0x28  }
0x42: {  	[sflag:s17] =	ssyncset.done $0x0  }
0x43: {  	[sflag:s17] =	ssyncadd.s32 $0xFFFFFFD8  }
0x44: {  	_ =	swait.ge [sflag:s18], $0x1400  }
0x45: {  	[sflag:s18] =	ssyncset.done $0x0  }
0x46: {  	[sflag:s18] =	ssyncadd.s32 $0xFFFFEC00  }
0x47: {  	_ =	swait.ge [sflag:s19], $0x1400  }
0x48: {  	[sflag:s19] =	ssyncset.done $0x0  }
0x49: {  	s29 =	simm.s32 $0x2C00;
	[sflag:s19] =	ssyncadd.s32 $0xFFFFEC00  }
0x4a: {  	s12 =	simm.s32 $0x400;
	v0 =	vld [tilespmem:s29+$0x80]  }
0x4b: {  	v1 =	vld [tilespmem:s12+$0x80];
	_ =	sdelay $0x2  }
0x4c: {  	v2 =	vld [tilespmem:s29+$0xFFFFFF80]  }
0x4d: {  	v3 =	vld [tilespmem:s29+$0xFFFFFF00];
	v4 =	vshll.u32 v0, $0x10  }
0x4e: {  	v5 =	vld [tilespmem:s12+$0xFFFFFF00];
	v1 =	vadd.f32 v4, v1  }
0x4f: {  	v4 =	vld [tilespmem:s12+$0xFFFFFF80]  }
0x50: {  	s2 =	simm.s32 $0x6800;
	v1 =	vmax.f32 v1, $0.0e+00  }
0x51: {  	[tilespmem:s2+$0x80] =	vst v1  }
0x52: {  	v1 =	vshll.u32 v3, $0x10;
	v6 =	vld [tilespmem:s12+$0xC0]  }
0x53: {  	v7 =	vshll.u32 v2, $0x10;
	v1 =	vadd.f32 v1, v5  }
0x54: {  	v4 =	vadd.f32 v7, v4  }
0x55: {  	v5 =	vld [tilespmem:s29+$0x0];
	v1 =	vmax.f32 v1, $0.0e+00  }
0x56: {  	v0 =	vand.u32 $0xFFFF0000, v0;
	v7 =	vld [tilespmem:s12+$0x0];
	[tilespmem:s2+$0xFFFFFF00] =	vst v1;
	v1 =	vmax.f32 v4, $0.0e+00  }
0x57: {  	v4 =	vld [tilespmem:s12+$0xFFFFFF40];
	[tilespmem:s2+$0xFFFFFF80] =	vst v1;
	v0 =	vadd.f32 v0, v6  }
0x58: {  	v1 =	vld [tilespmem:s12+$0xFFFFFFC0]  }
0x59: {  	v0 =	vmax.f32 v0, $0.0e+00  }
0x5a: {  	v6 =	vshll.u32 v5, $0x10;
	[tilespmem:s2+$0xC0] =	vst v0  }
0x5b: {  	v0 =	vand.u32 $0xFFFF0000, v3;
	v3 =	vadd.f32 v6, v7;
	v6 =	vld [tilespmem:s29+$0x90]  }
0x5c: {  	v2 =	vand.u32 $0xFFFF0000, v2;
	v0 =	vadd.f32 v0, v4;
	v4 =	vld [tilespmem:s12+$0x90]  }
0x5d: {  	v3 =	vmax.f32 v3, $0.0e+00;
	v1 =	vadd.f32 v2, v1  }
0x5e: {  	[tilespmem:s2+$0x0] =	vst v3;
	v0 =	vmax.f32 v0, $0.0e+00  }
0x5f: {  	v2 =	vld [tilespmem:s12+$0x40];
	[tilespmem:s2+$0xFFFFFF40] =	vst v0;
	v0 =	vmax.f32 v1, $0.0e+00  }
0x60: {  	v1 =	vld [tilespmem:s29+$0xFFFFFF10];
	[tilespmem:s2+$0xFFFFFFC0] =	vst v0;
	v0 =	vshll.u32 v6, $0x10  }
0x61: {  	v3 =	vld [tilespmem:s29+$0xFFFFFF90];
	v0 =	vadd.f32 v0, v4  }
0x62: {  	v4 =	vld [tilespmem:s12+$0xFFFFFF10]  }
0x63: {  	v7 =	vld [tilespmem:s12+$0xFFFFFF90];
	v0 =	vmax.f32 v0, $0.0e+00  }
0x64: {  	v5 =	vand.u32 $0xFFFF0000, v5;
	[tilespmem:s2+$0x90] =	vst v0  }
0x65: {  	v0 =	vadd.f32 v5, v2;
	v2 =	vld [tilespmem:s12+$0xD0]  }
0x66: {  	v5 =	vshll.u32 v1, $0x10  }
0x67: {  	v8 =	vshll.u32 v3, $0x10;
	v0 =	vmax.f32 v0, $0.0e+00;
	v4 =	vadd.f32 v5, v4  }
0x68: {  	[tilespmem:s2+$0x40] =	vst v0;
	v0 =	vadd.f32 v8, v7  }
0x69: {  	v6 =	vand.u32 $0xFFFF0000, v6;
	v5 =	vld [tilespmem:s29+$0x10];
	v4 =	vmax.f32 v4, $0.0e+00  }
0x6a: {  	v7 =	vld [tilespmem:s12+$0x10];
	[tilespmem:s2+$0xFFFFFF10] =	vst v4;
	v0 =	vmax.f32 v0, $0.0e+00;
	v2 =	vadd.f32 v6, v2  }
0x6b: {  	v4 =	vld [tilespmem:s12+$0xFFFFFF50];
	[tilespmem:s2+$0xFFFFFF90] =	vst v0  }
0x6c: {  	v0 =	vld [tilespmem:s12+$0xFFFFFFD0];
	v2 =	vmax.f32 v2, $0.0e+00  }
0x6d: {  	[tilespmem:s2+$0xD0] =	vst v2  }
0x6e: {  	v2 =	vshll.u32 v5, $0x10;
	v6 =	vld [tilespmem:s29+$0xA0]  }
0x6f: {  	v1 =	vand.u32 $0xFFFF0000, v1;
	v2 =	vadd.f32 v2, v7;
	v7 =	vld [tilespmem:s12+$0xA0]  }
0x70: {  	v3 =	vand.u32 $0xFFFF0000, v3;
	v1 =	vadd.f32 v1, v4  }
0x71: {  	v0 =	vadd.f32 v3, v0  }
0x72: {  	s16 =	simm.s32 $0x2E00;
	v1 =	vmax.f32 v1, $0.0e+00  }
0x73: {  	v9 =	vld [tilespmem:s16+$0x0];
	[tilespmem:s2+$0xFFFFFF50] =	vst v1;
	v0 =	vmax.f32 v0, $0.0e+00;
	v1 =	vshll.u32 v6, $0x10  }
0x74: {  	s20 =	simm.s32 $0x600;
	v10 =	vld [tilespmem:s16+$0xFFFFFF00];
	[tilespmem:s2+$0xFFFFFFD0] =	vst v0;
	v0 =	vadd.f32 v1, v7  }
0x75: {  	v12 =	vld [tilespmem:s20+$0xFFFFFF00]  }
0x76: {  	v4 =	vld [tilespmem:s16+$0x80];
	v0 =	vmax.f32 v0, $0.0e+00  }
0x77: {  	v7 =	vld [tilespmem:s20+$0x80];
	[tilespmem:s2+$0xA0] =	vst v0  }
0x78: {  	v2 =	vmax.f32 v2, $0.0e+00;
	v0 =	vld [tilespmem:s12+$0xE0]  }
0x79: {  	v8 =	vld [tilespmem:s16+$0xFFFFFF80];
	[tilespmem:s2+$0x10] =	vst v2  }
0x7a: {  	v2 =	vld [tilespmem:s12+$0x50]  }
0x7b: {  	v3 =	vld [tilespmem:s29+$0xFFFFFF20];
	v11 =	vshll.u32 v4, $0x10  }
0x7c: {  	v6 =	vand.u32 $0xFFFF0000, v6;
	v1 =	vld [tilespmem:s29+$0xFFFFFFA0];
	v7 =	vadd.f32 v11, v7  }
0x7d: {  	v11 =	vld [tilespmem:s20+$0xFFFFFF80];
	v0 =	vadd.f32 v6, v0  }
0x7e: {  	s8 =	simm.s32 $0x6A00;
	v5 =	vand.u32 $0xFFFF0000, v5;
	v7 =	vmax.f32 v7, $0.0e+00;
	v6 =	vld [tilespmem:s20+$0x0]  }
0x7f: {  	v2 =	vadd.f32 v5, v2;
	v5 =	vld [tilespmem:s12+$0xFFFFFF20];
	[tilespmem:s8+$0x80] =	vst v7;
	v0 =	vmax.f32 v0, $0.0e+00  }
0x80: {  	v7 =	vshll.u32 v10, $0x10;
	v13 =	vld [tilespmem:s20+$0xC0];
	[tilespmem:s2+$0xE0] =	vst v0  }
0x81: {  	v7 =	vadd.f32 v7, v12;
	v0 =	vmax.f32 v2, $0.0e+00;
	v2 =	vshll.u32 v8, $0x10;
	v57 =	vld [tilespmem:s29+$0xB0]  }
0x82: {  	[tilespmem:s2+$0x50] =	vst v0;
	v0 =	vshll.u32 v9, $0x10;
	v2 =	vadd.f32 v2, v11;
	v11 =	vld [tilespmem:s12+$0xB0]  }
0x83: {  	v15 =	vld [tilespmem:s12+$0xFFFFFFA0];
	v7 =	vmax.f32 v7, $0.0e+00;
	v0 =	vadd.f32 v0, v6  }
0x84: {  	[tilespmem:s8+$0xFFFFFF00] =	vst v7;
	v14 =	vld [tilespmem:s29+$0x20];
	v6 =	vshll.u32 v3, $0x10;
	v2 =	vmax.f32 v2, $0.0e+00  }
0x85: {  	v5 =	vadd.f32 v6, v5;
	v6 =	vld [tilespmem:s20+$0xFFFFFF40];
	[tilespmem:s8+$0xFFFFFF80] =	vst v2;
	v0 =	vmax.f32 v0, $0.0e+00;
	v2 =	vand.u32 $0xFFFF0000, v4  }
0x86: {  	v4 =	vld [tilespmem:s20+$0xFFFFFFC0];
	[tilespmem:s8+$0x0] =	vst v0;
	v0 =	vadd.f32 v2, v13;
	v2 =	vshll.u32 v57, $0x10  }
0x87: {  	v5 =	vmax.f32 v5, $0.0e+00;
	v7 =	vld [tilespmem:s20+$0x40];
	v2 =	vadd.f32 v2, v11  }
0x88: {  	v58 =	vld [tilespmem:s12+$0x20];
	[tilespmem:s2+$0xFFFFFF20] =	vst v5;
	v11 =	vshll.u32 v1, $0x10;
	v0 =	vmax.f32 v0, $0.0e+00  }
0x89: {  	v5 =	vand.u32 $0xFFFF0000, v10;
	v10 =	vld [tilespmem:s12+$0xFFFFFF60];
	v11 =	vadd.f32 v11, v15;
	[tilespmem:s8+$0xC0] =	vst v0;
	v0 =	vmax.f32 v2, $0.0e+00  }
0x8a: {  	v5 =	vadd.f32 v5, v6;
	v2 =	vand.u32 $0xFFFF0000, v8;
	v6 =	vld [tilespmem:s16+$0x90];
	[tilespmem:s2+$0xB0] =	vst v0  }
0x8b: {  	v0 =	vand.u32 $0xFFFF0000, v9;
	v8 =	vmax.f32 v11, $0.0e+00;
	v2 =	vadd.f32 v2, v4;
	v4 =	vld [tilespmem:s12+$0xF0]  }
0x8c: {  	v5 =	vmax.f32 v5, $0.0e+00;
	[tilespmem:s2+$0xFFFFFFA0] =	vst v8;
	v0 =	vadd.f32 v0, v7;
	v7 =	vld [tilespmem:s20+$0x90]  }
0x8d: {  	[tilespmem:s8+$0xFFFFFF40] =	vst v5;
	v5 =	vld [tilespmem:s12+$0xFFFFFFE0]  }
0x8e: {  	v2 =	vmax.f32 v2, $0.0e+00;
	v8 =	vld [tilespmem:s16+$0xFFFFFF10]  }
0x8f: {  	v59 =	vld [tilespmem:s20+$0xFFFFFF10];
	[tilespmem:s8+$0xFFFFFFC0] =	vst v2;
	v0 =	vmax.f32 v0, $0.0e+00;
	v2 =	vshll.u32 v14, $0x10  }
0x90: {  	v3 =	vand.u32 $0xFFFF0000, v3;
	v9 =	vld [tilespmem:s16+$0xFFFFFF90];
	[tilespmem:s8+$0x40] =	vst v0;
	v0 =	vadd.f32 v2, v58;
	v11 =	vshll.u32 v6, $0x10  }
0x91: {  	v3 =	vadd.f32 v3, v10;
	v10 =	vld [tilespmem:s20+$0xFFFFFF90];
	v7 =	vadd.f32 v11, v7  }
0x92: {  	v1 =	vand.u32 $0xFFFF0000, v1;
	v2 =	vld [tilespmem:s16+$0x10];
	v0 =	vmax.f32 v0, $0.0e+00  }
0x93: {  	[tilespmem:s2+$0x20] =	vst v0;
	v0 =	vadd.f32 v1, v5;
	v1 =	vld [tilespmem:s20+$0x10];
	v5 =	vmax.f32 v7, $0.0e+00  }
0x94: {  	v3 =	vmax.f32 v3, $0.0e+00;
	[tilespmem:s8+$0x90] =	vst v5;
	v5 =	vld [tilespmem:s12+$0x60]  }
0x95: {  	[tilespmem:s2+$0xFFFFFF60] =	vst v3;
	v3 =	vshll.u32 v8, $0x10;
	v0 =	vmax.f32 v0, $0.0e+00;
	v7 =	vld [tilespmem:s20+$0xD0]  }
0x96: {  	v60 =	vld [tilespmem:s29+$0xFFFFFF30];
	v11 =	vshll.u32 v9, $0x10;
	[tilespmem:s2+$0xFFFFFFE0] =	vst v0;
	v0 =	vadd.f32 v3, v59  }
0x97: {  	v3 =	vshll.u32 v2, $0x10;
	v10 =	vadd.f32 v11, v10;
	v11 =	vld [tilespmem:s29+$0xFFFFFFB0]  }
0x98: {  	v14 =	vand.u32 $0xFFFF0000, v14;
	v0 =	vmax.f32 v0, $0.0e+00;
	v1 =	vadd.f32 v3, v1;
	v3 =	vld [tilespmem:s12+$0xFFFFFF30]  }
0x99: {  	v6 =	vand.u32 $0xFFFF0000, v6;
	[tilespmem:s8+$0xFFFFFF10] =	vst v0;
	v0 =	vmax.f32 v10, $0.0e+00;
	v10 =	vld [tilespmem:s12+$0xFFFFFFB0];
	v5 =	vadd.f32 v14, v5  }
0x9a: {  	v61 =	vld [tilespmem:s20+$0xFFFFFF50];
	[tilespmem:s8+$0xFFFFFF90] =	vst v0;
	v0 =	vmax.f32 v1, $0.0e+00;
	v1 =	vadd.f32 v6, v7  }
0x9b: {  	v6 =	vld [tilespmem:s20+$0xFFFFFFD0];
	[tilespmem:s8+$0x10] =	vst v0;
	v0 =	vmax.f32 v5, $0.0e+00  }
0x9c: {  	v5 =	vshll.u32 v60, $0x10;
	v7 =	vld [tilespmem:s20+$0x50];
	v1 =	vmax.f32 v1, $0.0e+00;
	[tilespmem:s2+$0x60] =	vst v0  }
0x9d: {  	v0 =	vshll.u32 v11, $0x10;
	[tilespmem:s8+$0xD0] =	vst v1;
	v1 =	vadd.f32 v5, v3;
	v62 =	vld [tilespmem:s29+$0x30]  }
0x9e: {  	v8 =	vand.u32 $0xFFFF0000, v8;
	v9 =	vand.u32 $0xFFFF0000, v9;
	v0 =	vadd.f32 v0, v10;
	v3 =	vld [tilespmem:s16+$0xA0]  }
0x9f: {  	v2 =	vand.u32 $0xFFFF0000, v2;
	v8 =	vadd.f32 v8, v61;
	v10 =	vld [tilespmem:s20+$0xA0];
	v1 =	vmax.f32 v1, $0.0e+00  }
0xa0: {  	v5 =	vand.u32 $0xFFFF0000, v57;
	v6 =	vadd.f32 v9, v6;
	v0 =	vmax.f32 v0, $0.0e+00;
	v9 =	vld [tilespmem:s12+$0x30];
	[tilespmem:s2+$0xFFFFFF30] =	vst v1  }
0xa1: {  	v1 =	vadd.f32 v5, v4;
	v5 =	vmax.f32 v8, $0.0e+00;
	v2 =	vadd.f32 v2, v7;
	[tilespmem:s2+$0xFFFFFFB0] =	vst v0;
	v4 =	vld [tilespmem:s12+$0xFFFFFF70]  }
0xa2: {  	[tilespmem:s8+$0xFFFFFF50] =	vst v5;
	v0 =	vmax.f32 v6, $0.0e+00;
	v5 =	vld [tilespmem:s12+$0xFFFFFFF0]  }
0xa3: {  	v6 =	vmax.f32 v1, $0.0e+00;
	v7 =	vld [tilespmem:s16+$0xFFFFFF20];
	[tilespmem:s8+$0xFFFFFFD0] =	vst v0;
	v0 =	vmax.f32 v2, $0.0e+00;
	v63 =	vshll.u32 v3, $0x10  }
0xa4: {  	s0 =	simm.s32 $0x4;
	v2 =	vand.u32 $0xFFFF0000, v11;
	v11 =	vshll.u32 v62, $0x10;
	v8 =	vld [tilespmem:s16+$0xFFFFFFA0];
	[tilespmem:s8+$0x50] =	vst v0;
	v10 =	vadd.f32 v63, v10  }
0xa5: {  	s14 =	simm.s32 $0x6A00;
	s21 =	simm.s32 $0x600;
	s1 =	simm.s32 $0x3000;
	v1 =	vand.u32 $0xFFFF0000, v60;
	[tilespmem:s2+$0xF0] =	vst v6;
	v0 =	vand.u32 $0xFFFF0000, v62;
	v6 =	vld [tilespmem:s16+$0x20];
	v9 =	vadd.f32 v11, v9  }
.LBB2_2:
0xa6: {  	v11 =	vld [tilespmem:s1+$0x80];
	v10 =	vmax.f32 v10, $0.0e+00;
	s20 =	sadd.s32 $0x200, s20;
	v1 =	vadd.f32 v1, v4  }
0xa7: {  	v4 =	vld [tilespmem:s20+$0x80];
	[tilespmem:s8+$0xA0] =	vst v10;
	v2 =	vadd.f32 v2, v5;
	v5 =	vmax.f32 v9, $0.0e+00  }
0xa8: {  	s0 =	sadd.s32 $0x4, s0;
	v9 =	vshll.u32 v7, $0x10;
	v7 =	vand.u32 $0xFFFF0000, v7;
	v10 =	vld [tilespmem:s21+$0xE0];
	v1 =	vmax.f32 v1, $0.0e+00;
	[tilespmem:s2+$0x30] =	vst v5  }
0xa9: {  	p0 =	slt.u32 s0, $0x24;
	v5 =	vld [tilespmem:s1+$0xFFFFFF80];
	v12 =	vshll.u32 v8, $0x10;
	v8 =	vand.u32 $0xFFFF0000, v8;
	[tilespmem:s2+$0xFFFFFF70] =	vst v1;
	v2 =	vmax.f32 v2, $0.0e+00  }
0xaa: {  	v13 =	vld [tilespmem:s1+$0x0];
	v14 =	vshll.u32 v6, $0x10;
	v1 =	vand.u32 $0xFFFF0000, v6;
	[tilespmem:s2+$0xFFFFFFF0] =	vst v2  }
0xab: {  	v2 =	vld [tilespmem:s1+$0xFFFFFF00];
	v6 =	vshll.u32 v11, $0x10  }
0xac: {  	v3 =	vand.u32 $0xFFFF0000, v3;
	v15 =	vld [tilespmem:s20+$0xFFFFFF00];
	v4 =	vadd.f32 v6, v4  }
0xad: {  	v6 =	vld [tilespmem:s20+$0xFFFFFF80];
	v3 =	vadd.f32 v3, v10  }
0xae: {  	s8 =	sadd.s32 $0x200, s8;
	v10 =	vshll.u32 v5, $0x10;
	v5 =	vand.u32 $0xFFFF0000, v5;
	v16 =	vld [tilespmem:s20+$0x0];
	v4 =	vmax.f32 v4, $0.0e+00  }
0xaf: {  	v17 =	vshll.u32 v13, $0x10;
	v13 =	vand.u32 $0xFFFF0000, v13;
	[tilespmem:s8+$0x80] =	vst v4;
	v4 =	vld [tilespmem:s21+$0xFFFFFF20];
	v3 =	vmax.f32 v3, $0.0e+00  }
0xb0: {  	v18 =	vshll.u32 v2, $0x10;
	v2 =	vand.u32 $0xFFFF0000, v2;
	v19 =	vld [tilespmem:s20+$0xC0];
	[tilespmem:s14+$0xE0] =	vst v3  }
0xb1: {  	v3 =	vadd.f32 v18, v15;
	v15 =	vld [tilespmem:s16+$0xB0]  }
0xb2: {  	v6 =	vadd.f32 v10, v6;
	v10 =	vld [tilespmem:s21+$0xB0]  }
0xb3: {  	v3 =	vmax.f32 v3, $0.0e+00;
	v16 =	vadd.f32 v17, v16;
	v17 =	vld [tilespmem:s21+$0xFFFFFFA0]  }
0xb4: {  	[tilespmem:s8+$0xFFFFFF00] =	vst v3;
	v3 =	vmax.f32 v6, $0.0e+00;
	v4 =	vadd.f32 v9, v4;
	v6 =	vld [tilespmem:s21+$0x20]  }
0xb5: {  	v11 =	vand.u32 $0xFFFF0000, v11;
	v9 =	vld [tilespmem:s20+$0xFFFFFF40];
	[tilespmem:s8+$0xFFFFFF80] =	vst v3;
	v3 =	vmax.f32 v16, $0.0e+00  }
0xb6: {  	v16 =	vld [tilespmem:s20+$0xFFFFFFC0];
	[tilespmem:s8+$0x0] =	vst v3;
	v3 =	vadd.f32 v11, v19;
	v4 =	vmax.f32 v4, $0.0e+00;
	v11 =	vshll.u32 v15, $0x10  }
0xb7: {  	v18 =	vld [tilespmem:s20+$0x40];
	[tilespmem:s14+$0xFFFFFF20] =	vst v4;
	v4 =	vadd.f32 v11, v10  }
0xb8: {  	v3 =	vmax.f32 v3, $0.0e+00;
	v10 =	vld [tilespmem:s21+$0xFFFFFF60];
	v11 =	vadd.f32 v12, v17  }
0xb9: {  	[tilespmem:s8+$0xC0] =	vst v3;
	v3 =	vadd.f32 v14, v6;
	v4 =	vmax.f32 v4, $0.0e+00;
	v6 =	vld [tilespmem:s12+$0x70];
	s12 =	smov.u32 s21;
	s21 =	smov.u32 s20  }
0xba: {  	v2 =	vadd.f32 v2, v9;
	v9 =	vld [tilespmem:s1+$0x90];
	v11 =	vmax.f32 v11, $0.0e+00;
	[tilespmem:s14+$0xB0] =	vst v4  }
0xbb: {  	v4 =	vadd.f32 v5, v16;
	[tilespmem:s14+$0xFFFFFFA0] =	vst v11;
	v3 =	vmax.f32 v3, $0.0e+00;
	v5 =	vld [tilespmem:s12+$0xF0]  }
0xbc: {  	v2 =	vmax.f32 v2, $0.0e+00;
	v11 =	vadd.f32 v13, v18;
	v12 =	vld [tilespmem:s20+$0x90];
	[tilespmem:s14+$0x20] =	vst v3  }
0xbd: {  	[tilespmem:s8+$0xFFFFFF40] =	vst v2;
	v2 =	vmax.f32 v4, $0.0e+00;
	v3 =	vadd.f32 v7, v10;
	v4 =	vld [tilespmem:s12+$0xFFFFFFE0]  }
0xbe: {  	v7 =	vld [tilespmem:s1+$0xFFFFFF10];
	[tilespmem:s8+$0xFFFFFFC0] =	vst v2;
	v2 =	vmax.f32 v11, $0.0e+00;
	v0 =	vadd.f32 v0, v6  }
0xbf: {  	v6 =	vld [tilespmem:s1+$0xFFFFFF90];
	[tilespmem:s8+$0x40] =	vst v2;
	v2 =	vmax.f32 v3, $0.0e+00;
	v3 =	vand.u32 $0xFFFF0000, v15  }
0xc0: {  	v11 =	vshll.u32 v9, $0x10;
	v10 =	vld [tilespmem:s1+$0x10];
	[tilespmem:s14+$0xFFFFFF60] =	vst v2;
	v2 =	vadd.f32 v3, v5;
	v0 =	vmax.f32 v0, $0.0e+00  }
0xc1: {  	v3 =	vld [tilespmem:s20+$0xFFFFFF10];
	v5 =	vadd.f32 v11, v12;
	[tilespmem:s2+$0x70] =	vst v0;
	s2 =	smov.u32 s14;
	s14 =	smov.u32 s8  }
0xc2: {  	v0 =	vld [tilespmem:s20+$0xFFFFFF90];
	v4 =	vadd.f32 v8, v4;
	v2 =	vmax.f32 v2, $0.0e+00  }
0xc3: {  	v8 =	vshll.u32 v7, $0x10;
	v7 =	vand.u32 $0xFFFF0000, v7;
	v11 =	vld [tilespmem:s20+$0x10];
	v5 =	vmax.f32 v5, $0.0e+00;
	[tilespmem:s2+$0xF0] =	vst v2  }
0xc4: {  	v2 =	vshll.u32 v6, $0x10;
	v6 =	vand.u32 $0xFFFF0000, v6;
	[tilespmem:s8+$0x90] =	vst v5;
	v4 =	vmax.f32 v4, $0.0e+00;
	v5 =	vld [tilespmem:s12+$0x60]  }
0xc5: {  	v12 =	vshll.u32 v10, $0x10;
	v10 =	vand.u32 $0xFFFF0000, v10;
	v13 =	vld [tilespmem:s20+$0xD0];
	[tilespmem:s2+$0xFFFFFFE0] =	vst v4  }
0xc6: {  	v3 =	vadd.f32 v8, v3;
	v4 =	vld [tilespmem:s16+$0xFFFFFF30]  }
0xc7: {  	v0 =	vadd.f32 v2, v0;
	v2 =	vld [tilespmem:s16+$0xFFFFFFB0]  }
0xc8: {  	v3 =	vmax.f32 v3, $0.0e+00;
	v8 =	vadd.f32 v12, v11;
	v11 =	vld [tilespmem:s12+$0xFFFFFF30]  }
0xc9: {  	[tilespmem:s8+$0xFFFFFF10] =	vst v3;
	v0 =	vmax.f32 v0, $0.0e+00;
	v3 =	vand.u32 $0xFFFF0000, v9;
	v9 =	vld [tilespmem:s12+$0xFFFFFFB0];
	v5 =	vadd.f32 v1, v5  }
0xca: {  	v12 =	vld [tilespmem:s20+$0xFFFFFF50];
	[tilespmem:s8+$0xFFFFFF90] =	vst v0;
	v0 =	vmax.f32 v8, $0.0e+00;
	v3 =	vadd.f32 v3, v13  }
0xcb: {  	v8 =	vld [tilespmem:s20+$0xFFFFFFD0];
	[tilespmem:s8+$0x10] =	vst v0;
	v0 =	vshll.u32 v4, $0x10;
	v1 =	vand.u32 $0xFFFF0000, v4;
	v4 =	vmax.f32 v5, $0.0e+00  }
0xcc: {  	v5 =	vld [tilespmem:s20+$0x50];
	v3 =	vmax.f32 v3, $0.0e+00;
	v13 =	vshll.u32 v2, $0x10;
	v2 =	vand.u32 $0xFFFF0000, v2;
	[tilespmem:s2+$0x60] =	vst v4  }
0xcd: {  	[tilespmem:s8+$0xD0] =	vst v3;
	v0 =	vadd.f32 v0, v11;
	v11 =	vld [tilespmem:s16+$0x30];
	s16 =	smov.u32 s1  }
0xce: {  	v3 =	vld [tilespmem:s1+$0xA0];
	v4 =	vadd.f32 v13, v9  }
0xcf: {  	v7 =	vadd.f32 v7, v12;
	v9 =	vld [tilespmem:s20+$0xA0];
	v0 =	vmax.f32 v0, $0.0e+00  }
0xd0: {  	v6 =	vadd.f32 v6, v8;
	[tilespmem:s2+$0xFFFFFF30] =	vst v0;
	v0 =	vmax.f32 v4, $0.0e+00;
	v12 =	vld [tilespmem:s12+$0x30]  }
.Ltmp0:
0xd1: {  	v7 =	vmax.f32 v7, $0.0e+00;
	v8 =	vadd.f32 v10, v5;
	v4 =	vld [tilespmem:s12+$0xFFFFFF70];
	[tilespmem:s2+$0xFFFFFFB0] =	vst v0;
	(pc) =	sbr.rel @p0 .LBB2_2-.Ltmp0, $4  }
0xd2: {  	[tilespmem:s8+$0xFFFFFF50] =	vst v7;
	v6 =	vmax.f32 v6, $0.0e+00;
	v5 =	vld [tilespmem:s12+$0xFFFFFFF0];
	v13 =	vshll.u32 v11, $0x10;
	v0 =	vand.u32 $0xFFFF0000, v11  }
0xd3: {  	v7 =	vld [tilespmem:s1+$0xFFFFFF20];
	[tilespmem:s8+$0xFFFFFFD0] =	vst v6;
	v6 =	vmax.f32 v8, $0.0e+00;
	v10 =	vshll.u32 v3, $0x10  }
0xd4: {  	v8 =	vld [tilespmem:s1+$0xFFFFFFA0];
	[tilespmem:s8+$0x50] =	vst v6;
	v10 =	vadd.f32 v10, v9  }
0xd5: {  	s1 =	sadd.s32 $0x200, s1;
	v6 =	vld [tilespmem:s16+$0x20];
	v9 =	vadd.f32 v13, v12  }
0xd6: {  	v11 =	vld [tilespmem:s21+$0xFFFFFF20]  }
0xd7: {  	v12 =	vld [tilespmem:s21+$0xFFFFFFA0];
	_ =	sdelay $0x2  }
0xd8: {  	v14 =	vld [tilespmem:s21+$0x20];
	v13 =	vshll.u32 v7, $0x10  }
0xd9: {  	v10 =	vmax.f32 v10, $0.0e+00;
	v15 =	vshll.u32 v8, $0x10;
	v11 =	vadd.f32 v13, v11  }
0xda: {  	[tilespmem:s8+$0xA0] =	vst v10;
	v10 =	vadd.f32 v15, v12  }
0xdb: {  	v43 =	vld [tilespmem:s21+$0xE0];
	v11 =	vmax.f32 v11, $0.0e+00  }
0xdc: {  	v44 =	vshll.u32 v6, $0x10;
	v10 =	vmax.f32 v10, $0.0e+00;
	[tilespmem:s14+$0xFFFFFF20] =	vst v11  }
0xdd: {  	v13 =	vadd.f32 v44, v14;
	[tilespmem:s14+$0xFFFFFFA0] =	vst v10;
	v11 =	vld [tilespmem:s21+$0xFFFFFF60]  }
0xde: {  	v10 =	vld [tilespmem:s21+$0xFFFFFFE0]  }
0xdf: {  	v3 =	vand.u32 $0xFFFF0000, v3;
	v13 =	vmax.f32 v13, $0.0e+00  }
0xe0: {  	v3 =	vadd.f32 v3, v43;
	[tilespmem:s14+$0x20] =	vst v13  }
0xe1: {  	v7 =	vand.u32 $0xFFFF0000, v7;
	v45 =	vld [tilespmem:s21+$0x60]  }
0xe2: {  	v8 =	vand.u32 $0xFFFF0000, v8;
	v3 =	vmax.f32 v3, $0.0e+00;
	v7 =	vadd.f32 v7, v11  }
0xe3: {  	[tilespmem:s14+$0xE0] =	vst v3;
	v3 =	vadd.f32 v8, v10  }
0xe4: {  	v8 =	vld [tilespmem:s16+$0xB0];
	v7 =	vmax.f32 v7, $0.0e+00  }
0xe5: {  	v6 =	vand.u32 $0xFFFF0000, v6;
	v10 =	vld [tilespmem:s21+$0xB0];
	v3 =	vmax.f32 v3, $0.0e+00;
	[tilespmem:s14+$0xFFFFFF60] =	vst v7  }
0xe6: {  	v6 =	vadd.f32 v6, v45;
	[tilespmem:s14+$0xFFFFFFE0] =	vst v3;
	v3 =	vld [tilespmem:s16+$0xFFFFFF30]  }
0xe7: {  	v7 =	vld [tilespmem:s16+$0xFFFFFFB0]  }
0xe8: {  	v6 =	vmax.f32 v6, $0.0e+00;
	v11 =	vld [tilespmem:s21+$0xFFFFFF30]  }
0xe9: {  	[tilespmem:s14+$0x60] =	vst v6;
	v46 =	vld [tilespmem:s21+$0xFFFFFFB0]  }
0xea: {  	v6 =	vld [tilespmem:s16+$0x30]  }
0xeb: {  	v13 =	vld [tilespmem:s21+$0x30]  }
0xec: {  	v47 =	vshll.u32 v8, $0x10  }
0xed: {  	v10 =	vadd.f32 v47, v10;
	v48 =	vshll.u32 v3, $0x10  }
0xee: {  	v9 =	vmax.f32 v9, $0.0e+00;
	v49 =	vshll.u32 v7, $0x10;
	v11 =	vadd.f32 v48, v11  }
0xef: {  	[tilespmem:s2+$0x30] =	vst v9;
	v9 =	vmax.f32 v10, $0.0e+00;
	v50 =	vshll.u32 v6, $0x10;
	v10 =	vadd.f32 v49, v46  }
0xf0: {  	v51 =	vld [tilespmem:s12+$0x70];
	[tilespmem:s14+$0xB0] =	vst v9;
	v9 =	vmax.f32 v11, $0.0e+00;
	v11 =	vadd.f32 v50, v13  }
0xf1: {  	v52 =	vld [tilespmem:s21+$0xF0];
	[tilespmem:s14+$0xFFFFFF30] =	vst v9;
	v9 =	vmax.f32 v10, $0.0e+00  }
0xf2: {  	v10 =	vld [tilespmem:s21+$0xFFFFFF70];
	[tilespmem:s14+$0xFFFFFFB0] =	vst v9;
	v9 =	vmax.f32 v11, $0.0e+00  }
0xf3: {  	v1 =	vadd.f32 v1, v4;
	v4 =	vld [tilespmem:s21+$0xFFFFFFF0];
	[tilespmem:s14+$0x30] =	vst v9  }
0xf4: {  	v2 =	vadd.f32 v2, v5;
	v5 =	vld [tilespmem:s21+$0x70]  }
0xf5: {  	v1 =	vmax.f32 v1, $0.0e+00;
	v0 =	vadd.f32 v0, v51;
	v8 =	vand.u32 $0xFFFF0000, v8  }
0xf6: {  	[tilespmem:s2+$0xFFFFFF70] =	vst v1;
	v1 =	vmax.f32 v2, $0.0e+00;
	v3 =	vand.u32 $0xFFFF0000, v3;
	v2 =	vadd.f32 v8, v52  }
0xf7: {  	[tilespmem:s2+$0xFFFFFFF0] =	vst v1;
	v0 =	vmax.f32 v0, $0.0e+00;
	v1 =	vand.u32 $0xFFFF0000, v7;
	v3 =	vadd.f32 v3, v10  }
0xf8: {  	[tilespmem:s2+$0x70] =	vst v0;
	v0 =	vmax.f32 v2, $0.0e+00;
	v2 =	vand.u32 $0xFFFF0000, v6;
	v1 =	vadd.f32 v1, v4  }
0xf9: {  	[tilespmem:s14+$0xF0] =	vst v0;
	v0 =	vmax.f32 v3, $0.0e+00;
	v2 =	vadd.f32 v2, v5  }
0xfa: {  	[tilespmem:s14+$0xFFFFFF70] =	vst v0;
	v0 =	vmax.f32 v1, $0.0e+00  }
0xfb: {  	[tilespmem:s14+$0xFFFFFFF0] =	vst v0;
	v0 =	vmax.f32 v2, $0.0e+00  }
0xfc: {  	s0 =	simm.s32 $0x6700;
	[tilespmem:s14+$0x70] =	vst v0  }
0xfd: {  	[spmem:s15] =	stream.indirect.scatter.add.f32 [tilespmem:s0], [sflag:$0xC], $0x80, s31, s11, $0xb8;
	[tilespmem:$0x1CF00] =	vst v63  }
0xfe: {  	s1 =	simm.s32 $0x280;
	s8 =	rddreg [dreg:$0xd]  }
0xff: {  	[tilespmem:s1], [sflag:$0xB] =	stream.linear.gather [hbm4b:s8+s4], $0x28, $0x38;
	[tilespmem:$0x1CF00] =	vst v63  }
0x100: {  	s14 =	simm.s32 $0x5300;
	s12 =	rddreg [dreg:$0xe]  }
0x101: {  	[tilespmem:s14], [sflag:$0x5] =	stream.linear.gather [hbm4b:s12+s4], $0x1400, $0x38;
	[tilespmem:$0x1CF00] =	vst v63  }
0x102: {  	s20 =	simm.s32 $0x8;
	s16 =	rddreg [dreg:$0xf]  }
0x103: {  	[tilespmem:s4], [sflag:$0x6] =	stream.linear.gather [hbm4b:s16+s4], $0x28, $0x38;
	[tilespmem:$0x1CF00] =	vst v63  }
0x104: {  	_ =	swait.ge [sflag:s20], $0x28  }
0x105: {  	[sflag:s20] =	ssyncset.done $0x0  }
0x106: {  	[sflag:s20] =	ssyncadd.s32 $0xFFFFFFD8  }
0x107: {  	s24 =	simm.s32 $0x100;
	s21 =	simm.s32 $0x300;
	s0 =	rddreg [dreg:$0x0]  }
0x108: {  	[tilespmem:s21], [sflag:$0x1] =	stream.indirect.gather [hbm4b:s0+s11], $0x80, s24, s11, $0xb8;
	[tilespmem:$0x1CF00] =	vst v63  }
0x109: {  	_ =	swait.ge [sflag:s13], $0x28  }
0x10a: {  	[sflag:s13] =	ssyncset.done $0x0  }
0x10b: {  	[sflag:s13] =	ssyncadd.s32 $0xFFFFFFD8  }
0x10c: {  	_ =	swait.ge [sflag:s22], $0x1400  }
0x10d: {  	[sflag:s22] =	ssyncset.done $0x0  }
0x10e: {  	[sflag:s22] =	ssyncadd.s32 $0xFFFFEC00  }
0x10f: {  	_ =	swait.ge [sflag:s23], $0x1400  }
0x110: {  	[sflag:s23] =	ssyncset.done $0x0  }
0x111: {  	s29 =	simm.s32 $0x4000;
	[sflag:s23] =	ssyncadd.s32 $0xFFFFEC00  }
0x112: {  	s12 =	simm.s32 $0x1800;
	v0 =	vld [tilespmem:s29+$0x80]  }
0x113: {  	v1 =	vld [tilespmem:s12+$0x80];
	_ =	sdelay $0x2  }
0x114: {  	v2 =	vld [tilespmem:s29+$0xFFFFFF80]  }
0x115: {  	v3 =	vld [tilespmem:s29+$0xFFFFFF00];
	v4 =	vshll.u32 v0, $0x10  }
0x116: {  	v5 =	vld [tilespmem:s12+$0xFFFFFF00];
	v1 =	vadd.f32 v4, v1  }
0x117: {  	v4 =	vld [tilespmem:s12+$0xFFFFFF80]  }
0x118: {  	s2 =	simm.s32 $0x7C00;
	v1 =	vmax.f32 v1, $0.0e+00  }
0x119: {  	[tilespmem:s2+$0x80] =	vst v1  }
0x11a: {  	v1 =	vshll.u32 v3, $0x10;
	v6 =	vld [tilespmem:s12+$0xC0]  }
0x11b: {  	v7 =	vshll.u32 v2, $0x10;
	v1 =	vadd.f32 v1, v5  }
0x11c: {  	v4 =	vadd.f32 v7, v4  }
0x11d: {  	v5 =	vld [tilespmem:s29+$0x0];
	v1 =	vmax.f32 v1, $0.0e+00  }
0x11e: {  	v0 =	vand.u32 $0xFFFF0000, v0;
	v7 =	vld [tilespmem:s12+$0x0];
	[tilespmem:s2+$0xFFFFFF00] =	vst v1;
	v1 =	vmax.f32 v4, $0.0e+00  }
0x11f: {  	v4 =	vld [tilespmem:s12+$0xFFFFFF40];
	[tilespmem:s2+$0xFFFFFF80] =	vst v1;
	v0 =	vadd.f32 v0, v6  }
0x120: {  	v1 =	vld [tilespmem:s12+$0xFFFFFFC0]  }
0x121: {  	v0 =	vmax.f32 v0, $0.0e+00  }
0x122: {  	v6 =	vshll.u32 v5, $0x10;
	[tilespmem:s2+$0xC0] =	vst v0  }
0x123: {  	v0 =	vand.u32 $0xFFFF0000, v3;
	v3 =	vadd.f32 v6, v7;
	v6 =	vld [tilespmem:s29+$0x90]  }
0x124: {  	v2 =	vand.u32 $0xFFFF0000, v2;
	v0 =	vadd.f32 v0, v4;
	v4 =	vld [tilespmem:s12+$0x90]  }
0x125: {  	v3 =	vmax.f32 v3, $0.0e+00;
	v1 =	vadd.f32 v2, v1  }
0x126: {  	[tilespmem:s2+$0x0] =	vst v3;
	v0 =	vmax.f32 v0, $0.0e+00  }
0x127: {  	v2 =	vld [tilespmem:s12+$0x40];
	[tilespmem:s2+$0xFFFFFF40] =	vst v0;
	v0 =	vmax.f32 v1, $0.0e+00  }
0x128: {  	v1 =	vld [tilespmem:s29+$0xFFFFFF10];
	[tilespmem:s2+$0xFFFFFFC0] =	vst v0;
	v0 =	vshll.u32 v6, $0x10  }
0x129: {  	v3 =	vld [tilespmem:s29+$0xFFFFFF90];
	v0 =	vadd.f32 v0, v4  }
0x12a: {  	v4 =	vld [tilespmem:s12+$0xFFFFFF10]  }
0x12b: {  	v7 =	vld [tilespmem:s12+$0xFFFFFF90];
	v0 =	vmax.f32 v0, $0.0e+00  }
0x12c: {  	v5 =	vand.u32 $0xFFFF0000, v5;
	[tilespmem:s2+$0x90] =	vst v0  }
0x12d: {  	v0 =	vadd.f32 v5, v2;
	v2 =	vld [tilespmem:s12+$0xD0]  }
0x12e: {  	v5 =	vshll.u32 v1, $0x10  }
0x12f: {  	v8 =	vshll.u32 v3, $0x10;
	v0 =	vmax.f32 v0, $0.0e+00;
	v4 =	vadd.f32 v5, v4  }
0x130: {  	[tilespmem:s2+$0x40] =	vst v0;
	v0 =	vadd.f32 v8, v7  }
0x131: {  	v6 =	vand.u32 $0xFFFF0000, v6;
	v5 =	vld [tilespmem:s29+$0x10];
	v4 =	vmax.f32 v4, $0.0e+00  }
0x132: {  	v7 =	vld [tilespmem:s12+$0x10];
	[tilespmem:s2+$0xFFFFFF10] =	vst v4;
	v0 =	vmax.f32 v0, $0.0e+00;
	v2 =	vadd.f32 v6, v2  }
0x133: {  	v4 =	vld [tilespmem:s12+$0xFFFFFF50];
	[tilespmem:s2+$0xFFFFFF90] =	vst v0  }
0x134: {  	v0 =	vld [tilespmem:s12+$0xFFFFFFD0];
	v2 =	vmax.f32 v2, $0.0e+00  }
0x135: {  	[tilespmem:s2+$0xD0] =	vst v2  }
0x136: {  	v2 =	vshll.u32 v5, $0x10;
	v6 =	vld [tilespmem:s29+$0xA0]  }
0x137: {  	v1 =	vand.u32 $0xFFFF0000, v1;
	v2 =	vadd.f32 v2, v7;
	v7 =	vld [tilespmem:s12+$0xA0]  }
0x138: {  	v3 =	vand.u32 $0xFFFF0000, v3;
	v1 =	vadd.f32 v1, v4  }
0x139: {  	v0 =	vadd.f32 v3, v0  }
0x13a: {  	s16 =	simm.s32 $0x4200;
	v1 =	vmax.f32 v1, $0.0e+00  }
0x13b: {  	v9 =	vld [tilespmem:s16+$0x0];
	[tilespmem:s2+$0xFFFFFF50] =	vst v1;
	v0 =	vmax.f32 v0, $0.0e+00;
	v1 =	vshll.u32 v6, $0x10  }
0x13c: {  	s20 =	simm.s32 $0x1A00;
	v10 =	vld [tilespmem:s16+$0xFFFFFF00];
	[tilespmem:s2+$0xFFFFFFD0] =	vst v0;
	v0 =	vadd.f32 v1, v7  }
0x13d: {  	v53 =	vld [tilespmem:s20+$0xFFFFFF00]  }
0x13e: {  	v4 =	vld [tilespmem:s16+$0x80];
	v0 =	vmax.f32 v0, $0.0e+00  }
0x13f: {  	v7 =	vld [tilespmem:s20+$0x80];
	[tilespmem:s2+$0xA0] =	vst v0  }
0x140: {  	v2 =	vmax.f32 v2, $0.0e+00;
	v0 =	vld [tilespmem:s12+$0xE0]  }
0x141: {  	v8 =	vld [tilespmem:s16+$0xFFFFFF80];
	[tilespmem:s2+$0x10] =	vst v2  }
0x142: {  	v2 =	vld [tilespmem:s12+$0x50]  }
0x143: {  	v3 =	vld [tilespmem:s29+$0xFFFFFF20];
	v11 =	vshll.u32 v4, $0x10  }
0x144: {  	v6 =	vand.u32 $0xFFFF0000, v6;
	v1 =	vld [tilespmem:s29+$0xFFFFFFA0];
	v7 =	vadd.f32 v11, v7  }
0x145: {  	v11 =	vld [tilespmem:s20+$0xFFFFFF80];
	v0 =	vadd.f32 v6, v0  }
0x146: {  	s8 =	simm.s32 $0x7E00;
	v5 =	vand.u32 $0xFFFF0000, v5;
	v7 =	vmax.f32 v7, $0.0e+00;
	v6 =	vld [tilespmem:s20+$0x0]  }
0x147: {  	v2 =	vadd.f32 v5, v2;
	v5 =	vld [tilespmem:s12+$0xFFFFFF20];
	[tilespmem:s8+$0x80] =	vst v7;
	v0 =	vmax.f32 v0, $0.0e+00  }
0x148: {  	v7 =	vshll.u32 v10, $0x10;
	v54 =	vld [tilespmem:s20+$0xC0];
	[tilespmem:s2+$0xE0] =	vst v0  }
0x149: {  	v7 =	vadd.f32 v7, v53;
	v0 =	vmax.f32 v2, $0.0e+00;
	v2 =	vshll.u32 v8, $0x10;
	v55 =	vld [tilespmem:s29+$0xB0]  }
0x14a: {  	[tilespmem:s2+$0x50] =	vst v0;
	v0 =	vshll.u32 v9, $0x10;
	v2 =	vadd.f32 v2, v11;
	v11 =	vld [tilespmem:s12+$0xB0]  }
0x14b: {  	v57 =	vld [tilespmem:s12+$0xFFFFFFA0];
	v7 =	vmax.f32 v7, $0.0e+00;
	v0 =	vadd.f32 v0, v6  }
0x14c: {  	[tilespmem:s8+$0xFFFFFF00] =	vst v7;
	v56 =	vld [tilespmem:s29+$0x20];
	v6 =	vshll.u32 v3, $0x10;
	v2 =	vmax.f32 v2, $0.0e+00  }
0x14d: {  	v5 =	vadd.f32 v6, v5;
	v6 =	vld [tilespmem:s20+$0xFFFFFF40];
	[tilespmem:s8+$0xFFFFFF80] =	vst v2;
	v0 =	vmax.f32 v0, $0.0e+00;
	v2 =	vand.u32 $0xFFFF0000, v4  }
0x14e: {  	v4 =	vld [tilespmem:s20+$0xFFFFFFC0];
	[tilespmem:s8+$0x0] =	vst v0;
	v0 =	vadd.f32 v2, v54;
	v2 =	vshll.u32 v55, $0x10  }
0x14f: {  	v5 =	vmax.f32 v5, $0.0e+00;
	v7 =	vld [tilespmem:s20+$0x40];
	v2 =	vadd.f32 v2, v11  }
0x150: {  	v58 =	vld [tilespmem:s12+$0x20];
	[tilespmem:s2+$0xFFFFFF20] =	vst v5;
	v11 =	vshll.u32 v1, $0x10;
	v0 =	vmax.f32 v0, $0.0e+00  }
0x151: {  	v5 =	vand.u32 $0xFFFF0000, v10;
	v10 =	vld [tilespmem:s12+$0xFFFFFF60];
	v11 =	vadd.f32 v11, v57;
	[tilespmem:s8+$0xC0] =	vst v0;
	v0 =	vmax.f32 v2, $0.0e+00  }
0x152: {  	v5 =	vadd.f32 v5, v6;
	v2 =	vand.u32 $0xFFFF0000, v8;
	v6 =	vld [tilespmem:s16+$0x90];
	[tilespmem:s2+$0xB0] =	vst v0  }
0x153: {  	v0 =	vand.u32 $0xFFFF0000, v9;
	v8 =	vmax.f32 v11, $0.0e+00;
	v2 =	vadd.f32 v2, v4;
	v4 =	vld [tilespmem:s12+$0xF0]  }
0x154: {  	v5 =	vmax.f32 v5, $0.0e+00;
	[tilespmem:s2+$0xFFFFFFA0] =	vst v8;
	v0 =	vadd.f32 v0, v7;
	v7 =	vld [tilespmem:s20+$0x90]  }
0x155: {  	[tilespmem:s8+$0xFFFFFF40] =	vst v5;
	v5 =	vld [tilespmem:s12+$0xFFFFFFE0]  }
0x156: {  	v2 =	vmax.f32 v2, $0.0e+00;
	v8 =	vld [tilespmem:s16+$0xFFFFFF10]  }
0x157: {  	v59 =	vld [tilespmem:s20+$0xFFFFFF10];
	[tilespmem:s8+$0xFFFFFFC0] =	vst v2;
	v0 =	vmax.f32 v0, $0.0e+00;
	v2 =	vshll.u32 v56, $0x10  }
0x158: {  	v3 =	vand.u32 $0xFFFF0000, v3;
	v9 =	vld [tilespmem:s16+$0xFFFFFF90];
	[tilespmem:s8+$0x40] =	vst v0;
	v0 =	vadd.f32 v2, v58;
	v11 =	vshll.u32 v6, $0x10  }
0x159: {  	v3 =	vadd.f32 v3, v10;
	v10 =	vld [tilespmem:s20+$0xFFFFFF90];
	v7 =	vadd.f32 v11, v7  }
0x15a: {  	v1 =	vand.u32 $0xFFFF0000, v1;
	v2 =	vld [tilespmem:s16+$0x10];
	v0 =	vmax.f32 v0, $0.0e+00  }
0x15b: {  	[tilespmem:s2+$0x20] =	vst v0;
	v0 =	vadd.f32 v1, v5;
	v1 =	vld [tilespmem:s20+$0x10];
	v5 =	vmax.f32 v7, $0.0e+00  }
0x15c: {  	v3 =	vmax.f32 v3, $0.0e+00;
	[tilespmem:s8+$0x90] =	vst v5;
	v5 =	vld [tilespmem:s12+$0x60]  }
0x15d: {  	[tilespmem:s2+$0xFFFFFF60] =	vst v3;
	v3 =	vshll.u32 v8, $0x10;
	v0 =	vmax.f32 v0, $0.0e+00;
	v7 =	vld [tilespmem:s20+$0xD0]  }
0x15e: {  	v60 =	vld [tilespmem:s29+$0xFFFFFF30];
	v11 =	vshll.u32 v9, $0x10;
	[tilespmem:s2+$0xFFFFFFE0] =	vst v0;
	v0 =	vadd.f32 v3, v59  }
0x15f: {  	v3 =	vshll.u32 v2, $0x10;
	v10 =	vadd.f32 v11, v10;
	v11 =	vld [tilespmem:s29+$0xFFFFFFB0]  }
0x160: {  	v14 =	vand.u32 $0xFFFF0000, v56;
	v0 =	vmax.f32 v0, $0.0e+00;
	v1 =	vadd.f32 v3, v1;
	v3 =	vld [tilespmem:s12+$0xFFFFFF30]  }
0x161: {  	v6 =	vand.u32 $0xFFFF0000, v6;
	[tilespmem:s8+$0xFFFFFF10] =	vst v0;
	v0 =	vmax.f32 v10, $0.0e+00;
	v10 =	vld [tilespmem:s12+$0xFFFFFFB0];
	v5 =	vadd.f32 v14, v5  }
0x162: {  	v61 =	vld [tilespmem:s20+$0xFFFFFF50];
	[tilespmem:s8+$0xFFFFFF90] =	vst v0;
	v0 =	vmax.f32 v1, $0.0e+00;
	v1 =	vadd.f32 v6, v7  }
0x163: {  	v6 =	vld [tilespmem:s20+$0xFFFFFFD0];
	[tilespmem:s8+$0x10] =	vst v0;
	v0 =	vmax.f32 v5, $0.0e+00  }
0x164: {  	v5 =	vshll.u32 v60, $0x10;
	v7 =	vld [tilespmem:s20+$0x50];
	v1 =	vmax.f32 v1, $0.0e+00;
	[tilespmem:s2+$0x60] =	vst v0  }
0x165: {  	v0 =	vshll.u32 v11, $0x10;
	[tilespmem:s8+$0xD0] =	vst v1;
	v1 =	vadd.f32 v5, v3;
	v62 =	vld [tilespmem:s29+$0x30]  }
0x166: {  	v8 =	vand.u32 $0xFFFF0000, v8;
	v9 =	vand.u32 $0xFFFF0000, v9;
	v0 =	vadd.f32 v0, v10;
	v3 =	vld [tilespmem:s16+$0xA0]  }
0x167: {  	v2 =	vand.u32 $0xFFFF0000, v2;
	v8 =	vadd.f32 v8, v61;
	v10 =	vld [tilespmem:s20+$0xA0];
	v1 =	vmax.f32 v1, $0.0e+00  }
0x168: {  	v5 =	vand.u32 $0xFFFF0000, v55;
	v6 =	vadd.f32 v9, v6;
	v0 =	vmax.f32 v0, $0.0e+00;
	v9 =	vld [tilespmem:s12+$0x30];
	[tilespmem:s2+$0xFFFFFF30] =	vst v1  }
0x169: {  	v1 =	vadd.f32 v5, v4;
	v5 =	vmax.f32 v8, $0.0e+00;
	v2 =	vadd.f32 v2, v7;
	[tilespmem:s2+$0xFFFFFFB0] =	vst v0;
	v4 =	vld [tilespmem:s12+$0xFFFFFF70]  }
0x16a: {  	[tilespmem:s8+$0xFFFFFF50] =	vst v5;
	v0 =	vmax.f32 v6, $0.0e+00;
	v5 =	vld [tilespmem:s12+$0xFFFFFFF0]  }
0x16b: {  	v6 =	vmax.f32 v1, $0.0e+00;
	v7 =	vld [tilespmem:s16+$0xFFFFFF20];
	[tilespmem:s8+$0xFFFFFFD0] =	vst v0;
	v0 =	vmax.f32 v2, $0.0e+00;
	v63 =	vshll.u32 v3, $0x10  }
0x16c: {  	s1 =	simm.s32 $0x4400;
	v2 =	vand.u32 $0xFFFF0000, v11;
	v11 =	vshll.u32 v62, $0x10;
	v8 =	vld [tilespmem:s16+$0xFFFFFFA0];
	[tilespmem:s8+$0x50] =	vst v0;
	v10 =	vadd.f32 v63, v10  }
0x16d: {  	s14 =	simm.s32 $0x7E00;
	s0 =	simm.s32 $0x4;
	s21 =	simm.s32 $0x1A00;
	v1 =	vand.u32 $0xFFFF0000, v60;
	[tilespmem:s2+$0xF0] =	vst v6;
	v0 =	vand.u32 $0xFFFF0000, v62;
	v6 =	vld [tilespmem:s16+$0x20];
	v9 =	vadd.f32 v11, v9  }
.LBB2_4:
0x16e: {  	v11 =	vld [tilespmem:s1+$0x80];
	v10 =	vmax.f32 v10, $0.0e+00;
	s20 =	sadd.s32 $0x200, s20;
	v1 =	vadd.f32 v1, v4  }
0x16f: {  	v4 =	vld [tilespmem:s20+$0x80];
	[tilespmem:s8+$0xA0] =	vst v10;
	v2 =	vadd.f32 v2, v5;
	v5 =	vmax.f32 v9, $0.0e+00  }
0x170: {  	s0 =	sadd.s32 $0x4, s0;
	v9 =	vshll.u32 v7, $0x10;
	v7 =	vand.u32 $0xFFFF0000, v7;
	v10 =	vld [tilespmem:s21+$0xE0];
	v1 =	vmax.f32 v1, $0.0e+00;
	[tilespmem:s2+$0x30] =	vst v5  }
0x171: {  	p0 =	slt.u32 s0, $0x24;
	v5 =	vld [tilespmem:s1+$0xFFFFFF80];
	v12 =	vshll.u32 v8, $0x10;
	v8 =	vand.u32 $0xFFFF0000, v8;
	[tilespmem:s2+$0xFFFFFF70] =	vst v1;
	v2 =	vmax.f32 v2, $0.0e+00  }
0x172: {  	v13 =	vld [tilespmem:s1+$0x0];
	v14 =	vshll.u32 v6, $0x10;
	v1 =	vand.u32 $0xFFFF0000, v6;
	[tilespmem:s2+$0xFFFFFFF0] =	vst v2  }
0x173: {  	v2 =	vld [tilespmem:s1+$0xFFFFFF00];
	v6 =	vshll.u32 v11, $0x10  }
0x174: {  	v3 =	vand.u32 $0xFFFF0000, v3;
	v15 =	vld [tilespmem:s20+$0xFFFFFF00];
	v4 =	vadd.f32 v6, v4  }
0x175: {  	v6 =	vld [tilespmem:s20+$0xFFFFFF80];
	v3 =	vadd.f32 v3, v10  }
0x176: {  	s8 =	sadd.s32 $0x200, s8;
	v10 =	vshll.u32 v5, $0x10;
	v5 =	vand.u32 $0xFFFF0000, v5;
	v16 =	vld [tilespmem:s20+$0x0];
	v4 =	vmax.f32 v4, $0.0e+00  }
0x177: {  	v17 =	vshll.u32 v13, $0x10;
	v13 =	vand.u32 $0xFFFF0000, v13;
	[tilespmem:s8+$0x80] =	vst v4;
	v4 =	vld [tilespmem:s21+$0xFFFFFF20];
	v3 =	vmax.f32 v3, $0.0e+00  }
0x178: {  	v18 =	vshll.u32 v2, $0x10;
	v2 =	vand.u32 $0xFFFF0000, v2;
	v19 =	vld [tilespmem:s20+$0xC0];
	[tilespmem:s14+$0xE0] =	vst v3  }
0x179: {  	v3 =	vadd.f32 v18, v15;
	v15 =	vld [tilespmem:s16+$0xB0]  }
0x17a: {  	v6 =	vadd.f32 v10, v6;
	v10 =	vld [tilespmem:s21+$0xB0]  }
0x17b: {  	v3 =	vmax.f32 v3, $0.0e+00;
	v16 =	vadd.f32 v17, v16;
	v17 =	vld [tilespmem:s21+$0xFFFFFFA0]  }
0x17c: {  	[tilespmem:s8+$0xFFFFFF00] =	vst v3;
	v3 =	vmax.f32 v6, $0.0e+00;
	v4 =	vadd.f32 v9, v4;
	v6 =	vld [tilespmem:s21+$0x20]  }
0x17d: {  	v11 =	vand.u32 $0xFFFF0000, v11;
	v9 =	vld [tilespmem:s20+$0xFFFFFF40];
	[tilespmem:s8+$0xFFFFFF80] =	vst v3;
	v3 =	vmax.f32 v16, $0.0e+00  }
0x17e: {  	v16 =	vld [tilespmem:s20+$0xFFFFFFC0];
	[tilespmem:s8+$0x0] =	vst v3;
	v3 =	vadd.f32 v11, v19;
	v4 =	vmax.f32 v4, $0.0e+00;
	v11 =	vshll.u32 v15, $0x10  }
0x17f: {  	v18 =	vld [tilespmem:s20+$0x40];
	[tilespmem:s14+$0xFFFFFF20] =	vst v4;
	v4 =	vadd.f32 v11, v10  }
0x180: {  	v3 =	vmax.f32 v3, $0.0e+00;
	v10 =	vld [tilespmem:s21+$0xFFFFFF60];
	v11 =	vadd.f32 v12, v17  }
0x181: {  	[tilespmem:s8+$0xC0] =	vst v3;
	v3 =	vadd.f32 v14, v6;
	v4 =	vmax.f32 v4, $0.0e+00;
	v6 =	vld [tilespmem:s12+$0x70];
	s12 =	smov.u32 s21;
	s21 =	smov.u32 s20  }
0x182: {  	v2 =	vadd.f32 v2, v9;
	v9 =	vld [tilespmem:s1+$0x90];
	v11 =	vmax.f32 v11, $0.0e+00;
	[tilespmem:s14+$0xB0] =	vst v4  }
0x183: {  	v4 =	vadd.f32 v5, v16;
	[tilespmem:s14+$0xFFFFFFA0] =	vst v11;
	v3 =	vmax.f32 v3, $0.0e+00;
	v5 =	vld [tilespmem:s12+$0xF0]  }
0x184: {  	v2 =	vmax.f32 v2, $0.0e+00;
	v11 =	vadd.f32 v13, v18;
	v12 =	vld [tilespmem:s20+$0x90];
	[tilespmem:s14+$0x20] =	vst v3  }
0x185: {  	[tilespmem:s8+$0xFFFFFF40] =	vst v2;
	v2 =	vmax.f32 v4, $0.0e+00;
	v3 =	vadd.f32 v7, v10;
	v4 =	vld [tilespmem:s12+$0xFFFFFFE0]  }
0x186: {  	v7 =	vld [tilespmem:s1+$0xFFFFFF10];
	[tilespmem:s8+$0xFFFFFFC0] =	vst v2;
	v2 =	vmax.f32 v11, $0.0e+00;
	v0 =	vadd.f32 v0, v6  }
0x187: {  	v6 =	vld [tilespmem:s1+$0xFFFFFF90];
	[tilespmem:s8+$0x40] =	vst v2;
	v2 =	vmax.f32 v3, $0.0e+00;
	v3 =	vand.u32 $0xFFFF0000, v15  }
0x188: {  	v11 =	vshll.u32 v9, $0x10;
	v10 =	vld [tilespmem:s1+$0x10];
	[tilespmem:s14+$0xFFFFFF60] =	vst v2;
	v2 =	vadd.f32 v3, v5;
	v0 =	vmax.f32 v0, $0.0e+00  }
0x189: {  	v3 =	vld [tilespmem:s20+$0xFFFFFF10];
	v5 =	vadd.f32 v11, v12;
	[tilespmem:s2+$0x70] =	vst v0;
	s2 =	smov.u32 s14;
	s14 =	smov.u32 s8  }
0x18a: {  	v0 =	vld [tilespmem:s20+$0xFFFFFF90];
	v4 =	vadd.f32 v8, v4;
	v2 =	vmax.f32 v2, $0.0e+00  }
0x18b: {  	v8 =	vshll.u32 v7, $0x10;
	v7 =	vand.u32 $0xFFFF0000, v7;
	v11 =	vld [tilespmem:s20+$0x10];
	v5 =	vmax.f32 v5, $0.0e+00;
	[tilespmem:s2+$0xF0] =	vst v2  }
0x18c: {  	v2 =	vshll.u32 v6, $0x10;
	v6 =	vand.u32 $0xFFFF0000, v6;
	[tilespmem:s8+$0x90] =	vst v5;
	v4 =	vmax.f32 v4, $0.0e+00;
	v5 =	vld [tilespmem:s12+$0x60]  }
0x18d: {  	v12 =	vshll.u32 v10, $0x10;
	v10 =	vand.u32 $0xFFFF0000, v10;
	v13 =	vld [tilespmem:s20+$0xD0];
	[tilespmem:s2+$0xFFFFFFE0] =	vst v4  }
0x18e: {  	v3 =	vadd.f32 v8, v3;
	v4 =	vld [tilespmem:s16+$0xFFFFFF30]  }
0x18f: {  	v0 =	vadd.f32 v2, v0;
	v2 =	vld [tilespmem:s16+$0xFFFFFFB0]  }
0x190: {  	v3 =	vmax.f32 v3, $0.0e+00;
	v8 =	vadd.f32 v12, v11;
	v11 =	vld [tilespmem:s12+$0xFFFFFF30]  }
0x191: {  	[tilespmem:s8+$0xFFFFFF10] =	vst v3;
	v0 =	vmax.f32 v0, $0.0e+00;
	v3 =	vand.u32 $0xFFFF0000, v9;
	v9 =	vld [tilespmem:s12+$0xFFFFFFB0];
	v5 =	vadd.f32 v1, v5  }
0x192: {  	v12 =	vld [tilespmem:s20+$0xFFFFFF50];
	[tilespmem:s8+$0xFFFFFF90] =	vst v0;
	v0 =	vmax.f32 v8, $0.0e+00;
	v3 =	vadd.f32 v3, v13  }
0x193: {  	v8 =	vld [tilespmem:s20+$0xFFFFFFD0];
	[tilespmem:s8+$0x10] =	vst v0;
	v0 =	vshll.u32 v4, $0x10;
	v1 =	vand.u32 $0xFFFF0000, v4;
	v4 =	vmax.f32 v5, $0.0e+00  }
0x194: {  	v5 =	vld [tilespmem:s20+$0x50];
	v3 =	vmax.f32 v3, $0.0e+00;
	v13 =	vshll.u32 v2, $0x10;
	v2 =	vand.u32 $0xFFFF0000, v2;
	[tilespmem:s2+$0x60] =	vst v4  }
0x195: {  	[tilespmem:s8+$0xD0] =	vst v3;
	v0 =	vadd.f32 v0, v11;
	v11 =	vld [tilespmem:s16+$0x30];
	s16 =	smov.u32 s1  }
0x196: {  	v3 =	vld [tilespmem:s1+$0xA0];
	v4 =	vadd.f32 v13, v9  }
0x197: {  	v7 =	vadd.f32 v7, v12;
	v9 =	vld [tilespmem:s20+$0xA0];
	v0 =	vmax.f32 v0, $0.0e+00  }
0x198: {  	v6 =	vadd.f32 v6, v8;
	[tilespmem:s2+$0xFFFFFF30] =	vst v0;
	v0 =	vmax.f32 v4, $0.0e+00;
	v12 =	vld [tilespmem:s12+$0x30]  }
.Ltmp1:
0x199: {  	v7 =	vmax.f32 v7, $0.0e+00;
	v8 =	vadd.f32 v10, v5;
	v4 =	vld [tilespmem:s12+$0xFFFFFF70];
	[tilespmem:s2+$0xFFFFFFB0] =	vst v0;
	(pc) =	sbr.rel @p0 .LBB2_4-.Ltmp1, $4  }
0x19a: {  	[tilespmem:s8+$0xFFFFFF50] =	vst v7;
	v6 =	vmax.f32 v6, $0.0e+00;
	v5 =	vld [tilespmem:s12+$0xFFFFFFF0];
	v13 =	vshll.u32 v11, $0x10;
	v0 =	vand.u32 $0xFFFF0000, v11  }
0x19b: {  	v7 =	vld [tilespmem:s1+$0xFFFFFF20];
	[tilespmem:s8+$0xFFFFFFD0] =	vst v6;
	v6 =	vmax.f32 v8, $0.0e+00;
	v10 =	vshll.u32 v3, $0x10  }
0x19c: {  	v8 =	vld [tilespmem:s1+$0xFFFFFFA0];
	[tilespmem:s8+$0x50] =	vst v6;
	v10 =	vadd.f32 v10, v9  }
0x19d: {  	s1 =	sadd.s32 $0x200, s1;
	v6 =	vld [tilespmem:s16+$0x20];
	v9 =	vadd.f32 v13, v12  }
0x19e: {  	v11 =	vld [tilespmem:s21+$0xFFFFFF20]  }
0x19f: {  	v12 =	vld [tilespmem:s21+$0xFFFFFFA0];
	_ =	sdelay $0x2  }
0x1a0: {  	v14 =	vld [tilespmem:s21+$0x20];
	v13 =	vshll.u32 v7, $0x10  }
0x1a1: {  	v10 =	vmax.f32 v10, $0.0e+00;
	v29 =	vshll.u32 v8, $0x10;
	v11 =	vadd.f32 v13, v11  }
0x1a2: {  	[tilespmem:s8+$0xA0] =	vst v10;
	v30 =	vadd.f32 v29, v12  }
0x1a3: {  	v31 =	vld [tilespmem:s21+$0xE0];
	v11 =	vmax.f32 v11, $0.0e+00  }
0x1a4: {  	v32 =	vshll.u32 v6, $0x10;
	v10 =	vmax.f32 v30, $0.0e+00;
	[tilespmem:s14+$0xFFFFFF20] =	vst v11  }
0x1a5: {  	v13 =	vadd.f32 v32, v14;
	[tilespmem:s14+$0xFFFFFFA0] =	vst v10;
	v11 =	vld [tilespmem:s21+$0xFFFFFF60]  }
0x1a6: {  	v10 =	vld [tilespmem:s21+$0xFFFFFFE0]  }
0x1a7: {  	v3 =	vand.u32 $0xFFFF0000, v3;
	v13 =	vmax.f32 v13, $0.0e+00  }
0x1a8: {  	v3 =	vadd.f32 v3, v31;
	[tilespmem:s14+$0x20] =	vst v13  }
0x1a9: {  	v33 =	vand.u32 $0xFFFF0000, v7;
	v34 =	vld [tilespmem:s21+$0x60]  }
0x1aa: {  	v35 =	vand.u32 $0xFFFF0000, v8;
	v3 =	vmax.f32 v3, $0.0e+00;
	v7 =	vadd.f32 v33, v11  }
0x1ab: {  	[tilespmem:s14+$0xE0] =	vst v3;
	v36 =	vadd.f32 v35, v10  }
0x1ac: {  	v37 =	vld [tilespmem:s16+$0xB0];
	v7 =	vmax.f32 v7, $0.0e+00  }
0x1ad: {  	v38 =	vand.u32 $0xFFFF0000, v6;
	v39 =	vld [tilespmem:s21+$0xB0];
	v3 =	vmax.f32 v36, $0.0e+00;
	[tilespmem:s14+$0xFFFFFF60] =	vst v7  }
0x1ae: {  	v6 =	vadd.f32 v38, v34;
	[tilespmem:s14+$0xFFFFFFE0] =	vst v3;
	v40 =	vld [tilespmem:s16+$0xFFFFFF30]  }
0x1af: {  	v41 =	vld [tilespmem:s16+$0xFFFFFFB0]  }
0x1b0: {  	v6 =	vmax.f32 v6, $0.0e+00;
	v42 =	vld [tilespmem:s21+$0xFFFFFF30]  }
0x1b1: {  	[tilespmem:s14+$0x60] =	vst v6;
	v43 =	vld [tilespmem:s21+$0xFFFFFFB0]  }
0x1b2: {  	v6 =	vld [tilespmem:s16+$0x30]  }
0x1b3: {  	v13 =	vld [tilespmem:s21+$0x30]  }
0x1b4: {  	v44 =	vshll.u32 v37, $0x10  }
0x1b5: {  	v10 =	vadd.f32 v44, v39;
	v45 =	vshll.u32 v40, $0x10  }
0x1b6: {  	v9 =	vmax.f32 v9, $0.0e+00;
	v46 =	vshll.u32 v41, $0x10;
	v11 =	vadd.f32 v45, v42  }
0x1b7: {  	[tilespmem:s2+$0x30] =	vst v9;
	v47 =	vmax.f32 v10, $0.0e+00;
	v49 =	vshll.u32 v6, $0x10;
	v48 =	vadd.f32 v46, v43  }
0x1b8: {  	v51 =	vld [tilespmem:s12+$0x70];
	[tilespmem:s14+$0xB0] =	vst v47;
	v50 =	vadd.f32 v49, v13;
	v11 =	vmax.f32 v11, $0.0e+00  }
0x1b9: {  	v52 =	vld [tilespmem:s21+$0xF0];
	v10 =	vmax.f32 v48, $0.0e+00;
	[tilespmem:s14+$0xFFFFFF30] =	vst v11  }
0x1ba: {  	v9 =	vmax.f32 v50, $0.0e+00;
	[tilespmem:s14+$0xFFFFFFB0] =	vst v10;
	v53 =	vld [tilespmem:s21+$0xFFFFFF70]  }
0x1bb: {  	v1 =	vadd.f32 v1, v4;
	[tilespmem:s14+$0x30] =	vst v9;
	v54 =	vld [tilespmem:s21+$0xFFFFFFF0]  }
0x1bc: {  	v2 =	vadd.f32 v2, v5;
	v55 =	vld [tilespmem:s21+$0x70]  }
0x1bd: {  	v1 =	vmax.f32 v1, $0.0e+00;
	v0 =	vadd.f32 v0, v51;
	v8 =	vand.u32 $0xFFFF0000, v37  }
0x1be: {  	[tilespmem:s2+$0xFFFFFF70] =	vst v1;
	v56 =	vmax.f32 v2, $0.0e+00;
	v3 =	vand.u32 $0xFFFF0000, v40;
	v57 =	vadd.f32 v8, v52  }
0x1bf: {  	[tilespmem:s2+$0xFFFFFFF0] =	vst v56;
	v0 =	vmax.f32 v0, $0.0e+00;
	v58 =	vand.u32 $0xFFFF0000, v41;
	v3 =	vadd.f32 v3, v53  }
0x1c0: {  	[tilespmem:s2+$0x70] =	vst v0;
	v60 =	vand.u32 $0xFFFF0000, v6;
	v59 =	vmax.f32 v57, $0.0e+00;
	v1 =	vadd.f32 v58, v54  }
0x1c1: {  	[tilespmem:s14+$0xF0] =	vst v59;
	v2 =	vadd.f32 v60, v55;
	v61 =	vmax.f32 v3, $0.0e+00  }
0x1c2: {  	v62 =	vmax.f32 v1, $0.0e+00;
	[tilespmem:s14+$0xFFFFFF70] =	vst v61  }
0x1c3: {  	v63 =	vmax.f32 v2, $0.0e+00;
	[tilespmem:s14+$0xFFFFFFF0] =	vst v62  }
0x1c4: {  	s0 =	simm.s32 $0x200;
	s1 =	simm.s32 $0x7B00;
	[tilespmem:s14+$0x70] =	vst v63  }
0x1c5: {  	[spmem:s15] =	stream.indirect.scatter.add.f32 [tilespmem:s1], [sflag:$0xD], $0x80, s0, s11, $0xb8;
	[tilespmem:$0x1CF00] =	vst v63  }
0x1c6: {  	_ =	swait.ge [sflag:s25], $0x1400  }
0x1c7: {  	[sflag:s25] =	ssyncset.done $0x0  }
0x1c8: {  	s29 =	simm.s32 $0x0;
	s24 =	rddreg [dreg:$0x10];
	[sflag:s25] =	ssyncadd.s32 $0xFFFFEC00  }
0x1c9: {  	[tilespmem:s31], [sflag:$0x9] =	stream.linear.gather [hbm4b:s24+s29], $0x28, $0x38;
	[tilespmem:$0x1CF00] =	vst v63  }
0x1ca: {  	s31 =	rddreg [dreg:$0x11]  }
0x1cb: {  	[tilespmem:s30], [sflag:$0x3] =	stream.linear.gather [hbm4b:s31+s29], $0x1400, $0x38;
	[tilespmem:$0x1CF00] =	vst v63  }
.LBB2_6:
0x1cc: {  	s2 =	smul.u32 $0xF0, s29  }
0x1cd: {  	s0 =	rddreg [dreg:$0x12]  }
0x1ce: {  	s12 =	sadd.s32 s2, s0  }
0x1cf: {  	s16 =	sshrl.u32 s12, $0x3  }
0x1d0: {  	s1 =	simm.s32 $0x80;
	s8 =	sadd.s32 s5, s16  }
0x1d1: {  	[tilespmem:s1], [sflag:$0x7] =	stream.linear.gather [hbm4b:s8+s4], $0x28, $0x38;
	[tilespmem:$0x1CF00] =	vst v63  }
0x1d2: {  	_ =	swait.ge [sflag:s10], $0x28  }
0x1d3: {  	[sflag:s10] =	ssyncset.done $0x0  }
0x1d4: {  	[sflag:s10] =	ssyncadd.s32 $0xFFFFFFD8  }
0x1d5: {  	s20 =	simm.s32 $0x1700;
	s14 =	rddreg [dreg:$0x0]  }
0x1d6: {  	[tilespmem:s20], [sflag:$0x2] =	stream.indirect.gather [hbm4b:s14+s11], $0x80, s4, s11, $0xb8;
	[tilespmem:$0x1CF00] =	vst v63  }
0x1d7: {  	_ =	swait.ge [sflag:s26], $0x28  }
0x1d8: {  	[sflag:s26] =	ssyncset.done $0x0  }
0x1d9: {  	[sflag:s26] =	ssyncadd.s32 $0xFFFFFFD8  }
0x1da: {  	_ =	swait.ge [sflag:s28], $0x1400  }
0x1db: {  	[sflag:s28] =	ssyncset.done $0x0  }
0x1dc: {  	[sflag:s28] =	ssyncadd.s32 $0xFFFFEC00  }
0x1dd: {  	_ =	swait.ge [sflag:s19], $0x1400  }
0x1de: {  	[sflag:s19] =	ssyncset.done $0x0  }
0x1df: {  	s21 =	simm.s32 $0x5400;
	[sflag:s19] =	ssyncadd.s32 $0xFFFFEC00  }
0x1e0: {  	s24 =	simm.s32 $0x400;
	v0 =	vld [tilespmem:s21+$0x80]  }
0x1e1: {  	v1 =	vld [tilespmem:s24+$0x80];
	_ =	sdelay $0x2  }
0x1e2: {  	v2 =	vld [tilespmem:s21+$0xFFFFFF80]  }
0x1e3: {  	v3 =	vld [tilespmem:s21+$0xFFFFFF00];
	v4 =	vshll.u32 v0, $0x10  }
0x1e4: {  	v5 =	vld [tilespmem:s24+$0xFFFFFF00];
	v1 =	vadd.f32 v4, v1  }
0x1e5: {  	v4 =	vld [tilespmem:s24+$0xFFFFFF80]  }
0x1e6: {  	s20 =	simm.s32 $0x6800;
	v1 =	vmax.f32 v1, $0.0e+00  }
0x1e7: {  	[tilespmem:s20+$0x80] =	vst v1  }
0x1e8: {  	v1 =	vshll.u32 v3, $0x10;
	v6 =	vld [tilespmem:s24+$0xC0]  }
0x1e9: {  	v7 =	vshll.u32 v2, $0x10;
	v1 =	vadd.f32 v1, v5  }
0x1ea: {  	v4 =	vadd.f32 v7, v4  }
0x1eb: {  	v5 =	vld [tilespmem:s21+$0x0];
	v1 =	vmax.f32 v1, $0.0e+00  }
0x1ec: {  	v0 =	vand.u32 $0xFFFF0000, v0;
	v7 =	vld [tilespmem:s24+$0x0];
	[tilespmem:s20+$0xFFFFFF00] =	vst v1;
	v1 =	vmax.f32 v4, $0.0e+00  }
0x1ed: {  	v4 =	vld [tilespmem:s24+$0xFFFFFF40];
	[tilespmem:s20+$0xFFFFFF80] =	vst v1;
	v0 =	vadd.f32 v0, v6  }
0x1ee: {  	v1 =	vld [tilespmem:s24+$0xFFFFFFC0]  }
0x1ef: {  	v0 =	vmax.f32 v0, $0.0e+00  }
0x1f0: {  	v6 =	vshll.u32 v5, $0x10;
	[tilespmem:s20+$0xC0] =	vst v0  }
0x1f1: {  	v0 =	vand.u32 $0xFFFF0000, v3;
	v3 =	vadd.f32 v6, v7;
	v6 =	vld [tilespmem:s21+$0x90]  }
0x1f2: {  	v2 =	vand.u32 $0xFFFF0000, v2;
	v0 =	vadd.f32 v0, v4;
	v4 =	vld [tilespmem:s24+$0x90]  }
0x1f3: {  	v3 =	vmax.f32 v3, $0.0e+00;
	v1 =	vadd.f32 v2, v1  }
0x1f4: {  	[tilespmem:s20+$0x0] =	vst v3;
	v0 =	vmax.f32 v0, $0.0e+00  }
0x1f5: {  	v2 =	vld [tilespmem:s24+$0x40];
	[tilespmem:s20+$0xFFFFFF40] =	vst v0;
	v0 =	vmax.f32 v1, $0.0e+00  }
0x1f6: {  	v1 =	vld [tilespmem:s21+$0xFFFFFF10];
	[tilespmem:s20+$0xFFFFFFC0] =	vst v0;
	v0 =	vshll.u32 v6, $0x10  }
0x1f7: {  	v3 =	vld [tilespmem:s21+$0xFFFFFF90];
	v0 =	vadd.f32 v0, v4  }
0x1f8: {  	v4 =	vld [tilespmem:s24+$0xFFFFFF10]  }
0x1f9: {  	v7 =	vld [tilespmem:s24+$0xFFFFFF90];
	v0 =	vmax.f32 v0, $0.0e+00  }
0x1fa: {  	v5 =	vand.u32 $0xFFFF0000, v5;
	[tilespmem:s20+$0x90] =	vst v0  }
0x1fb: {  	v0 =	vadd.f32 v5, v2;
	v2 =	vld [tilespmem:s24+$0xD0]  }
0x1fc: {  	v5 =	vshll.u32 v1, $0x10  }
0x1fd: {  	v8 =	vshll.u32 v3, $0x10;
	v0 =	vmax.f32 v0, $0.0e+00;
	v4 =	vadd.f32 v5, v4  }
0x1fe: {  	[tilespmem:s20+$0x40] =	vst v0;
	v0 =	vadd.f32 v8, v7  }
0x1ff: {  	v6 =	vand.u32 $0xFFFF0000, v6;
	v5 =	vld [tilespmem:s21+$0x10];
	v4 =	vmax.f32 v4, $0.0e+00  }
0x200: {  	v7 =	vld [tilespmem:s24+$0x10];
	[tilespmem:s20+$0xFFFFFF10] =	vst v4;
	v0 =	vmax.f32 v0, $0.0e+00;
	v2 =	vadd.f32 v6, v2  }
0x201: {  	v4 =	vld [tilespmem:s24+$0xFFFFFF50];
	[tilespmem:s20+$0xFFFFFF90] =	vst v0  }
0x202: {  	v0 =	vld [tilespmem:s24+$0xFFFFFFD0];
	v2 =	vmax.f32 v2, $0.0e+00  }
0x203: {  	[tilespmem:s20+$0xD0] =	vst v2  }
0x204: {  	v2 =	vshll.u32 v5, $0x10;
	v6 =	vld [tilespmem:s21+$0xA0]  }
0x205: {  	v1 =	vand.u32 $0xFFFF0000, v1;
	v2 =	vadd.f32 v2, v7;
	v7 =	vld [tilespmem:s24+$0xA0]  }
0x206: {  	v3 =	vand.u32 $0xFFFF0000, v3;
	v1 =	vadd.f32 v1, v4  }
0x207: {  	v0 =	vadd.f32 v3, v0  }
0x208: {  	s31 =	simm.s32 $0x5600;
	v1 =	vmax.f32 v1, $0.0e+00  }
0x209: {  	v9 =	vld [tilespmem:s31+$0x0];
	[tilespmem:s20+$0xFFFFFF50] =	vst v1;
	v0 =	vmax.f32 v0, $0.0e+00;
	v1 =	vshll.u32 v6, $0x10  }
0x20a: {  	s8 =	simm.s32 $0x600;
	v10 =	vld [tilespmem:s31+$0xFFFFFF00];
	[tilespmem:s20+$0xFFFFFFD0] =	vst v0;
	v0 =	vadd.f32 v1, v7  }
0x20b: {  	v12 =	vld [tilespmem:s8+$0xFFFFFF00]  }
0x20c: {  	v4 =	vld [tilespmem:s31+$0x80];
	v0 =	vmax.f32 v0, $0.0e+00  }
0x20d: {  	v7 =	vld [tilespmem:s8+$0x80];
	[tilespmem:s20+$0xA0] =	vst v0  }
0x20e: {  	v2 =	vmax.f32 v2, $0.0e+00;
	v0 =	vld [tilespmem:s24+$0xE0]  }
0x20f: {  	v8 =	vld [tilespmem:s31+$0xFFFFFF80];
	[tilespmem:s20+$0x10] =	vst v2  }
0x210: {  	v2 =	vld [tilespmem:s24+$0x50]  }
0x211: {  	v3 =	vld [tilespmem:s21+$0xFFFFFF20];
	v11 =	vshll.u32 v4, $0x10  }
0x212: {  	v6 =	vand.u32 $0xFFFF0000, v6;
	v1 =	vld [tilespmem:s21+$0xFFFFFFA0];
	v7 =	vadd.f32 v11, v7  }
0x213: {  	v11 =	vld [tilespmem:s8+$0xFFFFFF80];
	v0 =	vadd.f32 v6, v0  }
0x214: {  	s14 =	simm.s32 $0x6A00;
	v5 =	vand.u32 $0xFFFF0000, v5;
	v7 =	vmax.f32 v7, $0.0e+00;
	v6 =	vld [tilespmem:s8+$0x0]  }
0x215: {  	v2 =	vadd.f32 v5, v2;
	v5 =	vld [tilespmem:s24+$0xFFFFFF20];
	[tilespmem:s14+$0x80] =	vst v7;
	v0 =	vmax.f32 v0, $0.0e+00  }
0x216: {  	v7 =	vshll.u32 v10, $0x10;
	v13 =	vld [tilespmem:s8+$0xC0];
	[tilespmem:s20+$0xE0] =	vst v0  }
0x217: {  	v7 =	vadd.f32 v7, v12;
	v0 =	vmax.f32 v2, $0.0e+00;
	v2 =	vshll.u32 v8, $0x10;
	v57 =	vld [tilespmem:s21+$0xB0]  }
0x218: {  	[tilespmem:s20+$0x50] =	vst v0;
	v0 =	vshll.u32 v9, $0x10;
	v2 =	vadd.f32 v2, v11;
	v11 =	vld [tilespmem:s24+$0xB0]  }
0x219: {  	v15 =	vld [tilespmem:s24+$0xFFFFFFA0];
	v7 =	vmax.f32 v7, $0.0e+00;
	v0 =	vadd.f32 v0, v6  }
0x21a: {  	[tilespmem:s14+$0xFFFFFF00] =	vst v7;
	v14 =	vld [tilespmem:s21+$0x20];
	v6 =	vshll.u32 v3, $0x10;
	v2 =	vmax.f32 v2, $0.0e+00  }
0x21b: {  	v5 =	vadd.f32 v6, v5;
	v6 =	vld [tilespmem:s8+$0xFFFFFF40];
	[tilespmem:s14+$0xFFFFFF80] =	vst v2;
	v0 =	vmax.f32 v0, $0.0e+00;
	v2 =	vand.u32 $0xFFFF0000, v4  }
0x21c: {  	v4 =	vld [tilespmem:s8+$0xFFFFFFC0];
	[tilespmem:s14+$0x0] =	vst v0;
	v0 =	vadd.f32 v2, v13;
	v2 =	vshll.u32 v57, $0x10  }
0x21d: {  	v5 =	vmax.f32 v5, $0.0e+00;
	v7 =	vld [tilespmem:s8+$0x40];
	v2 =	vadd.f32 v2, v11  }
0x21e: {  	v58 =	vld [tilespmem:s24+$0x20];
	[tilespmem:s20+$0xFFFFFF20] =	vst v5;
	v11 =	vshll.u32 v1, $0x10;
	v0 =	vmax.f32 v0, $0.0e+00  }
0x21f: {  	v5 =	vand.u32 $0xFFFF0000, v10;
	v10 =	vld [tilespmem:s24+$0xFFFFFF60];
	v11 =	vadd.f32 v11, v15;
	[tilespmem:s14+$0xC0] =	vst v0;
	v0 =	vmax.f32 v2, $0.0e+00  }
0x220: {  	v5 =	vadd.f32 v5, v6;
	v2 =	vand.u32 $0xFFFF0000, v8;
	v6 =	vld [tilespmem:s31+$0x90];
	[tilespmem:s20+$0xB0] =	vst v0  }
0x221: {  	v0 =	vand.u32 $0xFFFF0000, v9;
	v8 =	vmax.f32 v11, $0.0e+00;
	v2 =	vadd.f32 v2, v4;
	v4 =	vld [tilespmem:s24+$0xF0]  }
0x222: {  	v5 =	vmax.f32 v5, $0.0e+00;
	[tilespmem:s20+$0xFFFFFFA0] =	vst v8;
	v0 =	vadd.f32 v0, v7;
	v7 =	vld [tilespmem:s8+$0x90]  }
0x223: {  	[tilespmem:s14+$0xFFFFFF40] =	vst v5;
	v5 =	vld [tilespmem:s24+$0xFFFFFFE0]  }
0x224: {  	v2 =	vmax.f32 v2, $0.0e+00;
	v8 =	vld [tilespmem:s31+$0xFFFFFF10]  }
0x225: {  	v59 =	vld [tilespmem:s8+$0xFFFFFF10];
	[tilespmem:s14+$0xFFFFFFC0] =	vst v2;
	v0 =	vmax.f32 v0, $0.0e+00;
	v2 =	vshll.u32 v14, $0x10  }
0x226: {  	v3 =	vand.u32 $0xFFFF0000, v3;
	v9 =	vld [tilespmem:s31+$0xFFFFFF90];
	[tilespmem:s14+$0x40] =	vst v0;
	v0 =	vadd.f32 v2, v58;
	v11 =	vshll.u32 v6, $0x10  }
0x227: {  	v3 =	vadd.f32 v3, v10;
	v10 =	vld [tilespmem:s8+$0xFFFFFF90];
	v7 =	vadd.f32 v11, v7  }
0x228: {  	v1 =	vand.u32 $0xFFFF0000, v1;
	v2 =	vld [tilespmem:s31+$0x10];
	v0 =	vmax.f32 v0, $0.0e+00  }
0x229: {  	[tilespmem:s20+$0x20] =	vst v0;
	v0 =	vadd.f32 v1, v5;
	v1 =	vld [tilespmem:s8+$0x10];
	v5 =	vmax.f32 v7, $0.0e+00  }
0x22a: {  	v3 =	vmax.f32 v3, $0.0e+00;
	[tilespmem:s14+$0x90] =	vst v5;
	v5 =	vld [tilespmem:s24+$0x60]  }
0x22b: {  	[tilespmem:s20+$0xFFFFFF60] =	vst v3;
	v3 =	vshll.u32 v8, $0x10;
	v0 =	vmax.f32 v0, $0.0e+00;
	v7 =	vld [tilespmem:s8+$0xD0]  }
0x22c: {  	v60 =	vld [tilespmem:s21+$0xFFFFFF30];
	v11 =	vshll.u32 v9, $0x10;
	[tilespmem:s20+$0xFFFFFFE0] =	vst v0;
	v0 =	vadd.f32 v3, v59  }
0x22d: {  	v3 =	vshll.u32 v2, $0x10;
	v10 =	vadd.f32 v11, v10;
	v11 =	vld [tilespmem:s21+$0xFFFFFFB0]  }
0x22e: {  	v14 =	vand.u32 $0xFFFF0000, v14;
	v0 =	vmax.f32 v0, $0.0e+00;
	v1 =	vadd.f32 v3, v1;
	v3 =	vld [tilespmem:s24+$0xFFFFFF30]  }
0x22f: {  	v6 =	vand.u32 $0xFFFF0000, v6;
	[tilespmem:s14+$0xFFFFFF10] =	vst v0;
	v0 =	vmax.f32 v10, $0.0e+00;
	v10 =	vld [tilespmem:s24+$0xFFFFFFB0];
	v5 =	vadd.f32 v14, v5  }
0x230: {  	v61 =	vld [tilespmem:s8+$0xFFFFFF50];
	[tilespmem:s14+$0xFFFFFF90] =	vst v0;
	v0 =	vmax.f32 v1, $0.0e+00;
	v1 =	vadd.f32 v6, v7  }
0x231: {  	v6 =	vld [tilespmem:s8+$0xFFFFFFD0];
	[tilespmem:s14+$0x10] =	vst v0;
	v0 =	vmax.f32 v5, $0.0e+00  }
0x232: {  	v5 =	vshll.u32 v60, $0x10;
	v7 =	vld [tilespmem:s8+$0x50];
	v1 =	vmax.f32 v1, $0.0e+00;
	[tilespmem:s20+$0x60] =	vst v0  }
0x233: {  	v0 =	vshll.u32 v11, $0x10;
	[tilespmem:s14+$0xD0] =	vst v1;
	v1 =	vadd.f32 v5, v3;
	v62 =	vld [tilespmem:s21+$0x30]  }
0x234: {  	v8 =	vand.u32 $0xFFFF0000, v8;
	v9 =	vand.u32 $0xFFFF0000, v9;
	v0 =	vadd.f32 v0, v10;
	v3 =	vld [tilespmem:s31+$0xA0]  }
0x235: {  	v2 =	vand.u32 $0xFFFF0000, v2;
	v8 =	vadd.f32 v8, v61;
	v10 =	vld [tilespmem:s8+$0xA0];
	v1 =	vmax.f32 v1, $0.0e+00  }
0x236: {  	v5 =	vand.u32 $0xFFFF0000, v57;
	v6 =	vadd.f32 v9, v6;
	v0 =	vmax.f32 v0, $0.0e+00;
	v9 =	vld [tilespmem:s24+$0x30];
	[tilespmem:s20+$0xFFFFFF30] =	vst v1  }
0x237: {  	v1 =	vadd.f32 v5, v4;
	v5 =	vmax.f32 v8, $0.0e+00;
	v2 =	vadd.f32 v2, v7;
	[tilespmem:s20+$0xFFFFFFB0] =	vst v0;
	v4 =	vld [tilespmem:s24+$0xFFFFFF70]  }
0x238: {  	[tilespmem:s14+$0xFFFFFF50] =	vst v5;
	v0 =	vmax.f32 v6, $0.0e+00;
	v5 =	vld [tilespmem:s24+$0xFFFFFFF0]  }
0x239: {  	v6 =	vmax.f32 v1, $0.0e+00;
	v7 =	vld [tilespmem:s31+$0xFFFFFF20];
	[tilespmem:s14+$0xFFFFFFD0] =	vst v0;
	v0 =	vmax.f32 v2, $0.0e+00;
	v63 =	vshll.u32 v3, $0x10  }
0x23a: {  	s30 =	simm.s32 $0x180;
	s3 =	simm.s32 $0x5800;
	v2 =	vand.u32 $0xFFFF0000, v11;
	v11 =	vshll.u32 v62, $0x10;
	v8 =	vld [tilespmem:s31+$0xFFFFFFA0];
	[tilespmem:s14+$0x50] =	vst v0;
	v10 =	vadd.f32 v63, v10  }
0x23b: {  	s0 =	simm.s32 $0x600;
	s1 =	simm.s32 $0x4;
	s21 =	simm.s32 $0x6A00;
	v1 =	vand.u32 $0xFFFF0000, v60;
	[tilespmem:s20+$0xF0] =	vst v6;
	v0 =	vand.u32 $0xFFFF0000, v62;
	v6 =	vld [tilespmem:s31+$0x20];
	v9 =	vadd.f32 v11, v9  }
.LBB2_7:
0x23c: {  	v11 =	vld [tilespmem:s3+$0x80];
	v10 =	vmax.f32 v10, $0.0e+00;
	s8 =	sadd.s32 $0x200, s8;
	v1 =	vadd.f32 v1, v4  }
0x23d: {  	v4 =	vld [tilespmem:s8+$0x80];
	[tilespmem:s14+$0xA0] =	vst v10;
	v2 =	vadd.f32 v2, v5;
	v5 =	vmax.f32 v9, $0.0e+00  }
0x23e: {  	s1 =	sadd.s32 $0x4, s1;
	v9 =	vshll.u32 v7, $0x10;
	v7 =	vand.u32 $0xFFFF0000, v7;
	v10 =	vld [tilespmem:s0+$0xE0];
	v1 =	vmax.f32 v1, $0.0e+00;
	[tilespmem:s20+$0x30] =	vst v5  }
0x23f: {  	p0 =	slt.u32 s1, $0x24;
	v5 =	vld [tilespmem:s3+$0xFFFFFF80];
	v12 =	vshll.u32 v8, $0x10;
	v8 =	vand.u32 $0xFFFF0000, v8;
	[tilespmem:s20+$0xFFFFFF70] =	vst v1;
	v2 =	vmax.f32 v2, $0.0e+00  }
0x240: {  	v13 =	vld [tilespmem:s3+$0x0];
	v14 =	vshll.u32 v6, $0x10;
	v1 =	vand.u32 $0xFFFF0000, v6;
	[tilespmem:s20+$0xFFFFFFF0] =	vst v2  }
0x241: {  	v2 =	vld [tilespmem:s3+$0xFFFFFF00];
	v6 =	vshll.u32 v11, $0x10  }
0x242: {  	v3 =	vand.u32 $0xFFFF0000, v3;
	v15 =	vld [tilespmem:s8+$0xFFFFFF00];
	v4 =	vadd.f32 v6, v4  }
0x243: {  	v6 =	vld [tilespmem:s8+$0xFFFFFF80];
	v3 =	vadd.f32 v3, v10  }
0x244: {  	s14 =	sadd.s32 $0x200, s14;
	v10 =	vshll.u32 v5, $0x10;
	v5 =	vand.u32 $0xFFFF0000, v5;
	v16 =	vld [tilespmem:s8+$0x0];
	v4 =	vmax.f32 v4, $0.0e+00  }
0x245: {  	v17 =	vshll.u32 v13, $0x10;
	v13 =	vand.u32 $0xFFFF0000, v13;
	[tilespmem:s14+$0x80] =	vst v4;
	v4 =	vld [tilespmem:s0+$0xFFFFFF20];
	v3 =	vmax.f32 v3, $0.0e+00  }
0x246: {  	v18 =	vshll.u32 v2, $0x10;
	v2 =	vand.u32 $0xFFFF0000, v2;
	v19 =	vld [tilespmem:s8+$0xC0];
	[tilespmem:s21+$0xE0] =	vst v3  }
0x247: {  	v3 =	vadd.f32 v18, v15;
	v15 =	vld [tilespmem:s31+$0xB0]  }
0x248: {  	v6 =	vadd.f32 v10, v6;
	v10 =	vld [tilespmem:s0+$0xB0]  }
0x249: {  	v3 =	vmax.f32 v3, $0.0e+00;
	v16 =	vadd.f32 v17, v16;
	v17 =	vld [tilespmem:s0+$0xFFFFFFA0]  }
0x24a: {  	[tilespmem:s14+$0xFFFFFF00] =	vst v3;
	v3 =	vmax.f32 v6, $0.0e+00;
	v4 =	vadd.f32 v9, v4;
	v6 =	vld [tilespmem:s0+$0x20]  }
0x24b: {  	v11 =	vand.u32 $0xFFFF0000, v11;
	v9 =	vld [tilespmem:s8+$0xFFFFFF40];
	[tilespmem:s14+$0xFFFFFF80] =	vst v3;
	v3 =	vmax.f32 v16, $0.0e+00  }
0x24c: {  	v16 =	vld [tilespmem:s8+$0xFFFFFFC0];
	[tilespmem:s14+$0x0] =	vst v3;
	v3 =	vadd.f32 v11, v19;
	v4 =	vmax.f32 v4, $0.0e+00;
	v11 =	vshll.u32 v15, $0x10  }
0x24d: {  	v18 =	vld [tilespmem:s8+$0x40];
	[tilespmem:s21+$0xFFFFFF20] =	vst v4;
	v4 =	vadd.f32 v11, v10  }
0x24e: {  	v3 =	vmax.f32 v3, $0.0e+00;
	v10 =	vld [tilespmem:s0+$0xFFFFFF60];
	v11 =	vadd.f32 v12, v17  }
0x24f: {  	[tilespmem:s14+$0xC0] =	vst v3;
	v3 =	vadd.f32 v14, v6;
	v4 =	vmax.f32 v4, $0.0e+00;
	v6 =	vld [tilespmem:s24+$0x70];
	s24 =	smov.u32 s0;
	s0 =	smov.u32 s8  }
0x250: {  	v2 =	vadd.f32 v2, v9;
	v9 =	vld [tilespmem:s3+$0x90];
	v11 =	vmax.f32 v11, $0.0e+00;
	[tilespmem:s21+$0xB0] =	vst v4  }
0x251: {  	v4 =	vadd.f32 v5, v16;
	[tilespmem:s21+$0xFFFFFFA0] =	vst v11;
	v3 =	vmax.f32 v3, $0.0e+00;
	v5 =	vld [tilespmem:s24+$0xF0]  }
0x252: {  	v2 =	vmax.f32 v2, $0.0e+00;
	v11 =	vadd.f32 v13, v18;
	v12 =	vld [tilespmem:s8+$0x90];
	[tilespmem:s21+$0x20] =	vst v3  }
0x253: {  	[tilespmem:s14+$0xFFFFFF40] =	vst v2;
	v2 =	vmax.f32 v4, $0.0e+00;
	v3 =	vadd.f32 v7, v10;
	v4 =	vld [tilespmem:s24+$0xFFFFFFE0]  }
0x254: {  	v7 =	vld [tilespmem:s3+$0xFFFFFF10];
	[tilespmem:s14+$0xFFFFFFC0] =	vst v2;
	v2 =	vmax.f32 v11, $0.0e+00;
	v0 =	vadd.f32 v0, v6  }
0x255: {  	v6 =	vld [tilespmem:s3+$0xFFFFFF90];
	[tilespmem:s14+$0x40] =	vst v2;
	v2 =	vmax.f32 v3, $0.0e+00;
	v3 =	vand.u32 $0xFFFF0000, v15  }
0x256: {  	v11 =	vshll.u32 v9, $0x10;
	v10 =	vld [tilespmem:s3+$0x10];
	[tilespmem:s21+$0xFFFFFF60] =	vst v2;
	v2 =	vadd.f32 v3, v5;
	v0 =	vmax.f32 v0, $0.0e+00  }
0x257: {  	v3 =	vld [tilespmem:s8+$0xFFFFFF10];
	v5 =	vadd.f32 v11, v12;
	[tilespmem:s20+$0x70] =	vst v0;
	s20 =	smov.u32 s21;
	s21 =	smov.u32 s14  }
0x258: {  	v0 =	vld [tilespmem:s8+$0xFFFFFF90];
	v4 =	vadd.f32 v8, v4;
	v2 =	vmax.f32 v2, $0.0e+00  }
0x259: {  	v8 =	vshll.u32 v7, $0x10;
	v7 =	vand.u32 $0xFFFF0000, v7;
	v11 =	vld [tilespmem:s8+$0x10];
	v5 =	vmax.f32 v5, $0.0e+00;
	[tilespmem:s20+$0xF0] =	vst v2  }
0x25a: {  	v2 =	vshll.u32 v6, $0x10;
	v6 =	vand.u32 $0xFFFF0000, v6;
	[tilespmem:s14+$0x90] =	vst v5;
	v4 =	vmax.f32 v4, $0.0e+00;
	v5 =	vld [tilespmem:s24+$0x60]  }
0x25b: {  	v12 =	vshll.u32 v10, $0x10;
	v10 =	vand.u32 $0xFFFF0000, v10;
	v13 =	vld [tilespmem:s8+$0xD0];
	[tilespmem:s20+$0xFFFFFFE0] =	vst v4  }
0x25c: {  	v3 =	vadd.f32 v8, v3;
	v4 =	vld [tilespmem:s31+$0xFFFFFF30]  }
0x25d: {  	v0 =	vadd.f32 v2, v0;
	v2 =	vld [tilespmem:s31+$0xFFFFFFB0]  }
0x25e: {  	v3 =	vmax.f32 v3, $0.0e+00;
	v8 =	vadd.f32 v12, v11;
	v11 =	vld [tilespmem:s24+$0xFFFFFF30]  }
0x25f: {  	[tilespmem:s14+$0xFFFFFF10] =	vst v3;
	v0 =	vmax.f32 v0, $0.0e+00;
	v3 =	vand.u32 $0xFFFF0000, v9;
	v9 =	vld [tilespmem:s24+$0xFFFFFFB0];
	v5 =	vadd.f32 v1, v5  }
0x260: {  	v12 =	vld [tilespmem:s8+$0xFFFFFF50];
	[tilespmem:s14+$0xFFFFFF90] =	vst v0;
	v0 =	vmax.f32 v8, $0.0e+00;
	v3 =	vadd.f32 v3, v13  }
0x261: {  	v8 =	vld [tilespmem:s8+$0xFFFFFFD0];
	[tilespmem:s14+$0x10] =	vst v0;
	v0 =	vshll.u32 v4, $0x10;
	v1 =	vand.u32 $0xFFFF0000, v4;
	v4 =	vmax.f32 v5, $0.0e+00  }
0x262: {  	v5 =	vld [tilespmem:s8+$0x50];
	v3 =	vmax.f32 v3, $0.0e+00;
	v13 =	vshll.u32 v2, $0x10;
	v2 =	vand.u32 $0xFFFF0000, v2;
	[tilespmem:s20+$0x60] =	vst v4  }
0x263: {  	[tilespmem:s14+$0xD0] =	vst v3;
	v0 =	vadd.f32 v0, v11;
	v11 =	vld [tilespmem:s31+$0x30];
	s31 =	smov.u32 s3  }
0x264: {  	v3 =	vld [tilespmem:s3+$0xA0];
	v4 =	vadd.f32 v13, v9  }
0x265: {  	v7 =	vadd.f32 v7, v12;
	v9 =	vld [tilespmem:s8+$0xA0];
	v0 =	vmax.f32 v0, $0.0e+00  }
0x266: {  	v6 =	vadd.f32 v6, v8;
	[tilespmem:s20+$0xFFFFFF30] =	vst v0;
	v0 =	vmax.f32 v4, $0.0e+00;
	v12 =	vld [tilespmem:s24+$0x30]  }
.Ltmp2:
0x267: {  	v7 =	vmax.f32 v7, $0.0e+00;
	v8 =	vadd.f32 v10, v5;
	v4 =	vld [tilespmem:s24+$0xFFFFFF70];
	[tilespmem:s20+$0xFFFFFFB0] =	vst v0;
	(pc) =	sbr.rel @p0 .LBB2_7-.Ltmp2, $4  }
0x268: {  	[tilespmem:s14+$0xFFFFFF50] =	vst v7;
	v6 =	vmax.f32 v6, $0.0e+00;
	v5 =	vld [tilespmem:s24+$0xFFFFFFF0];
	v13 =	vshll.u32 v11, $0x10;
	v0 =	vand.u32 $0xFFFF0000, v11  }
0x269: {  	v7 =	vld [tilespmem:s3+$0xFFFFFF20];
	[tilespmem:s14+$0xFFFFFFD0] =	vst v6;
	v6 =	vmax.f32 v8, $0.0e+00;
	v10 =	vshll.u32 v3, $0x10  }
0x26a: {  	v8 =	vld [tilespmem:s3+$0xFFFFFFA0];
	[tilespmem:s14+$0x50] =	vst v6;
	v10 =	vadd.f32 v10, v9  }
0x26b: {  	s3 =	sadd.s32 $0x200, s3;
	v6 =	vld [tilespmem:s31+$0x20];
	v9 =	vadd.f32 v13, v12  }
0x26c: {  	v11 =	vld [tilespmem:s0+$0xFFFFFF20]  }
0x26d: {  	v12 =	vld [tilespmem:s0+$0xFFFFFFA0];
	_ =	sdelay $0x2  }
0x26e: {  	v14 =	vld [tilespmem:s0+$0x20];
	v13 =	vshll.u32 v7, $0x10  }
0x26f: {  	v10 =	vmax.f32 v10, $0.0e+00;
	v15 =	vshll.u32 v8, $0x10;
	v11 =	vadd.f32 v13, v11  }
0x270: {  	[tilespmem:s14+$0xA0] =	vst v10;
	v10 =	vadd.f32 v15, v12  }
0x271: {  	v43 =	vld [tilespmem:s0+$0xE0];
	v11 =	vmax.f32 v11, $0.0e+00  }
0x272: {  	v44 =	vshll.u32 v6, $0x10;
	v10 =	vmax.f32 v10, $0.0e+00;
	[tilespmem:s21+$0xFFFFFF20] =	vst v11  }
0x273: {  	v13 =	vadd.f32 v44, v14;
	[tilespmem:s21+$0xFFFFFFA0] =	vst v10;
	v11 =	vld [tilespmem:s0+$0xFFFFFF60]  }
0x274: {  	v10 =	vld [tilespmem:s0+$0xFFFFFFE0]  }
0x275: {  	v3 =	vand.u32 $0xFFFF0000, v3;
	v13 =	vmax.f32 v13, $0.0e+00  }
0x276: {  	v3 =	vadd.f32 v3, v43;
	[tilespmem:s21+$0x20] =	vst v13  }
0x277: {  	v7 =	vand.u32 $0xFFFF0000, v7;
	v45 =	vld [tilespmem:s0+$0x60]  }
0x278: {  	v8 =	vand.u32 $0xFFFF0000, v8;
	v3 =	vmax.f32 v3, $0.0e+00;
	v7 =	vadd.f32 v7, v11  }
0x279: {  	[tilespmem:s21+$0xE0] =	vst v3;
	v3 =	vadd.f32 v8, v10  }
0x27a: {  	v8 =	vld [tilespmem:s31+$0xB0];
	v7 =	vmax.f32 v7, $0.0e+00  }
0x27b: {  	v6 =	vand.u32 $0xFFFF0000, v6;
	v10 =	vld [tilespmem:s0+$0xB0];
	v3 =	vmax.f32 v3, $0.0e+00;
	[tilespmem:s21+$0xFFFFFF60] =	vst v7  }
0x27c: {  	v6 =	vadd.f32 v6, v45;
	[tilespmem:s21+$0xFFFFFFE0] =	vst v3;
	v3 =	vld [tilespmem:s31+$0xFFFFFF30]  }
0x27d: {  	v7 =	vld [tilespmem:s31+$0xFFFFFFB0]  }
0x27e: {  	v6 =	vmax.f32 v6, $0.0e+00;
	v11 =	vld [tilespmem:s0+$0xFFFFFF30]  }
0x27f: {  	[tilespmem:s21+$0x60] =	vst v6;
	v46 =	vld [tilespmem:s0+$0xFFFFFFB0]  }
0x280: {  	v6 =	vld [tilespmem:s31+$0x30]  }
0x281: {  	v13 =	vld [tilespmem:s0+$0x30]  }
0x282: {  	v47 =	vshll.u32 v8, $0x10  }
0x283: {  	v10 =	vadd.f32 v47, v10;
	v48 =	vshll.u32 v3, $0x10  }
0x284: {  	v9 =	vmax.f32 v9, $0.0e+00;
	v49 =	vshll.u32 v7, $0x10;
	v11 =	vadd.f32 v48, v11  }
0x285: {  	[tilespmem:s20+$0x30] =	vst v9;
	v9 =	vmax.f32 v10, $0.0e+00;
	v50 =	vshll.u32 v6, $0x10;
	v10 =	vadd.f32 v49, v46  }
0x286: {  	v51 =	vld [tilespmem:s24+$0x70];
	[tilespmem:s21+$0xB0] =	vst v9;
	v9 =	vmax.f32 v11, $0.0e+00;
	v11 =	vadd.f32 v50, v13  }
0x287: {  	v52 =	vld [tilespmem:s0+$0xF0];
	[tilespmem:s21+$0xFFFFFF30] =	vst v9;
	v9 =	vmax.f32 v10, $0.0e+00  }
0x288: {  	v10 =	vld [tilespmem:s0+$0xFFFFFF70];
	[tilespmem:s21+$0xFFFFFFB0] =	vst v9;
	v9 =	vmax.f32 v11, $0.0e+00  }
0x289: {  	v1 =	vadd.f32 v1, v4;
	v4 =	vld [tilespmem:s0+$0xFFFFFFF0];
	[tilespmem:s21+$0x30] =	vst v9  }
0x28a: {  	v2 =	vadd.f32 v2, v5;
	v5 =	vld [tilespmem:s0+$0x70]  }
0x28b: {  	v1 =	vmax.f32 v1, $0.0e+00;
	v0 =	vadd.f32 v0, v51;
	v8 =	vand.u32 $0xFFFF0000, v8  }
0x28c: {  	[tilespmem:s20+$0xFFFFFF70] =	vst v1;
	v1 =	vmax.f32 v2, $0.0e+00;
	v3 =	vand.u32 $0xFFFF0000, v3;
	v2 =	vadd.f32 v8, v52  }
0x28d: {  	[tilespmem:s20+$0xFFFFFFF0] =	vst v1;
	v0 =	vmax.f32 v0, $0.0e+00;
	v1 =	vand.u32 $0xFFFF0000, v7;
	v3 =	vadd.f32 v3, v10  }
0x28e: {  	[tilespmem:s20+$0x70] =	vst v0;
	v0 =	vmax.f32 v2, $0.0e+00;
	v2 =	vand.u32 $0xFFFF0000, v6;
	v1 =	vadd.f32 v1, v4  }
0x28f: {  	[tilespmem:s21+$0xF0] =	vst v0;
	v0 =	vmax.f32 v3, $0.0e+00;
	v2 =	vadd.f32 v2, v5  }
0x290: {  	[tilespmem:s21+$0xFFFFFF70] =	vst v0;
	v0 =	vmax.f32 v1, $0.0e+00  }
0x291: {  	[tilespmem:s21+$0xFFFFFFF0] =	vst v0;
	v0 =	vmax.f32 v2, $0.0e+00  }
0x292: {  	s1 =	simm.s32 $0x280;
	s14 =	simm.s32 $0x6700;
	[tilespmem:s21+$0x70] =	vst v0  }
0x293: {  	[spmem:s15] =	stream.indirect.scatter.add.f32 [tilespmem:s14], [sflag:$0xC], $0x80, s1, s11, $0xb8;
	[tilespmem:$0x1CF00] =	vst v63  }
0x294: {  	s16 =	sadd.s32 s6, s16;
	_ =	swait.ge [sflag:s9], $0x1400  }
0x295: {  	s20 =	simm.s32 $0x200;
	[sflag:s9] =	ssyncset.done $0x0;
	s1 =	rddreg [dreg:$0x13]  }
0x296: {  	s21 =	sshll.u32 s12, $0x4;
	[sflag:s9] =	ssyncadd.s32 $0xFFFFEC00;
	s12 =	sadd.s32 s2, s1  }
0x297: {  	[tilespmem:s20], [sflag:$0xA] =	stream.linear.gather [hbm4b:s16+s4], $0x28, $0x38;
	[tilespmem:$0x1CF00] =	vst v63  }
0x298: {  	s24 =	simm.s32 $0x3F00;
	s0 =	sadd.s32 s7, s21;
	s16 =	sshrl.u32 s12, $0x3  }
0x299: {  	[tilespmem:s24], [sflag:$0x4] =	stream.linear.gather [hbm4b:s0+s4], $0x1400, $0x38;
	[tilespmem:$0x1CF00] =	vst v63  }
0x29a: {  	s8 =	simm.s32 $0x100;
	s14 =	simm.s32 $0x7;
	s3 =	sadd.s32 s5, s16  }
0x29b: {  	[tilespmem:s8], [sflag:$0x8] =	stream.linear.gather [hbm4b:s3+s4], $0x28, $0x38;
	[tilespmem:$0x1CF00] =	vst v63  }
0x29c: {  	_ =	swait.ge [sflag:s14], $0x28  }
0x29d: {  	[sflag:s14] =	ssyncset.done $0x0  }
0x29e: {  	[sflag:s14] =	ssyncadd.s32 $0xFFFFFFD8  }
0x29f: {  	s20 =	simm.s32 $0x80;
	s3 =	simm.s32 $0x300;
	s0 =	rddreg [dreg:$0x0]  }
0x2a0: {  	[tilespmem:s3], [sflag:$0x1] =	stream.indirect.gather [hbm4b:s0+s11], $0x80, s20, s11, $0xb8;
	[tilespmem:$0x1CF00] =	vst v63  }
0x2a1: {  	_ =	swait.ge [sflag:s17], $0x28  }
0x2a2: {  	[sflag:s17] =	ssyncset.done $0x0  }
0x2a3: {  	[sflag:s17] =	ssyncadd.s32 $0xFFFFFFD8  }
0x2a4: {  	_ =	swait.ge [sflag:s18], $0x1400  }
0x2a5: {  	[sflag:s18] =	ssyncset.done $0x0  }
0x2a6: {  	[sflag:s18] =	ssyncadd.s32 $0xFFFFEC00  }
0x2a7: {  	_ =	swait.ge [sflag:s23], $0x1400  }
0x2a8: {  	[sflag:s23] =	ssyncset.done $0x0  }
0x2a9: {  	s21 =	simm.s32 $0x2C00;
	[sflag:s23] =	ssyncadd.s32 $0xFFFFEC00  }
0x2aa: {  	s24 =	simm.s32 $0x1800;
	v0 =	vld [tilespmem:s21+$0x80]  }
0x2ab: {  	v1 =	vld [tilespmem:s24+$0x80];
	_ =	sdelay $0x2  }
0x2ac: {  	v2 =	vld [tilespmem:s21+$0xFFFFFF80]  }
0x2ad: {  	v3 =	vld [tilespmem:s21+$0xFFFFFF00];
	v4 =	vshll.u32 v0, $0x10  }
0x2ae: {  	v5 =	vld [tilespmem:s24+$0xFFFFFF00];
	v1 =	vadd.f32 v4, v1  }
0x2af: {  	v4 =	vld [tilespmem:s24+$0xFFFFFF80]  }
0x2b0: {  	s20 =	simm.s32 $0x7C00;
	v1 =	vmax.f32 v1, $0.0e+00  }
0x2b1: {  	[tilespmem:s20+$0x80] =	vst v1  }
0x2b2: {  	v1 =	vshll.u32 v3, $0x10;
	v6 =	vld [tilespmem:s24+$0xC0]  }
0x2b3: {  	v7 =	vshll.u32 v2, $0x10;
	v1 =	vadd.f32 v1, v5  }
0x2b4: {  	v4 =	vadd.f32 v7, v4  }
0x2b5: {  	v5 =	vld [tilespmem:s21+$0x0];
	v1 =	vmax.f32 v1, $0.0e+00  }
0x2b6: {  	v0 =	vand.u32 $0xFFFF0000, v0;
	v7 =	vld [tilespmem:s24+$0x0];
	[tilespmem:s20+$0xFFFFFF00] =	vst v1;
	v1 =	vmax.f32 v4, $0.0e+00  }
0x2b7: {  	v4 =	vld [tilespmem:s24+$0xFFFFFF40];
	[tilespmem:s20+$0xFFFFFF80] =	vst v1;
	v0 =	vadd.f32 v0, v6  }
0x2b8: {  	v1 =	vld [tilespmem:s24+$0xFFFFFFC0]  }
0x2b9: {  	v0 =	vmax.f32 v0, $0.0e+00  }
0x2ba: {  	v6 =	vshll.u32 v5, $0x10;
	[tilespmem:s20+$0xC0] =	vst v0  }
0x2bb: {  	v0 =	vand.u32 $0xFFFF0000, v3;
	v3 =	vadd.f32 v6, v7;
	v6 =	vld [tilespmem:s21+$0x90]  }
0x2bc: {  	v2 =	vand.u32 $0xFFFF0000, v2;
	v0 =	vadd.f32 v0, v4;
	v4 =	vld [tilespmem:s24+$0x90]  }
0x2bd: {  	v3 =	vmax.f32 v3, $0.0e+00;
	v1 =	vadd.f32 v2, v1  }
0x2be: {  	[tilespmem:s20+$0x0] =	vst v3;
	v0 =	vmax.f32 v0, $0.0e+00  }
0x2bf: {  	v2 =	vld [tilespmem:s24+$0x40];
	[tilespmem:s20+$0xFFFFFF40] =	vst v0;
	v0 =	vmax.f32 v1, $0.0e+00  }
0x2c0: {  	v1 =	vld [tilespmem:s21+$0xFFFFFF10];
	[tilespmem:s20+$0xFFFFFFC0] =	vst v0;
	v0 =	vshll.u32 v6, $0x10  }
0x2c1: {  	v3 =	vld [tilespmem:s21+$0xFFFFFF90];
	v0 =	vadd.f32 v0, v4  }
0x2c2: {  	v4 =	vld [tilespmem:s24+$0xFFFFFF10]  }
0x2c3: {  	v7 =	vld [tilespmem:s24+$0xFFFFFF90];
	v0 =	vmax.f32 v0, $0.0e+00  }
0x2c4: {  	v5 =	vand.u32 $0xFFFF0000, v5;
	[tilespmem:s20+$0x90] =	vst v0  }
0x2c5: {  	v0 =	vadd.f32 v5, v2;
	v2 =	vld [tilespmem:s24+$0xD0]  }
0x2c6: {  	v5 =	vshll.u32 v1, $0x10  }
0x2c7: {  	v8 =	vshll.u32 v3, $0x10;
	v0 =	vmax.f32 v0, $0.0e+00;
	v4 =	vadd.f32 v5, v4  }
0x2c8: {  	[tilespmem:s20+$0x40] =	vst v0;
	v0 =	vadd.f32 v8, v7  }
0x2c9: {  	v6 =	vand.u32 $0xFFFF0000, v6;
	v5 =	vld [tilespmem:s21+$0x10];
	v4 =	vmax.f32 v4, $0.0e+00  }
0x2ca: {  	v7 =	vld [tilespmem:s24+$0x10];
	[tilespmem:s20+$0xFFFFFF10] =	vst v4;
	v0 =	vmax.f32 v0, $0.0e+00;
	v2 =	vadd.f32 v6, v2  }
0x2cb: {  	v4 =	vld [tilespmem:s24+$0xFFFFFF50];
	[tilespmem:s20+$0xFFFFFF90] =	vst v0  }
0x2cc: {  	v0 =	vld [tilespmem:s24+$0xFFFFFFD0];
	v2 =	vmax.f32 v2, $0.0e+00  }
0x2cd: {  	[tilespmem:s20+$0xD0] =	vst v2  }
0x2ce: {  	v2 =	vshll.u32 v5, $0x10;
	v6 =	vld [tilespmem:s21+$0xA0]  }
0x2cf: {  	v1 =	vand.u32 $0xFFFF0000, v1;
	v2 =	vadd.f32 v2, v7;
	v7 =	vld [tilespmem:s24+$0xA0]  }
0x2d0: {  	v3 =	vand.u32 $0xFFFF0000, v3;
	v1 =	vadd.f32 v1, v4  }
0x2d1: {  	v0 =	vadd.f32 v3, v0  }
0x2d2: {  	s31 =	simm.s32 $0x2E00;
	v1 =	vmax.f32 v1, $0.0e+00  }
0x2d3: {  	v9 =	vld [tilespmem:s31+$0x0];
	[tilespmem:s20+$0xFFFFFF50] =	vst v1;
	v0 =	vmax.f32 v0, $0.0e+00;
	v1 =	vshll.u32 v6, $0x10  }
0x2d4: {  	s8 =	simm.s32 $0x1A00;
	v10 =	vld [tilespmem:s31+$0xFFFFFF00];
	[tilespmem:s20+$0xFFFFFFD0] =	vst v0;
	v0 =	vadd.f32 v1, v7  }
0x2d5: {  	v53 =	vld [tilespmem:s8+$0xFFFFFF00]  }
0x2d6: {  	v4 =	vld [tilespmem:s31+$0x80];
	v0 =	vmax.f32 v0, $0.0e+00  }
0x2d7: {  	v7 =	vld [tilespmem:s8+$0x80];
	[tilespmem:s20+$0xA0] =	vst v0  }
0x2d8: {  	v2 =	vmax.f32 v2, $0.0e+00;
	v0 =	vld [tilespmem:s24+$0xE0]  }
0x2d9: {  	v8 =	vld [tilespmem:s31+$0xFFFFFF80];
	[tilespmem:s20+$0x10] =	vst v2  }
0x2da: {  	v2 =	vld [tilespmem:s24+$0x50]  }
0x2db: {  	v3 =	vld [tilespmem:s21+$0xFFFFFF20];
	v11 =	vshll.u32 v4, $0x10  }
0x2dc: {  	v6 =	vand.u32 $0xFFFF0000, v6;
	v1 =	vld [tilespmem:s21+$0xFFFFFFA0];
	v7 =	vadd.f32 v11, v7  }
0x2dd: {  	v11 =	vld [tilespmem:s8+$0xFFFFFF80];
	v0 =	vadd.f32 v6, v0  }
0x2de: {  	s14 =	simm.s32 $0x7E00;
	v5 =	vand.u32 $0xFFFF0000, v5;
	v7 =	vmax.f32 v7, $0.0e+00;
	v6 =	vld [tilespmem:s8+$0x0]  }
0x2df: {  	v2 =	vadd.f32 v5, v2;
	v5 =	vld [tilespmem:s24+$0xFFFFFF20];
	[tilespmem:s14+$0x80] =	vst v7;
	v0 =	vmax.f32 v0, $0.0e+00  }
0x2e0: {  	v7 =	vshll.u32 v10, $0x10;
	v54 =	vld [tilespmem:s8+$0xC0];
	[tilespmem:s20+$0xE0] =	vst v0  }
0x2e1: {  	v7 =	vadd.f32 v7, v53;
	v0 =	vmax.f32 v2, $0.0e+00;
	v2 =	vshll.u32 v8, $0x10;
	v55 =	vld [tilespmem:s21+$0xB0]  }
0x2e2: {  	[tilespmem:s20+$0x50] =	vst v0;
	v0 =	vshll.u32 v9, $0x10;
	v2 =	vadd.f32 v2, v11;
	v11 =	vld [tilespmem:s24+$0xB0]  }
0x2e3: {  	v57 =	vld [tilespmem:s24+$0xFFFFFFA0];
	v7 =	vmax.f32 v7, $0.0e+00;
	v0 =	vadd.f32 v0, v6  }
0x2e4: {  	[tilespmem:s14+$0xFFFFFF00] =	vst v7;
	v56 =	vld [tilespmem:s21+$0x20];
	v6 =	vshll.u32 v3, $0x10;
	v2 =	vmax.f32 v2, $0.0e+00  }
0x2e5: {  	v5 =	vadd.f32 v6, v5;
	v6 =	vld [tilespmem:s8+$0xFFFFFF40];
	[tilespmem:s14+$0xFFFFFF80] =	vst v2;
	v0 =	vmax.f32 v0, $0.0e+00;
	v2 =	vand.u32 $0xFFFF0000, v4  }
0x2e6: {  	v4 =	vld [tilespmem:s8+$0xFFFFFFC0];
	[tilespmem:s14+$0x0] =	vst v0;
	v0 =	vadd.f32 v2, v54;
	v2 =	vshll.u32 v55, $0x10  }
0x2e7: {  	v5 =	vmax.f32 v5, $0.0e+00;
	v7 =	vld [tilespmem:s8+$0x40];
	v2 =	vadd.f32 v2, v11  }
0x2e8: {  	v58 =	vld [tilespmem:s24+$0x20];
	[tilespmem:s20+$0xFFFFFF20] =	vst v5;
	v11 =	vshll.u32 v1, $0x10;
	v0 =	vmax.f32 v0, $0.0e+00  }
0x2e9: {  	v5 =	vand.u32 $0xFFFF0000, v10;
	v10 =	vld [tilespmem:s24+$0xFFFFFF60];
	v11 =	vadd.f32 v11, v57;
	[tilespmem:s14+$0xC0] =	vst v0;
	v0 =	vmax.f32 v2, $0.0e+00  }
0x2ea: {  	v5 =	vadd.f32 v5, v6;
	v2 =	vand.u32 $0xFFFF0000, v8;
	v6 =	vld [tilespmem:s31+$0x90];
	[tilespmem:s20+$0xB0] =	vst v0  }
0x2eb: {  	v0 =	vand.u32 $0xFFFF0000, v9;
	v8 =	vmax.f32 v11, $0.0e+00;
	v2 =	vadd.f32 v2, v4;
	v4 =	vld [tilespmem:s24+$0xF0]  }
0x2ec: {  	v5 =	vmax.f32 v5, $0.0e+00;
	[tilespmem:s20+$0xFFFFFFA0] =	vst v8;
	v0 =	vadd.f32 v0, v7;
	v7 =	vld [tilespmem:s8+$0x90]  }
0x2ed: {  	[tilespmem:s14+$0xFFFFFF40] =	vst v5;
	v5 =	vld [tilespmem:s24+$0xFFFFFFE0]  }
0x2ee: {  	v2 =	vmax.f32 v2, $0.0e+00;
	v8 =	vld [tilespmem:s31+$0xFFFFFF10]  }
0x2ef: {  	v59 =	vld [tilespmem:s8+$0xFFFFFF10];
	[tilespmem:s14+$0xFFFFFFC0] =	vst v2;
	v0 =	vmax.f32 v0, $0.0e+00;
	v2 =	vshll.u32 v56, $0x10  }
0x2f0: {  	v3 =	vand.u32 $0xFFFF0000, v3;
	v9 =	vld [tilespmem:s31+$0xFFFFFF90];
	[tilespmem:s14+$0x40] =	vst v0;
	v0 =	vadd.f32 v2, v58;
	v11 =	vshll.u32 v6, $0x10  }
0x2f1: {  	v3 =	vadd.f32 v3, v10;
	v10 =	vld [tilespmem:s8+$0xFFFFFF90];
	v7 =	vadd.f32 v11, v7  }
0x2f2: {  	v1 =	vand.u32 $0xFFFF0000, v1;
	v2 =	vld [tilespmem:s31+$0x10];
	v0 =	vmax.f32 v0, $0.0e+00  }
0x2f3: {  	[tilespmem:s20+$0x20] =	vst v0;
	v0 =	vadd.f32 v1, v5;
	v1 =	vld [tilespmem:s8+$0x10];
	v5 =	vmax.f32 v7, $0.0e+00  }
0x2f4: {  	v3 =	vmax.f32 v3, $0.0e+00;
	[tilespmem:s14+$0x90] =	vst v5;
	v5 =	vld [tilespmem:s24+$0x60]  }
0x2f5: {  	[tilespmem:s20+$0xFFFFFF60] =	vst v3;
	v3 =	vshll.u32 v8, $0x10;
	v0 =	vmax.f32 v0, $0.0e+00;
	v7 =	vld [tilespmem:s8+$0xD0]  }
0x2f6: {  	v60 =	vld [tilespmem:s21+$0xFFFFFF30];
	v11 =	vshll.u32 v9, $0x10;
	[tilespmem:s20+$0xFFFFFFE0] =	vst v0;
	v0 =	vadd.f32 v3, v59  }
0x2f7: {  	v3 =	vshll.u32 v2, $0x10;
	v10 =	vadd.f32 v11, v10;
	v11 =	vld [tilespmem:s21+$0xFFFFFFB0]  }
0x2f8: {  	v14 =	vand.u32 $0xFFFF0000, v56;
	v0 =	vmax.f32 v0, $0.0e+00;
	v1 =	vadd.f32 v3, v1;
	v3 =	vld [tilespmem:s24+$0xFFFFFF30]  }
0x2f9: {  	v6 =	vand.u32 $0xFFFF0000, v6;
	[tilespmem:s14+$0xFFFFFF10] =	vst v0;
	v0 =	vmax.f32 v10, $0.0e+00;
	v10 =	vld [tilespmem:s24+$0xFFFFFFB0];
	v5 =	vadd.f32 v14, v5  }
0x2fa: {  	v61 =	vld [tilespmem:s8+$0xFFFFFF50];
	[tilespmem:s14+$0xFFFFFF90] =	vst v0;
	v0 =	vmax.f32 v1, $0.0e+00;
	v1 =	vadd.f32 v6, v7  }
0x2fb: {  	v6 =	vld [tilespmem:s8+$0xFFFFFFD0];
	[tilespmem:s14+$0x10] =	vst v0;
	v0 =	vmax.f32 v5, $0.0e+00  }
0x2fc: {  	v5 =	vshll.u32 v60, $0x10;
	v7 =	vld [tilespmem:s8+$0x50];
	v1 =	vmax.f32 v1, $0.0e+00;
	[tilespmem:s20+$0x60] =	vst v0  }
0x2fd: {  	v0 =	vshll.u32 v11, $0x10;
	[tilespmem:s14+$0xD0] =	vst v1;
	v1 =	vadd.f32 v5, v3;
	v62 =	vld [tilespmem:s21+$0x30]  }
0x2fe: {  	v8 =	vand.u32 $0xFFFF0000, v8;
	v9 =	vand.u32 $0xFFFF0000, v9;
	v0 =	vadd.f32 v0, v10;
	v3 =	vld [tilespmem:s31+$0xA0]  }
0x2ff: {  	v2 =	vand.u32 $0xFFFF0000, v2;
	v8 =	vadd.f32 v8, v61;
	v10 =	vld [tilespmem:s8+$0xA0];
	v1 =	vmax.f32 v1, $0.0e+00  }
0x300: {  	v5 =	vand.u32 $0xFFFF0000, v55;
	v6 =	vadd.f32 v9, v6;
	v0 =	vmax.f32 v0, $0.0e+00;
	v9 =	vld [tilespmem:s24+$0x30];
	[tilespmem:s20+$0xFFFFFF30] =	vst v1  }
0x301: {  	v1 =	vadd.f32 v5, v4;
	v5 =	vmax.f32 v8, $0.0e+00;
	v2 =	vadd.f32 v2, v7;
	[tilespmem:s20+$0xFFFFFFB0] =	vst v0;
	v4 =	vld [tilespmem:s24+$0xFFFFFF70]  }
0x302: {  	[tilespmem:s14+$0xFFFFFF50] =	vst v5;
	v0 =	vmax.f32 v6, $0.0e+00;
	v5 =	vld [tilespmem:s24+$0xFFFFFFF0]  }
0x303: {  	v6 =	vmax.f32 v1, $0.0e+00;
	v7 =	vld [tilespmem:s31+$0xFFFFFF20];
	[tilespmem:s14+$0xFFFFFFD0] =	vst v0;
	v0 =	vmax.f32 v2, $0.0e+00;
	v63 =	vshll.u32 v3, $0x10  }
0x304: {  	s1 =	simm.s32 $0x4;
	v2 =	vand.u32 $0xFFFF0000, v11;
	v11 =	vshll.u32 v62, $0x10;
	v8 =	vld [tilespmem:s31+$0xFFFFFFA0];
	[tilespmem:s14+$0x50] =	vst v0;
	v10 =	vadd.f32 v63, v10  }
0x305: {  	s3 =	simm.s32 $0x3000;
	s0 =	simm.s32 $0x1A00;
	s21 =	simm.s32 $0x7E00;
	v1 =	vand.u32 $0xFFFF0000, v60;
	[tilespmem:s20+$0xF0] =	vst v6;
	v0 =	vand.u32 $0xFFFF0000, v62;
	v6 =	vld [tilespmem:s31+$0x20];
	v9 =	vadd.f32 v11, v9  }
.LBB2_9:
0x306: {  	v11 =	vld [tilespmem:s3+$0x80];
	v10 =	vmax.f32 v10, $0.0e+00;
	s8 =	sadd.s32 $0x200, s8;
	v1 =	vadd.f32 v1, v4  }
0x307: {  	v4 =	vld [tilespmem:s8+$0x80];
	[tilespmem:s14+$0xA0] =	vst v10;
	v2 =	vadd.f32 v2, v5;
	v5 =	vmax.f32 v9, $0.0e+00  }
0x308: {  	s1 =	sadd.s32 $0x4, s1;
	v9 =	vshll.u32 v7, $0x10;
	v7 =	vand.u32 $0xFFFF0000, v7;
	v10 =	vld [tilespmem:s0+$0xE0];
	v1 =	vmax.f32 v1, $0.0e+00;
	[tilespmem:s20+$0x30] =	vst v5  }
0x309: {  	p0 =	slt.u32 s1, $0x24;
	v5 =	vld [tilespmem:s3+$0xFFFFFF80];
	v12 =	vshll.u32 v8, $0x10;
	v8 =	vand.u32 $0xFFFF0000, v8;
	[tilespmem:s20+$0xFFFFFF70] =	vst v1;
	v2 =	vmax.f32 v2, $0.0e+00  }
0x30a: {  	v13 =	vld [tilespmem:s3+$0x0];
	v14 =	vshll.u32 v6, $0x10;
	v1 =	vand.u32 $0xFFFF0000, v6;
	[tilespmem:s20+$0xFFFFFFF0] =	vst v2  }
0x30b: {  	v2 =	vld [tilespmem:s3+$0xFFFFFF00];
	v6 =	vshll.u32 v11, $0x10  }
0x30c: {  	v3 =	vand.u32 $0xFFFF0000, v3;
	v15 =	vld [tilespmem:s8+$0xFFFFFF00];
	v4 =	vadd.f32 v6, v4  }
0x30d: {  	v6 =	vld [tilespmem:s8+$0xFFFFFF80];
	v3 =	vadd.f32 v3, v10  }
0x30e: {  	s14 =	sadd.s32 $0x200, s14;
	v10 =	vshll.u32 v5, $0x10;
	v5 =	vand.u32 $0xFFFF0000, v5;
	v16 =	vld [tilespmem:s8+$0x0];
	v4 =	vmax.f32 v4, $0.0e+00  }
0x30f: {  	v17 =	vshll.u32 v13, $0x10;
	v13 =	vand.u32 $0xFFFF0000, v13;
	[tilespmem:s14+$0x80] =	vst v4;
	v4 =	vld [tilespmem:s0+$0xFFFFFF20];
	v3 =	vmax.f32 v3, $0.0e+00  }
0x310: {  	v18 =	vshll.u32 v2, $0x10;
	v2 =	vand.u32 $0xFFFF0000, v2;
	v19 =	vld [tilespmem:s8+$0xC0];
	[tilespmem:s21+$0xE0] =	vst v3  }
0x311: {  	v3 =	vadd.f32 v18, v15;
	v15 =	vld [tilespmem:s31+$0xB0]  }
0x312: {  	v6 =	vadd.f32 v10, v6;
	v10 =	vld [tilespmem:s0+$0xB0]  }
0x313: {  	v3 =	vmax.f32 v3, $0.0e+00;
	v16 =	vadd.f32 v17, v16;
	v17 =	vld [tilespmem:s0+$0xFFFFFFA0]  }
0x314: {  	[tilespmem:s14+$0xFFFFFF00] =	vst v3;
	v3 =	vmax.f32 v6, $0.0e+00;
	v4 =	vadd.f32 v9, v4;
	v6 =	vld [tilespmem:s0+$0x20]  }
0x315: {  	v11 =	vand.u32 $0xFFFF0000, v11;
	v9 =	vld [tilespmem:s8+$0xFFFFFF40];
	[tilespmem:s14+$0xFFFFFF80] =	vst v3;
	v3 =	vmax.f32 v16, $0.0e+00  }
0x316: {  	v16 =	vld [tilespmem:s8+$0xFFFFFFC0];
	[tilespmem:s14+$0x0] =	vst v3;
	v3 =	vadd.f32 v11, v19;
	v4 =	vmax.f32 v4, $0.0e+00;
	v11 =	vshll.u32 v15, $0x10  }
0x317: {  	v18 =	vld [tilespmem:s8+$0x40];
	[tilespmem:s21+$0xFFFFFF20] =	vst v4;
	v4 =	vadd.f32 v11, v10  }
0x318: {  	v3 =	vmax.f32 v3, $0.0e+00;
	v10 =	vld [tilespmem:s0+$0xFFFFFF60];
	v11 =	vadd.f32 v12, v17  }
0x319: {  	[tilespmem:s14+$0xC0] =	vst v3;
	v3 =	vadd.f32 v14, v6;
	v4 =	vmax.f32 v4, $0.0e+00;
	v6 =	vld [tilespmem:s24+$0x70];
	s24 =	smov.u32 s0;
	s0 =	smov.u32 s8  }
0x31a: {  	v2 =	vadd.f32 v2, v9;
	v9 =	vld [tilespmem:s3+$0x90];
	v11 =	vmax.f32 v11, $0.0e+00;
	[tilespmem:s21+$0xB0] =	vst v4  }
0x31b: {  	v4 =	vadd.f32 v5, v16;
	[tilespmem:s21+$0xFFFFFFA0] =	vst v11;
	v3 =	vmax.f32 v3, $0.0e+00;
	v5 =	vld [tilespmem:s24+$0xF0]  }
0x31c: {  	v2 =	vmax.f32 v2, $0.0e+00;
	v11 =	vadd.f32 v13, v18;
	v12 =	vld [tilespmem:s8+$0x90];
	[tilespmem:s21+$0x20] =	vst v3  }
0x31d: {  	[tilespmem:s14+$0xFFFFFF40] =	vst v2;
	v2 =	vmax.f32 v4, $0.0e+00;
	v3 =	vadd.f32 v7, v10;
	v4 =	vld [tilespmem:s24+$0xFFFFFFE0]  }
0x31e: {  	v7 =	vld [tilespmem:s3+$0xFFFFFF10];
	[tilespmem:s14+$0xFFFFFFC0] =	vst v2;
	v2 =	vmax.f32 v11, $0.0e+00;
	v0 =	vadd.f32 v0, v6  }
0x31f: {  	v6 =	vld [tilespmem:s3+$0xFFFFFF90];
	[tilespmem:s14+$0x40] =	vst v2;
	v2 =	vmax.f32 v3, $0.0e+00;
	v3 =	vand.u32 $0xFFFF0000, v15  }
0x320: {  	v11 =	vshll.u32 v9, $0x10;
	v10 =	vld [tilespmem:s3+$0x10];
	[tilespmem:s21+$0xFFFFFF60] =	vst v2;
	v2 =	vadd.f32 v3, v5;
	v0 =	vmax.f32 v0, $0.0e+00  }
0x321: {  	v3 =	vld [tilespmem:s8+$0xFFFFFF10];
	v5 =	vadd.f32 v11, v12;
	[tilespmem:s20+$0x70] =	vst v0;
	s20 =	smov.u32 s21;
	s21 =	smov.u32 s14  }
0x322: {  	v0 =	vld [tilespmem:s8+$0xFFFFFF90];
	v4 =	vadd.f32 v8, v4;
	v2 =	vmax.f32 v2, $0.0e+00  }
0x323: {  	v8 =	vshll.u32 v7, $0x10;
	v7 =	vand.u32 $0xFFFF0000, v7;
	v11 =	vld [tilespmem:s8+$0x10];
	v5 =	vmax.f32 v5, $0.0e+00;
	[tilespmem:s20+$0xF0] =	vst v2  }
0x324: {  	v2 =	vshll.u32 v6, $0x10;
	v6 =	vand.u32 $0xFFFF0000, v6;
	[tilespmem:s14+$0x90] =	vst v5;
	v4 =	vmax.f32 v4, $0.0e+00;
	v5 =	vld [tilespmem:s24+$0x60]  }
0x325: {  	v12 =	vshll.u32 v10, $0x10;
	v10 =	vand.u32 $0xFFFF0000, v10;
	v13 =	vld [tilespmem:s8+$0xD0];
	[tilespmem:s20+$0xFFFFFFE0] =	vst v4  }
0x326: {  	v3 =	vadd.f32 v8, v3;
	v4 =	vld [tilespmem:s31+$0xFFFFFF30]  }
0x327: {  	v0 =	vadd.f32 v2, v0;
	v2 =	vld [tilespmem:s31+$0xFFFFFFB0]  }
0x328: {  	v3 =	vmax.f32 v3, $0.0e+00;
	v8 =	vadd.f32 v12, v11;
	v11 =	vld [tilespmem:s24+$0xFFFFFF30]  }
0x329: {  	[tilespmem:s14+$0xFFFFFF10] =	vst v3;
	v0 =	vmax.f32 v0, $0.0e+00;
	v3 =	vand.u32 $0xFFFF0000, v9;
	v9 =	vld [tilespmem:s24+$0xFFFFFFB0];
	v5 =	vadd.f32 v1, v5  }
0x32a: {  	v12 =	vld [tilespmem:s8+$0xFFFFFF50];
	[tilespmem:s14+$0xFFFFFF90] =	vst v0;
	v0 =	vmax.f32 v8, $0.0e+00;
	v3 =	vadd.f32 v3, v13  }
0x32b: {  	v8 =	vld [tilespmem:s8+$0xFFFFFFD0];
	[tilespmem:s14+$0x10] =	vst v0;
	v0 =	vshll.u32 v4, $0x10;
	v1 =	vand.u32 $0xFFFF0000, v4;
	v4 =	vmax.f32 v5, $0.0e+00  }
0x32c: {  	v5 =	vld [tilespmem:s8+$0x50];
	v3 =	vmax.f32 v3, $0.0e+00;
	v13 =	vshll.u32 v2, $0x10;
	v2 =	vand.u32 $0xFFFF0000, v2;
	[tilespmem:s20+$0x60] =	vst v4  }
0x32d: {  	[tilespmem:s14+$0xD0] =	vst v3;
	v0 =	vadd.f32 v0, v11;
	v11 =	vld [tilespmem:s31+$0x30];
	s31 =	smov.u32 s3  }
0x32e: {  	v3 =	vld [tilespmem:s3+$0xA0];
	v4 =	vadd.f32 v13, v9  }
0x32f: {  	v7 =	vadd.f32 v7, v12;
	v9 =	vld [tilespmem:s8+$0xA0];
	v0 =	vmax.f32 v0, $0.0e+00  }
0x330: {  	v6 =	vadd.f32 v6, v8;
	[tilespmem:s20+$0xFFFFFF30] =	vst v0;
	v0 =	vmax.f32 v4, $0.0e+00;
	v12 =	vld [tilespmem:s24+$0x30]  }
.Ltmp3:
0x331: {  	v7 =	vmax.f32 v7, $0.0e+00;
	v8 =	vadd.f32 v10, v5;
	v4 =	vld [tilespmem:s24+$0xFFFFFF70];
	[tilespmem:s20+$0xFFFFFFB0] =	vst v0;
	(pc) =	sbr.rel @p0 .LBB2_9-.Ltmp3, $4  }
0x332: {  	[tilespmem:s14+$0xFFFFFF50] =	vst v7;
	v6 =	vmax.f32 v6, $0.0e+00;
	v5 =	vld [tilespmem:s24+$0xFFFFFFF0];
	v13 =	vshll.u32 v11, $0x10;
	v0 =	vand.u32 $0xFFFF0000, v11  }
0x333: {  	v7 =	vld [tilespmem:s3+$0xFFFFFF20];
	[tilespmem:s14+$0xFFFFFFD0] =	vst v6;
	v6 =	vmax.f32 v8, $0.0e+00;
	v10 =	vshll.u32 v3, $0x10  }
0x334: {  	v8 =	vld [tilespmem:s3+$0xFFFFFFA0];
	[tilespmem:s14+$0x50] =	vst v6;
	v10 =	vadd.f32 v10, v9  }
0x335: {  	s3 =	sadd.s32 $0x200, s3;
	v6 =	vld [tilespmem:s31+$0x20];
	v9 =	vadd.f32 v13, v12  }
0x336: {  	v11 =	vld [tilespmem:s0+$0xFFFFFF20]  }
0x337: {  	v12 =	vld [tilespmem:s0+$0xFFFFFFA0];
	_ =	sdelay $0x2  }
0x338: {  	v14 =	vld [tilespmem:s0+$0x20];
	v13 =	vshll.u32 v7, $0x10  }
0x339: {  	v10 =	vmax.f32 v10, $0.0e+00;
	v15 =	vshll.u32 v8, $0x10;
	v11 =	vadd.f32 v13, v11  }
0x33a: {  	[tilespmem:s14+$0xA0] =	vst v10;
	v10 =	vadd.f32 v15, v12  }
0x33b: {  	v43 =	vld [tilespmem:s0+$0xE0];
	v11 =	vmax.f32 v11, $0.0e+00  }
0x33c: {  	v44 =	vshll.u32 v6, $0x10;
	v10 =	vmax.f32 v10, $0.0e+00;
	[tilespmem:s21+$0xFFFFFF20] =	vst v11  }
0x33d: {  	v13 =	vadd.f32 v44, v14;
	[tilespmem:s21+$0xFFFFFFA0] =	vst v10;
	v11 =	vld [tilespmem:s0+$0xFFFFFF60]  }
0x33e: {  	v10 =	vld [tilespmem:s0+$0xFFFFFFE0]  }
0x33f: {  	v3 =	vand.u32 $0xFFFF0000, v3;
	v13 =	vmax.f32 v13, $0.0e+00  }
0x340: {  	v3 =	vadd.f32 v3, v43;
	[tilespmem:s21+$0x20] =	vst v13  }
0x341: {  	v7 =	vand.u32 $0xFFFF0000, v7;
	v45 =	vld [tilespmem:s0+$0x60]  }
0x342: {  	v8 =	vand.u32 $0xFFFF0000, v8;
	v3 =	vmax.f32 v3, $0.0e+00;
	v7 =	vadd.f32 v7, v11  }
0x343: {  	[tilespmem:s21+$0xE0] =	vst v3;
	v3 =	vadd.f32 v8, v10  }
0x344: {  	v8 =	vld [tilespmem:s31+$0xB0];
	v7 =	vmax.f32 v7, $0.0e+00  }
0x345: {  	v6 =	vand.u32 $0xFFFF0000, v6;
	v10 =	vld [tilespmem:s0+$0xB0];
	v3 =	vmax.f32 v3, $0.0e+00;
	[tilespmem:s21+$0xFFFFFF60] =	vst v7  }
0x346: {  	v6 =	vadd.f32 v6, v45;
	[tilespmem:s21+$0xFFFFFFE0] =	vst v3;
	v3 =	vld [tilespmem:s31+$0xFFFFFF30]  }
0x347: {  	v7 =	vld [tilespmem:s31+$0xFFFFFFB0]  }
0x348: {  	v6 =	vmax.f32 v6, $0.0e+00;
	v11 =	vld [tilespmem:s0+$0xFFFFFF30]  }
0x349: {  	[tilespmem:s21+$0x60] =	vst v6;
	v46 =	vld [tilespmem:s0+$0xFFFFFFB0]  }
0x34a: {  	v6 =	vld [tilespmem:s31+$0x30]  }
0x34b: {  	v13 =	vld [tilespmem:s0+$0x30]  }
0x34c: {  	v47 =	vshll.u32 v8, $0x10  }
0x34d: {  	v10 =	vadd.f32 v47, v10;
	v48 =	vshll.u32 v3, $0x10  }
0x34e: {  	v9 =	vmax.f32 v9, $0.0e+00;
	v49 =	vshll.u32 v7, $0x10;
	v11 =	vadd.f32 v48, v11  }
0x34f: {  	[tilespmem:s20+$0x30] =	vst v9;
	v9 =	vmax.f32 v10, $0.0e+00;
	v50 =	vshll.u32 v6, $0x10;
	v10 =	vadd.f32 v49, v46  }
0x350: {  	v51 =	vld [tilespmem:s24+$0x70];
	[tilespmem:s21+$0xB0] =	vst v9;
	v9 =	vmax.f32 v11, $0.0e+00;
	v11 =	vadd.f32 v50, v13  }
0x351: {  	v52 =	vld [tilespmem:s0+$0xF0];
	[tilespmem:s21+$0xFFFFFF30] =	vst v9;
	v9 =	vmax.f32 v10, $0.0e+00  }
0x352: {  	v10 =	vld [tilespmem:s0+$0xFFFFFF70];
	[tilespmem:s21+$0xFFFFFFB0] =	vst v9;
	v9 =	vmax.f32 v11, $0.0e+00  }
0x353: {  	v1 =	vadd.f32 v1, v4;
	v4 =	vld [tilespmem:s0+$0xFFFFFFF0];
	[tilespmem:s21+$0x30] =	vst v9  }
0x354: {  	v2 =	vadd.f32 v2, v5;
	v5 =	vld [tilespmem:s0+$0x70]  }
0x355: {  	v1 =	vmax.f32 v1, $0.0e+00;
	v0 =	vadd.f32 v0, v51;
	v8 =	vand.u32 $0xFFFF0000, v8  }
0x356: {  	[tilespmem:s20+$0xFFFFFF70] =	vst v1;
	v1 =	vmax.f32 v2, $0.0e+00;
	v3 =	vand.u32 $0xFFFF0000, v3;
	v2 =	vadd.f32 v8, v52  }
0x357: {  	[tilespmem:s20+$0xFFFFFFF0] =	vst v1;
	v0 =	vmax.f32 v0, $0.0e+00;
	v1 =	vand.u32 $0xFFFF0000, v7;
	v3 =	vadd.f32 v3, v10  }
0x358: {  	[tilespmem:s20+$0x70] =	vst v0;
	v0 =	vmax.f32 v2, $0.0e+00;
	v2 =	vand.u32 $0xFFFF0000, v6;
	v1 =	vadd.f32 v1, v4  }
0x359: {  	[tilespmem:s21+$0xF0] =	vst v0;
	v0 =	vmax.f32 v3, $0.0e+00;
	v2 =	vadd.f32 v2, v5  }
0x35a: {  	[tilespmem:s21+$0xFFFFFF70] =	vst v0;
	v0 =	vmax.f32 v1, $0.0e+00  }
0x35b: {  	[tilespmem:s21+$0xFFFFFFF0] =	vst v0;
	v0 =	vmax.f32 v2, $0.0e+00  }
0x35c: {  	s14 =	simm.s32 $0x7B00;
	[tilespmem:s21+$0x70] =	vst v0  }
0x35d: {  	[spmem:s15] =	stream.indirect.scatter.add.f32 [tilespmem:s14], [sflag:$0xD], $0x80, s30, s11, $0xb8;
	[tilespmem:$0x1CF00] =	vst v63  }
0x35e: {  	s1 =	simm.s32 $0x280;
	_ =	swait.ge [sflag:s25], $0x1400  }
0x35f: {  	s20 =	sadd.s32 s6, s16;
	[sflag:s25] =	ssyncset.done $0x0;
	s3 =	rddreg [dreg:$0x14]  }
0x360: {  	s21 =	sshll.u32 s12, $0x4;
	[sflag:s25] =	ssyncadd.s32 $0xFFFFEC00;
	s12 =	sadd.s32 s2, s3  }
0x361: {  	[tilespmem:s1], [sflag:$0xB] =	stream.linear.gather [hbm4b:s20+s4], $0x28, $0x38;
	[tilespmem:$0x1CF00] =	vst v63  }
0x362: {  	s24 =	simm.s32 $0x5300;
	s0 =	sadd.s32 s7, s21;
	s16 =	sshrl.u32 s12, $0x3  }
0x363: {  	[tilespmem:s24], [sflag:$0x5] =	stream.linear.gather [hbm4b:s0+s4], $0x1400, $0x38;
	[tilespmem:$0x1CF00] =	vst v63  }
0x364: {  	s14 =	simm.s32 $0x8;
	s8 =	sadd.s32 s5, s16  }
0x365: {  	[tilespmem:s4], [sflag:$0x6] =	stream.linear.gather [hbm4b:s8+s4], $0x28, $0x38;
	[tilespmem:$0x1CF00] =	vst v63  }
0x366: {  	_ =	swait.ge [sflag:s14], $0x28  }
0x367: {  	[sflag:s14] =	ssyncset.done $0x0  }
0x368: {  	[sflag:s14] =	ssyncadd.s32 $0xFFFFFFD8  }
0x369: {  	s3 =	simm.s32 $0x1700;
	s20 =	simm.s32 $0x100;
	s0 =	rddreg [dreg:$0x0]  }
0x36a: {  	[tilespmem:s3], [sflag:$0x2] =	stream.indirect.gather [hbm4b:s0+s11], $0x80, s20, s11, $0xb8;
	[tilespmem:$0x1CF00] =	vst v63  }
0x36b: {  	_ =	swait.ge [sflag:s13], $0x28  }
0x36c: {  	[sflag:s13] =	ssyncset.done $0x0  }
0x36d: {  	[sflag:s13] =	ssyncadd.s32 $0xFFFFFFD8  }
0x36e: {  	_ =	swait.ge [sflag:s22], $0x1400  }
0x36f: {  	[sflag:s22] =	ssyncset.done $0x0  }
0x370: {  	[sflag:s22] =	ssyncadd.s32 $0xFFFFEC00  }
0x371: {  	_ =	swait.ge [sflag:s19], $0x1400  }
0x372: {  	[sflag:s19] =	ssyncset.done $0x0  }
0x373: {  	s21 =	simm.s32 $0x4000;
	[sflag:s19] =	ssyncadd.s32 $0xFFFFEC00  }
0x374: {  	s24 =	simm.s32 $0x400;
	v0 =	vld [tilespmem:s21+$0x80]  }
0x375: {  	v1 =	vld [tilespmem:s24+$0x80];
	_ =	sdelay $0x2  }
0x376: {  	v2 =	vld [tilespmem:s21+$0xFFFFFF80]  }
0x377: {  	v3 =	vld [tilespmem:s21+$0xFFFFFF00];
	v4 =	vshll.u32 v0, $0x10  }
0x378: {  	v5 =	vld [tilespmem:s24+$0xFFFFFF00];
	v1 =	vadd.f32 v4, v1  }
0x379: {  	v4 =	vld [tilespmem:s24+$0xFFFFFF80]  }
0x37a: {  	s20 =	simm.s32 $0x6800;
	v1 =	vmax.f32 v1, $0.0e+00  }
0x37b: {  	[tilespmem:s20+$0x80] =	vst v1  }
0x37c: {  	v1 =	vshll.u32 v3, $0x10;
	v6 =	vld [tilespmem:s24+$0xC0]  }
0x37d: {  	v7 =	vshll.u32 v2, $0x10;
	v1 =	vadd.f32 v1, v5  }
0x37e: {  	v4 =	vadd.f32 v7, v4  }
0x37f: {  	v5 =	vld [tilespmem:s21+$0x0];
	v1 =	vmax.f32 v1, $0.0e+00  }
0x380: {  	v0 =	vand.u32 $0xFFFF0000, v0;
	v7 =	vld [tilespmem:s24+$0x0];
	[tilespmem:s20+$0xFFFFFF00] =	vst v1;
	v1 =	vmax.f32 v4, $0.0e+00  }
0x381: {  	v4 =	vld [tilespmem:s24+$0xFFFFFF40];
	[tilespmem:s20+$0xFFFFFF80] =	vst v1;
	v0 =	vadd.f32 v0, v6  }
0x382: {  	v1 =	vld [tilespmem:s24+$0xFFFFFFC0]  }
0x383: {  	v0 =	vmax.f32 v0, $0.0e+00  }
0x384: {  	v6 =	vshll.u32 v5, $0x10;
	[tilespmem:s20+$0xC0] =	vst v0  }
0x385: {  	v0 =	vand.u32 $0xFFFF0000, v3;
	v3 =	vadd.f32 v6, v7;
	v6 =	vld [tilespmem:s21+$0x90]  }
0x386: {  	v2 =	vand.u32 $0xFFFF0000, v2;
	v0 =	vadd.f32 v0, v4;
	v4 =	vld [tilespmem:s24+$0x90]  }
0x387: {  	v3 =	vmax.f32 v3, $0.0e+00;
	v1 =	vadd.f32 v2, v1  }
0x388: {  	[tilespmem:s20+$0x0] =	vst v3;
	v0 =	vmax.f32 v0, $0.0e+00  }
0x389: {  	v2 =	vld [tilespmem:s24+$0x40];
	[tilespmem:s20+$0xFFFFFF40] =	vst v0;
	v0 =	vmax.f32 v1, $0.0e+00  }
0x38a: {  	v1 =	vld [tilespmem:s21+$0xFFFFFF10];
	[tilespmem:s20+$0xFFFFFFC0] =	vst v0;
	v0 =	vshll.u32 v6, $0x10  }
0x38b: {  	v3 =	vld [tilespmem:s21+$0xFFFFFF90];
	v0 =	vadd.f32 v0, v4  }
0x38c: {  	v4 =	vld [tilespmem:s24+$0xFFFFFF10]  }
0x38d: {  	v7 =	vld [tilespmem:s24+$0xFFFFFF90];
	v0 =	vmax.f32 v0, $0.0e+00  }
0x38e: {  	v5 =	vand.u32 $0xFFFF0000, v5;
	[tilespmem:s20+$0x90] =	vst v0  }
0x38f: {  	v0 =	vadd.f32 v5, v2;
	v2 =	vld [tilespmem:s24+$0xD0]  }
0x390: {  	v5 =	vshll.u32 v1, $0x10  }
0x391: {  	v8 =	vshll.u32 v3, $0x10;
	v0 =	vmax.f32 v0, $0.0e+00;
	v4 =	vadd.f32 v5, v4  }
0x392: {  	[tilespmem:s20+$0x40] =	vst v0;
	v0 =	vadd.f32 v8, v7  }
0x393: {  	v6 =	vand.u32 $0xFFFF0000, v6;
	v5 =	vld [tilespmem:s21+$0x10];
	v4 =	vmax.f32 v4, $0.0e+00  }
0x394: {  	v7 =	vld [tilespmem:s24+$0x10];
	[tilespmem:s20+$0xFFFFFF10] =	vst v4;
	v0 =	vmax.f32 v0, $0.0e+00;
	v2 =	vadd.f32 v6, v2  }
0x395: {  	v4 =	vld [tilespmem:s24+$0xFFFFFF50];
	[tilespmem:s20+$0xFFFFFF90] =	vst v0  }
0x396: {  	v0 =	vld [tilespmem:s24+$0xFFFFFFD0];
	v2 =	vmax.f32 v2, $0.0e+00  }
0x397: {  	[tilespmem:s20+$0xD0] =	vst v2  }
0x398: {  	v2 =	vshll.u32 v5, $0x10;
	v6 =	vld [tilespmem:s21+$0xA0]  }
0x399: {  	v1 =	vand.u32 $0xFFFF0000, v1;
	v2 =	vadd.f32 v2, v7;
	v7 =	vld [tilespmem:s24+$0xA0]  }
0x39a: {  	v3 =	vand.u32 $0xFFFF0000, v3;
	v1 =	vadd.f32 v1, v4  }
0x39b: {  	v0 =	vadd.f32 v3, v0  }
0x39c: {  	s31 =	simm.s32 $0x4200;
	v1 =	vmax.f32 v1, $0.0e+00  }
0x39d: {  	v9 =	vld [tilespmem:s31+$0x0];
	[tilespmem:s20+$0xFFFFFF50] =	vst v1;
	v0 =	vmax.f32 v0, $0.0e+00;
	v1 =	vshll.u32 v6, $0x10  }
0x39e: {  	s8 =	simm.s32 $0x600;
	v10 =	vld [tilespmem:s31+$0xFFFFFF00];
	[tilespmem:s20+$0xFFFFFFD0] =	vst v0;
	v0 =	vadd.f32 v1, v7  }
0x39f: {  	v53 =	vld [tilespmem:s8+$0xFFFFFF00]  }
0x3a0: {  	v4 =	vld [tilespmem:s31+$0x80];
	v0 =	vmax.f32 v0, $0.0e+00  }
0x3a1: {  	v7 =	vld [tilespmem:s8+$0x80];
	[tilespmem:s20+$0xA0] =	vst v0  }
0x3a2: {  	v2 =	vmax.f32 v2, $0.0e+00;
	v0 =	vld [tilespmem:s24+$0xE0]  }
0x3a3: {  	v8 =	vld [tilespmem:s31+$0xFFFFFF80];
	[tilespmem:s20+$0x10] =	vst v2  }
0x3a4: {  	v2 =	vld [tilespmem:s24+$0x50]  }
0x3a5: {  	v3 =	vld [tilespmem:s21+$0xFFFFFF20];
	v11 =	vshll.u32 v4, $0x10  }
0x3a6: {  	v6 =	vand.u32 $0xFFFF0000, v6;
	v1 =	vld [tilespmem:s21+$0xFFFFFFA0];
	v7 =	vadd.f32 v11, v7  }
0x3a7: {  	v11 =	vld [tilespmem:s8+$0xFFFFFF80];
	v0 =	vadd.f32 v6, v0  }
0x3a8: {  	s14 =	simm.s32 $0x6A00;
	v5 =	vand.u32 $0xFFFF0000, v5;
	v7 =	vmax.f32 v7, $0.0e+00;
	v6 =	vld [tilespmem:s8+$0x0]  }
0x3a9: {  	v2 =	vadd.f32 v5, v2;
	v5 =	vld [tilespmem:s24+$0xFFFFFF20];
	[tilespmem:s14+$0x80] =	vst v7;
	v0 =	vmax.f32 v0, $0.0e+00  }
0x3aa: {  	v7 =	vshll.u32 v10, $0x10;
	v54 =	vld [tilespmem:s8+$0xC0];
	[tilespmem:s20+$0xE0] =	vst v0  }
0x3ab: {  	v7 =	vadd.f32 v7, v53;
	v0 =	vmax.f32 v2, $0.0e+00;
	v2 =	vshll.u32 v8, $0x10;
	v55 =	vld [tilespmem:s21+$0xB0]  }
0x3ac: {  	[tilespmem:s20+$0x50] =	vst v0;
	v0 =	vshll.u32 v9, $0x10;
	v2 =	vadd.f32 v2, v11;
	v11 =	vld [tilespmem:s24+$0xB0]  }
0x3ad: {  	v57 =	vld [tilespmem:s24+$0xFFFFFFA0];
	v7 =	vmax.f32 v7, $0.0e+00;
	v0 =	vadd.f32 v0, v6  }
0x3ae: {  	[tilespmem:s14+$0xFFFFFF00] =	vst v7;
	v56 =	vld [tilespmem:s21+$0x20];
	v6 =	vshll.u32 v3, $0x10;
	v2 =	vmax.f32 v2, $0.0e+00  }
0x3af: {  	v5 =	vadd.f32 v6, v5;
	v6 =	vld [tilespmem:s8+$0xFFFFFF40];
	[tilespmem:s14+$0xFFFFFF80] =	vst v2;
	v0 =	vmax.f32 v0, $0.0e+00;
	v2 =	vand.u32 $0xFFFF0000, v4  }
0x3b0: {  	v4 =	vld [tilespmem:s8+$0xFFFFFFC0];
	[tilespmem:s14+$0x0] =	vst v0;
	v0 =	vadd.f32 v2, v54;
	v2 =	vshll.u32 v55, $0x10  }
0x3b1: {  	v5 =	vmax.f32 v5, $0.0e+00;
	v7 =	vld [tilespmem:s8+$0x40];
	v2 =	vadd.f32 v2, v11  }
0x3b2: {  	v58 =	vld [tilespmem:s24+$0x20];
	[tilespmem:s20+$0xFFFFFF20] =	vst v5;
	v11 =	vshll.u32 v1, $0x10;
	v0 =	vmax.f32 v0, $0.0e+00  }
0x3b3: {  	v5 =	vand.u32 $0xFFFF0000, v10;
	v10 =	vld [tilespmem:s24+$0xFFFFFF60];
	v11 =	vadd.f32 v11, v57;
	[tilespmem:s14+$0xC0] =	vst v0;
	v0 =	vmax.f32 v2, $0.0e+00  }
0x3b4: {  	v5 =	vadd.f32 v5, v6;
	v2 =	vand.u32 $0xFFFF0000, v8;
	v6 =	vld [tilespmem:s31+$0x90];
	[tilespmem:s20+$0xB0] =	vst v0  }
0x3b5: {  	v0 =	vand.u32 $0xFFFF0000, v9;
	v8 =	vmax.f32 v11, $0.0e+00;
	v2 =	vadd.f32 v2, v4;
	v4 =	vld [tilespmem:s24+$0xF0]  }
0x3b6: {  	v5 =	vmax.f32 v5, $0.0e+00;
	[tilespmem:s20+$0xFFFFFFA0] =	vst v8;
	v0 =	vadd.f32 v0, v7;
	v7 =	vld [tilespmem:s8+$0x90]  }
0x3b7: {  	[tilespmem:s14+$0xFFFFFF40] =	vst v5;
	v5 =	vld [tilespmem:s24+$0xFFFFFFE0]  }
0x3b8: {  	v2 =	vmax.f32 v2, $0.0e+00;
	v8 =	vld [tilespmem:s31+$0xFFFFFF10]  }
0x3b9: {  	v59 =	vld [tilespmem:s8+$0xFFFFFF10];
	[tilespmem:s14+$0xFFFFFFC0] =	vst v2;
	v0 =	vmax.f32 v0, $0.0e+00;
	v2 =	vshll.u32 v56, $0x10  }
0x3ba: {  	v3 =	vand.u32 $0xFFFF0000, v3;
	v9 =	vld [tilespmem:s31+$0xFFFFFF90];
	[tilespmem:s14+$0x40] =	vst v0;
	v0 =	vadd.f32 v2, v58;
	v11 =	vshll.u32 v6, $0x10  }
0x3bb: {  	v3 =	vadd.f32 v3, v10;
	v10 =	vld [tilespmem:s8+$0xFFFFFF90];
	v7 =	vadd.f32 v11, v7  }
0x3bc: {  	v1 =	vand.u32 $0xFFFF0000, v1;
	v2 =	vld [tilespmem:s31+$0x10];
	v0 =	vmax.f32 v0, $0.0e+00  }
0x3bd: {  	[tilespmem:s20+$0x20] =	vst v0;
	v0 =	vadd.f32 v1, v5;
	v1 =	vld [tilespmem:s8+$0x10];
	v5 =	vmax.f32 v7, $0.0e+00  }
0x3be: {  	v3 =	vmax.f32 v3, $0.0e+00;
	[tilespmem:s14+$0x90] =	vst v5;
	v5 =	vld [tilespmem:s24+$0x60]  }
0x3bf: {  	[tilespmem:s20+$0xFFFFFF60] =	vst v3;
	v3 =	vshll.u32 v8, $0x10;
	v0 =	vmax.f32 v0, $0.0e+00;
	v7 =	vld [tilespmem:s8+$0xD0]  }
0x3c0: {  	v60 =	vld [tilespmem:s21+$0xFFFFFF30];
	v11 =	vshll.u32 v9, $0x10;
	[tilespmem:s20+$0xFFFFFFE0] =	vst v0;
	v0 =	vadd.f32 v3, v59  }
0x3c1: {  	v3 =	vshll.u32 v2, $0x10;
	v10 =	vadd.f32 v11, v10;
	v11 =	vld [tilespmem:s21+$0xFFFFFFB0]  }
0x3c2: {  	v14 =	vand.u32 $0xFFFF0000, v56;
	v0 =	vmax.f32 v0, $0.0e+00;
	v1 =	vadd.f32 v3, v1;
	v3 =	vld [tilespmem:s24+$0xFFFFFF30]  }
0x3c3: {  	v6 =	vand.u32 $0xFFFF0000, v6;
	[tilespmem:s14+$0xFFFFFF10] =	vst v0;
	v0 =	vmax.f32 v10, $0.0e+00;
	v10 =	vld [tilespmem:s24+$0xFFFFFFB0];
	v5 =	vadd.f32 v14, v5  }
0x3c4: {  	v61 =	vld [tilespmem:s8+$0xFFFFFF50];
	[tilespmem:s14+$0xFFFFFF90] =	vst v0;
	v0 =	vmax.f32 v1, $0.0e+00;
	v1 =	vadd.f32 v6, v7  }
0x3c5: {  	v6 =	vld [tilespmem:s8+$0xFFFFFFD0];
	[tilespmem:s14+$0x10] =	vst v0;
	v0 =	vmax.f32 v5, $0.0e+00  }
0x3c6: {  	v5 =	vshll.u32 v60, $0x10;
	v7 =	vld [tilespmem:s8+$0x50];
	v1 =	vmax.f32 v1, $0.0e+00;
	[tilespmem:s20+$0x60] =	vst v0  }
0x3c7: {  	v0 =	vshll.u32 v11, $0x10;
	[tilespmem:s14+$0xD0] =	vst v1;
	v1 =	vadd.f32 v5, v3;
	v62 =	vld [tilespmem:s21+$0x30]  }
0x3c8: {  	v8 =	vand.u32 $0xFFFF0000, v8;
	v9 =	vand.u32 $0xFFFF0000, v9;
	v0 =	vadd.f32 v0, v10;
	v3 =	vld [tilespmem:s31+$0xA0]  }
0x3c9: {  	v2 =	vand.u32 $0xFFFF0000, v2;
	v8 =	vadd.f32 v8, v61;
	v10 =	vld [tilespmem:s8+$0xA0];
	v1 =	vmax.f32 v1, $0.0e+00  }
0x3ca: {  	v5 =	vand.u32 $0xFFFF0000, v55;
	v6 =	vadd.f32 v9, v6;
	v0 =	vmax.f32 v0, $0.0e+00;
	v9 =	vld [tilespmem:s24+$0x30];
	[tilespmem:s20+$0xFFFFFF30] =	vst v1  }
0x3cb: {  	v1 =	vadd.f32 v5, v4;
	v5 =	vmax.f32 v8, $0.0e+00;
	v2 =	vadd.f32 v2, v7;
	[tilespmem:s20+$0xFFFFFFB0] =	vst v0;
	v4 =	vld [tilespmem:s24+$0xFFFFFF70]  }
0x3cc: {  	[tilespmem:s14+$0xFFFFFF50] =	vst v5;
	v0 =	vmax.f32 v6, $0.0e+00;
	v5 =	vld [tilespmem:s24+$0xFFFFFFF0]  }
0x3cd: {  	v6 =	vmax.f32 v1, $0.0e+00;
	v7 =	vld [tilespmem:s31+$0xFFFFFF20];
	[tilespmem:s14+$0xFFFFFFD0] =	vst v0;
	v0 =	vmax.f32 v2, $0.0e+00;
	v63 =	vshll.u32 v3, $0x10  }
0x3ce: {  	s1 =	simm.s32 $0x4;
	v2 =	vand.u32 $0xFFFF0000, v11;
	v11 =	vshll.u32 v62, $0x10;
	v8 =	vld [tilespmem:s31+$0xFFFFFFA0];
	[tilespmem:s14+$0x50] =	vst v0;
	v10 =	vadd.f32 v63, v10  }
0x3cf: {  	s3 =	simm.s32 $0x4400;
	s0 =	simm.s32 $0x600;
	s21 =	simm.s32 $0x6A00;
	v1 =	vand.u32 $0xFFFF0000, v60;
	[tilespmem:s20+$0xF0] =	vst v6;
	v0 =	vand.u32 $0xFFFF0000, v62;
	v6 =	vld [tilespmem:s31+$0x20];
	v9 =	vadd.f32 v11, v9  }
.LBB2_11:
0x3d0: {  	v11 =	vld [tilespmem:s3+$0x80];
	v10 =	vmax.f32 v10, $0.0e+00;
	s8 =	sadd.s32 $0x200, s8;
	v1 =	vadd.f32 v1, v4  }
0x3d1: {  	v4 =	vld [tilespmem:s8+$0x80];
	[tilespmem:s14+$0xA0] =	vst v10;
	v2 =	vadd.f32 v2, v5;
	v5 =	vmax.f32 v9, $0.0e+00  }
0x3d2: {  	s1 =	sadd.s32 $0x4, s1;
	v9 =	vshll.u32 v7, $0x10;
	v7 =	vand.u32 $0xFFFF0000, v7;
	v10 =	vld [tilespmem:s0+$0xE0];
	v1 =	vmax.f32 v1, $0.0e+00;
	[tilespmem:s20+$0x30] =	vst v5  }
0x3d3: {  	p0 =	slt.u32 s1, $0x24;
	v5 =	vld [tilespmem:s3+$0xFFFFFF80];
	v12 =	vshll.u32 v8, $0x10;
	v8 =	vand.u32 $0xFFFF0000, v8;
	[tilespmem:s20+$0xFFFFFF70] =	vst v1;
	v2 =	vmax.f32 v2, $0.0e+00  }
0x3d4: {  	v13 =	vld [tilespmem:s3+$0x0];
	v14 =	vshll.u32 v6, $0x10;
	v1 =	vand.u32 $0xFFFF0000, v6;
	[tilespmem:s20+$0xFFFFFFF0] =	vst v2  }
0x3d5: {  	v2 =	vld [tilespmem:s3+$0xFFFFFF00];
	v6 =	vshll.u32 v11, $0x10  }
0x3d6: {  	v3 =	vand.u32 $0xFFFF0000, v3;
	v15 =	vld [tilespmem:s8+$0xFFFFFF00];
	v4 =	vadd.f32 v6, v4  }
0x3d7: {  	v6 =	vld [tilespmem:s8+$0xFFFFFF80];
	v3 =	vadd.f32 v3, v10  }
0x3d8: {  	s14 =	sadd.s32 $0x200, s14;
	v10 =	vshll.u32 v5, $0x10;
	v5 =	vand.u32 $0xFFFF0000, v5;
	v16 =	vld [tilespmem:s8+$0x0];
	v4 =	vmax.f32 v4, $0.0e+00  }
0x3d9: {  	v17 =	vshll.u32 v13, $0x10;
	v13 =	vand.u32 $0xFFFF0000, v13;
	[tilespmem:s14+$0x80] =	vst v4;
	v4 =	vld [tilespmem:s0+$0xFFFFFF20];
	v3 =	vmax.f32 v3, $0.0e+00  }
0x3da: {  	v18 =	vshll.u32 v2, $0x10;
	v2 =	vand.u32 $0xFFFF0000, v2;
	v19 =	vld [tilespmem:s8+$0xC0];
	[tilespmem:s21+$0xE0] =	vst v3  }
0x3db: {  	v3 =	vadd.f32 v18, v15;
	v15 =	vld [tilespmem:s31+$0xB0]  }
0x3dc: {  	v6 =	vadd.f32 v10, v6;
	v10 =	vld [tilespmem:s0+$0xB0]  }
0x3dd: {  	v3 =	vmax.f32 v3, $0.0e+00;
	v16 =	vadd.f32 v17, v16;
	v17 =	vld [tilespmem:s0+$0xFFFFFFA0]  }
0x3de: {  	[tilespmem:s14+$0xFFFFFF00] =	vst v3;
	v3 =	vmax.f32 v6, $0.0e+00;
	v4 =	vadd.f32 v9, v4;
	v6 =	vld [tilespmem:s0+$0x20]  }
0x3df: {  	v11 =	vand.u32 $0xFFFF0000, v11;
	v9 =	vld [tilespmem:s8+$0xFFFFFF40];
	[tilespmem:s14+$0xFFFFFF80] =	vst v3;
	v3 =	vmax.f32 v16, $0.0e+00  }
0x3e0: {  	v16 =	vld [tilespmem:s8+$0xFFFFFFC0];
	[tilespmem:s14+$0x0] =	vst v3;
	v3 =	vadd.f32 v11, v19;
	v4 =	vmax.f32 v4, $0.0e+00;
	v11 =	vshll.u32 v15, $0x10  }
0x3e1: {  	v18 =	vld [tilespmem:s8+$0x40];
	[tilespmem:s21+$0xFFFFFF20] =	vst v4;
	v4 =	vadd.f32 v11, v10  }
0x3e2: {  	v3 =	vmax.f32 v3, $0.0e+00;
	v10 =	vld [tilespmem:s0+$0xFFFFFF60];
	v11 =	vadd.f32 v12, v17  }
0x3e3: {  	[tilespmem:s14+$0xC0] =	vst v3;
	v3 =	vadd.f32 v14, v6;
	v4 =	vmax.f32 v4, $0.0e+00;
	v6 =	vld [tilespmem:s24+$0x70];
	s24 =	smov.u32 s0;
	s0 =	smov.u32 s8  }
0x3e4: {  	v2 =	vadd.f32 v2, v9;
	v9 =	vld [tilespmem:s3+$0x90];
	v11 =	vmax.f32 v11, $0.0e+00;
	[tilespmem:s21+$0xB0] =	vst v4  }
0x3e5: {  	v4 =	vadd.f32 v5, v16;
	[tilespmem:s21+$0xFFFFFFA0] =	vst v11;
	v3 =	vmax.f32 v3, $0.0e+00;
	v5 =	vld [tilespmem:s24+$0xF0]  }
0x3e6: {  	v2 =	vmax.f32 v2, $0.0e+00;
	v11 =	vadd.f32 v13, v18;
	v12 =	vld [tilespmem:s8+$0x90];
	[tilespmem:s21+$0x20] =	vst v3  }
0x3e7: {  	[tilespmem:s14+$0xFFFFFF40] =	vst v2;
	v2 =	vmax.f32 v4, $0.0e+00;
	v3 =	vadd.f32 v7, v10;
	v4 =	vld [tilespmem:s24+$0xFFFFFFE0]  }
0x3e8: {  	v7 =	vld [tilespmem:s3+$0xFFFFFF10];
	[tilespmem:s14+$0xFFFFFFC0] =	vst v2;
	v2 =	vmax.f32 v11, $0.0e+00;
	v0 =	vadd.f32 v0, v6  }
0x3e9: {  	v6 =	vld [tilespmem:s3+$0xFFFFFF90];
	[tilespmem:s14+$0x40] =	vst v2;
	v2 =	vmax.f32 v3, $0.0e+00;
	v3 =	vand.u32 $0xFFFF0000, v15  }
0x3ea: {  	v11 =	vshll.u32 v9, $0x10;
	v10 =	vld [tilespmem:s3+$0x10];
	[tilespmem:s21+$0xFFFFFF60] =	vst v2;
	v2 =	vadd.f32 v3, v5;
	v0 =	vmax.f32 v0, $0.0e+00  }
0x3eb: {  	v3 =	vld [tilespmem:s8+$0xFFFFFF10];
	v5 =	vadd.f32 v11, v12;
	[tilespmem:s20+$0x70] =	vst v0;
	s20 =	smov.u32 s21;
	s21 =	smov.u32 s14  }
0x3ec: {  	v0 =	vld [tilespmem:s8+$0xFFFFFF90];
	v4 =	vadd.f32 v8, v4;
	v2 =	vmax.f32 v2, $0.0e+00  }
0x3ed: {  	v8 =	vshll.u32 v7, $0x10;
	v7 =	vand.u32 $0xFFFF0000, v7;
	v11 =	vld [tilespmem:s8+$0x10];
	v5 =	vmax.f32 v5, $0.0e+00;
	[tilespmem:s20+$0xF0] =	vst v2  }
0x3ee: {  	v2 =	vshll.u32 v6, $0x10;
	v6 =	vand.u32 $0xFFFF0000, v6;
	[tilespmem:s14+$0x90] =	vst v5;
	v4 =	vmax.f32 v4, $0.0e+00;
	v5 =	vld [tilespmem:s24+$0x60]  }
0x3ef: {  	v12 =	vshll.u32 v10, $0x10;
	v10 =	vand.u32 $0xFFFF0000, v10;
	v13 =	vld [tilespmem:s8+$0xD0];
	[tilespmem:s20+$0xFFFFFFE0] =	vst v4  }
0x3f0: {  	v3 =	vadd.f32 v8, v3;
	v4 =	vld [tilespmem:s31+$0xFFFFFF30]  }
0x3f1: {  	v0 =	vadd.f32 v2, v0;
	v2 =	vld [tilespmem:s31+$0xFFFFFFB0]  }
0x3f2: {  	v3 =	vmax.f32 v3, $0.0e+00;
	v8 =	vadd.f32 v12, v11;
	v11 =	vld [tilespmem:s24+$0xFFFFFF30]  }
0x3f3: {  	[tilespmem:s14+$0xFFFFFF10] =	vst v3;
	v0 =	vmax.f32 v0, $0.0e+00;
	v3 =	vand.u32 $0xFFFF0000, v9;
	v9 =	vld [tilespmem:s24+$0xFFFFFFB0];
	v5 =	vadd.f32 v1, v5  }
0x3f4: {  	v12 =	vld [tilespmem:s8+$0xFFFFFF50];
	[tilespmem:s14+$0xFFFFFF90] =	vst v0;
	v0 =	vmax.f32 v8, $0.0e+00;
	v3 =	vadd.f32 v3, v13  }
0x3f5: {  	v8 =	vld [tilespmem:s8+$0xFFFFFFD0];
	[tilespmem:s14+$0x10] =	vst v0;
	v0 =	vshll.u32 v4, $0x10;
	v1 =	vand.u32 $0xFFFF0000, v4;
	v4 =	vmax.f32 v5, $0.0e+00  }
0x3f6: {  	v5 =	vld [tilespmem:s8+$0x50];
	v3 =	vmax.f32 v3, $0.0e+00;
	v13 =	vshll.u32 v2, $0x10;
	v2 =	vand.u32 $0xFFFF0000, v2;
	[tilespmem:s20+$0x60] =	vst v4  }
0x3f7: {  	[tilespmem:s14+$0xD0] =	vst v3;
	v0 =	vadd.f32 v0, v11;
	v11 =	vld [tilespmem:s31+$0x30];
	s31 =	smov.u32 s3  }
0x3f8: {  	v3 =	vld [tilespmem:s3+$0xA0];
	v4 =	vadd.f32 v13, v9  }
0x3f9: {  	v7 =	vadd.f32 v7, v12;
	v9 =	vld [tilespmem:s8+$0xA0];
	v0 =	vmax.f32 v0, $0.0e+00  }
0x3fa: {  	v6 =	vadd.f32 v6, v8;
	[tilespmem:s20+$0xFFFFFF30] =	vst v0;
	v0 =	vmax.f32 v4, $0.0e+00;
	v12 =	vld [tilespmem:s24+$0x30]  }
.Ltmp4:
0x3fb: {  	v7 =	vmax.f32 v7, $0.0e+00;
	v8 =	vadd.f32 v10, v5;
	v4 =	vld [tilespmem:s24+$0xFFFFFF70];
	[tilespmem:s20+$0xFFFFFFB0] =	vst v0;
	(pc) =	sbr.rel @p0 .LBB2_11-.Ltmp4, $4  }
0x3fc: {  	[tilespmem:s14+$0xFFFFFF50] =	vst v7;
	v6 =	vmax.f32 v6, $0.0e+00;
	v5 =	vld [tilespmem:s24+$0xFFFFFFF0];
	v13 =	vshll.u32 v11, $0x10;
	v0 =	vand.u32 $0xFFFF0000, v11  }
0x3fd: {  	v7 =	vld [tilespmem:s3+$0xFFFFFF20];
	[tilespmem:s14+$0xFFFFFFD0] =	vst v6;
	v6 =	vmax.f32 v8, $0.0e+00;
	v10 =	vshll.u32 v3, $0x10  }
0x3fe: {  	v8 =	vld [tilespmem:s3+$0xFFFFFFA0];
	[tilespmem:s14+$0x50] =	vst v6;
	v10 =	vadd.f32 v10, v9  }
0x3ff: {  	s3 =	sadd.s32 $0x200, s3;
	v6 =	vld [tilespmem:s31+$0x20];
	v9 =	vadd.f32 v13, v12  }
0x400: {  	v11 =	vld [tilespmem:s0+$0xFFFFFF20]  }
0x401: {  	v12 =	vld [tilespmem:s0+$0xFFFFFFA0];
	_ =	sdelay $0x2  }
0x402: {  	v14 =	vld [tilespmem:s0+$0x20];
	v13 =	vshll.u32 v7, $0x10  }
0x403: {  	v10 =	vmax.f32 v10, $0.0e+00;
	v15 =	vshll.u32 v8, $0x10;
	v11 =	vadd.f32 v13, v11  }
0x404: {  	[tilespmem:s14+$0xA0] =	vst v10;
	v10 =	vadd.f32 v15, v12  }
0x405: {  	v43 =	vld [tilespmem:s0+$0xE0];
	v11 =	vmax.f32 v11, $0.0e+00  }
0x406: {  	v44 =	vshll.u32 v6, $0x10;
	v10 =	vmax.f32 v10, $0.0e+00;
	[tilespmem:s21+$0xFFFFFF20] =	vst v11  }
0x407: {  	v13 =	vadd.f32 v44, v14;
	[tilespmem:s21+$0xFFFFFFA0] =	vst v10;
	v11 =	vld [tilespmem:s0+$0xFFFFFF60]  }
0x408: {  	v10 =	vld [tilespmem:s0+$0xFFFFFFE0]  }
0x409: {  	v3 =	vand.u32 $0xFFFF0000, v3;
	v13 =	vmax.f32 v13, $0.0e+00  }
0x40a: {  	v3 =	vadd.f32 v3, v43;
	[tilespmem:s21+$0x20] =	vst v13  }
0x40b: {  	v7 =	vand.u32 $0xFFFF0000, v7;
	v45 =	vld [tilespmem:s0+$0x60]  }
0x40c: {  	v8 =	vand.u32 $0xFFFF0000, v8;
	v3 =	vmax.f32 v3, $0.0e+00;
	v7 =	vadd.f32 v7, v11  }
0x40d: {  	[tilespmem:s21+$0xE0] =	vst v3;
	v3 =	vadd.f32 v8, v10  }
0x40e: {  	v8 =	vld [tilespmem:s31+$0xB0];
	v7 =	vmax.f32 v7, $0.0e+00  }
0x40f: {  	v6 =	vand.u32 $0xFFFF0000, v6;
	v10 =	vld [tilespmem:s0+$0xB0];
	v3 =	vmax.f32 v3, $0.0e+00;
	[tilespmem:s21+$0xFFFFFF60] =	vst v7  }
0x410: {  	v6 =	vadd.f32 v6, v45;
	[tilespmem:s21+$0xFFFFFFE0] =	vst v3;
	v3 =	vld [tilespmem:s31+$0xFFFFFF30]  }
0x411: {  	v7 =	vld [tilespmem:s31+$0xFFFFFFB0]  }
0x412: {  	v6 =	vmax.f32 v6, $0.0e+00;
	v11 =	vld [tilespmem:s0+$0xFFFFFF30]  }
0x413: {  	[tilespmem:s21+$0x60] =	vst v6;
	v46 =	vld [tilespmem:s0+$0xFFFFFFB0]  }
0x414: {  	v6 =	vld [tilespmem:s31+$0x30]  }
0x415: {  	v13 =	vld [tilespmem:s0+$0x30]  }
0x416: {  	v47 =	vshll.u32 v8, $0x10  }
0x417: {  	v10 =	vadd.f32 v47, v10;
	v48 =	vshll.u32 v3, $0x10  }
0x418: {  	v9 =	vmax.f32 v9, $0.0e+00;
	v49 =	vshll.u32 v7, $0x10;
	v11 =	vadd.f32 v48, v11  }
0x419: {  	[tilespmem:s20+$0x30] =	vst v9;
	v9 =	vmax.f32 v10, $0.0e+00;
	v50 =	vshll.u32 v6, $0x10;
	v10 =	vadd.f32 v49, v46  }
0x41a: {  	v51 =	vld [tilespmem:s24+$0x70];
	[tilespmem:s21+$0xB0] =	vst v9;
	v9 =	vmax.f32 v11, $0.0e+00;
	v11 =	vadd.f32 v50, v13  }
0x41b: {  	v52 =	vld [tilespmem:s0+$0xF0];
	[tilespmem:s21+$0xFFFFFF30] =	vst v9;
	v9 =	vmax.f32 v10, $0.0e+00  }
0x41c: {  	v10 =	vld [tilespmem:s0+$0xFFFFFF70];
	[tilespmem:s21+$0xFFFFFFB0] =	vst v9;
	v9 =	vmax.f32 v11, $0.0e+00  }
0x41d: {  	v1 =	vadd.f32 v1, v4;
	v4 =	vld [tilespmem:s0+$0xFFFFFFF0];
	[tilespmem:s21+$0x30] =	vst v9  }
0x41e: {  	v2 =	vadd.f32 v2, v5;
	v5 =	vld [tilespmem:s0+$0x70]  }
0x41f: {  	v1 =	vmax.f32 v1, $0.0e+00;
	v0 =	vadd.f32 v0, v51;
	v8 =	vand.u32 $0xFFFF0000, v8  }
0x420: {  	[tilespmem:s20+$0xFFFFFF70] =	vst v1;
	v1 =	vmax.f32 v2, $0.0e+00;
	v3 =	vand.u32 $0xFFFF0000, v3;
	v2 =	vadd.f32 v8, v52  }
0x421: {  	[tilespmem:s20+$0xFFFFFFF0] =	vst v1;
	v0 =	vmax.f32 v0, $0.0e+00;
	v1 =	vand.u32 $0xFFFF0000, v7;
	v3 =	vadd.f32 v3, v10  }
0x422: {  	[tilespmem:s20+$0x70] =	vst v0;
	v0 =	vmax.f32 v2, $0.0e+00;
	v2 =	vand.u32 $0xFFFF0000, v6;
	v1 =	vadd.f32 v1, v4  }
0x423: {  	[tilespmem:s21+$0xF0] =	vst v0;
	v0 =	vmax.f32 v3, $0.0e+00;
	v2 =	vadd.f32 v2, v5  }
0x424: {  	[tilespmem:s21+$0xFFFFFF70] =	vst v0;
	v0 =	vmax.f32 v1, $0.0e+00  }
0x425: {  	[tilespmem:s21+$0xFFFFFFF0] =	vst v0;
	v0 =	vmax.f32 v2, $0.0e+00  }
0x426: {  	s1 =	simm.s32 $0x6700;
	s20 =	simm.s32 $0x200;
	[tilespmem:s21+$0x70] =	vst v0  }
0x427: {  	[spmem:s15] =	stream.indirect.scatter.add.f32 [tilespmem:s1], [sflag:$0xC], $0x80, s20, s11, $0xb8;
	[tilespmem:$0x1CF00] =	vst v63  }
0x428: {  	_ =	swait.ge [sflag:s9], $0x1400  }
0x429: {  	s24 =	sshll.u32 s12, $0x4;
	[sflag:s9] =	ssyncset.done $0x0;
	s1 =	rddreg [dreg:$0x15]  }
0x42a: {  	s21 =	sadd.s32 s6, s16;
	[sflag:s9] =	ssyncadd.s32 $0xFFFFEC00;
	s12 =	sadd.s32 s2, s1  }
0x42b: {  	[tilespmem:s30], [sflag:$0x9] =	stream.linear.gather [hbm4b:s21+s4], $0x28, $0x38;
	[tilespmem:$0x1CF00] =	vst v63  }
0x42c: {  	s0 =	sadd.s32 s7, s24;
	s30 =	simm.s32 $0x2B00;
	s16 =	sshrl.u32 s12, $0x3  }
0x42d: {  	[tilespmem:s30], [sflag:$0x3] =	stream.linear.gather [hbm4b:s0+s4], $0x1400, $0x38;
	[tilespmem:$0x1CF00] =	vst v63  }
0x42e: {  	s8 =	simm.s32 $0x80;
	s3 =	sadd.s32 s5, s16  }
0x42f: {  	[tilespmem:s8], [sflag:$0x7] =	stream.linear.gather [hbm4b:s3+s4], $0x28, $0x38;
	[tilespmem:$0x1CF00] =	vst v63  }
0x430: {  	_ =	swait.ge [sflag:s10], $0x28  }
0x431: {  	[sflag:s10] =	ssyncset.done $0x0  }
0x432: {  	[sflag:s10] =	ssyncadd.s32 $0xFFFFFFD8  }
0x433: {  	s20 =	simm.s32 $0x300;
	s14 =	rddreg [dreg:$0x0]  }
0x434: {  	[tilespmem:s20], [sflag:$0x1] =	stream.indirect.gather [hbm4b:s14+s11], $0x80, s4, s11, $0xb8;
	[tilespmem:$0x1CF00] =	vst v63  }
0x435: {  	_ =	swait.ge [sflag:s26], $0x28  }
0x436: {  	[sflag:s26] =	ssyncset.done $0x0  }
0x437: {  	[sflag:s26] =	ssyncadd.s32 $0xFFFFFFD8  }
0x438: {  	_ =	swait.ge [sflag:s28], $0x1400  }
0x439: {  	[sflag:s28] =	ssyncset.done $0x0  }
0x43a: {  	[sflag:s28] =	ssyncadd.s32 $0xFFFFEC00  }
0x43b: {  	_ =	swait.ge [sflag:s23], $0x1400  }
0x43c: {  	[sflag:s23] =	ssyncset.done $0x0  }
0x43d: {  	s21 =	simm.s32 $0x5400;
	[sflag:s23] =	ssyncadd.s32 $0xFFFFEC00  }
0x43e: {  	s24 =	simm.s32 $0x1800;
	v0 =	vld [tilespmem:s21+$0x80]  }
0x43f: {  	v1 =	vld [tilespmem:s24+$0x80];
	_ =	sdelay $0x2  }
0x440: {  	v2 =	vld [tilespmem:s21+$0xFFFFFF80]  }
0x441: {  	v3 =	vld [tilespmem:s21+$0xFFFFFF00];
	v4 =	vshll.u32 v0, $0x10  }
0x442: {  	v5 =	vld [tilespmem:s24+$0xFFFFFF00];
	v1 =	vadd.f32 v4, v1  }
0x443: {  	v4 =	vld [tilespmem:s24+$0xFFFFFF80]  }
0x444: {  	s20 =	simm.s32 $0x7C00;
	v1 =	vmax.f32 v1, $0.0e+00  }
0x445: {  	[tilespmem:s20+$0x80] =	vst v1  }
0x446: {  	v1 =	vshll.u32 v3, $0x10;
	v6 =	vld [tilespmem:s24+$0xC0]  }
0x447: {  	v7 =	vshll.u32 v2, $0x10;
	v1 =	vadd.f32 v1, v5  }
0x448: {  	v4 =	vadd.f32 v7, v4  }
0x449: {  	v5 =	vld [tilespmem:s21+$0x0];
	v1 =	vmax.f32 v1, $0.0e+00  }
0x44a: {  	v0 =	vand.u32 $0xFFFF0000, v0;
	v7 =	vld [tilespmem:s24+$0x0];
	[tilespmem:s20+$0xFFFFFF00] =	vst v1;
	v1 =	vmax.f32 v4, $0.0e+00  }
0x44b: {  	v4 =	vld [tilespmem:s24+$0xFFFFFF40];
	[tilespmem:s20+$0xFFFFFF80] =	vst v1;
	v0 =	vadd.f32 v0, v6  }
0x44c: {  	v1 =	vld [tilespmem:s24+$0xFFFFFFC0]  }
0x44d: {  	v0 =	vmax.f32 v0, $0.0e+00  }
0x44e: {  	v6 =	vshll.u32 v5, $0x10;
	[tilespmem:s20+$0xC0] =	vst v0  }
0x44f: {  	v0 =	vand.u32 $0xFFFF0000, v3;
	v3 =	vadd.f32 v6, v7;
	v6 =	vld [tilespmem:s21+$0x90]  }
0x450: {  	v2 =	vand.u32 $0xFFFF0000, v2;
	v0 =	vadd.f32 v0, v4;
	v4 =	vld [tilespmem:s24+$0x90]  }
0x451: {  	v3 =	vmax.f32 v3, $0.0e+00;
	v1 =	vadd.f32 v2, v1  }
0x452: {  	[tilespmem:s20+$0x0] =	vst v3;
	v0 =	vmax.f32 v0, $0.0e+00  }
0x453: {  	v2 =	vld [tilespmem:s24+$0x40];
	[tilespmem:s20+$0xFFFFFF40] =	vst v0;
	v0 =	vmax.f32 v1, $0.0e+00  }
0x454: {  	v1 =	vld [tilespmem:s21+$0xFFFFFF10];
	[tilespmem:s20+$0xFFFFFFC0] =	vst v0;
	v0 =	vshll.u32 v6, $0x10  }
0x455: {  	v3 =	vld [tilespmem:s21+$0xFFFFFF90];
	v0 =	vadd.f32 v0, v4  }
0x456: {  	v4 =	vld [tilespmem:s24+$0xFFFFFF10]  }
0x457: {  	v7 =	vld [tilespmem:s24+$0xFFFFFF90];
	v0 =	vmax.f32 v0, $0.0e+00  }
0x458: {  	v5 =	vand.u32 $0xFFFF0000, v5;
	[tilespmem:s20+$0x90] =	vst v0  }
0x459: {  	v0 =	vadd.f32 v5, v2;
	v2 =	vld [tilespmem:s24+$0xD0]  }
0x45a: {  	v5 =	vshll.u32 v1, $0x10  }
0x45b: {  	v8 =	vshll.u32 v3, $0x10;
	v0 =	vmax.f32 v0, $0.0e+00;
	v4 =	vadd.f32 v5, v4  }
0x45c: {  	[tilespmem:s20+$0x40] =	vst v0;
	v0 =	vadd.f32 v8, v7  }
0x45d: {  	v6 =	vand.u32 $0xFFFF0000, v6;
	v5 =	vld [tilespmem:s21+$0x10];
	v4 =	vmax.f32 v4, $0.0e+00  }
0x45e: {  	v7 =	vld [tilespmem:s24+$0x10];
	[tilespmem:s20+$0xFFFFFF10] =	vst v4;
	v0 =	vmax.f32 v0, $0.0e+00;
	v2 =	vadd.f32 v6, v2  }
0x45f: {  	v4 =	vld [tilespmem:s24+$0xFFFFFF50];
	[tilespmem:s20+$0xFFFFFF90] =	vst v0  }
0x460: {  	v0 =	vld [tilespmem:s24+$0xFFFFFFD0];
	v2 =	vmax.f32 v2, $0.0e+00  }
0x461: {  	[tilespmem:s20+$0xD0] =	vst v2  }
0x462: {  	v2 =	vshll.u32 v5, $0x10;
	v6 =	vld [tilespmem:s21+$0xA0]  }
0x463: {  	v1 =	vand.u32 $0xFFFF0000, v1;
	v2 =	vadd.f32 v2, v7;
	v7 =	vld [tilespmem:s24+$0xA0]  }
0x464: {  	v3 =	vand.u32 $0xFFFF0000, v3;
	v1 =	vadd.f32 v1, v4  }
0x465: {  	v0 =	vadd.f32 v3, v0  }
0x466: {  	s31 =	simm.s32 $0x5600;
	v1 =	vmax.f32 v1, $0.0e+00  }
0x467: {  	v9 =	vld [tilespmem:s31+$0x0];
	[tilespmem:s20+$0xFFFFFF50] =	vst v1;
	v0 =	vmax.f32 v0, $0.0e+00;
	v1 =	vshll.u32 v6, $0x10  }
0x468: {  	s8 =	simm.s32 $0x1A00;
	v10 =	vld [tilespmem:s31+$0xFFFFFF00];
	[tilespmem:s20+$0xFFFFFFD0] =	vst v0;
	v0 =	vadd.f32 v1, v7  }
0x469: {  	v53 =	vld [tilespmem:s8+$0xFFFFFF00]  }
0x46a: {  	v4 =	vld [tilespmem:s31+$0x80];
	v0 =	vmax.f32 v0, $0.0e+00  }
0x46b: {  	v7 =	vld [tilespmem:s8+$0x80];
	[tilespmem:s20+$0xA0] =	vst v0  }
0x46c: {  	v2 =	vmax.f32 v2, $0.0e+00;
	v0 =	vld [tilespmem:s24+$0xE0]  }
0x46d: {  	v8 =	vld [tilespmem:s31+$0xFFFFFF80];
	[tilespmem:s20+$0x10] =	vst v2  }
0x46e: {  	v2 =	vld [tilespmem:s24+$0x50]  }
0x46f: {  	v3 =	vld [tilespmem:s21+$0xFFFFFF20];
	v11 =	vshll.u32 v4, $0x10  }
0x470: {  	v6 =	vand.u32 $0xFFFF0000, v6;
	v1 =	vld [tilespmem:s21+$0xFFFFFFA0];
	v7 =	vadd.f32 v11, v7  }
0x471: {  	v11 =	vld [tilespmem:s8+$0xFFFFFF80];
	v0 =	vadd.f32 v6, v0  }
0x472: {  	s14 =	simm.s32 $0x7E00;
	v5 =	vand.u32 $0xFFFF0000, v5;
	v7 =	vmax.f32 v7, $0.0e+00;
	v6 =	vld [tilespmem:s8+$0x0]  }
0x473: {  	v2 =	vadd.f32 v5, v2;
	v5 =	vld [tilespmem:s24+$0xFFFFFF20];
	[tilespmem:s14+$0x80] =	vst v7;
	v0 =	vmax.f32 v0, $0.0e+00  }
0x474: {  	v7 =	vshll.u32 v10, $0x10;
	v54 =	vld [tilespmem:s8+$0xC0];
	[tilespmem:s20+$0xE0] =	vst v0  }
0x475: {  	v7 =	vadd.f32 v7, v53;
	v0 =	vmax.f32 v2, $0.0e+00;
	v2 =	vshll.u32 v8, $0x10;
	v55 =	vld [tilespmem:s21+$0xB0]  }
0x476: {  	[tilespmem:s20+$0x50] =	vst v0;
	v0 =	vshll.u32 v9, $0x10;
	v2 =	vadd.f32 v2, v11;
	v11 =	vld [tilespmem:s24+$0xB0]  }
0x477: {  	v57 =	vld [tilespmem:s24+$0xFFFFFFA0];
	v7 =	vmax.f32 v7, $0.0e+00;
	v0 =	vadd.f32 v0, v6  }
0x478: {  	[tilespmem:s14+$0xFFFFFF00] =	vst v7;
	v56 =	vld [tilespmem:s21+$0x20];
	v6 =	vshll.u32 v3, $0x10;
	v2 =	vmax.f32 v2, $0.0e+00  }
0x479: {  	v5 =	vadd.f32 v6, v5;
	v6 =	vld [tilespmem:s8+$0xFFFFFF40];
	[tilespmem:s14+$0xFFFFFF80] =	vst v2;
	v0 =	vmax.f32 v0, $0.0e+00;
	v2 =	vand.u32 $0xFFFF0000, v4  }
0x47a: {  	v4 =	vld [tilespmem:s8+$0xFFFFFFC0];
	[tilespmem:s14+$0x0] =	vst v0;
	v0 =	vadd.f32 v2, v54;
	v2 =	vshll.u32 v55, $0x10  }
0x47b: {  	v5 =	vmax.f32 v5, $0.0e+00;
	v7 =	vld [tilespmem:s8+$0x40];
	v2 =	vadd.f32 v2, v11  }
0x47c: {  	v58 =	vld [tilespmem:s24+$0x20];
	[tilespmem:s20+$0xFFFFFF20] =	vst v5;
	v11 =	vshll.u32 v1, $0x10;
	v0 =	vmax.f32 v0, $0.0e+00  }
0x47d: {  	v5 =	vand.u32 $0xFFFF0000, v10;
	v10 =	vld [tilespmem:s24+$0xFFFFFF60];
	v11 =	vadd.f32 v11, v57;
	[tilespmem:s14+$0xC0] =	vst v0;
	v0 =	vmax.f32 v2, $0.0e+00  }
0x47e: {  	v5 =	vadd.f32 v5, v6;
	v2 =	vand.u32 $0xFFFF0000, v8;
	v6 =	vld [tilespmem:s31+$0x90];
	[tilespmem:s20+$0xB0] =	vst v0  }
0x47f: {  	v0 =	vand.u32 $0xFFFF0000, v9;
	v8 =	vmax.f32 v11, $0.0e+00;
	v2 =	vadd.f32 v2, v4;
	v4 =	vld [tilespmem:s24+$0xF0]  }
0x480: {  	v5 =	vmax.f32 v5, $0.0e+00;
	[tilespmem:s20+$0xFFFFFFA0] =	vst v8;
	v0 =	vadd.f32 v0, v7;
	v7 =	vld [tilespmem:s8+$0x90]  }
0x481: {  	[tilespmem:s14+$0xFFFFFF40] =	vst v5;
	v5 =	vld [tilespmem:s24+$0xFFFFFFE0]  }
0x482: {  	v2 =	vmax.f32 v2, $0.0e+00;
	v8 =	vld [tilespmem:s31+$0xFFFFFF10]  }
0x483: {  	v59 =	vld [tilespmem:s8+$0xFFFFFF10];
	[tilespmem:s14+$0xFFFFFFC0] =	vst v2;
	v0 =	vmax.f32 v0, $0.0e+00;
	v2 =	vshll.u32 v56, $0x10  }
0x484: {  	v3 =	vand.u32 $0xFFFF0000, v3;
	v9 =	vld [tilespmem:s31+$0xFFFFFF90];
	[tilespmem:s14+$0x40] =	vst v0;
	v0 =	vadd.f32 v2, v58;
	v11 =	vshll.u32 v6, $0x10  }
0x485: {  	v3 =	vadd.f32 v3, v10;
	v10 =	vld [tilespmem:s8+$0xFFFFFF90];
	v7 =	vadd.f32 v11, v7  }
0x486: {  	v1 =	vand.u32 $0xFFFF0000, v1;
	v2 =	vld [tilespmem:s31+$0x10];
	v0 =	vmax.f32 v0, $0.0e+00  }
0x487: {  	[tilespmem:s20+$0x20] =	vst v0;
	v0 =	vadd.f32 v1, v5;
	v1 =	vld [tilespmem:s8+$0x10];
	v5 =	vmax.f32 v7, $0.0e+00  }
0x488: {  	v3 =	vmax.f32 v3, $0.0e+00;
	[tilespmem:s14+$0x90] =	vst v5;
	v5 =	vld [tilespmem:s24+$0x60]  }
0x489: {  	[tilespmem:s20+$0xFFFFFF60] =	vst v3;
	v3 =	vshll.u32 v8, $0x10;
	v0 =	vmax.f32 v0, $0.0e+00;
	v7 =	vld [tilespmem:s8+$0xD0]  }
0x48a: {  	v60 =	vld [tilespmem:s21+$0xFFFFFF30];
	v11 =	vshll.u32 v9, $0x10;
	[tilespmem:s20+$0xFFFFFFE0] =	vst v0;
	v0 =	vadd.f32 v3, v59  }
0x48b: {  	v3 =	vshll.u32 v2, $0x10;
	v10 =	vadd.f32 v11, v10;
	v11 =	vld [tilespmem:s21+$0xFFFFFFB0]  }
0x48c: {  	v14 =	vand.u32 $0xFFFF0000, v56;
	v0 =	vmax.f32 v0, $0.0e+00;
	v1 =	vadd.f32 v3, v1;
	v3 =	vld [tilespmem:s24+$0xFFFFFF30]  }
0x48d: {  	v6 =	vand.u32 $0xFFFF0000, v6;
	[tilespmem:s14+$0xFFFFFF10] =	vst v0;
	v0 =	vmax.f32 v10, $0.0e+00;
	v10 =	vld [tilespmem:s24+$0xFFFFFFB0];
	v5 =	vadd.f32 v14, v5  }
0x48e: {  	v61 =	vld [tilespmem:s8+$0xFFFFFF50];
	[tilespmem:s14+$0xFFFFFF90] =	vst v0;
	v0 =	vmax.f32 v1, $0.0e+00;
	v1 =	vadd.f32 v6, v7  }
0x48f: {  	v6 =	vld [tilespmem:s8+$0xFFFFFFD0];
	[tilespmem:s14+$0x10] =	vst v0;
	v0 =	vmax.f32 v5, $0.0e+00  }
0x490: {  	v5 =	vshll.u32 v60, $0x10;
	v7 =	vld [tilespmem:s8+$0x50];
	v1 =	vmax.f32 v1, $0.0e+00;
	[tilespmem:s20+$0x60] =	vst v0  }
0x491: {  	v0 =	vshll.u32 v11, $0x10;
	[tilespmem:s14+$0xD0] =	vst v1;
	v1 =	vadd.f32 v5, v3;
	v62 =	vld [tilespmem:s21+$0x30]  }
0x492: {  	v8 =	vand.u32 $0xFFFF0000, v8;
	v9 =	vand.u32 $0xFFFF0000, v9;
	v0 =	vadd.f32 v0, v10;
	v3 =	vld [tilespmem:s31+$0xA0]  }
0x493: {  	v2 =	vand.u32 $0xFFFF0000, v2;
	v8 =	vadd.f32 v8, v61;
	v10 =	vld [tilespmem:s8+$0xA0];
	v1 =	vmax.f32 v1, $0.0e+00  }
0x494: {  	v5 =	vand.u32 $0xFFFF0000, v55;
	v6 =	vadd.f32 v9, v6;
	v0 =	vmax.f32 v0, $0.0e+00;
	v9 =	vld [tilespmem:s24+$0x30];
	[tilespmem:s20+$0xFFFFFF30] =	vst v1  }
0x495: {  	v1 =	vadd.f32 v5, v4;
	v5 =	vmax.f32 v8, $0.0e+00;
	v2 =	vadd.f32 v2, v7;
	[tilespmem:s20+$0xFFFFFFB0] =	vst v0;
	v4 =	vld [tilespmem:s24+$0xFFFFFF70]  }
0x496: {  	[tilespmem:s14+$0xFFFFFF50] =	vst v5;
	v0 =	vmax.f32 v6, $0.0e+00;
	v5 =	vld [tilespmem:s24+$0xFFFFFFF0]  }
0x497: {  	v6 =	vmax.f32 v1, $0.0e+00;
	v7 =	vld [tilespmem:s31+$0xFFFFFF20];
	[tilespmem:s14+$0xFFFFFFD0] =	vst v0;
	v0 =	vmax.f32 v2, $0.0e+00;
	v63 =	vshll.u32 v3, $0x10  }
0x498: {  	s1 =	simm.s32 $0x4;
	v2 =	vand.u32 $0xFFFF0000, v11;
	v11 =	vshll.u32 v62, $0x10;
	v8 =	vld [tilespmem:s31+$0xFFFFFFA0];
	[tilespmem:s14+$0x50] =	vst v0;
	v10 =	vadd.f32 v63, v10  }
0x499: {  	s0 =	simm.s32 $0x1A00;
	s3 =	simm.s32 $0x5800;
	s21 =	simm.s32 $0x7E00;
	v1 =	vand.u32 $0xFFFF0000, v60;
	[tilespmem:s20+$0xF0] =	vst v6;
	v0 =	vand.u32 $0xFFFF0000, v62;
	v6 =	vld [tilespmem:s31+$0x20];
	v9 =	vadd.f32 v11, v9  }
.LBB2_13:
0x49a: {  	v11 =	vld [tilespmem:s3+$0x80];
	v10 =	vmax.f32 v10, $0.0e+00;
	s8 =	sadd.s32 $0x200, s8;
	v1 =	vadd.f32 v1, v4  }
0x49b: {  	v4 =	vld [tilespmem:s8+$0x80];
	[tilespmem:s14+$0xA0] =	vst v10;
	v2 =	vadd.f32 v2, v5;
	v5 =	vmax.f32 v9, $0.0e+00  }
0x49c: {  	s1 =	sadd.s32 $0x4, s1;
	v9 =	vshll.u32 v7, $0x10;
	v7 =	vand.u32 $0xFFFF0000, v7;
	v10 =	vld [tilespmem:s0+$0xE0];
	v1 =	vmax.f32 v1, $0.0e+00;
	[tilespmem:s20+$0x30] =	vst v5  }
0x49d: {  	p0 =	slt.u32 s1, $0x24;
	v5 =	vld [tilespmem:s3+$0xFFFFFF80];
	v12 =	vshll.u32 v8, $0x10;
	v8 =	vand.u32 $0xFFFF0000, v8;
	[tilespmem:s20+$0xFFFFFF70] =	vst v1;
	v2 =	vmax.f32 v2, $0.0e+00  }
0x49e: {  	v13 =	vld [tilespmem:s3+$0x0];
	v14 =	vshll.u32 v6, $0x10;
	v1 =	vand.u32 $0xFFFF0000, v6;
	[tilespmem:s20+$0xFFFFFFF0] =	vst v2  }
0x49f: {  	v2 =	vld [tilespmem:s3+$0xFFFFFF00];
	v6 =	vshll.u32 v11, $0x10  }
0x4a0: {  	v3 =	vand.u32 $0xFFFF0000, v3;
	v15 =	vld [tilespmem:s8+$0xFFFFFF00];
	v4 =	vadd.f32 v6, v4  }
0x4a1: {  	v6 =	vld [tilespmem:s8+$0xFFFFFF80];
	v3 =	vadd.f32 v3, v10  }
0x4a2: {  	s14 =	sadd.s32 $0x200, s14;
	v10 =	vshll.u32 v5, $0x10;
	v5 =	vand.u32 $0xFFFF0000, v5;
	v16 =	vld [tilespmem:s8+$0x0];
	v4 =	vmax.f32 v4, $0.0e+00  }
0x4a3: {  	v17 =	vshll.u32 v13, $0x10;
	v13 =	vand.u32 $0xFFFF0000, v13;
	[tilespmem:s14+$0x80] =	vst v4;
	v4 =	vld [tilespmem:s0+$0xFFFFFF20];
	v3 =	vmax.f32 v3, $0.0e+00  }
0x4a4: {  	v18 =	vshll.u32 v2, $0x10;
	v2 =	vand.u32 $0xFFFF0000, v2;
	v19 =	vld [tilespmem:s8+$0xC0];
	[tilespmem:s21+$0xE0] =	vst v3  }
0x4a5: {  	v3 =	vadd.f32 v18, v15;
	v15 =	vld [tilespmem:s31+$0xB0]  }
0x4a6: {  	v6 =	vadd.f32 v10, v6;
	v10 =	vld [tilespmem:s0+$0xB0]  }
0x4a7: {  	v3 =	vmax.f32 v3, $0.0e+00;
	v16 =	vadd.f32 v17, v16;
	v17 =	vld [tilespmem:s0+$0xFFFFFFA0]  }
0x4a8: {  	[tilespmem:s14+$0xFFFFFF00] =	vst v3;
	v3 =	vmax.f32 v6, $0.0e+00;
	v4 =	vadd.f32 v9, v4;
	v6 =	vld [tilespmem:s0+$0x20]  }
0x4a9: {  	v11 =	vand.u32 $0xFFFF0000, v11;
	v9 =	vld [tilespmem:s8+$0xFFFFFF40];
	[tilespmem:s14+$0xFFFFFF80] =	vst v3;
	v3 =	vmax.f32 v16, $0.0e+00  }
0x4aa: {  	v16 =	vld [tilespmem:s8+$0xFFFFFFC0];
	[tilespmem:s14+$0x0] =	vst v3;
	v3 =	vadd.f32 v11, v19;
	v4 =	vmax.f32 v4, $0.0e+00;
	v11 =	vshll.u32 v15, $0x10  }
0x4ab: {  	v18 =	vld [tilespmem:s8+$0x40];
	[tilespmem:s21+$0xFFFFFF20] =	vst v4;
	v4 =	vadd.f32 v11, v10  }
0x4ac: {  	v3 =	vmax.f32 v3, $0.0e+00;
	v10 =	vld [tilespmem:s0+$0xFFFFFF60];
	v11 =	vadd.f32 v12, v17  }
0x4ad: {  	[tilespmem:s14+$0xC0] =	vst v3;
	v3 =	vadd.f32 v14, v6;
	v4 =	vmax.f32 v4, $0.0e+00;
	v6 =	vld [tilespmem:s24+$0x70];
	s24 =	smov.u32 s0;
	s0 =	smov.u32 s8  }
0x4ae: {  	v2 =	vadd.f32 v2, v9;
	v9 =	vld [tilespmem:s3+$0x90];
	v11 =	vmax.f32 v11, $0.0e+00;
	[tilespmem:s21+$0xB0] =	vst v4  }
0x4af: {  	v4 =	vadd.f32 v5, v16;
	[tilespmem:s21+$0xFFFFFFA0] =	vst v11;
	v3 =	vmax.f32 v3, $0.0e+00;
	v5 =	vld [tilespmem:s24+$0xF0]  }
0x4b0: {  	v2 =	vmax.f32 v2, $0.0e+00;
	v11 =	vadd.f32 v13, v18;
	v12 =	vld [tilespmem:s8+$0x90];
	[tilespmem:s21+$0x20] =	vst v3  }
0x4b1: {  	[tilespmem:s14+$0xFFFFFF40] =	vst v2;
	v2 =	vmax.f32 v4, $0.0e+00;
	v3 =	vadd.f32 v7, v10;
	v4 =	vld [tilespmem:s24+$0xFFFFFFE0]  }
0x4b2: {  	v7 =	vld [tilespmem:s3+$0xFFFFFF10];
	[tilespmem:s14+$0xFFFFFFC0] =	vst v2;
	v2 =	vmax.f32 v11, $0.0e+00;
	v0 =	vadd.f32 v0, v6  }
0x4b3: {  	v6 =	vld [tilespmem:s3+$0xFFFFFF90];
	[tilespmem:s14+$0x40] =	vst v2;
	v2 =	vmax.f32 v3, $0.0e+00;
	v3 =	vand.u32 $0xFFFF0000, v15  }
0x4b4: {  	v11 =	vshll.u32 v9, $0x10;
	v10 =	vld [tilespmem:s3+$0x10];
	[tilespmem:s21+$0xFFFFFF60] =	vst v2;
	v2 =	vadd.f32 v3, v5;
	v0 =	vmax.f32 v0, $0.0e+00  }
0x4b5: {  	v3 =	vld [tilespmem:s8+$0xFFFFFF10];
	v5 =	vadd.f32 v11, v12;
	[tilespmem:s20+$0x70] =	vst v0;
	s20 =	smov.u32 s21;
	s21 =	smov.u32 s14  }
0x4b6: {  	v0 =	vld [tilespmem:s8+$0xFFFFFF90];
	v4 =	vadd.f32 v8, v4;
	v2 =	vmax.f32 v2, $0.0e+00  }
0x4b7: {  	v8 =	vshll.u32 v7, $0x10;
	v7 =	vand.u32 $0xFFFF0000, v7;
	v11 =	vld [tilespmem:s8+$0x10];
	v5 =	vmax.f32 v5, $0.0e+00;
	[tilespmem:s20+$0xF0] =	vst v2  }
0x4b8: {  	v2 =	vshll.u32 v6, $0x10;
	v6 =	vand.u32 $0xFFFF0000, v6;
	[tilespmem:s14+$0x90] =	vst v5;
	v4 =	vmax.f32 v4, $0.0e+00;
	v5 =	vld [tilespmem:s24+$0x60]  }
0x4b9: {  	v12 =	vshll.u32 v10, $0x10;
	v10 =	vand.u32 $0xFFFF0000, v10;
	v13 =	vld [tilespmem:s8+$0xD0];
	[tilespmem:s20+$0xFFFFFFE0] =	vst v4  }
0x4ba: {  	v3 =	vadd.f32 v8, v3;
	v4 =	vld [tilespmem:s31+$0xFFFFFF30]  }
0x4bb: {  	v0 =	vadd.f32 v2, v0;
	v2 =	vld [tilespmem:s31+$0xFFFFFFB0]  }
0x4bc: {  	v3 =	vmax.f32 v3, $0.0e+00;
	v8 =	vadd.f32 v12, v11;
	v11 =	vld [tilespmem:s24+$0xFFFFFF30]  }
0x4bd: {  	[tilespmem:s14+$0xFFFFFF10] =	vst v3;
	v0 =	vmax.f32 v0, $0.0e+00;
	v3 =	vand.u32 $0xFFFF0000, v9;
	v9 =	vld [tilespmem:s24+$0xFFFFFFB0];
	v5 =	vadd.f32 v1, v5  }
0x4be: {  	v12 =	vld [tilespmem:s8+$0xFFFFFF50];
	[tilespmem:s14+$0xFFFFFF90] =	vst v0;
	v0 =	vmax.f32 v8, $0.0e+00;
	v3 =	vadd.f32 v3, v13  }
0x4bf: {  	v8 =	vld [tilespmem:s8+$0xFFFFFFD0];
	[tilespmem:s14+$0x10] =	vst v0;
	v0 =	vshll.u32 v4, $0x10;
	v1 =	vand.u32 $0xFFFF0000, v4;
	v4 =	vmax.f32 v5, $0.0e+00  }
0x4c0: {  	v5 =	vld [tilespmem:s8+$0x50];
	v3 =	vmax.f32 v3, $0.0e+00;
	v13 =	vshll.u32 v2, $0x10;
	v2 =	vand.u32 $0xFFFF0000, v2;
	[tilespmem:s20+$0x60] =	vst v4  }
0x4c1: {  	[tilespmem:s14+$0xD0] =	vst v3;
	v0 =	vadd.f32 v0, v11;
	v11 =	vld [tilespmem:s31+$0x30];
	s31 =	smov.u32 s3  }
0x4c2: {  	v3 =	vld [tilespmem:s3+$0xA0];
	v4 =	vadd.f32 v13, v9  }
0x4c3: {  	v7 =	vadd.f32 v7, v12;
	v9 =	vld [tilespmem:s8+$0xA0];
	v0 =	vmax.f32 v0, $0.0e+00  }
0x4c4: {  	v6 =	vadd.f32 v6, v8;
	[tilespmem:s20+$0xFFFFFF30] =	vst v0;
	v0 =	vmax.f32 v4, $0.0e+00;
	v12 =	vld [tilespmem:s24+$0x30]  }
.Ltmp5:
0x4c5: {  	v7 =	vmax.f32 v7, $0.0e+00;
	v8 =	vadd.f32 v10, v5;
	v4 =	vld [tilespmem:s24+$0xFFFFFF70];
	[tilespmem:s20+$0xFFFFFFB0] =	vst v0;
	(pc) =	sbr.rel @p0 .LBB2_13-.Ltmp5, $4  }
0x4c6: {  	[tilespmem:s14+$0xFFFFFF50] =	vst v7;
	v6 =	vmax.f32 v6, $0.0e+00;
	v5 =	vld [tilespmem:s24+$0xFFFFFFF0];
	v13 =	vshll.u32 v11, $0x10;
	v0 =	vand.u32 $0xFFFF0000, v11  }
0x4c7: {  	v7 =	vld [tilespmem:s3+$0xFFFFFF20];
	[tilespmem:s14+$0xFFFFFFD0] =	vst v6;
	v6 =	vmax.f32 v8, $0.0e+00;
	v10 =	vshll.u32 v3, $0x10  }
0x4c8: {  	v8 =	vld [tilespmem:s3+$0xFFFFFFA0];
	[tilespmem:s14+$0x50] =	vst v6;
	v10 =	vadd.f32 v10, v9  }
0x4c9: {  	s3 =	sadd.s32 $0x200, s3;
	v6 =	vld [tilespmem:s31+$0x20];
	v9 =	vadd.f32 v13, v12  }
0x4ca: {  	v11 =	vld [tilespmem:s0+$0xFFFFFF20]  }
0x4cb: {  	v12 =	vld [tilespmem:s0+$0xFFFFFFA0];
	_ =	sdelay $0x2  }
0x4cc: {  	v14 =	vld [tilespmem:s0+$0x20];
	v13 =	vshll.u32 v7, $0x10  }
0x4cd: {  	v10 =	vmax.f32 v10, $0.0e+00;
	v15 =	vshll.u32 v8, $0x10;
	v11 =	vadd.f32 v13, v11  }
0x4ce: {  	[tilespmem:s14+$0xA0] =	vst v10;
	v10 =	vadd.f32 v15, v12  }
0x4cf: {  	v43 =	vld [tilespmem:s0+$0xE0];
	v11 =	vmax.f32 v11, $0.0e+00  }
0x4d0: {  	v44 =	vshll.u32 v6, $0x10;
	v10 =	vmax.f32 v10, $0.0e+00;
	[tilespmem:s21+$0xFFFFFF20] =	vst v11  }
0x4d1: {  	v13 =	vadd.f32 v44, v14;
	[tilespmem:s21+$0xFFFFFFA0] =	vst v10;
	v11 =	vld [tilespmem:s0+$0xFFFFFF60]  }
0x4d2: {  	v10 =	vld [tilespmem:s0+$0xFFFFFFE0]  }
0x4d3: {  	v3 =	vand.u32 $0xFFFF0000, v3;
	v13 =	vmax.f32 v13, $0.0e+00  }
0x4d4: {  	v3 =	vadd.f32 v3, v43;
	[tilespmem:s21+$0x20] =	vst v13  }
0x4d5: {  	v7 =	vand.u32 $0xFFFF0000, v7;
	v45 =	vld [tilespmem:s0+$0x60]  }
0x4d6: {  	v8 =	vand.u32 $0xFFFF0000, v8;
	v3 =	vmax.f32 v3, $0.0e+00;
	v7 =	vadd.f32 v7, v11  }
0x4d7: {  	[tilespmem:s21+$0xE0] =	vst v3;
	v3 =	vadd.f32 v8, v10  }
0x4d8: {  	v8 =	vld [tilespmem:s31+$0xB0];
	v7 =	vmax.f32 v7, $0.0e+00  }
0x4d9: {  	v6 =	vand.u32 $0xFFFF0000, v6;
	v10 =	vld [tilespmem:s0+$0xB0];
	v3 =	vmax.f32 v3, $0.0e+00;
	[tilespmem:s21+$0xFFFFFF60] =	vst v7  }
0x4da: {  	v6 =	vadd.f32 v6, v45;
	[tilespmem:s21+$0xFFFFFFE0] =	vst v3;
	v3 =	vld [tilespmem:s31+$0xFFFFFF30]  }
0x4db: {  	v7 =	vld [tilespmem:s31+$0xFFFFFFB0]  }
0x4dc: {  	v6 =	vmax.f32 v6, $0.0e+00;
	v11 =	vld [tilespmem:s0+$0xFFFFFF30]  }
0x4dd: {  	[tilespmem:s21+$0x60] =	vst v6;
	v46 =	vld [tilespmem:s0+$0xFFFFFFB0]  }
0x4de: {  	v6 =	vld [tilespmem:s31+$0x30]  }
0x4df: {  	v13 =	vld [tilespmem:s0+$0x30]  }
0x4e0: {  	v47 =	vshll.u32 v8, $0x10  }
0x4e1: {  	v10 =	vadd.f32 v47, v10;
	v48 =	vshll.u32 v3, $0x10  }
0x4e2: {  	v9 =	vmax.f32 v9, $0.0e+00;
	v49 =	vshll.u32 v7, $0x10;
	v11 =	vadd.f32 v48, v11  }
0x4e3: {  	[tilespmem:s20+$0x30] =	vst v9;
	v9 =	vmax.f32 v10, $0.0e+00;
	v50 =	vshll.u32 v6, $0x10;
	v10 =	vadd.f32 v49, v46  }
0x4e4: {  	v51 =	vld [tilespmem:s24+$0x70];
	[tilespmem:s21+$0xB0] =	vst v9;
	v9 =	vmax.f32 v11, $0.0e+00;
	v11 =	vadd.f32 v50, v13  }
0x4e5: {  	v52 =	vld [tilespmem:s0+$0xF0];
	[tilespmem:s21+$0xFFFFFF30] =	vst v9;
	v9 =	vmax.f32 v10, $0.0e+00  }
0x4e6: {  	v10 =	vld [tilespmem:s0+$0xFFFFFF70];
	[tilespmem:s21+$0xFFFFFFB0] =	vst v9;
	v9 =	vmax.f32 v11, $0.0e+00  }
0x4e7: {  	v1 =	vadd.f32 v1, v4;
	v4 =	vld [tilespmem:s0+$0xFFFFFFF0];
	[tilespmem:s21+$0x30] =	vst v9  }
0x4e8: {  	v2 =	vadd.f32 v2, v5;
	v5 =	vld [tilespmem:s0+$0x70]  }
0x4e9: {  	v1 =	vmax.f32 v1, $0.0e+00;
	v0 =	vadd.f32 v0, v51;
	v8 =	vand.u32 $0xFFFF0000, v8  }
0x4ea: {  	[tilespmem:s20+$0xFFFFFF70] =	vst v1;
	v1 =	vmax.f32 v2, $0.0e+00;
	v3 =	vand.u32 $0xFFFF0000, v3;
	v2 =	vadd.f32 v8, v52  }
0x4eb: {  	[tilespmem:s20+$0xFFFFFFF0] =	vst v1;
	v0 =	vmax.f32 v0, $0.0e+00;
	v1 =	vand.u32 $0xFFFF0000, v7;
	v3 =	vadd.f32 v3, v10  }
0x4ec: {  	[tilespmem:s20+$0x70] =	vst v0;
	v0 =	vmax.f32 v2, $0.0e+00;
	v2 =	vand.u32 $0xFFFF0000, v6;
	v1 =	vadd.f32 v1, v4  }
0x4ed: {  	[tilespmem:s21+$0xF0] =	vst v0;
	v0 =	vmax.f32 v3, $0.0e+00;
	v2 =	vadd.f32 v2, v5  }
0x4ee: {  	[tilespmem:s21+$0xFFFFFF70] =	vst v0;
	v0 =	vmax.f32 v1, $0.0e+00  }
0x4ef: {  	[tilespmem:s21+$0xFFFFFFF0] =	vst v0;
	v0 =	vmax.f32 v2, $0.0e+00  }
0x4f0: {  	s1 =	simm.s32 $0x7B00;
	s14 =	simm.s32 $0x280;
	[tilespmem:s21+$0x70] =	vst v0  }
0x4f1: {  	[spmem:s15] =	stream.indirect.scatter.add.f32 [tilespmem:s1], [sflag:$0xD], $0x80, s14, s11, $0xb8;
	[tilespmem:$0x1CF00] =	vst v63  }
0x4f2: {  	s16 =	sadd.s32 s6, s16;
	_ =	swait.ge [sflag:s25], $0x1400  }
0x4f3: {  	s20 =	simm.s32 $0x200;
	[sflag:s25] =	ssyncset.done $0x0;
	s1 =	rddreg [dreg:$0x16]  }
0x4f4: {  	s21 =	sshll.u32 s12, $0x4;
	[sflag:s25] =	ssyncadd.s32 $0xFFFFEC00;
	s12 =	sadd.s32 s2, s1  }
0x4f5: {  	[tilespmem:s20], [sflag:$0xA] =	stream.linear.gather [hbm4b:s16+s4], $0x28, $0x38;
	[tilespmem:$0x1CF00] =	vst v63  }
0x4f6: {  	s24 =	simm.s32 $0x3F00;
	s0 =	sadd.s32 s7, s21;
	s16 =	sshrl.u32 s12, $0x3  }
0x4f7: {  	[tilespmem:s24], [sflag:$0x4] =	stream.linear.gather [hbm4b:s0+s4], $0x1400, $0x38;
	[tilespmem:$0x1CF00] =	vst v63  }
0x4f8: {  	s8 =	simm.s32 $0x100;
	s14 =	simm.s32 $0x7;
	s3 =	sadd.s32 s5, s16  }
0x4f9: {  	[tilespmem:s8], [sflag:$0x8] =	stream.linear.gather [hbm4b:s3+s4], $0x28, $0x38;
	[tilespmem:$0x1CF00] =	vst v63  }
0x4fa: {  	_ =	swait.ge [sflag:s14], $0x28  }
0x4fb: {  	[sflag:s14] =	ssyncset.done $0x0  }
0x4fc: {  	[sflag:s14] =	ssyncadd.s32 $0xFFFFFFD8  }
0x4fd: {  	s20 =	simm.s32 $0x80;
	s3 =	simm.s32 $0x1700;
	s0 =	rddreg [dreg:$0x0]  }
0x4fe: {  	[tilespmem:s3], [sflag:$0x2] =	stream.indirect.gather [hbm4b:s0+s11], $0x80, s20, s11, $0xb8;
	[tilespmem:$0x1CF00] =	vst v63  }
0x4ff: {  	_ =	swait.ge [sflag:s17], $0x28  }
0x500: {  	[sflag:s17] =	ssyncset.done $0x0  }
0x501: {  	[sflag:s17] =	ssyncadd.s32 $0xFFFFFFD8  }
0x502: {  	_ =	swait.ge [sflag:s18], $0x1400  }
0x503: {  	[sflag:s18] =	ssyncset.done $0x0  }
0x504: {  	[sflag:s18] =	ssyncadd.s32 $0xFFFFEC00  }
0x505: {  	_ =	swait.ge [sflag:s19], $0x1400  }
0x506: {  	[sflag:s19] =	ssyncset.done $0x0  }
0x507: {  	s21 =	simm.s32 $0x2C00;
	[sflag:s19] =	ssyncadd.s32 $0xFFFFEC00  }
0x508: {  	s24 =	simm.s32 $0x400;
	v0 =	vld [tilespmem:s21+$0x80]  }
0x509: {  	v1 =	vld [tilespmem:s24+$0x80];
	_ =	sdelay $0x2  }
0x50a: {  	v2 =	vld [tilespmem:s21+$0xFFFFFF80]  }
0x50b: {  	v3 =	vld [tilespmem:s21+$0xFFFFFF00];
	v4 =	vshll.u32 v0, $0x10  }
0x50c: {  	v5 =	vld [tilespmem:s24+$0xFFFFFF00];
	v1 =	vadd.f32 v4, v1  }
0x50d: {  	v4 =	vld [tilespmem:s24+$0xFFFFFF80]  }
0x50e: {  	s20 =	simm.s32 $0x6800;
	v1 =	vmax.f32 v1, $0.0e+00  }
0x50f: {  	[tilespmem:s20+$0x80] =	vst v1  }
0x510: {  	v1 =	vshll.u32 v3, $0x10;
	v6 =	vld [tilespmem:s24+$0xC0]  }
0x511: {  	v7 =	vshll.u32 v2, $0x10;
	v1 =	vadd.f32 v1, v5  }
0x512: {  	v4 =	vadd.f32 v7, v4  }
0x513: {  	v5 =	vld [tilespmem:s21+$0x0];
	v1 =	vmax.f32 v1, $0.0e+00  }
0x514: {  	v0 =	vand.u32 $0xFFFF0000, v0;
	v7 =	vld [tilespmem:s24+$0x0];
	[tilespmem:s20+$0xFFFFFF00] =	vst v1;
	v1 =	vmax.f32 v4, $0.0e+00  }
0x515: {  	v4 =	vld [tilespmem:s24+$0xFFFFFF40];
	[tilespmem:s20+$0xFFFFFF80] =	vst v1;
	v0 =	vadd.f32 v0, v6  }
0x516: {  	v1 =	vld [tilespmem:s24+$0xFFFFFFC0]  }
0x517: {  	v0 =	vmax.f32 v0, $0.0e+00  }
0x518: {  	v6 =	vshll.u32 v5, $0x10;
	[tilespmem:s20+$0xC0] =	vst v0  }
0x519: {  	v0 =	vand.u32 $0xFFFF0000, v3;
	v3 =	vadd.f32 v6, v7;
	v6 =	vld [tilespmem:s21+$0x90]  }
0x51a: {  	v2 =	vand.u32 $0xFFFF0000, v2;
	v0 =	vadd.f32 v0, v4;
	v4 =	vld [tilespmem:s24+$0x90]  }
0x51b: {  	v3 =	vmax.f32 v3, $0.0e+00;
	v1 =	vadd.f32 v2, v1  }
0x51c: {  	[tilespmem:s20+$0x0] =	vst v3;
	v0 =	vmax.f32 v0, $0.0e+00  }
0x51d: {  	v2 =	vld [tilespmem:s24+$0x40];
	[tilespmem:s20+$0xFFFFFF40] =	vst v0;
	v0 =	vmax.f32 v1, $0.0e+00  }
0x51e: {  	v1 =	vld [tilespmem:s21+$0xFFFFFF10];
	[tilespmem:s20+$0xFFFFFFC0] =	vst v0;
	v0 =	vshll.u32 v6, $0x10  }
0x51f: {  	v3 =	vld [tilespmem:s21+$0xFFFFFF90];
	v0 =	vadd.f32 v0, v4  }
0x520: {  	v4 =	vld [tilespmem:s24+$0xFFFFFF10]  }
0x521: {  	v7 =	vld [tilespmem:s24+$0xFFFFFF90];
	v0 =	vmax.f32 v0, $0.0e+00  }
0x522: {  	v5 =	vand.u32 $0xFFFF0000, v5;
	[tilespmem:s20+$0x90] =	vst v0  }
0x523: {  	v0 =	vadd.f32 v5, v2;
	v2 =	vld [tilespmem:s24+$0xD0]  }
0x524: {  	v5 =	vshll.u32 v1, $0x10  }
0x525: {  	v8 =	vshll.u32 v3, $0x10;
	v0 =	vmax.f32 v0, $0.0e+00;
	v4 =	vadd.f32 v5, v4  }
0x526: {  	[tilespmem:s20+$0x40] =	vst v0;
	v0 =	vadd.f32 v8, v7  }
0x527: {  	v6 =	vand.u32 $0xFFFF0000, v6;
	v5 =	vld [tilespmem:s21+$0x10];
	v4 =	vmax.f32 v4, $0.0e+00  }
0x528: {  	v7 =	vld [tilespmem:s24+$0x10];
	[tilespmem:s20+$0xFFFFFF10] =	vst v4;
	v0 =	vmax.f32 v0, $0.0e+00;
	v2 =	vadd.f32 v6, v2  }
0x529: {  	v4 =	vld [tilespmem:s24+$0xFFFFFF50];
	[tilespmem:s20+$0xFFFFFF90] =	vst v0  }
0x52a: {  	v0 =	vld [tilespmem:s24+$0xFFFFFFD0];
	v2 =	vmax.f32 v2, $0.0e+00  }
0x52b: {  	[tilespmem:s20+$0xD0] =	vst v2  }
0x52c: {  	v2 =	vshll.u32 v5, $0x10;
	v6 =	vld [tilespmem:s21+$0xA0]  }
0x52d: {  	v1 =	vand.u32 $0xFFFF0000, v1;
	v2 =	vadd.f32 v2, v7;
	v7 =	vld [tilespmem:s24+$0xA0]  }
0x52e: {  	v3 =	vand.u32 $0xFFFF0000, v3;
	v1 =	vadd.f32 v1, v4  }
0x52f: {  	v0 =	vadd.f32 v3, v0  }
0x530: {  	s31 =	simm.s32 $0x2E00;
	v1 =	vmax.f32 v1, $0.0e+00  }
0x531: {  	v9 =	vld [tilespmem:s31+$0x0];
	[tilespmem:s20+$0xFFFFFF50] =	vst v1;
	v0 =	vmax.f32 v0, $0.0e+00;
	v1 =	vshll.u32 v6, $0x10  }
0x532: {  	s8 =	simm.s32 $0x600;
	v10 =	vld [tilespmem:s31+$0xFFFFFF00];
	[tilespmem:s20+$0xFFFFFFD0] =	vst v0;
	v0 =	vadd.f32 v1, v7  }
0x533: {  	v53 =	vld [tilespmem:s8+$0xFFFFFF00]  }
0x534: {  	v4 =	vld [tilespmem:s31+$0x80];
	v0 =	vmax.f32 v0, $0.0e+00  }
0x535: {  	v7 =	vld [tilespmem:s8+$0x80];
	[tilespmem:s20+$0xA0] =	vst v0  }
0x536: {  	v2 =	vmax.f32 v2, $0.0e+00;
	v0 =	vld [tilespmem:s24+$0xE0]  }
0x537: {  	v8 =	vld [tilespmem:s31+$0xFFFFFF80];
	[tilespmem:s20+$0x10] =	vst v2  }
0x538: {  	v2 =	vld [tilespmem:s24+$0x50]  }
0x539: {  	v3 =	vld [tilespmem:s21+$0xFFFFFF20];
	v11 =	vshll.u32 v4, $0x10  }
0x53a: {  	v6 =	vand.u32 $0xFFFF0000, v6;
	v1 =	vld [tilespmem:s21+$0xFFFFFFA0];
	v7 =	vadd.f32 v11, v7  }
0x53b: {  	v11 =	vld [tilespmem:s8+$0xFFFFFF80];
	v0 =	vadd.f32 v6, v0  }
0x53c: {  	s14 =	simm.s32 $0x6A00;
	v5 =	vand.u32 $0xFFFF0000, v5;
	v7 =	vmax.f32 v7, $0.0e+00;
	v6 =	vld [tilespmem:s8+$0x0]  }
0x53d: {  	v2 =	vadd.f32 v5, v2;
	v5 =	vld [tilespmem:s24+$0xFFFFFF20];
	[tilespmem:s14+$0x80] =	vst v7;
	v0 =	vmax.f32 v0, $0.0e+00  }
0x53e: {  	v7 =	vshll.u32 v10, $0x10;
	v54 =	vld [tilespmem:s8+$0xC0];
	[tilespmem:s20+$0xE0] =	vst v0  }
0x53f: {  	v7 =	vadd.f32 v7, v53;
	v0 =	vmax.f32 v2, $0.0e+00;
	v2 =	vshll.u32 v8, $0x10;
	v55 =	vld [tilespmem:s21+$0xB0]  }
0x540: {  	[tilespmem:s20+$0x50] =	vst v0;
	v0 =	vshll.u32 v9, $0x10;
	v2 =	vadd.f32 v2, v11;
	v11 =	vld [tilespmem:s24+$0xB0]  }
0x541: {  	v57 =	vld [tilespmem:s24+$0xFFFFFFA0];
	v7 =	vmax.f32 v7, $0.0e+00;
	v0 =	vadd.f32 v0, v6  }
0x542: {  	[tilespmem:s14+$0xFFFFFF00] =	vst v7;
	v56 =	vld [tilespmem:s21+$0x20];
	v6 =	vshll.u32 v3, $0x10;
	v2 =	vmax.f32 v2, $0.0e+00  }
0x543: {  	v5 =	vadd.f32 v6, v5;
	v6 =	vld [tilespmem:s8+$0xFFFFFF40];
	[tilespmem:s14+$0xFFFFFF80] =	vst v2;
	v0 =	vmax.f32 v0, $0.0e+00;
	v2 =	vand.u32 $0xFFFF0000, v4  }
0x544: {  	v4 =	vld [tilespmem:s8+$0xFFFFFFC0];
	[tilespmem:s14+$0x0] =	vst v0;
	v0 =	vadd.f32 v2, v54;
	v2 =	vshll.u32 v55, $0x10  }
0x545: {  	v5 =	vmax.f32 v5, $0.0e+00;
	v7 =	vld [tilespmem:s8+$0x40];
	v2 =	vadd.f32 v2, v11  }
0x546: {  	v58 =	vld [tilespmem:s24+$0x20];
	[tilespmem:s20+$0xFFFFFF20] =	vst v5;
	v11 =	vshll.u32 v1, $0x10;
	v0 =	vmax.f32 v0, $0.0e+00  }
0x547: {  	v5 =	vand.u32 $0xFFFF0000, v10;
	v10 =	vld [tilespmem:s24+$0xFFFFFF60];
	v11 =	vadd.f32 v11, v57;
	[tilespmem:s14+$0xC0] =	vst v0;
	v0 =	vmax.f32 v2, $0.0e+00  }
0x548: {  	v5 =	vadd.f32 v5, v6;
	v2 =	vand.u32 $0xFFFF0000, v8;
	v6 =	vld [tilespmem:s31+$0x90];
	[tilespmem:s20+$0xB0] =	vst v0  }
0x549: {  	v0 =	vand.u32 $0xFFFF0000, v9;
	v8 =	vmax.f32 v11, $0.0e+00;
	v2 =	vadd.f32 v2, v4;
	v4 =	vld [tilespmem:s24+$0xF0]  }
0x54a: {  	v5 =	vmax.f32 v5, $0.0e+00;
	[tilespmem:s20+$0xFFFFFFA0] =	vst v8;
	v0 =	vadd.f32 v0, v7;
	v7 =	vld [tilespmem:s8+$0x90]  }
0x54b: {  	[tilespmem:s14+$0xFFFFFF40] =	vst v5;
	v5 =	vld [tilespmem:s24+$0xFFFFFFE0]  }
0x54c: {  	v2 =	vmax.f32 v2, $0.0e+00;
	v8 =	vld [tilespmem:s31+$0xFFFFFF10]  }
0x54d: {  	v59 =	vld [tilespmem:s8+$0xFFFFFF10];
	[tilespmem:s14+$0xFFFFFFC0] =	vst v2;
	v0 =	vmax.f32 v0, $0.0e+00;
	v2 =	vshll.u32 v56, $0x10  }
0x54e: {  	v3 =	vand.u32 $0xFFFF0000, v3;
	v9 =	vld [tilespmem:s31+$0xFFFFFF90];
	[tilespmem:s14+$0x40] =	vst v0;
	v0 =	vadd.f32 v2, v58;
	v11 =	vshll.u32 v6, $0x10  }
0x54f: {  	v3 =	vadd.f32 v3, v10;
	v10 =	vld [tilespmem:s8+$0xFFFFFF90];
	v7 =	vadd.f32 v11, v7  }
0x550: {  	v1 =	vand.u32 $0xFFFF0000, v1;
	v2 =	vld [tilespmem:s31+$0x10];
	v0 =	vmax.f32 v0, $0.0e+00  }
0x551: {  	[tilespmem:s20+$0x20] =	vst v0;
	v0 =	vadd.f32 v1, v5;
	v1 =	vld [tilespmem:s8+$0x10];
	v5 =	vmax.f32 v7, $0.0e+00  }
0x552: {  	v3 =	vmax.f32 v3, $0.0e+00;
	[tilespmem:s14+$0x90] =	vst v5;
	v5 =	vld [tilespmem:s24+$0x60]  }
0x553: {  	[tilespmem:s20+$0xFFFFFF60] =	vst v3;
	v3 =	vshll.u32 v8, $0x10;
	v0 =	vmax.f32 v0, $0.0e+00;
	v7 =	vld [tilespmem:s8+$0xD0]  }
0x554: {  	v60 =	vld [tilespmem:s21+$0xFFFFFF30];
	v11 =	vshll.u32 v9, $0x10;
	[tilespmem:s20+$0xFFFFFFE0] =	vst v0;
	v0 =	vadd.f32 v3, v59  }
0x555: {  	v3 =	vshll.u32 v2, $0x10;
	v10 =	vadd.f32 v11, v10;
	v11 =	vld [tilespmem:s21+$0xFFFFFFB0]  }
0x556: {  	v14 =	vand.u32 $0xFFFF0000, v56;
	v0 =	vmax.f32 v0, $0.0e+00;
	v1 =	vadd.f32 v3, v1;
	v3 =	vld [tilespmem:s24+$0xFFFFFF30]  }
0x557: {  	v6 =	vand.u32 $0xFFFF0000, v6;
	[tilespmem:s14+$0xFFFFFF10] =	vst v0;
	v0 =	vmax.f32 v10, $0.0e+00;
	v10 =	vld [tilespmem:s24+$0xFFFFFFB0];
	v5 =	vadd.f32 v14, v5  }
0x558: {  	v61 =	vld [tilespmem:s8+$0xFFFFFF50];
	[tilespmem:s14+$0xFFFFFF90] =	vst v0;
	v0 =	vmax.f32 v1, $0.0e+00;
	v1 =	vadd.f32 v6, v7  }
0x559: {  	v6 =	vld [tilespmem:s8+$0xFFFFFFD0];
	[tilespmem:s14+$0x10] =	vst v0;
	v0 =	vmax.f32 v5, $0.0e+00  }
0x55a: {  	v5 =	vshll.u32 v60, $0x10;
	v7 =	vld [tilespmem:s8+$0x50];
	v1 =	vmax.f32 v1, $0.0e+00;
	[tilespmem:s20+$0x60] =	vst v0  }
0x55b: {  	v0 =	vshll.u32 v11, $0x10;
	[tilespmem:s14+$0xD0] =	vst v1;
	v1 =	vadd.f32 v5, v3;
	v62 =	vld [tilespmem:s21+$0x30]  }
0x55c: {  	v8 =	vand.u32 $0xFFFF0000, v8;
	v9 =	vand.u32 $0xFFFF0000, v9;
	v0 =	vadd.f32 v0, v10;
	v3 =	vld [tilespmem:s31+$0xA0]  }
0x55d: {  	v2 =	vand.u32 $0xFFFF0000, v2;
	v8 =	vadd.f32 v8, v61;
	v10 =	vld [tilespmem:s8+$0xA0];
	v1 =	vmax.f32 v1, $0.0e+00  }
0x55e: {  	v5 =	vand.u32 $0xFFFF0000, v55;
	v6 =	vadd.f32 v9, v6;
	v0 =	vmax.f32 v0, $0.0e+00;
	v9 =	vld [tilespmem:s24+$0x30];
	[tilespmem:s20+$0xFFFFFF30] =	vst v1  }
0x55f: {  	v1 =	vadd.f32 v5, v4;
	v5 =	vmax.f32 v8, $0.0e+00;
	v2 =	vadd.f32 v2, v7;
	[tilespmem:s20+$0xFFFFFFB0] =	vst v0;
	v4 =	vld [tilespmem:s24+$0xFFFFFF70]  }
0x560: {  	[tilespmem:s14+$0xFFFFFF50] =	vst v5;
	v0 =	vmax.f32 v6, $0.0e+00;
	v5 =	vld [tilespmem:s24+$0xFFFFFFF0]  }
0x561: {  	v6 =	vmax.f32 v1, $0.0e+00;
	v7 =	vld [tilespmem:s31+$0xFFFFFF20];
	[tilespmem:s14+$0xFFFFFFD0] =	vst v0;
	v0 =	vmax.f32 v2, $0.0e+00;
	v63 =	vshll.u32 v3, $0x10  }
0x562: {  	s1 =	simm.s32 $0x4;
	v2 =	vand.u32 $0xFFFF0000, v11;
	v11 =	vshll.u32 v62, $0x10;
	v8 =	vld [tilespmem:s31+$0xFFFFFFA0];
	[tilespmem:s14+$0x50] =	vst v0;
	v10 =	vadd.f32 v63, v10  }
0x563: {  	s3 =	simm.s32 $0x3000;
	s0 =	simm.s32 $0x600;
	s21 =	simm.s32 $0x6A00;
	v1 =	vand.u32 $0xFFFF0000, v60;
	[tilespmem:s20+$0xF0] =	vst v6;
	v0 =	vand.u32 $0xFFFF0000, v62;
	v6 =	vld [tilespmem:s31+$0x20];
	v9 =	vadd.f32 v11, v9  }
.LBB2_15:
0x564: {  	v11 =	vld [tilespmem:s3+$0x80];
	v10 =	vmax.f32 v10, $0.0e+00;
	s8 =	sadd.s32 $0x200, s8;
	v1 =	vadd.f32 v1, v4  }
0x565: {  	v4 =	vld [tilespmem:s8+$0x80];
	[tilespmem:s14+$0xA0] =	vst v10;
	v2 =	vadd.f32 v2, v5;
	v5 =	vmax.f32 v9, $0.0e+00  }
0x566: {  	s1 =	sadd.s32 $0x4, s1;
	v9 =	vshll.u32 v7, $0x10;
	v7 =	vand.u32 $0xFFFF0000, v7;
	v10 =	vld [tilespmem:s0+$0xE0];
	v1 =	vmax.f32 v1, $0.0e+00;
	[tilespmem:s20+$0x30] =	vst v5  }
0x567: {  	p0 =	slt.u32 s1, $0x24;
	v5 =	vld [tilespmem:s3+$0xFFFFFF80];
	v12 =	vshll.u32 v8, $0x10;
	v8 =	vand.u32 $0xFFFF0000, v8;
	[tilespmem:s20+$0xFFFFFF70] =	vst v1;
	v2 =	vmax.f32 v2, $0.0e+00  }
0x568: {  	v13 =	vld [tilespmem:s3+$0x0];
	v14 =	vshll.u32 v6, $0x10;
	v1 =	vand.u32 $0xFFFF0000, v6;
	[tilespmem:s20+$0xFFFFFFF0] =	vst v2  }
0x569: {  	v2 =	vld [tilespmem:s3+$0xFFFFFF00];
	v6 =	vshll.u32 v11, $0x10  }
0x56a: {  	v3 =	vand.u32 $0xFFFF0000, v3;
	v15 =	vld [tilespmem:s8+$0xFFFFFF00];
	v4 =	vadd.f32 v6, v4  }
0x56b: {  	v6 =	vld [tilespmem:s8+$0xFFFFFF80];
	v3 =	vadd.f32 v3, v10  }
0x56c: {  	s14 =	sadd.s32 $0x200, s14;
	v10 =	vshll.u32 v5, $0x10;
	v5 =	vand.u32 $0xFFFF0000, v5;
	v16 =	vld [tilespmem:s8+$0x0];
	v4 =	vmax.f32 v4, $0.0e+00  }
0x56d: {  	v17 =	vshll.u32 v13, $0x10;
	v13 =	vand.u32 $0xFFFF0000, v13;
	[tilespmem:s14+$0x80] =	vst v4;
	v4 =	vld [tilespmem:s0+$0xFFFFFF20];
	v3 =	vmax.f32 v3, $0.0e+00  }
0x56e: {  	v18 =	vshll.u32 v2, $0x10;
	v2 =	vand.u32 $0xFFFF0000, v2;
	v19 =	vld [tilespmem:s8+$0xC0];
	[tilespmem:s21+$0xE0] =	vst v3  }
0x56f: {  	v3 =	vadd.f32 v18, v15;
	v15 =	vld [tilespmem:s31+$0xB0]  }
0x570: {  	v6 =	vadd.f32 v10, v6;
	v10 =	vld [tilespmem:s0+$0xB0]  }
0x571: {  	v3 =	vmax.f32 v3, $0.0e+00;
	v16 =	vadd.f32 v17, v16;
	v17 =	vld [tilespmem:s0+$0xFFFFFFA0]  }
0x572: {  	[tilespmem:s14+$0xFFFFFF00] =	vst v3;
	v3 =	vmax.f32 v6, $0.0e+00;
	v4 =	vadd.f32 v9, v4;
	v6 =	vld [tilespmem:s0+$0x20]  }
0x573: {  	v11 =	vand.u32 $0xFFFF0000, v11;
	v9 =	vld [tilespmem:s8+$0xFFFFFF40];
	[tilespmem:s14+$0xFFFFFF80] =	vst v3;
	v3 =	vmax.f32 v16, $0.0e+00  }
0x574: {  	v16 =	vld [tilespmem:s8+$0xFFFFFFC0];
	[tilespmem:s14+$0x0] =	vst v3;
	v3 =	vadd.f32 v11, v19;
	v4 =	vmax.f32 v4, $0.0e+00;
	v11 =	vshll.u32 v15, $0x10  }
0x575: {  	v18 =	vld [tilespmem:s8+$0x40];
	[tilespmem:s21+$0xFFFFFF20] =	vst v4;
	v4 =	vadd.f32 v11, v10  }
0x576: {  	v3 =	vmax.f32 v3, $0.0e+00;
	v10 =	vld [tilespmem:s0+$0xFFFFFF60];
	v11 =	vadd.f32 v12, v17  }
0x577: {  	[tilespmem:s14+$0xC0] =	vst v3;
	v3 =	vadd.f32 v14, v6;
	v4 =	vmax.f32 v4, $0.0e+00;
	v6 =	vld [tilespmem:s24+$0x70];
	s24 =	smov.u32 s0;
	s0 =	smov.u32 s8  }
0x578: {  	v2 =	vadd.f32 v2, v9;
	v9 =	vld [tilespmem:s3+$0x90];
	v11 =	vmax.f32 v11, $0.0e+00;
	[tilespmem:s21+$0xB0] =	vst v4  }
0x579: {  	v4 =	vadd.f32 v5, v16;
	[tilespmem:s21+$0xFFFFFFA0] =	vst v11;
	v3 =	vmax.f32 v3, $0.0e+00;
	v5 =	vld [tilespmem:s24+$0xF0]  }
0x57a: {  	v2 =	vmax.f32 v2, $0.0e+00;
	v11 =	vadd.f32 v13, v18;
	v12 =	vld [tilespmem:s8+$0x90];
	[tilespmem:s21+$0x20] =	vst v3  }
0x57b: {  	[tilespmem:s14+$0xFFFFFF40] =	vst v2;
	v2 =	vmax.f32 v4, $0.0e+00;
	v3 =	vadd.f32 v7, v10;
	v4 =	vld [tilespmem:s24+$0xFFFFFFE0]  }
0x57c: {  	v7 =	vld [tilespmem:s3+$0xFFFFFF10];
	[tilespmem:s14+$0xFFFFFFC0] =	vst v2;
	v2 =	vmax.f32 v11, $0.0e+00;
	v0 =	vadd.f32 v0, v6  }
0x57d: {  	v6 =	vld [tilespmem:s3+$0xFFFFFF90];
	[tilespmem:s14+$0x40] =	vst v2;
	v2 =	vmax.f32 v3, $0.0e+00;
	v3 =	vand.u32 $0xFFFF0000, v15  }
0x57e: {  	v11 =	vshll.u32 v9, $0x10;
	v10 =	vld [tilespmem:s3+$0x10];
	[tilespmem:s21+$0xFFFFFF60] =	vst v2;
	v2 =	vadd.f32 v3, v5;
	v0 =	vmax.f32 v0, $0.0e+00  }
0x57f: {  	v3 =	vld [tilespmem:s8+$0xFFFFFF10];
	v5 =	vadd.f32 v11, v12;
	[tilespmem:s20+$0x70] =	vst v0;
	s20 =	smov.u32 s21;
	s21 =	smov.u32 s14  }
0x580: {  	v0 =	vld [tilespmem:s8+$0xFFFFFF90];
	v4 =	vadd.f32 v8, v4;
	v2 =	vmax.f32 v2, $0.0e+00  }
0x581: {  	v8 =	vshll.u32 v7, $0x10;
	v7 =	vand.u32 $0xFFFF0000, v7;
	v11 =	vld [tilespmem:s8+$0x10];
	v5 =	vmax.f32 v5, $0.0e+00;
	[tilespmem:s20+$0xF0] =	vst v2  }
0x582: {  	v2 =	vshll.u32 v6, $0x10;
	v6 =	vand.u32 $0xFFFF0000, v6;
	[tilespmem:s14+$0x90] =	vst v5;
	v4 =	vmax.f32 v4, $0.0e+00;
	v5 =	vld [tilespmem:s24+$0x60]  }
0x583: {  	v12 =	vshll.u32 v10, $0x10;
	v10 =	vand.u32 $0xFFFF0000, v10;
	v13 =	vld [tilespmem:s8+$0xD0];
	[tilespmem:s20+$0xFFFFFFE0] =	vst v4  }
0x584: {  	v3 =	vadd.f32 v8, v3;
	v4 =	vld [tilespmem:s31+$0xFFFFFF30]  }
0x585: {  	v0 =	vadd.f32 v2, v0;
	v2 =	vld [tilespmem:s31+$0xFFFFFFB0]  }
0x586: {  	v3 =	vmax.f32 v3, $0.0e+00;
	v8 =	vadd.f32 v12, v11;
	v11 =	vld [tilespmem:s24+$0xFFFFFF30]  }
0x587: {  	[tilespmem:s14+$0xFFFFFF10] =	vst v3;
	v0 =	vmax.f32 v0, $0.0e+00;
	v3 =	vand.u32 $0xFFFF0000, v9;
	v9 =	vld [tilespmem:s24+$0xFFFFFFB0];
	v5 =	vadd.f32 v1, v5  }
0x588: {  	v12 =	vld [tilespmem:s8+$0xFFFFFF50];
	[tilespmem:s14+$0xFFFFFF90] =	vst v0;
	v0 =	vmax.f32 v8, $0.0e+00;
	v3 =	vadd.f32 v3, v13  }
0x589: {  	v8 =	vld [tilespmem:s8+$0xFFFFFFD0];
	[tilespmem:s14+$0x10] =	vst v0;
	v0 =	vshll.u32 v4, $0x10;
	v1 =	vand.u32 $0xFFFF0000, v4;
	v4 =	vmax.f32 v5, $0.0e+00  }
0x58a: {  	v5 =	vld [tilespmem:s8+$0x50];
	v3 =	vmax.f32 v3, $0.0e+00;
	v13 =	vshll.u32 v2, $0x10;
	v2 =	vand.u32 $0xFFFF0000, v2;
	[tilespmem:s20+$0x60] =	vst v4  }
0x58b: {  	[tilespmem:s14+$0xD0] =	vst v3;
	v0 =	vadd.f32 v0, v11;
	v11 =	vld [tilespmem:s31+$0x30];
	s31 =	smov.u32 s3  }
0x58c: {  	v3 =	vld [tilespmem:s3+$0xA0];
	v4 =	vadd.f32 v13, v9  }
0x58d: {  	v7 =	vadd.f32 v7, v12;
	v9 =	vld [tilespmem:s8+$0xA0];
	v0 =	vmax.f32 v0, $0.0e+00  }
0x58e: {  	v6 =	vadd.f32 v6, v8;
	[tilespmem:s20+$0xFFFFFF30] =	vst v0;
	v0 =	vmax.f32 v4, $0.0e+00;
	v12 =	vld [tilespmem:s24+$0x30]  }
.Ltmp6:
0x58f: {  	v7 =	vmax.f32 v7, $0.0e+00;
	v8 =	vadd.f32 v10, v5;
	v4 =	vld [tilespmem:s24+$0xFFFFFF70];
	[tilespmem:s20+$0xFFFFFFB0] =	vst v0;
	(pc) =	sbr.rel @p0 .LBB2_15-.Ltmp6, $4  }
0x590: {  	[tilespmem:s14+$0xFFFFFF50] =	vst v7;
	v6 =	vmax.f32 v6, $0.0e+00;
	v5 =	vld [tilespmem:s24+$0xFFFFFFF0];
	v13 =	vshll.u32 v11, $0x10;
	v0 =	vand.u32 $0xFFFF0000, v11  }
0x591: {  	v7 =	vld [tilespmem:s3+$0xFFFFFF20];
	[tilespmem:s14+$0xFFFFFFD0] =	vst v6;
	v6 =	vmax.f32 v8, $0.0e+00;
	v10 =	vshll.u32 v3, $0x10  }
0x592: {  	v8 =	vld [tilespmem:s3+$0xFFFFFFA0];
	[tilespmem:s14+$0x50] =	vst v6;
	v10 =	vadd.f32 v10, v9  }
0x593: {  	s3 =	sadd.s32 $0x200, s3;
	v6 =	vld [tilespmem:s31+$0x20];
	v9 =	vadd.f32 v13, v12  }
0x594: {  	v11 =	vld [tilespmem:s0+$0xFFFFFF20]  }
0x595: {  	v12 =	vld [tilespmem:s0+$0xFFFFFFA0];
	_ =	sdelay $0x2  }
0x596: {  	v14 =	vld [tilespmem:s0+$0x20];
	v13 =	vshll.u32 v7, $0x10  }
0x597: {  	v10 =	vmax.f32 v10, $0.0e+00;
	v15 =	vshll.u32 v8, $0x10;
	v11 =	vadd.f32 v13, v11  }
0x598: {  	[tilespmem:s14+$0xA0] =	vst v10;
	v10 =	vadd.f32 v15, v12  }
0x599: {  	v43 =	vld [tilespmem:s0+$0xE0];
	v11 =	vmax.f32 v11, $0.0e+00  }
0x59a: {  	v44 =	vshll.u32 v6, $0x10;
	v10 =	vmax.f32 v10, $0.0e+00;
	[tilespmem:s21+$0xFFFFFF20] =	vst v11  }
0x59b: {  	v13 =	vadd.f32 v44, v14;
	[tilespmem:s21+$0xFFFFFFA0] =	vst v10;
	v11 =	vld [tilespmem:s0+$0xFFFFFF60]  }
0x59c: {  	v10 =	vld [tilespmem:s0+$0xFFFFFFE0]  }
0x59d: {  	v3 =	vand.u32 $0xFFFF0000, v3;
	v13 =	vmax.f32 v13, $0.0e+00  }
0x59e: {  	v3 =	vadd.f32 v3, v43;
	[tilespmem:s21+$0x20] =	vst v13  }
0x59f: {  	v7 =	vand.u32 $0xFFFF0000, v7;
	v45 =	vld [tilespmem:s0+$0x60]  }
0x5a0: {  	v8 =	vand.u32 $0xFFFF0000, v8;
	v3 =	vmax.f32 v3, $0.0e+00;
	v7 =	vadd.f32 v7, v11  }
0x5a1: {  	[tilespmem:s21+$0xE0] =	vst v3;
	v3 =	vadd.f32 v8, v10  }
0x5a2: {  	v8 =	vld [tilespmem:s31+$0xB0];
	v7 =	vmax.f32 v7, $0.0e+00  }
0x5a3: {  	v6 =	vand.u32 $0xFFFF0000, v6;
	v10 =	vld [tilespmem:s0+$0xB0];
	v3 =	vmax.f32 v3, $0.0e+00;
	[tilespmem:s21+$0xFFFFFF60] =	vst v7  }
0x5a4: {  	v6 =	vadd.f32 v6, v45;
	[tilespmem:s21+$0xFFFFFFE0] =	vst v3;
	v3 =	vld [tilespmem:s31+$0xFFFFFF30]  }
0x5a5: {  	v7 =	vld [tilespmem:s31+$0xFFFFFFB0]  }
0x5a6: {  	v6 =	vmax.f32 v6, $0.0e+00;
	v11 =	vld [tilespmem:s0+$0xFFFFFF30]  }
0x5a7: {  	[tilespmem:s21+$0x60] =	vst v6;
	v46 =	vld [tilespmem:s0+$0xFFFFFFB0]  }
0x5a8: {  	v6 =	vld [tilespmem:s31+$0x30]  }
0x5a9: {  	v13 =	vld [tilespmem:s0+$0x30]  }
0x5aa: {  	v47 =	vshll.u32 v8, $0x10  }
0x5ab: {  	v10 =	vadd.f32 v47, v10;
	v48 =	vshll.u32 v3, $0x10  }
0x5ac: {  	v9 =	vmax.f32 v9, $0.0e+00;
	v49 =	vshll.u32 v7, $0x10;
	v11 =	vadd.f32 v48, v11  }
0x5ad: {  	[tilespmem:s20+$0x30] =	vst v9;
	v9 =	vmax.f32 v10, $0.0e+00;
	v50 =	vshll.u32 v6, $0x10;
	v10 =	vadd.f32 v49, v46  }
0x5ae: {  	v51 =	vld [tilespmem:s24+$0x70];
	[tilespmem:s21+$0xB0] =	vst v9;
	v9 =	vmax.f32 v11, $0.0e+00;
	v11 =	vadd.f32 v50, v13  }
0x5af: {  	v52 =	vld [tilespmem:s0+$0xF0];
	[tilespmem:s21+$0xFFFFFF30] =	vst v9;
	v9 =	vmax.f32 v10, $0.0e+00  }
0x5b0: {  	v10 =	vld [tilespmem:s0+$0xFFFFFF70];
	[tilespmem:s21+$0xFFFFFFB0] =	vst v9;
	v9 =	vmax.f32 v11, $0.0e+00  }
0x5b1: {  	v1 =	vadd.f32 v1, v4;
	v4 =	vld [tilespmem:s0+$0xFFFFFFF0];
	[tilespmem:s21+$0x30] =	vst v9  }
0x5b2: {  	v2 =	vadd.f32 v2, v5;
	v5 =	vld [tilespmem:s0+$0x70]  }
0x5b3: {  	v1 =	vmax.f32 v1, $0.0e+00;
	v0 =	vadd.f32 v0, v51;
	v8 =	vand.u32 $0xFFFF0000, v8  }
0x5b4: {  	[tilespmem:s20+$0xFFFFFF70] =	vst v1;
	v1 =	vmax.f32 v2, $0.0e+00;
	v3 =	vand.u32 $0xFFFF0000, v3;
	v2 =	vadd.f32 v8, v52  }
0x5b5: {  	[tilespmem:s20+$0xFFFFFFF0] =	vst v1;
	v0 =	vmax.f32 v0, $0.0e+00;
	v1 =	vand.u32 $0xFFFF0000, v7;
	v3 =	vadd.f32 v3, v10  }
0x5b6: {  	[tilespmem:s20+$0x70] =	vst v0;
	v0 =	vmax.f32 v2, $0.0e+00;
	v2 =	vand.u32 $0xFFFF0000, v6;
	v1 =	vadd.f32 v1, v4  }
0x5b7: {  	[tilespmem:s21+$0xF0] =	vst v0;
	v0 =	vmax.f32 v3, $0.0e+00;
	v2 =	vadd.f32 v2, v5  }
0x5b8: {  	[tilespmem:s21+$0xFFFFFF70] =	vst v0;
	v0 =	vmax.f32 v1, $0.0e+00  }
0x5b9: {  	[tilespmem:s21+$0xFFFFFFF0] =	vst v0;
	v0 =	vmax.f32 v2, $0.0e+00  }
0x5ba: {  	s31 =	simm.s32 $0x180;
	[tilespmem:s21+$0x70] =	vst v0;
	s21 =	simm.s32 $0x6700  }
0x5bb: {  	[spmem:s15] =	stream.indirect.scatter.add.f32 [tilespmem:s21], [sflag:$0xC], $0x80, s31, s11, $0xb8;
	[tilespmem:$0x1CF00] =	vst v63  }
0x5bc: {  	s1 =	simm.s32 $0x280;
	_ =	swait.ge [sflag:s9], $0x1400  }
0x5bd: {  	s3 =	sshll.u32 s12, $0x4;
	[sflag:s9] =	ssyncset.done $0x0;
	s12 =	rddreg [dreg:$0x17]  }
0x5be: {  	s24 =	sadd.s32 s6, s16;
	[sflag:s9] =	ssyncadd.s32 $0xFFFFEC00;
	s2 =	sadd.s32 s2, s12  }
0x5bf: {  	[tilespmem:s1], [sflag:$0xB] =	stream.linear.gather [hbm4b:s24+s4], $0x28, $0x38;
	[tilespmem:$0x1CF00] =	vst v63  }
0x5c0: {  	s8 =	simm.s32 $0x5300;
	s0 =	sadd.s32 s7, s3;
	s12 =	sshrl.u32 s2, $0x3  }
0x5c1: {  	[tilespmem:s8], [sflag:$0x5] =	stream.linear.gather [hbm4b:s0+s4], $0x1400, $0x38;
	[tilespmem:$0x1CF00] =	vst v63  }
0x5c2: {  	s16 =	simm.s32 $0x8;
	s14 =	sadd.s32 s5, s12  }
0x5c3: {  	[tilespmem:s4], [sflag:$0x6] =	stream.linear.gather [hbm4b:s14+s4], $0x28, $0x38;
	[tilespmem:$0x1CF00] =	vst v63  }
0x5c4: {  	_ =	swait.ge [sflag:s16], $0x28  }
0x5c5: {  	[sflag:s16] =	ssyncset.done $0x0  }
0x5c6: {  	[sflag:s16] =	ssyncadd.s32 $0xFFFFFFD8  }
0x5c7: {  	s20 =	simm.s32 $0x300;
	s3 =	simm.s32 $0x100;
	s0 =	rddreg [dreg:$0x0]  }
0x5c8: {  	[tilespmem:s20], [sflag:$0x1] =	stream.indirect.gather [hbm4b:s0+s11], $0x80, s3, s11, $0xb8;
	[tilespmem:$0x1CF00] =	vst v63  }
0x5c9: {  	_ =	swait.ge [sflag:s13], $0x28  }
0x5ca: {  	[sflag:s13] =	ssyncset.done $0x0  }
0x5cb: {  	[sflag:s13] =	ssyncadd.s32 $0xFFFFFFD8  }
0x5cc: {  	_ =	swait.ge [sflag:s22], $0x1400  }
0x5cd: {  	[sflag:s22] =	ssyncset.done $0x0  }
0x5ce: {  	[sflag:s22] =	ssyncadd.s32 $0xFFFFEC00  }
0x5cf: {  	_ =	swait.ge [sflag:s23], $0x1400  }
0x5d0: {  	[sflag:s23] =	ssyncset.done $0x0  }
0x5d1: {  	s21 =	simm.s32 $0x4000;
	[sflag:s23] =	ssyncadd.s32 $0xFFFFEC00  }
0x5d2: {  	s20 =	simm.s32 $0x1800;
	v0 =	vld [tilespmem:s21+$0x80]  }
0x5d3: {  	v1 =	vld [tilespmem:s20+$0x80];
	_ =	sdelay $0x2  }
0x5d4: {  	v2 =	vld [tilespmem:s21+$0xFFFFFF80]  }
0x5d5: {  	v3 =	vld [tilespmem:s21+$0xFFFFFF00];
	v4 =	vshll.u32 v0, $0x10  }
0x5d6: {  	v5 =	vld [tilespmem:s20+$0xFFFFFF00];
	v1 =	vadd.f32 v4, v1  }
0x5d7: {  	v4 =	vld [tilespmem:s20+$0xFFFFFF80]  }
0x5d8: {  	s16 =	simm.s32 $0x7C00;
	v1 =	vmax.f32 v1, $0.0e+00  }
0x5d9: {  	[tilespmem:s16+$0x80] =	vst v1  }
0x5da: {  	v1 =	vshll.u32 v3, $0x10;
	v6 =	vld [tilespmem:s20+$0xC0]  }
0x5db: {  	v7 =	vshll.u32 v2, $0x10;
	v1 =	vadd.f32 v1, v5  }
0x5dc: {  	v4 =	vadd.f32 v7, v4  }
0x5dd: {  	v5 =	vld [tilespmem:s21+$0x0];
	v1 =	vmax.f32 v1, $0.0e+00  }
0x5de: {  	v0 =	vand.u32 $0xFFFF0000, v0;
	v7 =	vld [tilespmem:s20+$0x0];
	[tilespmem:s16+$0xFFFFFF00] =	vst v1;
	v1 =	vmax.f32 v4, $0.0e+00  }
0x5df: {  	v4 =	vld [tilespmem:s20+$0xFFFFFF40];
	[tilespmem:s16+$0xFFFFFF80] =	vst v1;
	v0 =	vadd.f32 v0, v6  }
0x5e0: {  	v1 =	vld [tilespmem:s20+$0xFFFFFFC0]  }
0x5e1: {  	v0 =	vmax.f32 v0, $0.0e+00  }
0x5e2: {  	v6 =	vshll.u32 v5, $0x10;
	[tilespmem:s16+$0xC0] =	vst v0  }
0x5e3: {  	v0 =	vand.u32 $0xFFFF0000, v3;
	v3 =	vadd.f32 v6, v7;
	v6 =	vld [tilespmem:s21+$0x90]  }
0x5e4: {  	v2 =	vand.u32 $0xFFFF0000, v2;
	v0 =	vadd.f32 v0, v4;
	v4 =	vld [tilespmem:s20+$0x90]  }
0x5e5: {  	v3 =	vmax.f32 v3, $0.0e+00;
	v1 =	vadd.f32 v2, v1  }
0x5e6: {  	[tilespmem:s16+$0x0] =	vst v3;
	v0 =	vmax.f32 v0, $0.0e+00  }
0x5e7: {  	v2 =	vld [tilespmem:s20+$0x40];
	[tilespmem:s16+$0xFFFFFF40] =	vst v0;
	v0 =	vmax.f32 v1, $0.0e+00  }
0x5e8: {  	v1 =	vld [tilespmem:s21+$0xFFFFFF10];
	[tilespmem:s16+$0xFFFFFFC0] =	vst v0;
	v0 =	vshll.u32 v6, $0x10  }
0x5e9: {  	v3 =	vld [tilespmem:s21+$0xFFFFFF90];
	v0 =	vadd.f32 v0, v4  }
0x5ea: {  	v4 =	vld [tilespmem:s20+$0xFFFFFF10]  }
0x5eb: {  	v7 =	vld [tilespmem:s20+$0xFFFFFF90];
	v0 =	vmax.f32 v0, $0.0e+00  }
0x5ec: {  	v5 =	vand.u32 $0xFFFF0000, v5;
	[tilespmem:s16+$0x90] =	vst v0  }
0x5ed: {  	v0 =	vadd.f32 v5, v2;
	v2 =	vld [tilespmem:s20+$0xD0]  }
0x5ee: {  	v5 =	vshll.u32 v1, $0x10  }
0x5ef: {  	v8 =	vshll.u32 v3, $0x10;
	v0 =	vmax.f32 v0, $0.0e+00;
	v4 =	vadd.f32 v5, v4  }
0x5f0: {  	[tilespmem:s16+$0x40] =	vst v0;
	v0 =	vadd.f32 v8, v7  }
0x5f1: {  	v6 =	vand.u32 $0xFFFF0000, v6;
	v5 =	vld [tilespmem:s21+$0x10];
	v4 =	vmax.f32 v4, $0.0e+00  }
0x5f2: {  	v7 =	vld [tilespmem:s20+$0x10];
	[tilespmem:s16+$0xFFFFFF10] =	vst v4;
	v0 =	vmax.f32 v0, $0.0e+00;
	v2 =	vadd.f32 v6, v2  }
0x5f3: {  	v4 =	vld [tilespmem:s20+$0xFFFFFF50];
	[tilespmem:s16+$0xFFFFFF90] =	vst v0  }
0x5f4: {  	v0 =	vld [tilespmem:s20+$0xFFFFFFD0];
	v2 =	vmax.f32 v2, $0.0e+00  }
0x5f5: {  	[tilespmem:s16+$0xD0] =	vst v2  }
0x5f6: {  	v2 =	vshll.u32 v5, $0x10;
	v6 =	vld [tilespmem:s21+$0xA0]  }
0x5f7: {  	v1 =	vand.u32 $0xFFFF0000, v1;
	v2 =	vadd.f32 v2, v7;
	v7 =	vld [tilespmem:s20+$0xA0]  }
0x5f8: {  	v3 =	vand.u32 $0xFFFF0000, v3;
	v1 =	vadd.f32 v1, v4  }
0x5f9: {  	v0 =	vadd.f32 v3, v0  }
0x5fa: {  	s24 =	simm.s32 $0x4200;
	v1 =	vmax.f32 v1, $0.0e+00  }
0x5fb: {  	v9 =	vld [tilespmem:s24+$0x0];
	[tilespmem:s16+$0xFFFFFF50] =	vst v1;
	v0 =	vmax.f32 v0, $0.0e+00;
	v1 =	vshll.u32 v6, $0x10  }
0x5fc: {  	s8 =	simm.s32 $0x1A00;
	v10 =	vld [tilespmem:s24+$0xFFFFFF00];
	[tilespmem:s16+$0xFFFFFFD0] =	vst v0;
	v0 =	vadd.f32 v1, v7  }
0x5fd: {  	v53 =	vld [tilespmem:s8+$0xFFFFFF00]  }
0x5fe: {  	v4 =	vld [tilespmem:s24+$0x80];
	v0 =	vmax.f32 v0, $0.0e+00  }
0x5ff: {  	v7 =	vld [tilespmem:s8+$0x80];
	[tilespmem:s16+$0xA0] =	vst v0  }
0x600: {  	v2 =	vmax.f32 v2, $0.0e+00;
	v0 =	vld [tilespmem:s20+$0xE0]  }
0x601: {  	v8 =	vld [tilespmem:s24+$0xFFFFFF80];
	[tilespmem:s16+$0x10] =	vst v2  }
0x602: {  	v2 =	vld [tilespmem:s20+$0x50]  }
0x603: {  	v3 =	vld [tilespmem:s21+$0xFFFFFF20];
	v11 =	vshll.u32 v4, $0x10  }
0x604: {  	v6 =	vand.u32 $0xFFFF0000, v6;
	v1 =	vld [tilespmem:s21+$0xFFFFFFA0];
	v7 =	vadd.f32 v11, v7  }
0x605: {  	v11 =	vld [tilespmem:s8+$0xFFFFFF80];
	v0 =	vadd.f32 v6, v0  }
0x606: {  	s14 =	simm.s32 $0x7E00;
	v5 =	vand.u32 $0xFFFF0000, v5;
	v7 =	vmax.f32 v7, $0.0e+00;
	v6 =	vld [tilespmem:s8+$0x0]  }
0x607: {  	v2 =	vadd.f32 v5, v2;
	v5 =	vld [tilespmem:s20+$0xFFFFFF20];
	[tilespmem:s14+$0x80] =	vst v7;
	v0 =	vmax.f32 v0, $0.0e+00  }
0x608: {  	v7 =	vshll.u32 v10, $0x10;
	v54 =	vld [tilespmem:s8+$0xC0];
	[tilespmem:s16+$0xE0] =	vst v0  }
0x609: {  	v7 =	vadd.f32 v7, v53;
	v0 =	vmax.f32 v2, $0.0e+00;
	v2 =	vshll.u32 v8, $0x10;
	v55 =	vld [tilespmem:s21+$0xB0]  }
0x60a: {  	[tilespmem:s16+$0x50] =	vst v0;
	v0 =	vshll.u32 v9, $0x10;
	v2 =	vadd.f32 v2, v11;
	v11 =	vld [tilespmem:s20+$0xB0]  }
0x60b: {  	v57 =	vld [tilespmem:s20+$0xFFFFFFA0];
	v7 =	vmax.f32 v7, $0.0e+00;
	v0 =	vadd.f32 v0, v6  }
0x60c: {  	[tilespmem:s14+$0xFFFFFF00] =	vst v7;
	v56 =	vld [tilespmem:s21+$0x20];
	v6 =	vshll.u32 v3, $0x10;
	v2 =	vmax.f32 v2, $0.0e+00  }
0x60d: {  	v5 =	vadd.f32 v6, v5;
	v6 =	vld [tilespmem:s8+$0xFFFFFF40];
	[tilespmem:s14+$0xFFFFFF80] =	vst v2;
	v0 =	vmax.f32 v0, $0.0e+00;
	v2 =	vand.u32 $0xFFFF0000, v4  }
0x60e: {  	v4 =	vld [tilespmem:s8+$0xFFFFFFC0];
	[tilespmem:s14+$0x0] =	vst v0;
	v0 =	vadd.f32 v2, v54;
	v2 =	vshll.u32 v55, $0x10  }
0x60f: {  	v5 =	vmax.f32 v5, $0.0e+00;
	v7 =	vld [tilespmem:s8+$0x40];
	v2 =	vadd.f32 v2, v11  }
0x610: {  	v58 =	vld [tilespmem:s20+$0x20];
	[tilespmem:s16+$0xFFFFFF20] =	vst v5;
	v11 =	vshll.u32 v1, $0x10;
	v0 =	vmax.f32 v0, $0.0e+00  }
0x611: {  	v5 =	vand.u32 $0xFFFF0000, v10;
	v10 =	vld [tilespmem:s20+$0xFFFFFF60];
	v11 =	vadd.f32 v11, v57;
	[tilespmem:s14+$0xC0] =	vst v0;
	v0 =	vmax.f32 v2, $0.0e+00  }
0x612: {  	v5 =	vadd.f32 v5, v6;
	v2 =	vand.u32 $0xFFFF0000, v8;
	v6 =	vld [tilespmem:s24+$0x90];
	[tilespmem:s16+$0xB0] =	vst v0  }
0x613: {  	v0 =	vand.u32 $0xFFFF0000, v9;
	v8 =	vmax.f32 v11, $0.0e+00;
	v2 =	vadd.f32 v2, v4;
	v4 =	vld [tilespmem:s20+$0xF0]  }
0x614: {  	v5 =	vmax.f32 v5, $0.0e+00;
	[tilespmem:s16+$0xFFFFFFA0] =	vst v8;
	v0 =	vadd.f32 v0, v7;
	v7 =	vld [tilespmem:s8+$0x90]  }
0x615: {  	[tilespmem:s14+$0xFFFFFF40] =	vst v5;
	v5 =	vld [tilespmem:s20+$0xFFFFFFE0]  }
0x616: {  	v2 =	vmax.f32 v2, $0.0e+00;
	v8 =	vld [tilespmem:s24+$0xFFFFFF10]  }
0x617: {  	v59 =	vld [tilespmem:s8+$0xFFFFFF10];
	[tilespmem:s14+$0xFFFFFFC0] =	vst v2;
	v0 =	vmax.f32 v0, $0.0e+00;
	v2 =	vshll.u32 v56, $0x10  }
0x618: {  	v3 =	vand.u32 $0xFFFF0000, v3;
	v9 =	vld [tilespmem:s24+$0xFFFFFF90];
	[tilespmem:s14+$0x40] =	vst v0;
	v0 =	vadd.f32 v2, v58;
	v11 =	vshll.u32 v6, $0x10  }
0x619: {  	v3 =	vadd.f32 v3, v10;
	v10 =	vld [tilespmem:s8+$0xFFFFFF90];
	v7 =	vadd.f32 v11, v7  }
0x61a: {  	v1 =	vand.u32 $0xFFFF0000, v1;
	v2 =	vld [tilespmem:s24+$0x10];
	v0 =	vmax.f32 v0, $0.0e+00  }
0x61b: {  	[tilespmem:s16+$0x20] =	vst v0;
	v0 =	vadd.f32 v1, v5;
	v1 =	vld [tilespmem:s8+$0x10];
	v5 =	vmax.f32 v7, $0.0e+00  }
0x61c: {  	v3 =	vmax.f32 v3, $0.0e+00;
	[tilespmem:s14+$0x90] =	vst v5;
	v5 =	vld [tilespmem:s20+$0x60]  }
0x61d: {  	[tilespmem:s16+$0xFFFFFF60] =	vst v3;
	v3 =	vshll.u32 v8, $0x10;
	v0 =	vmax.f32 v0, $0.0e+00;
	v7 =	vld [tilespmem:s8+$0xD0]  }
0x61e: {  	v60 =	vld [tilespmem:s21+$0xFFFFFF30];
	v11 =	vshll.u32 v9, $0x10;
	[tilespmem:s16+$0xFFFFFFE0] =	vst v0;
	v0 =	vadd.f32 v3, v59  }
0x61f: {  	v3 =	vshll.u32 v2, $0x10;
	v10 =	vadd.f32 v11, v10;
	v11 =	vld [tilespmem:s21+$0xFFFFFFB0]  }
0x620: {  	v14 =	vand.u32 $0xFFFF0000, v56;
	v0 =	vmax.f32 v0, $0.0e+00;
	v1 =	vadd.f32 v3, v1;
	v3 =	vld [tilespmem:s20+$0xFFFFFF30]  }
0x621: {  	v6 =	vand.u32 $0xFFFF0000, v6;
	[tilespmem:s14+$0xFFFFFF10] =	vst v0;
	v0 =	vmax.f32 v10, $0.0e+00;
	v10 =	vld [tilespmem:s20+$0xFFFFFFB0];
	v5 =	vadd.f32 v14, v5  }
0x622: {  	v61 =	vld [tilespmem:s8+$0xFFFFFF50];
	[tilespmem:s14+$0xFFFFFF90] =	vst v0;
	v0 =	vmax.f32 v1, $0.0e+00;
	v1 =	vadd.f32 v6, v7  }
0x623: {  	v6 =	vld [tilespmem:s8+$0xFFFFFFD0];
	[tilespmem:s14+$0x10] =	vst v0;
	v0 =	vmax.f32 v5, $0.0e+00  }
0x624: {  	v5 =	vshll.u32 v60, $0x10;
	v7 =	vld [tilespmem:s8+$0x50];
	v1 =	vmax.f32 v1, $0.0e+00;
	[tilespmem:s16+$0x60] =	vst v0  }
0x625: {  	v0 =	vshll.u32 v11, $0x10;
	[tilespmem:s14+$0xD0] =	vst v1;
	v1 =	vadd.f32 v5, v3;
	v62 =	vld [tilespmem:s21+$0x30]  }
0x626: {  	v8 =	vand.u32 $0xFFFF0000, v8;
	v9 =	vand.u32 $0xFFFF0000, v9;
	v0 =	vadd.f32 v0, v10;
	v3 =	vld [tilespmem:s24+$0xA0]  }
0x627: {  	v2 =	vand.u32 $0xFFFF0000, v2;
	v8 =	vadd.f32 v8, v61;
	v10 =	vld [tilespmem:s8+$0xA0];
	v1 =	vmax.f32 v1, $0.0e+00  }
0x628: {  	v5 =	vand.u32 $0xFFFF0000, v55;
	v6 =	vadd.f32 v9, v6;
	v0 =	vmax.f32 v0, $0.0e+00;
	v9 =	vld [tilespmem:s20+$0x30];
	[tilespmem:s16+$0xFFFFFF30] =	vst v1  }
0x629: {  	v1 =	vadd.f32 v5, v4;
	v5 =	vmax.f32 v8, $0.0e+00;
	v2 =	vadd.f32 v2, v7;
	[tilespmem:s16+$0xFFFFFFB0] =	vst v0;
	v4 =	vld [tilespmem:s20+$0xFFFFFF70]  }
0x62a: {  	[tilespmem:s14+$0xFFFFFF50] =	vst v5;
	v0 =	vmax.f32 v6, $0.0e+00;
	v5 =	vld [tilespmem:s20+$0xFFFFFFF0]  }
0x62b: {  	v6 =	vmax.f32 v1, $0.0e+00;
	v7 =	vld [tilespmem:s24+$0xFFFFFF20];
	[tilespmem:s14+$0xFFFFFFD0] =	vst v0;
	v0 =	vmax.f32 v2, $0.0e+00;
	v63 =	vshll.u32 v3, $0x10  }
0x62c: {  	s1 =	simm.s32 $0x4;
	v2 =	vand.u32 $0xFFFF0000, v11;
	v11 =	vshll.u32 v62, $0x10;
	v8 =	vld [tilespmem:s24+$0xFFFFFFA0];
	[tilespmem:s14+$0x50] =	vst v0;
	v10 =	vadd.f32 v63, v10  }
0x62d: {  	s3 =	simm.s32 $0x4400;
	s0 =	simm.s32 $0x1A00;
	s21 =	simm.s32 $0x7E00;
	v1 =	vand.u32 $0xFFFF0000, v60;
	[tilespmem:s16+$0xF0] =	vst v6;
	v0 =	vand.u32 $0xFFFF0000, v62;
	v6 =	vld [tilespmem:s24+$0x20];
	v9 =	vadd.f32 v11, v9  }
.LBB2_17:
0x62e: {  	v11 =	vld [tilespmem:s3+$0x80];
	v10 =	vmax.f32 v10, $0.0e+00;
	s8 =	sadd.s32 $0x200, s8;
	v1 =	vadd.f32 v1, v4  }
0x62f: {  	v4 =	vld [tilespmem:s8+$0x80];
	[tilespmem:s14+$0xA0] =	vst v10;
	v2 =	vadd.f32 v2, v5;
	v5 =	vmax.f32 v9, $0.0e+00  }
0x630: {  	s1 =	sadd.s32 $0x4, s1;
	v9 =	vshll.u32 v7, $0x10;
	v7 =	vand.u32 $0xFFFF0000, v7;
	v10 =	vld [tilespmem:s0+$0xE0];
	v1 =	vmax.f32 v1, $0.0e+00;
	[tilespmem:s16+$0x30] =	vst v5  }
0x631: {  	p0 =	slt.u32 s1, $0x24;
	v5 =	vld [tilespmem:s3+$0xFFFFFF80];
	v12 =	vshll.u32 v8, $0x10;
	v8 =	vand.u32 $0xFFFF0000, v8;
	[tilespmem:s16+$0xFFFFFF70] =	vst v1;
	v2 =	vmax.f32 v2, $0.0e+00  }
0x632: {  	v13 =	vld [tilespmem:s3+$0x0];
	v14 =	vshll.u32 v6, $0x10;
	v1 =	vand.u32 $0xFFFF0000, v6;
	[tilespmem:s16+$0xFFFFFFF0] =	vst v2  }
0x633: {  	v2 =	vld [tilespmem:s3+$0xFFFFFF00];
	v6 =	vshll.u32 v11, $0x10  }
0x634: {  	v3 =	vand.u32 $0xFFFF0000, v3;
	v15 =	vld [tilespmem:s8+$0xFFFFFF00];
	v4 =	vadd.f32 v6, v4  }
0x635: {  	v6 =	vld [tilespmem:s8+$0xFFFFFF80];
	v3 =	vadd.f32 v3, v10  }
0x636: {  	s14 =	sadd.s32 $0x200, s14;
	v10 =	vshll.u32 v5, $0x10;
	v5 =	vand.u32 $0xFFFF0000, v5;
	v16 =	vld [tilespmem:s8+$0x0];
	v4 =	vmax.f32 v4, $0.0e+00  }
0x637: {  	v17 =	vshll.u32 v13, $0x10;
	v13 =	vand.u32 $0xFFFF0000, v13;
	[tilespmem:s14+$0x80] =	vst v4;
	v4 =	vld [tilespmem:s0+$0xFFFFFF20];
	v3 =	vmax.f32 v3, $0.0e+00  }
0x638: {  	v18 =	vshll.u32 v2, $0x10;
	v2 =	vand.u32 $0xFFFF0000, v2;
	v19 =	vld [tilespmem:s8+$0xC0];
	[tilespmem:s21+$0xE0] =	vst v3  }
0x639: {  	v3 =	vadd.f32 v18, v15;
	v15 =	vld [tilespmem:s24+$0xB0]  }
0x63a: {  	v6 =	vadd.f32 v10, v6;
	v10 =	vld [tilespmem:s0+$0xB0]  }
0x63b: {  	v3 =	vmax.f32 v3, $0.0e+00;
	v16 =	vadd.f32 v17, v16;
	v17 =	vld [tilespmem:s0+$0xFFFFFFA0]  }
0x63c: {  	[tilespmem:s14+$0xFFFFFF00] =	vst v3;
	v3 =	vmax.f32 v6, $0.0e+00;
	v4 =	vadd.f32 v9, v4;
	v6 =	vld [tilespmem:s0+$0x20]  }
0x63d: {  	v11 =	vand.u32 $0xFFFF0000, v11;
	v9 =	vld [tilespmem:s8+$0xFFFFFF40];
	[tilespmem:s14+$0xFFFFFF80] =	vst v3;
	v3 =	vmax.f32 v16, $0.0e+00  }
0x63e: {  	v16 =	vld [tilespmem:s8+$0xFFFFFFC0];
	[tilespmem:s14+$0x0] =	vst v3;
	v3 =	vadd.f32 v11, v19;
	v4 =	vmax.f32 v4, $0.0e+00;
	v11 =	vshll.u32 v15, $0x10  }
0x63f: {  	v18 =	vld [tilespmem:s8+$0x40];
	[tilespmem:s21+$0xFFFFFF20] =	vst v4;
	v4 =	vadd.f32 v11, v10  }
0x640: {  	v3 =	vmax.f32 v3, $0.0e+00;
	v10 =	vld [tilespmem:s0+$0xFFFFFF60];
	v11 =	vadd.f32 v12, v17  }
0x641: {  	[tilespmem:s14+$0xC0] =	vst v3;
	v3 =	vadd.f32 v14, v6;
	v4 =	vmax.f32 v4, $0.0e+00;
	v6 =	vld [tilespmem:s20+$0x70];
	s20 =	smov.u32 s0;
	s0 =	smov.u32 s8  }
0x642: {  	v2 =	vadd.f32 v2, v9;
	v9 =	vld [tilespmem:s3+$0x90];
	v11 =	vmax.f32 v11, $0.0e+00;
	[tilespmem:s21+$0xB0] =	vst v4  }
0x643: {  	v4 =	vadd.f32 v5, v16;
	[tilespmem:s21+$0xFFFFFFA0] =	vst v11;
	v3 =	vmax.f32 v3, $0.0e+00;
	v5 =	vld [tilespmem:s20+$0xF0]  }
0x644: {  	v2 =	vmax.f32 v2, $0.0e+00;
	v11 =	vadd.f32 v13, v18;
	v12 =	vld [tilespmem:s8+$0x90];
	[tilespmem:s21+$0x20] =	vst v3  }
0x645: {  	[tilespmem:s14+$0xFFFFFF40] =	vst v2;
	v2 =	vmax.f32 v4, $0.0e+00;
	v3 =	vadd.f32 v7, v10;
	v4 =	vld [tilespmem:s20+$0xFFFFFFE0]  }
0x646: {  	v7 =	vld [tilespmem:s3+$0xFFFFFF10];
	[tilespmem:s14+$0xFFFFFFC0] =	vst v2;
	v2 =	vmax.f32 v11, $0.0e+00;
	v0 =	vadd.f32 v0, v6  }
0x647: {  	v6 =	vld [tilespmem:s3+$0xFFFFFF90];
	[tilespmem:s14+$0x40] =	vst v2;
	v2 =	vmax.f32 v3, $0.0e+00;
	v3 =	vand.u32 $0xFFFF0000, v15  }
0x648: {  	v11 =	vshll.u32 v9, $0x10;
	v10 =	vld [tilespmem:s3+$0x10];
	[tilespmem:s21+$0xFFFFFF60] =	vst v2;
	v2 =	vadd.f32 v3, v5;
	v0 =	vmax.f32 v0, $0.0e+00  }
0x649: {  	v3 =	vld [tilespmem:s8+$0xFFFFFF10];
	v5 =	vadd.f32 v11, v12;
	[tilespmem:s16+$0x70] =	vst v0;
	s16 =	smov.u32 s21;
	s21 =	smov.u32 s14  }
0x64a: {  	v0 =	vld [tilespmem:s8+$0xFFFFFF90];
	v4 =	vadd.f32 v8, v4;
	v2 =	vmax.f32 v2, $0.0e+00  }
0x64b: {  	v8 =	vshll.u32 v7, $0x10;
	v7 =	vand.u32 $0xFFFF0000, v7;
	v11 =	vld [tilespmem:s8+$0x10];
	v5 =	vmax.f32 v5, $0.0e+00;
	[tilespmem:s16+$0xF0] =	vst v2  }
0x64c: {  	v2 =	vshll.u32 v6, $0x10;
	v6 =	vand.u32 $0xFFFF0000, v6;
	[tilespmem:s14+$0x90] =	vst v5;
	v4 =	vmax.f32 v4, $0.0e+00;
	v5 =	vld [tilespmem:s20+$0x60]  }
0x64d: {  	v12 =	vshll.u32 v10, $0x10;
	v10 =	vand.u32 $0xFFFF0000, v10;
	v13 =	vld [tilespmem:s8+$0xD0];
	[tilespmem:s16+$0xFFFFFFE0] =	vst v4  }
0x64e: {  	v3 =	vadd.f32 v8, v3;
	v4 =	vld [tilespmem:s24+$0xFFFFFF30]  }
0x64f: {  	v0 =	vadd.f32 v2, v0;
	v2 =	vld [tilespmem:s24+$0xFFFFFFB0]  }
0x650: {  	v3 =	vmax.f32 v3, $0.0e+00;
	v8 =	vadd.f32 v12, v11;
	v11 =	vld [tilespmem:s20+$0xFFFFFF30]  }
0x651: {  	[tilespmem:s14+$0xFFFFFF10] =	vst v3;
	v0 =	vmax.f32 v0, $0.0e+00;
	v3 =	vand.u32 $0xFFFF0000, v9;
	v9 =	vld [tilespmem:s20+$0xFFFFFFB0];
	v5 =	vadd.f32 v1, v5  }
0x652: {  	v12 =	vld [tilespmem:s8+$0xFFFFFF50];
	[tilespmem:s14+$0xFFFFFF90] =	vst v0;
	v0 =	vmax.f32 v8, $0.0e+00;
	v3 =	vadd.f32 v3, v13  }
0x653: {  	v8 =	vld [tilespmem:s8+$0xFFFFFFD0];
	[tilespmem:s14+$0x10] =	vst v0;
	v0 =	vshll.u32 v4, $0x10;
	v1 =	vand.u32 $0xFFFF0000, v4;
	v4 =	vmax.f32 v5, $0.0e+00  }
0x654: {  	v5 =	vld [tilespmem:s8+$0x50];
	v3 =	vmax.f32 v3, $0.0e+00;
	v13 =	vshll.u32 v2, $0x10;
	v2 =	vand.u32 $0xFFFF0000, v2;
	[tilespmem:s16+$0x60] =	vst v4  }
0x655: {  	[tilespmem:s14+$0xD0] =	vst v3;
	v0 =	vadd.f32 v0, v11;
	v11 =	vld [tilespmem:s24+$0x30];
	s24 =	smov.u32 s3  }
0x656: {  	v3 =	vld [tilespmem:s3+$0xA0];
	v4 =	vadd.f32 v13, v9  }
0x657: {  	v7 =	vadd.f32 v7, v12;
	v9 =	vld [tilespmem:s8+$0xA0];
	v0 =	vmax.f32 v0, $0.0e+00  }
0x658: {  	v6 =	vadd.f32 v6, v8;
	[tilespmem:s16+$0xFFFFFF30] =	vst v0;
	v0 =	vmax.f32 v4, $0.0e+00;
	v12 =	vld [tilespmem:s20+$0x30]  }
.Ltmp7:
0x659: {  	v7 =	vmax.f32 v7, $0.0e+00;
	v8 =	vadd.f32 v10, v5;
	v4 =	vld [tilespmem:s20+$0xFFFFFF70];
	[tilespmem:s16+$0xFFFFFFB0] =	vst v0;
	(pc) =	sbr.rel @p0 .LBB2_17-.Ltmp7, $4  }
0x65a: {  	[tilespmem:s14+$0xFFFFFF50] =	vst v7;
	v6 =	vmax.f32 v6, $0.0e+00;
	v5 =	vld [tilespmem:s20+$0xFFFFFFF0];
	v13 =	vshll.u32 v11, $0x10;
	v0 =	vand.u32 $0xFFFF0000, v11  }
0x65b: {  	v7 =	vld [tilespmem:s3+$0xFFFFFF20];
	[tilespmem:s14+$0xFFFFFFD0] =	vst v6;
	v6 =	vmax.f32 v8, $0.0e+00;
	v10 =	vshll.u32 v3, $0x10  }
0x65c: {  	v8 =	vld [tilespmem:s3+$0xFFFFFFA0];
	[tilespmem:s14+$0x50] =	vst v6;
	v10 =	vadd.f32 v10, v9  }
0x65d: {  	s3 =	sadd.s32 $0x200, s3;
	v6 =	vld [tilespmem:s24+$0x20];
	v9 =	vadd.f32 v13, v12  }
0x65e: {  	v11 =	vld [tilespmem:s0+$0xFFFFFF20]  }
0x65f: {  	v12 =	vld [tilespmem:s0+$0xFFFFFFA0];
	_ =	sdelay $0x2  }
0x660: {  	v14 =	vld [tilespmem:s0+$0x20];
	v13 =	vshll.u32 v7, $0x10  }
0x661: {  	v10 =	vmax.f32 v10, $0.0e+00;
	v29 =	vshll.u32 v8, $0x10;
	v11 =	vadd.f32 v13, v11  }
0x662: {  	[tilespmem:s14+$0xA0] =	vst v10;
	v30 =	vadd.f32 v29, v12  }
0x663: {  	v31 =	vld [tilespmem:s0+$0xE0];
	v11 =	vmax.f32 v11, $0.0e+00  }
0x664: {  	v32 =	vshll.u32 v6, $0x10;
	v10 =	vmax.f32 v30, $0.0e+00;
	[tilespmem:s21+$0xFFFFFF20] =	vst v11  }
0x665: {  	v13 =	vadd.f32 v32, v14;
	[tilespmem:s21+$0xFFFFFFA0] =	vst v10;
	v11 =	vld [tilespmem:s0+$0xFFFFFF60]  }
0x666: {  	v10 =	vld [tilespmem:s0+$0xFFFFFFE0]  }
0x667: {  	v3 =	vand.u32 $0xFFFF0000, v3;
	v13 =	vmax.f32 v13, $0.0e+00  }
0x668: {  	v3 =	vadd.f32 v3, v31;
	[tilespmem:s21+$0x20] =	vst v13  }
0x669: {  	v33 =	vand.u32 $0xFFFF0000, v7;
	v34 =	vld [tilespmem:s0+$0x60]  }
0x66a: {  	v35 =	vand.u32 $0xFFFF0000, v8;
	v3 =	vmax.f32 v3, $0.0e+00;
	v7 =	vadd.f32 v33, v11  }
0x66b: {  	[tilespmem:s21+$0xE0] =	vst v3;
	v36 =	vadd.f32 v35, v10  }
0x66c: {  	v37 =	vld [tilespmem:s24+$0xB0];
	v7 =	vmax.f32 v7, $0.0e+00  }
0x66d: {  	v38 =	vand.u32 $0xFFFF0000, v6;
	v39 =	vld [tilespmem:s0+$0xB0];
	v3 =	vmax.f32 v36, $0.0e+00;
	[tilespmem:s21+$0xFFFFFF60] =	vst v7  }
0x66e: {  	v6 =	vadd.f32 v38, v34;
	[tilespmem:s21+$0xFFFFFFE0] =	vst v3;
	v40 =	vld [tilespmem:s24+$0xFFFFFF30]  }
0x66f: {  	v41 =	vld [tilespmem:s24+$0xFFFFFFB0]  }
0x670: {  	v6 =	vmax.f32 v6, $0.0e+00;
	v42 =	vld [tilespmem:s0+$0xFFFFFF30]  }
0x671: {  	[tilespmem:s21+$0x60] =	vst v6;
	v43 =	vld [tilespmem:s0+$0xFFFFFFB0]  }
0x672: {  	v6 =	vld [tilespmem:s24+$0x30]  }
0x673: {  	v13 =	vld [tilespmem:s0+$0x30]  }
0x674: {  	v44 =	vshll.u32 v37, $0x10  }
0x675: {  	v10 =	vadd.f32 v44, v39;
	v45 =	vshll.u32 v40, $0x10  }
0x676: {  	v9 =	vmax.f32 v9, $0.0e+00;
	v46 =	vshll.u32 v41, $0x10;
	v11 =	vadd.f32 v45, v42  }
0x677: {  	[tilespmem:s16+$0x30] =	vst v9;
	v47 =	vmax.f32 v10, $0.0e+00;
	v49 =	vshll.u32 v6, $0x10;
	v48 =	vadd.f32 v46, v43  }
0x678: {  	v51 =	vld [tilespmem:s20+$0x70];
	[tilespmem:s21+$0xB0] =	vst v47;
	v50 =	vadd.f32 v49, v13;
	v11 =	vmax.f32 v11, $0.0e+00  }
0x679: {  	v52 =	vld [tilespmem:s0+$0xF0];
	v10 =	vmax.f32 v48, $0.0e+00;
	[tilespmem:s21+$0xFFFFFF30] =	vst v11  }
0x67a: {  	v9 =	vmax.f32 v50, $0.0e+00;
	[tilespmem:s21+$0xFFFFFFB0] =	vst v10;
	v53 =	vld [tilespmem:s0+$0xFFFFFF70]  }
0x67b: {  	v1 =	vadd.f32 v1, v4;
	[tilespmem:s21+$0x30] =	vst v9;
	v54 =	vld [tilespmem:s0+$0xFFFFFFF0]  }
0x67c: {  	v2 =	vadd.f32 v2, v5;
	v55 =	vld [tilespmem:s0+$0x70]  }
0x67d: {  	v1 =	vmax.f32 v1, $0.0e+00;
	v0 =	vadd.f32 v0, v51;
	v8 =	vand.u32 $0xFFFF0000, v37  }
0x67e: {  	[tilespmem:s16+$0xFFFFFF70] =	vst v1;
	v56 =	vmax.f32 v2, $0.0e+00;
	v3 =	vand.u32 $0xFFFF0000, v40;
	v57 =	vadd.f32 v8, v52  }
0x67f: {  	[tilespmem:s16+$0xFFFFFFF0] =	vst v56;
	v0 =	vmax.f32 v0, $0.0e+00;
	v58 =	vand.u32 $0xFFFF0000, v41;
	v3 =	vadd.f32 v3, v53  }
0x680: {  	[tilespmem:s16+$0x70] =	vst v0;
	v60 =	vand.u32 $0xFFFF0000, v6;
	v59 =	vmax.f32 v57, $0.0e+00;
	v1 =	vadd.f32 v58, v54  }
0x681: {  	[tilespmem:s21+$0xF0] =	vst v59;
	v2 =	vadd.f32 v60, v55;
	v61 =	vmax.f32 v3, $0.0e+00  }
0x682: {  	v62 =	vmax.f32 v1, $0.0e+00;
	[tilespmem:s21+$0xFFFFFF70] =	vst v61  }
0x683: {  	v63 =	vmax.f32 v2, $0.0e+00;
	[tilespmem:s21+$0xFFFFFFF0] =	vst v62  }
0x684: {  	s1 =	simm.s32 $0x7B00;
	s29 =	sadd.s32 $0x1, s29;
	s20 =	simm.s32 $0x200;
	[tilespmem:s21+$0x70] =	vst v63  }
0x685: {  	[spmem:s15] =	stream.indirect.scatter.add.f32 [tilespmem:s1], [sflag:$0xD], $0x80, s20, s11, $0xb8;
	[tilespmem:$0x1CF00] =	vst v63  }
0x686: {  	p0 =	sne.s32 s29, $0x29;
	_ =	swait.ge [sflag:s25], $0x1400  }
.Ltmp8:
0x687: {  	[sflag:s25] =	ssyncset.done $0x0;
	(pc) =	sbr.rel @p0 .LBB2_6-.Ltmp8, $4  }
0x688: {  	s24 =	sshll.u32 s2, $0x4;
	s21 =	sadd.s32 s6, s12;
	[sflag:s25] =	ssyncadd.s32 $0xFFFFEC00  }
0x689: {  	[tilespmem:s31], [sflag:$0x9] =	stream.linear.gather [hbm4b:s21+s4], $0x28, $0x38;
	[tilespmem:$0x1CF00] =	vst v63  }
0x68a: {  	s0 =	sadd.s32 s7, s24  }
0x68b: {  	[tilespmem:s30], [sflag:$0x3] =	stream.linear.gather [hbm4b:s0+s4], $0x1400, $0x38;
	[tilespmem:$0x1CF00] =	vst v63  }
0x68c: {  	_ =	swait.ge [sflag:s10], $0x28  }
0x68d: {  	[sflag:s10] =	ssyncset.done $0x0  }
0x68e: {  	[sflag:s10] =	ssyncadd.s32 $0xFFFFFFD8  }
0x68f: {  	s1 =	simm.s32 $0x1700;
	s0 =	rddreg [dreg:$0x0]  }
0x690: {  	[tilespmem:s1], [sflag:$0x2] =	stream.indirect.gather [hbm4b:s0+s11], $0x80, s4, s11, $0xb8;
	[tilespmem:$0x1CF00] =	vst v63  }
0x691: {  	_ =	swait.ge [sflag:s26], $0x28  }
0x692: {  	[sflag:s26] =	ssyncset.done $0x0  }
0x693: {  	[sflag:s26] =	ssyncadd.s32 $0xFFFFFFD8  }
0x694: {  	_ =	swait.ge [sflag:s28], $0x1400  }
0x695: {  	[sflag:s28] =	ssyncset.done $0x0  }
0x696: {  	[sflag:s28] =	ssyncadd.s32 $0xFFFFEC00  }
0x697: {  	_ =	swait.ge [sflag:s19], $0x1400  }
0x698: {  	[sflag:s19] =	ssyncset.done $0x0  }
0x699: {  	s29 =	simm.s32 $0x5400;
	[sflag:s19] =	ssyncadd.s32 $0xFFFFEC00  }
0x69a: {  	s12 =	simm.s32 $0x400;
	v0 =	vld [tilespmem:s29+$0x80]  }
0x69b: {  	v1 =	vld [tilespmem:s12+$0x80];
	_ =	sdelay $0x2  }
0x69c: {  	v2 =	vld [tilespmem:s29+$0xFFFFFF80]  }
0x69d: {  	v3 =	vld [tilespmem:s29+$0xFFFFFF00];
	v4 =	vshll.u32 v0, $0x10  }
0x69e: {  	v5 =	vld [tilespmem:s12+$0xFFFFFF00];
	v1 =	vadd.f32 v4, v1  }
0x69f: {  	v4 =	vld [tilespmem:s12+$0xFFFFFF80]  }
0x6a0: {  	s2 =	simm.s32 $0x6800;
	v1 =	vmax.f32 v1, $0.0e+00  }
0x6a1: {  	[tilespmem:s2+$0x80] =	vst v1  }
0x6a2: {  	v1 =	vshll.u32 v3, $0x10;
	v6 =	vld [tilespmem:s12+$0xC0]  }
0x6a3: {  	v7 =	vshll.u32 v2, $0x10;
	v1 =	vadd.f32 v1, v5  }
0x6a4: {  	v4 =	vadd.f32 v7, v4  }
0x6a5: {  	v5 =	vld [tilespmem:s29+$0x0];
	v1 =	vmax.f32 v1, $0.0e+00  }
0x6a6: {  	v0 =	vand.u32 $0xFFFF0000, v0;
	v7 =	vld [tilespmem:s12+$0x0];
	[tilespmem:s2+$0xFFFFFF00] =	vst v1;
	v1 =	vmax.f32 v4, $0.0e+00  }
0x6a7: {  	v4 =	vld [tilespmem:s12+$0xFFFFFF40];
	[tilespmem:s2+$0xFFFFFF80] =	vst v1;
	v0 =	vadd.f32 v0, v6  }
0x6a8: {  	v1 =	vld [tilespmem:s12+$0xFFFFFFC0]  }
0x6a9: {  	v0 =	vmax.f32 v0, $0.0e+00  }
0x6aa: {  	v6 =	vshll.u32 v5, $0x10;
	[tilespmem:s2+$0xC0] =	vst v0  }
0x6ab: {  	v0 =	vand.u32 $0xFFFF0000, v3;
	v3 =	vadd.f32 v6, v7;
	v6 =	vld [tilespmem:s29+$0x90]  }
0x6ac: {  	v2 =	vand.u32 $0xFFFF0000, v2;
	v0 =	vadd.f32 v0, v4;
	v4 =	vld [tilespmem:s12+$0x90]  }
0x6ad: {  	v3 =	vmax.f32 v3, $0.0e+00;
	v1 =	vadd.f32 v2, v1  }
0x6ae: {  	[tilespmem:s2+$0x0] =	vst v3;
	v0 =	vmax.f32 v0, $0.0e+00  }
0x6af: {  	v2 =	vld [tilespmem:s12+$0x40];
	[tilespmem:s2+$0xFFFFFF40] =	vst v0;
	v0 =	vmax.f32 v1, $0.0e+00  }
0x6b0: {  	v1 =	vld [tilespmem:s29+$0xFFFFFF10];
	[tilespmem:s2+$0xFFFFFFC0] =	vst v0;
	v0 =	vshll.u32 v6, $0x10  }
0x6b1: {  	v3 =	vld [tilespmem:s29+$0xFFFFFF90];
	v0 =	vadd.f32 v0, v4  }
0x6b2: {  	v4 =	vld [tilespmem:s12+$0xFFFFFF10]  }
0x6b3: {  	v7 =	vld [tilespmem:s12+$0xFFFFFF90];
	v0 =	vmax.f32 v0, $0.0e+00  }
0x6b4: {  	v5 =	vand.u32 $0xFFFF0000, v5;
	[tilespmem:s2+$0x90] =	vst v0  }
0x6b5: {  	v0 =	vadd.f32 v5, v2;
	v2 =	vld [tilespmem:s12+$0xD0]  }
0x6b6: {  	v5 =	vshll.u32 v1, $0x10  }
0x6b7: {  	v8 =	vshll.u32 v3, $0x10;
	v0 =	vmax.f32 v0, $0.0e+00;
	v4 =	vadd.f32 v5, v4  }
0x6b8: {  	[tilespmem:s2+$0x40] =	vst v0;
	v0 =	vadd.f32 v8, v7  }
0x6b9: {  	v6 =	vand.u32 $0xFFFF0000, v6;
	v5 =	vld [tilespmem:s29+$0x10];
	v4 =	vmax.f32 v4, $0.0e+00  }
0x6ba: {  	v7 =	vld [tilespmem:s12+$0x10];
	[tilespmem:s2+$0xFFFFFF10] =	vst v4;
	v0 =	vmax.f32 v0, $0.0e+00;
	v2 =	vadd.f32 v6, v2  }
0x6bb: {  	v4 =	vld [tilespmem:s12+$0xFFFFFF50];
	[tilespmem:s2+$0xFFFFFF90] =	vst v0  }
0x6bc: {  	v0 =	vld [tilespmem:s12+$0xFFFFFFD0];
	v2 =	vmax.f32 v2, $0.0e+00  }
0x6bd: {  	[tilespmem:s2+$0xD0] =	vst v2  }
0x6be: {  	v2 =	vshll.u32 v5, $0x10;
	v6 =	vld [tilespmem:s29+$0xA0]  }
0x6bf: {  	v1 =	vand.u32 $0xFFFF0000, v1;
	v2 =	vadd.f32 v2, v7;
	v7 =	vld [tilespmem:s12+$0xA0]  }
0x6c0: {  	v3 =	vand.u32 $0xFFFF0000, v3;
	v1 =	vadd.f32 v1, v4  }
0x6c1: {  	v0 =	vadd.f32 v3, v0  }
0x6c2: {  	s16 =	simm.s32 $0x5600;
	v1 =	vmax.f32 v1, $0.0e+00  }
0x6c3: {  	v9 =	vld [tilespmem:s16+$0x0];
	[tilespmem:s2+$0xFFFFFF50] =	vst v1;
	v0 =	vmax.f32 v0, $0.0e+00;
	v1 =	vshll.u32 v6, $0x10  }
0x6c4: {  	s8 =	simm.s32 $0x600;
	v10 =	vld [tilespmem:s16+$0xFFFFFF00];
	[tilespmem:s2+$0xFFFFFFD0] =	vst v0;
	v0 =	vadd.f32 v1, v7  }
0x6c5: {  	v12 =	vld [tilespmem:s8+$0xFFFFFF00]  }
0x6c6: {  	v4 =	vld [tilespmem:s16+$0x80];
	v0 =	vmax.f32 v0, $0.0e+00  }
0x6c7: {  	v7 =	vld [tilespmem:s8+$0x80];
	[tilespmem:s2+$0xA0] =	vst v0  }
0x6c8: {  	v2 =	vmax.f32 v2, $0.0e+00;
	v0 =	vld [tilespmem:s12+$0xE0]  }
0x6c9: {  	v8 =	vld [tilespmem:s16+$0xFFFFFF80];
	[tilespmem:s2+$0x10] =	vst v2  }
0x6ca: {  	v2 =	vld [tilespmem:s12+$0x50]  }
0x6cb: {  	v3 =	vld [tilespmem:s29+$0xFFFFFF20];
	v11 =	vshll.u32 v4, $0x10  }
0x6cc: {  	v6 =	vand.u32 $0xFFFF0000, v6;
	v1 =	vld [tilespmem:s29+$0xFFFFFFA0];
	v7 =	vadd.f32 v11, v7  }
0x6cd: {  	v11 =	vld [tilespmem:s8+$0xFFFFFF80];
	v0 =	vadd.f32 v6, v0  }
0x6ce: {  	s14 =	simm.s32 $0x6A00;
	v5 =	vand.u32 $0xFFFF0000, v5;
	v7 =	vmax.f32 v7, $0.0e+00;
	v6 =	vld [tilespmem:s8+$0x0]  }
0x6cf: {  	v2 =	vadd.f32 v5, v2;
	v5 =	vld [tilespmem:s12+$0xFFFFFF20];
	[tilespmem:s14+$0x80] =	vst v7;
	v0 =	vmax.f32 v0, $0.0e+00  }
0x6d0: {  	v7 =	vshll.u32 v10, $0x10;
	v13 =	vld [tilespmem:s8+$0xC0];
	[tilespmem:s2+$0xE0] =	vst v0  }
0x6d1: {  	v7 =	vadd.f32 v7, v12;
	v0 =	vmax.f32 v2, $0.0e+00;
	v2 =	vshll.u32 v8, $0x10;
	v57 =	vld [tilespmem:s29+$0xB0]  }
0x6d2: {  	[tilespmem:s2+$0x50] =	vst v0;
	v0 =	vshll.u32 v9, $0x10;
	v2 =	vadd.f32 v2, v11;
	v11 =	vld [tilespmem:s12+$0xB0]  }
0x6d3: {  	v15 =	vld [tilespmem:s12+$0xFFFFFFA0];
	v7 =	vmax.f32 v7, $0.0e+00;
	v0 =	vadd.f32 v0, v6  }
0x6d4: {  	[tilespmem:s14+$0xFFFFFF00] =	vst v7;
	v14 =	vld [tilespmem:s29+$0x20];
	v6 =	vshll.u32 v3, $0x10;
	v2 =	vmax.f32 v2, $0.0e+00  }
0x6d5: {  	v5 =	vadd.f32 v6, v5;
	v6 =	vld [tilespmem:s8+$0xFFFFFF40];
	[tilespmem:s14+$0xFFFFFF80] =	vst v2;
	v0 =	vmax.f32 v0, $0.0e+00;
	v2 =	vand.u32 $0xFFFF0000, v4  }
0x6d6: {  	v4 =	vld [tilespmem:s8+$0xFFFFFFC0];
	[tilespmem:s14+$0x0] =	vst v0;
	v0 =	vadd.f32 v2, v13;
	v2 =	vshll.u32 v57, $0x10  }
0x6d7: {  	v5 =	vmax.f32 v5, $0.0e+00;
	v7 =	vld [tilespmem:s8+$0x40];
	v2 =	vadd.f32 v2, v11  }
0x6d8: {  	v58 =	vld [tilespmem:s12+$0x20];
	[tilespmem:s2+$0xFFFFFF20] =	vst v5;
	v11 =	vshll.u32 v1, $0x10;
	v0 =	vmax.f32 v0, $0.0e+00  }
0x6d9: {  	v5 =	vand.u32 $0xFFFF0000, v10;
	v10 =	vld [tilespmem:s12+$0xFFFFFF60];
	v11 =	vadd.f32 v11, v15;
	[tilespmem:s14+$0xC0] =	vst v0;
	v0 =	vmax.f32 v2, $0.0e+00  }
0x6da: {  	v5 =	vadd.f32 v5, v6;
	v2 =	vand.u32 $0xFFFF0000, v8;
	v6 =	vld [tilespmem:s16+$0x90];
	[tilespmem:s2+$0xB0] =	vst v0  }
0x6db: {  	v0 =	vand.u32 $0xFFFF0000, v9;
	v8 =	vmax.f32 v11, $0.0e+00;
	v2 =	vadd.f32 v2, v4;
	v4 =	vld [tilespmem:s12+$0xF0]  }
0x6dc: {  	v5 =	vmax.f32 v5, $0.0e+00;
	[tilespmem:s2+$0xFFFFFFA0] =	vst v8;
	v0 =	vadd.f32 v0, v7;
	v7 =	vld [tilespmem:s8+$0x90]  }
0x6dd: {  	[tilespmem:s14+$0xFFFFFF40] =	vst v5;
	v5 =	vld [tilespmem:s12+$0xFFFFFFE0]  }
0x6de: {  	v2 =	vmax.f32 v2, $0.0e+00;
	v8 =	vld [tilespmem:s16+$0xFFFFFF10]  }
0x6df: {  	v59 =	vld [tilespmem:s8+$0xFFFFFF10];
	[tilespmem:s14+$0xFFFFFFC0] =	vst v2;
	v0 =	vmax.f32 v0, $0.0e+00;
	v2 =	vshll.u32 v14, $0x10  }
0x6e0: {  	v3 =	vand.u32 $0xFFFF0000, v3;
	v9 =	vld [tilespmem:s16+$0xFFFFFF90];
	[tilespmem:s14+$0x40] =	vst v0;
	v0 =	vadd.f32 v2, v58;
	v11 =	vshll.u32 v6, $0x10  }
0x6e1: {  	v3 =	vadd.f32 v3, v10;
	v10 =	vld [tilespmem:s8+$0xFFFFFF90];
	v7 =	vadd.f32 v11, v7  }
0x6e2: {  	v1 =	vand.u32 $0xFFFF0000, v1;
	v2 =	vld [tilespmem:s16+$0x10];
	v0 =	vmax.f32 v0, $0.0e+00  }
0x6e3: {  	[tilespmem:s2+$0x20] =	vst v0;
	v0 =	vadd.f32 v1, v5;
	v1 =	vld [tilespmem:s8+$0x10];
	v5 =	vmax.f32 v7, $0.0e+00  }
0x6e4: {  	v3 =	vmax.f32 v3, $0.0e+00;
	[tilespmem:s14+$0x90] =	vst v5;
	v5 =	vld [tilespmem:s12+$0x60]  }
0x6e5: {  	[tilespmem:s2+$0xFFFFFF60] =	vst v3;
	v3 =	vshll.u32 v8, $0x10;
	v0 =	vmax.f32 v0, $0.0e+00;
	v7 =	vld [tilespmem:s8+$0xD0]  }
0x6e6: {  	v60 =	vld [tilespmem:s29+$0xFFFFFF30];
	v11 =	vshll.u32 v9, $0x10;
	[tilespmem:s2+$0xFFFFFFE0] =	vst v0;
	v0 =	vadd.f32 v3, v59  }
0x6e7: {  	v3 =	vshll.u32 v2, $0x10;
	v10 =	vadd.f32 v11, v10;
	v11 =	vld [tilespmem:s29+$0xFFFFFFB0]  }
0x6e8: {  	v14 =	vand.u32 $0xFFFF0000, v14;
	v0 =	vmax.f32 v0, $0.0e+00;
	v1 =	vadd.f32 v3, v1;
	v3 =	vld [tilespmem:s12+$0xFFFFFF30]  }
0x6e9: {  	v6 =	vand.u32 $0xFFFF0000, v6;
	[tilespmem:s14+$0xFFFFFF10] =	vst v0;
	v0 =	vmax.f32 v10, $0.0e+00;
	v10 =	vld [tilespmem:s12+$0xFFFFFFB0];
	v5 =	vadd.f32 v14, v5  }
0x6ea: {  	v61 =	vld [tilespmem:s8+$0xFFFFFF50];
	[tilespmem:s14+$0xFFFFFF90] =	vst v0;
	v0 =	vmax.f32 v1, $0.0e+00;
	v1 =	vadd.f32 v6, v7  }
0x6eb: {  	v6 =	vld [tilespmem:s8+$0xFFFFFFD0];
	[tilespmem:s14+$0x10] =	vst v0;
	v0 =	vmax.f32 v5, $0.0e+00  }
0x6ec: {  	v5 =	vshll.u32 v60, $0x10;
	v7 =	vld [tilespmem:s8+$0x50];
	v1 =	vmax.f32 v1, $0.0e+00;
	[tilespmem:s2+$0x60] =	vst v0  }
0x6ed: {  	v0 =	vshll.u32 v11, $0x10;
	[tilespmem:s14+$0xD0] =	vst v1;
	v1 =	vadd.f32 v5, v3;
	v62 =	vld [tilespmem:s29+$0x30]  }
0x6ee: {  	v8 =	vand.u32 $0xFFFF0000, v8;
	v9 =	vand.u32 $0xFFFF0000, v9;
	v0 =	vadd.f32 v0, v10;
	v3 =	vld [tilespmem:s16+$0xA0]  }
0x6ef: {  	v2 =	vand.u32 $0xFFFF0000, v2;
	v8 =	vadd.f32 v8, v61;
	v10 =	vld [tilespmem:s8+$0xA0];
	v1 =	vmax.f32 v1, $0.0e+00  }
0x6f0: {  	v5 =	vand.u32 $0xFFFF0000, v57;
	v6 =	vadd.f32 v9, v6;
	v0 =	vmax.f32 v0, $0.0e+00;
	v9 =	vld [tilespmem:s12+$0x30];
	[tilespmem:s2+$0xFFFFFF30] =	vst v1  }
0x6f1: {  	v1 =	vadd.f32 v5, v4;
	v5 =	vmax.f32 v8, $0.0e+00;
	v2 =	vadd.f32 v2, v7;
	[tilespmem:s2+$0xFFFFFFB0] =	vst v0;
	v4 =	vld [tilespmem:s12+$0xFFFFFF70]  }
0x6f2: {  	[tilespmem:s14+$0xFFFFFF50] =	vst v5;
	v0 =	vmax.f32 v6, $0.0e+00;
	v5 =	vld [tilespmem:s12+$0xFFFFFFF0]  }
0x6f3: {  	v6 =	vmax.f32 v1, $0.0e+00;
	v7 =	vld [tilespmem:s16+$0xFFFFFF20];
	[tilespmem:s14+$0xFFFFFFD0] =	vst v0;
	v0 =	vmax.f32 v2, $0.0e+00;
	v63 =	vshll.u32 v3, $0x10  }
0x6f4: {  	s3 =	simm.s32 $0x5800;
	v2 =	vand.u32 $0xFFFF0000, v11;
	v11 =	vshll.u32 v62, $0x10;
	v8 =	vld [tilespmem:s16+$0xFFFFFFA0];
	[tilespmem:s14+$0x50] =	vst v0;
	v10 =	vadd.f32 v63, v10  }
0x6f5: {  	s20 =	simm.s32 $0x6A00;
	s1 =	simm.s32 $0x4;
	s0 =	simm.s32 $0x600;
	v1 =	vand.u32 $0xFFFF0000, v60;
	[tilespmem:s2+$0xF0] =	vst v6;
	v0 =	vand.u32 $0xFFFF0000, v62;
	v6 =	vld [tilespmem:s16+$0x20];
	v9 =	vadd.f32 v11, v9  }
.LBB2_20:
0x6f6: {  	v11 =	vld [tilespmem:s3+$0x80];
	v10 =	vmax.f32 v10, $0.0e+00;
	s8 =	sadd.s32 $0x200, s8;
	v1 =	vadd.f32 v1, v4  }
0x6f7: {  	v4 =	vld [tilespmem:s8+$0x80];
	[tilespmem:s14+$0xA0] =	vst v10;
	v2 =	vadd.f32 v2, v5;
	v5 =	vmax.f32 v9, $0.0e+00  }
0x6f8: {  	s1 =	sadd.s32 $0x4, s1;
	v9 =	vshll.u32 v7, $0x10;
	v7 =	vand.u32 $0xFFFF0000, v7;
	v10 =	vld [tilespmem:s0+$0xE0];
	v1 =	vmax.f32 v1, $0.0e+00;
	[tilespmem:s2+$0x30] =	vst v5  }
0x6f9: {  	p0 =	slt.u32 s1, $0x24;
	v5 =	vld [tilespmem:s3+$0xFFFFFF80];
	v12 =	vshll.u32 v8, $0x10;
	v8 =	vand.u32 $0xFFFF0000, v8;
	[tilespmem:s2+$0xFFFFFF70] =	vst v1;
	v2 =	vmax.f32 v2, $0.0e+00  }
0x6fa: {  	v13 =	vld [tilespmem:s3+$0x0];
	v14 =	vshll.u32 v6, $0x10;
	v1 =	vand.u32 $0xFFFF0000, v6;
	[tilespmem:s2+$0xFFFFFFF0] =	vst v2  }
0x6fb: {  	v2 =	vld [tilespmem:s3+$0xFFFFFF00];
	v6 =	vshll.u32 v11, $0x10  }
0x6fc: {  	v3 =	vand.u32 $0xFFFF0000, v3;
	v15 =	vld [tilespmem:s8+$0xFFFFFF00];
	v4 =	vadd.f32 v6, v4  }
0x6fd: {  	v6 =	vld [tilespmem:s8+$0xFFFFFF80];
	v3 =	vadd.f32 v3, v10  }
0x6fe: {  	s14 =	sadd.s32 $0x200, s14;
	v10 =	vshll.u32 v5, $0x10;
	v5 =	vand.u32 $0xFFFF0000, v5;
	v16 =	vld [tilespmem:s8+$0x0];
	v4 =	vmax.f32 v4, $0.0e+00  }
0x6ff: {  	v17 =	vshll.u32 v13, $0x10;
	v13 =	vand.u32 $0xFFFF0000, v13;
	[tilespmem:s14+$0x80] =	vst v4;
	v4 =	vld [tilespmem:s0+$0xFFFFFF20];
	v3 =	vmax.f32 v3, $0.0e+00  }
0x700: {  	v18 =	vshll.u32 v2, $0x10;
	v2 =	vand.u32 $0xFFFF0000, v2;
	v19 =	vld [tilespmem:s8+$0xC0];
	[tilespmem:s20+$0xE0] =	vst v3  }
0x701: {  	v3 =	vadd.f32 v18, v15;
	v15 =	vld [tilespmem:s16+$0xB0]  }
0x702: {  	v6 =	vadd.f32 v10, v6;
	v10 =	vld [tilespmem:s0+$0xB0]  }
0x703: {  	v3 =	vmax.f32 v3, $0.0e+00;
	v16 =	vadd.f32 v17, v16;
	v17 =	vld [tilespmem:s0+$0xFFFFFFA0]  }
0x704: {  	[tilespmem:s14+$0xFFFFFF00] =	vst v3;
	v3 =	vmax.f32 v6, $0.0e+00;
	v4 =	vadd.f32 v9, v4;
	v6 =	vld [tilespmem:s0+$0x20]  }
0x705: {  	v11 =	vand.u32 $0xFFFF0000, v11;
	v9 =	vld [tilespmem:s8+$0xFFFFFF40];
	[tilespmem:s14+$0xFFFFFF80] =	vst v3;
	v3 =	vmax.f32 v16, $0.0e+00  }
0x706: {  	v16 =	vld [tilespmem:s8+$0xFFFFFFC0];
	[tilespmem:s14+$0x0] =	vst v3;
	v3 =	vadd.f32 v11, v19;
	v4 =	vmax.f32 v4, $0.0e+00;
	v11 =	vshll.u32 v15, $0x10  }
0x707: {  	v18 =	vld [tilespmem:s8+$0x40];
	[tilespmem:s20+$0xFFFFFF20] =	vst v4;
	v4 =	vadd.f32 v11, v10  }
0x708: {  	v3 =	vmax.f32 v3, $0.0e+00;
	v10 =	vld [tilespmem:s0+$0xFFFFFF60];
	v11 =	vadd.f32 v12, v17  }
0x709: {  	[tilespmem:s14+$0xC0] =	vst v3;
	v3 =	vadd.f32 v14, v6;
	v4 =	vmax.f32 v4, $0.0e+00;
	v6 =	vld [tilespmem:s12+$0x70];
	s12 =	smov.u32 s0;
	s0 =	smov.u32 s8  }
0x70a: {  	v2 =	vadd.f32 v2, v9;
	v9 =	vld [tilespmem:s3+$0x90];
	v11 =	vmax.f32 v11, $0.0e+00;
	[tilespmem:s20+$0xB0] =	vst v4  }
0x70b: {  	v4 =	vadd.f32 v5, v16;
	[tilespmem:s20+$0xFFFFFFA0] =	vst v11;
	v3 =	vmax.f32 v3, $0.0e+00;
	v5 =	vld [tilespmem:s12+$0xF0]  }
0x70c: {  	v2 =	vmax.f32 v2, $0.0e+00;
	v11 =	vadd.f32 v13, v18;
	v12 =	vld [tilespmem:s8+$0x90];
	[tilespmem:s20+$0x20] =	vst v3  }
0x70d: {  	[tilespmem:s14+$0xFFFFFF40] =	vst v2;
	v2 =	vmax.f32 v4, $0.0e+00;
	v3 =	vadd.f32 v7, v10;
	v4 =	vld [tilespmem:s12+$0xFFFFFFE0]  }
0x70e: {  	v7 =	vld [tilespmem:s3+$0xFFFFFF10];
	[tilespmem:s14+$0xFFFFFFC0] =	vst v2;
	v2 =	vmax.f32 v11, $0.0e+00;
	v0 =	vadd.f32 v0, v6  }
0x70f: {  	v6 =	vld [tilespmem:s3+$0xFFFFFF90];
	[tilespmem:s14+$0x40] =	vst v2;
	v2 =	vmax.f32 v3, $0.0e+00;
	v3 =	vand.u32 $0xFFFF0000, v15  }
0x710: {  	v11 =	vshll.u32 v9, $0x10;
	v10 =	vld [tilespmem:s3+$0x10];
	[tilespmem:s20+$0xFFFFFF60] =	vst v2;
	v2 =	vadd.f32 v3, v5;
	v0 =	vmax.f32 v0, $0.0e+00  }
0x711: {  	v3 =	vld [tilespmem:s8+$0xFFFFFF10];
	v5 =	vadd.f32 v11, v12;
	[tilespmem:s2+$0x70] =	vst v0;
	s2 =	smov.u32 s20;
	s20 =	smov.u32 s14  }
0x712: {  	v0 =	vld [tilespmem:s8+$0xFFFFFF90];
	v4 =	vadd.f32 v8, v4;
	v2 =	vmax.f32 v2, $0.0e+00  }
0x713: {  	v8 =	vshll.u32 v7, $0x10;
	v7 =	vand.u32 $0xFFFF0000, v7;
	v11 =	vld [tilespmem:s8+$0x10];
	v5 =	vmax.f32 v5, $0.0e+00;
	[tilespmem:s2+$0xF0] =	vst v2  }
0x714: {  	v2 =	vshll.u32 v6, $0x10;
	v6 =	vand.u32 $0xFFFF0000, v6;
	[tilespmem:s14+$0x90] =	vst v5;
	v4 =	vmax.f32 v4, $0.0e+00;
	v5 =	vld [tilespmem:s12+$0x60]  }
0x715: {  	v12 =	vshll.u32 v10, $0x10;
	v10 =	vand.u32 $0xFFFF0000, v10;
	v13 =	vld [tilespmem:s8+$0xD0];
	[tilespmem:s2+$0xFFFFFFE0] =	vst v4  }
0x716: {  	v3 =	vadd.f32 v8, v3;
	v4 =	vld [tilespmem:s16+$0xFFFFFF30]  }
0x717: {  	v0 =	vadd.f32 v2, v0;
	v2 =	vld [tilespmem:s16+$0xFFFFFFB0]  }
0x718: {  	v3 =	vmax.f32 v3, $0.0e+00;
	v8 =	vadd.f32 v12, v11;
	v11 =	vld [tilespmem:s12+$0xFFFFFF30]  }
0x719: {  	[tilespmem:s14+$0xFFFFFF10] =	vst v3;
	v0 =	vmax.f32 v0, $0.0e+00;
	v3 =	vand.u32 $0xFFFF0000, v9;
	v9 =	vld [tilespmem:s12+$0xFFFFFFB0];
	v5 =	vadd.f32 v1, v5  }
0x71a: {  	v12 =	vld [tilespmem:s8+$0xFFFFFF50];
	[tilespmem:s14+$0xFFFFFF90] =	vst v0;
	v0 =	vmax.f32 v8, $0.0e+00;
	v3 =	vadd.f32 v3, v13  }
0x71b: {  	v8 =	vld [tilespmem:s8+$0xFFFFFFD0];
	[tilespmem:s14+$0x10] =	vst v0;
	v0 =	vshll.u32 v4, $0x10;
	v1 =	vand.u32 $0xFFFF0000, v4;
	v4 =	vmax.f32 v5, $0.0e+00  }
0x71c: {  	v5 =	vld [tilespmem:s8+$0x50];
	v3 =	vmax.f32 v3, $0.0e+00;
	v13 =	vshll.u32 v2, $0x10;
	v2 =	vand.u32 $0xFFFF0000, v2;
	[tilespmem:s2+$0x60] =	vst v4  }
0x71d: {  	[tilespmem:s14+$0xD0] =	vst v3;
	v0 =	vadd.f32 v0, v11;
	v11 =	vld [tilespmem:s16+$0x30];
	s16 =	smov.u32 s3  }
0x71e: {  	v3 =	vld [tilespmem:s3+$0xA0];
	v4 =	vadd.f32 v13, v9  }
0x71f: {  	v7 =	vadd.f32 v7, v12;
	v9 =	vld [tilespmem:s8+$0xA0];
	v0 =	vmax.f32 v0, $0.0e+00  }
0x720: {  	v6 =	vadd.f32 v6, v8;
	[tilespmem:s2+$0xFFFFFF30] =	vst v0;
	v0 =	vmax.f32 v4, $0.0e+00;
	v12 =	vld [tilespmem:s12+$0x30]  }
.Ltmp9:
0x721: {  	v7 =	vmax.f32 v7, $0.0e+00;
	v8 =	vadd.f32 v10, v5;
	v4 =	vld [tilespmem:s12+$0xFFFFFF70];
	[tilespmem:s2+$0xFFFFFFB0] =	vst v0;
	(pc) =	sbr.rel @p0 .LBB2_20-.Ltmp9, $4  }
0x722: {  	[tilespmem:s14+$0xFFFFFF50] =	vst v7;
	v6 =	vmax.f32 v6, $0.0e+00;
	v5 =	vld [tilespmem:s12+$0xFFFFFFF0];
	v13 =	vshll.u32 v11, $0x10;
	v0 =	vand.u32 $0xFFFF0000, v11  }
0x723: {  	v7 =	vld [tilespmem:s3+$0xFFFFFF20];
	[tilespmem:s14+$0xFFFFFFD0] =	vst v6;
	v6 =	vmax.f32 v8, $0.0e+00;
	v10 =	vshll.u32 v3, $0x10  }
0x724: {  	v8 =	vld [tilespmem:s3+$0xFFFFFFA0];
	[tilespmem:s14+$0x50] =	vst v6;
	v10 =	vadd.f32 v10, v9  }
0x725: {  	s3 =	sadd.s32 $0x200, s3;
	v6 =	vld [tilespmem:s16+$0x20];
	v9 =	vadd.f32 v13, v12  }
0x726: {  	v11 =	vld [tilespmem:s0+$0xFFFFFF20]  }
0x727: {  	v12 =	vld [tilespmem:s0+$0xFFFFFFA0];
	_ =	sdelay $0x2  }
0x728: {  	v14 =	vld [tilespmem:s0+$0x20];
	v13 =	vshll.u32 v7, $0x10  }
0x729: {  	v10 =	vmax.f32 v10, $0.0e+00;
	v15 =	vshll.u32 v8, $0x10;
	v11 =	vadd.f32 v13, v11  }
0x72a: {  	[tilespmem:s14+$0xA0] =	vst v10;
	v10 =	vadd.f32 v15, v12  }
0x72b: {  	v43 =	vld [tilespmem:s0+$0xE0];
	v11 =	vmax.f32 v11, $0.0e+00  }
0x72c: {  	v44 =	vshll.u32 v6, $0x10;
	v10 =	vmax.f32 v10, $0.0e+00;
	[tilespmem:s20+$0xFFFFFF20] =	vst v11  }
0x72d: {  	v13 =	vadd.f32 v44, v14;
	[tilespmem:s20+$0xFFFFFFA0] =	vst v10;
	v11 =	vld [tilespmem:s0+$0xFFFFFF60]  }
0x72e: {  	v10 =	vld [tilespmem:s0+$0xFFFFFFE0]  }
0x72f: {  	v3 =	vand.u32 $0xFFFF0000, v3;
	v13 =	vmax.f32 v13, $0.0e+00  }
0x730: {  	v3 =	vadd.f32 v3, v43;
	[tilespmem:s20+$0x20] =	vst v13  }
0x731: {  	v7 =	vand.u32 $0xFFFF0000, v7;
	v45 =	vld [tilespmem:s0+$0x60]  }
0x732: {  	v8 =	vand.u32 $0xFFFF0000, v8;
	v3 =	vmax.f32 v3, $0.0e+00;
	v7 =	vadd.f32 v7, v11  }
0x733: {  	[tilespmem:s20+$0xE0] =	vst v3;
	v3 =	vadd.f32 v8, v10  }
0x734: {  	v8 =	vld [tilespmem:s16+$0xB0];
	v7 =	vmax.f32 v7, $0.0e+00  }
0x735: {  	v6 =	vand.u32 $0xFFFF0000, v6;
	v10 =	vld [tilespmem:s0+$0xB0];
	v3 =	vmax.f32 v3, $0.0e+00;
	[tilespmem:s20+$0xFFFFFF60] =	vst v7  }
0x736: {  	v6 =	vadd.f32 v6, v45;
	[tilespmem:s20+$0xFFFFFFE0] =	vst v3;
	v3 =	vld [tilespmem:s16+$0xFFFFFF30]  }
0x737: {  	v7 =	vld [tilespmem:s16+$0xFFFFFFB0]  }
0x738: {  	v6 =	vmax.f32 v6, $0.0e+00;
	v11 =	vld [tilespmem:s0+$0xFFFFFF30]  }
0x739: {  	[tilespmem:s20+$0x60] =	vst v6;
	v46 =	vld [tilespmem:s0+$0xFFFFFFB0]  }
0x73a: {  	v6 =	vld [tilespmem:s16+$0x30]  }
0x73b: {  	v13 =	vld [tilespmem:s0+$0x30]  }
0x73c: {  	v47 =	vshll.u32 v8, $0x10  }
0x73d: {  	v10 =	vadd.f32 v47, v10;
	v48 =	vshll.u32 v3, $0x10  }
0x73e: {  	v9 =	vmax.f32 v9, $0.0e+00;
	v49 =	vshll.u32 v7, $0x10;
	v11 =	vadd.f32 v48, v11  }
0x73f: {  	[tilespmem:s2+$0x30] =	vst v9;
	v9 =	vmax.f32 v10, $0.0e+00;
	v50 =	vshll.u32 v6, $0x10;
	v10 =	vadd.f32 v49, v46  }
0x740: {  	v51 =	vld [tilespmem:s12+$0x70];
	[tilespmem:s20+$0xB0] =	vst v9;
	v9 =	vmax.f32 v11, $0.0e+00;
	v11 =	vadd.f32 v50, v13  }
0x741: {  	v52 =	vld [tilespmem:s0+$0xF0];
	[tilespmem:s20+$0xFFFFFF30] =	vst v9;
	v9 =	vmax.f32 v10, $0.0e+00  }
0x742: {  	v10 =	vld [tilespmem:s0+$0xFFFFFF70];
	[tilespmem:s20+$0xFFFFFFB0] =	vst v9;
	v9 =	vmax.f32 v11, $0.0e+00  }
0x743: {  	v1 =	vadd.f32 v1, v4;
	v4 =	vld [tilespmem:s0+$0xFFFFFFF0];
	[tilespmem:s20+$0x30] =	vst v9  }
0x744: {  	v2 =	vadd.f32 v2, v5;
	v5 =	vld [tilespmem:s0+$0x70]  }
0x745: {  	v1 =	vmax.f32 v1, $0.0e+00;
	v0 =	vadd.f32 v0, v51;
	v8 =	vand.u32 $0xFFFF0000, v8  }
0x746: {  	[tilespmem:s2+$0xFFFFFF70] =	vst v1;
	v1 =	vmax.f32 v2, $0.0e+00;
	v3 =	vand.u32 $0xFFFF0000, v3;
	v2 =	vadd.f32 v8, v52  }
0x747: {  	[tilespmem:s2+$0xFFFFFFF0] =	vst v1;
	v0 =	vmax.f32 v0, $0.0e+00;
	v1 =	vand.u32 $0xFFFF0000, v7;
	v3 =	vadd.f32 v3, v10  }
0x748: {  	[tilespmem:s2+$0x70] =	vst v0;
	v0 =	vmax.f32 v2, $0.0e+00;
	v2 =	vand.u32 $0xFFFF0000, v6;
	v1 =	vadd.f32 v1, v4  }
0x749: {  	[tilespmem:s20+$0xF0] =	vst v0;
	v0 =	vmax.f32 v3, $0.0e+00;
	v2 =	vadd.f32 v2, v5  }
0x74a: {  	[tilespmem:s20+$0xFFFFFF70] =	vst v0;
	v0 =	vmax.f32 v1, $0.0e+00  }
0x74b: {  	[tilespmem:s20+$0xFFFFFFF0] =	vst v0;
	v0 =	vmax.f32 v2, $0.0e+00  }
0x74c: {  	s24 =	simm.s32 $0x6700;
	s1 =	simm.s32 $0x280;
	[tilespmem:s20+$0x70] =	vst v0  }
0x74d: {  	[spmem:s15] =	stream.indirect.scatter.add.f32 [tilespmem:s24], [sflag:$0xC], $0x80, s1, s11, $0xb8;
	[tilespmem:$0x1CF00] =	vst v63  }
0x74e: {  	_ =	swait.ge [sflag:s9], $0x1400  }
0x74f: {  	[sflag:s9] =	ssyncset.done $0x0  }
0x750: {  	[sflag:s9] =	ssyncadd.s32 $0xFFFFEC00  }
0x751: {  	_ =	swait.ge [sflag:s17], $0x28  }
0x752: {  	[sflag:s17] =	ssyncset.done $0x0  }
0x753: {  	[sflag:s17] =	ssyncadd.s32 $0xFFFFFFD8  }
0x754: {  	_ =	swait.ge [sflag:s18], $0x1400  }
0x755: {  	[sflag:s18] =	ssyncset.done $0x0  }
0x756: {  	[sflag:s18] =	ssyncadd.s32 $0xFFFFEC00  }
0x757: {  	_ =	swait.ge [sflag:s23], $0x1400  }
0x758: {  	[sflag:s23] =	ssyncset.done $0x0  }
0x759: {  	s29 =	simm.s32 $0x2C00;
	[sflag:s23] =	ssyncadd.s32 $0xFFFFEC00  }
0x75a: {  	s12 =	simm.s32 $0x1800;
	v0 =	vld [tilespmem:s29+$0x80]  }
0x75b: {  	v1 =	vld [tilespmem:s12+$0x80];
	_ =	sdelay $0x2  }
0x75c: {  	v2 =	vld [tilespmem:s29+$0xFFFFFF80]  }
0x75d: {  	v3 =	vld [tilespmem:s29+$0xFFFFFF00];
	v4 =	vshll.u32 v0, $0x10  }
0x75e: {  	v5 =	vld [tilespmem:s12+$0xFFFFFF00];
	v1 =	vadd.f32 v4, v1  }
0x75f: {  	v4 =	vld [tilespmem:s12+$0xFFFFFF80]  }
0x760: {  	s2 =	simm.s32 $0x7C00;
	v1 =	vmax.f32 v1, $0.0e+00  }
0x761: {  	[tilespmem:s2+$0x80] =	vst v1  }
0x762: {  	v1 =	vshll.u32 v3, $0x10;
	v6 =	vld [tilespmem:s12+$0xC0]  }
0x763: {  	v7 =	vshll.u32 v2, $0x10;
	v1 =	vadd.f32 v1, v5  }
0x764: {  	v4 =	vadd.f32 v7, v4  }
0x765: {  	v5 =	vld [tilespmem:s29+$0x0];
	v1 =	vmax.f32 v1, $0.0e+00  }
0x766: {  	v0 =	vand.u32 $0xFFFF0000, v0;
	v7 =	vld [tilespmem:s12+$0x0];
	[tilespmem:s2+$0xFFFFFF00] =	vst v1;
	v1 =	vmax.f32 v4, $0.0e+00  }
0x767: {  	v4 =	vld [tilespmem:s12+$0xFFFFFF40];
	[tilespmem:s2+$0xFFFFFF80] =	vst v1;
	v0 =	vadd.f32 v0, v6  }
0x768: {  	v1 =	vld [tilespmem:s12+$0xFFFFFFC0]  }
0x769: {  	v0 =	vmax.f32 v0, $0.0e+00  }
0x76a: {  	v6 =	vshll.u32 v5, $0x10;
	[tilespmem:s2+$0xC0] =	vst v0  }
0x76b: {  	v0 =	vand.u32 $0xFFFF0000, v3;
	v3 =	vadd.f32 v6, v7;
	v6 =	vld [tilespmem:s29+$0x90]  }
0x76c: {  	v2 =	vand.u32 $0xFFFF0000, v2;
	v0 =	vadd.f32 v0, v4;
	v4 =	vld [tilespmem:s12+$0x90]  }
0x76d: {  	v3 =	vmax.f32 v3, $0.0e+00;
	v1 =	vadd.f32 v2, v1  }
0x76e: {  	[tilespmem:s2+$0x0] =	vst v3;
	v0 =	vmax.f32 v0, $0.0e+00  }
0x76f: {  	v2 =	vld [tilespmem:s12+$0x40];
	[tilespmem:s2+$0xFFFFFF40] =	vst v0;
	v0 =	vmax.f32 v1, $0.0e+00  }
0x770: {  	v1 =	vld [tilespmem:s29+$0xFFFFFF10];
	[tilespmem:s2+$0xFFFFFFC0] =	vst v0;
	v0 =	vshll.u32 v6, $0x10  }
0x771: {  	v3 =	vld [tilespmem:s29+$0xFFFFFF90];
	v0 =	vadd.f32 v0, v4  }
0x772: {  	v4 =	vld [tilespmem:s12+$0xFFFFFF10]  }
0x773: {  	v7 =	vld [tilespmem:s12+$0xFFFFFF90];
	v0 =	vmax.f32 v0, $0.0e+00  }
0x774: {  	v5 =	vand.u32 $0xFFFF0000, v5;
	[tilespmem:s2+$0x90] =	vst v0  }
0x775: {  	v0 =	vadd.f32 v5, v2;
	v2 =	vld [tilespmem:s12+$0xD0]  }
0x776: {  	v5 =	vshll.u32 v1, $0x10  }
0x777: {  	v8 =	vshll.u32 v3, $0x10;
	v0 =	vmax.f32 v0, $0.0e+00;
	v4 =	vadd.f32 v5, v4  }
0x778: {  	[tilespmem:s2+$0x40] =	vst v0;
	v0 =	vadd.f32 v8, v7  }
0x779: {  	v6 =	vand.u32 $0xFFFF0000, v6;
	v5 =	vld [tilespmem:s29+$0x10];
	v4 =	vmax.f32 v4, $0.0e+00  }
0x77a: {  	v7 =	vld [tilespmem:s12+$0x10];
	[tilespmem:s2+$0xFFFFFF10] =	vst v4;
	v0 =	vmax.f32 v0, $0.0e+00;
	v2 =	vadd.f32 v6, v2  }
0x77b: {  	v4 =	vld [tilespmem:s12+$0xFFFFFF50];
	[tilespmem:s2+$0xFFFFFF90] =	vst v0  }
0x77c: {  	v0 =	vld [tilespmem:s12+$0xFFFFFFD0];
	v2 =	vmax.f32 v2, $0.0e+00  }
0x77d: {  	[tilespmem:s2+$0xD0] =	vst v2  }
0x77e: {  	v2 =	vshll.u32 v5, $0x10;
	v6 =	vld [tilespmem:s29+$0xA0]  }
0x77f: {  	v1 =	vand.u32 $0xFFFF0000, v1;
	v2 =	vadd.f32 v2, v7;
	v7 =	vld [tilespmem:s12+$0xA0]  }
0x780: {  	v3 =	vand.u32 $0xFFFF0000, v3;
	v1 =	vadd.f32 v1, v4  }
0x781: {  	v0 =	vadd.f32 v3, v0  }
0x782: {  	s16 =	simm.s32 $0x2E00;
	v1 =	vmax.f32 v1, $0.0e+00  }
0x783: {  	v9 =	vld [tilespmem:s16+$0x0];
	[tilespmem:s2+$0xFFFFFF50] =	vst v1;
	v0 =	vmax.f32 v0, $0.0e+00;
	v1 =	vshll.u32 v6, $0x10  }
0x784: {  	s8 =	simm.s32 $0x1A00;
	v10 =	vld [tilespmem:s16+$0xFFFFFF00];
	[tilespmem:s2+$0xFFFFFFD0] =	vst v0;
	v0 =	vadd.f32 v1, v7  }
0x785: {  	v53 =	vld [tilespmem:s8+$0xFFFFFF00]  }
0x786: {  	v4 =	vld [tilespmem:s16+$0x80];
	v0 =	vmax.f32 v0, $0.0e+00  }
0x787: {  	v7 =	vld [tilespmem:s8+$0x80];
	[tilespmem:s2+$0xA0] =	vst v0  }
0x788: {  	v2 =	vmax.f32 v2, $0.0e+00;
	v0 =	vld [tilespmem:s12+$0xE0]  }
0x789: {  	v8 =	vld [tilespmem:s16+$0xFFFFFF80];
	[tilespmem:s2+$0x10] =	vst v2  }
0x78a: {  	v2 =	vld [tilespmem:s12+$0x50]  }
0x78b: {  	v3 =	vld [tilespmem:s29+$0xFFFFFF20];
	v11 =	vshll.u32 v4, $0x10  }
0x78c: {  	v6 =	vand.u32 $0xFFFF0000, v6;
	v1 =	vld [tilespmem:s29+$0xFFFFFFA0];
	v7 =	vadd.f32 v11, v7  }
0x78d: {  	v11 =	vld [tilespmem:s8+$0xFFFFFF80];
	v0 =	vadd.f32 v6, v0  }
0x78e: {  	s14 =	simm.s32 $0x7E00;
	v5 =	vand.u32 $0xFFFF0000, v5;
	v7 =	vmax.f32 v7, $0.0e+00;
	v6 =	vld [tilespmem:s8+$0x0]  }
0x78f: {  	v2 =	vadd.f32 v5, v2;
	v5 =	vld [tilespmem:s12+$0xFFFFFF20];
	[tilespmem:s14+$0x80] =	vst v7;
	v0 =	vmax.f32 v0, $0.0e+00  }
0x790: {  	v7 =	vshll.u32 v10, $0x10;
	v54 =	vld [tilespmem:s8+$0xC0];
	[tilespmem:s2+$0xE0] =	vst v0  }
0x791: {  	v7 =	vadd.f32 v7, v53;
	v0 =	vmax.f32 v2, $0.0e+00;
	v2 =	vshll.u32 v8, $0x10;
	v55 =	vld [tilespmem:s29+$0xB0]  }
0x792: {  	[tilespmem:s2+$0x50] =	vst v0;
	v0 =	vshll.u32 v9, $0x10;
	v2 =	vadd.f32 v2, v11;
	v11 =	vld [tilespmem:s12+$0xB0]  }
0x793: {  	v57 =	vld [tilespmem:s12+$0xFFFFFFA0];
	v7 =	vmax.f32 v7, $0.0e+00;
	v0 =	vadd.f32 v0, v6  }
0x794: {  	[tilespmem:s14+$0xFFFFFF00] =	vst v7;
	v56 =	vld [tilespmem:s29+$0x20];
	v6 =	vshll.u32 v3, $0x10;
	v2 =	vmax.f32 v2, $0.0e+00  }
0x795: {  	v5 =	vadd.f32 v6, v5;
	v6 =	vld [tilespmem:s8+$0xFFFFFF40];
	[tilespmem:s14+$0xFFFFFF80] =	vst v2;
	v0 =	vmax.f32 v0, $0.0e+00;
	v2 =	vand.u32 $0xFFFF0000, v4  }
0x796: {  	v4 =	vld [tilespmem:s8+$0xFFFFFFC0];
	[tilespmem:s14+$0x0] =	vst v0;
	v0 =	vadd.f32 v2, v54;
	v2 =	vshll.u32 v55, $0x10  }
0x797: {  	v5 =	vmax.f32 v5, $0.0e+00;
	v7 =	vld [tilespmem:s8+$0x40];
	v2 =	vadd.f32 v2, v11  }
0x798: {  	v58 =	vld [tilespmem:s12+$0x20];
	[tilespmem:s2+$0xFFFFFF20] =	vst v5;
	v11 =	vshll.u32 v1, $0x10;
	v0 =	vmax.f32 v0, $0.0e+00  }
0x799: {  	v5 =	vand.u32 $0xFFFF0000, v10;
	v10 =	vld [tilespmem:s12+$0xFFFFFF60];
	v11 =	vadd.f32 v11, v57;
	[tilespmem:s14+$0xC0] =	vst v0;
	v0 =	vmax.f32 v2, $0.0e+00  }
0x79a: {  	v5 =	vadd.f32 v5, v6;
	v2 =	vand.u32 $0xFFFF0000, v8;
	v6 =	vld [tilespmem:s16+$0x90];
	[tilespmem:s2+$0xB0] =	vst v0  }
0x79b: {  	v0 =	vand.u32 $0xFFFF0000, v9;
	v8 =	vmax.f32 v11, $0.0e+00;
	v2 =	vadd.f32 v2, v4;
	v4 =	vld [tilespmem:s12+$0xF0]  }
0x79c: {  	v5 =	vmax.f32 v5, $0.0e+00;
	[tilespmem:s2+$0xFFFFFFA0] =	vst v8;
	v0 =	vadd.f32 v0, v7;
	v7 =	vld [tilespmem:s8+$0x90]  }
0x79d: {  	[tilespmem:s14+$0xFFFFFF40] =	vst v5;
	v5 =	vld [tilespmem:s12+$0xFFFFFFE0]  }
0x79e: {  	v2 =	vmax.f32 v2, $0.0e+00;
	v8 =	vld [tilespmem:s16+$0xFFFFFF10]  }
0x79f: {  	v59 =	vld [tilespmem:s8+$0xFFFFFF10];
	[tilespmem:s14+$0xFFFFFFC0] =	vst v2;
	v0 =	vmax.f32 v0, $0.0e+00;
	v2 =	vshll.u32 v56, $0x10  }
0x7a0: {  	v3 =	vand.u32 $0xFFFF0000, v3;
	v9 =	vld [tilespmem:s16+$0xFFFFFF90];
	[tilespmem:s14+$0x40] =	vst v0;
	v0 =	vadd.f32 v2, v58;
	v11 =	vshll.u32 v6, $0x10  }
0x7a1: {  	v3 =	vadd.f32 v3, v10;
	v10 =	vld [tilespmem:s8+$0xFFFFFF90];
	v7 =	vadd.f32 v11, v7  }
0x7a2: {  	v1 =	vand.u32 $0xFFFF0000, v1;
	v2 =	vld [tilespmem:s16+$0x10];
	v0 =	vmax.f32 v0, $0.0e+00  }
0x7a3: {  	[tilespmem:s2+$0x20] =	vst v0;
	v0 =	vadd.f32 v1, v5;
	v1 =	vld [tilespmem:s8+$0x10];
	v5 =	vmax.f32 v7, $0.0e+00  }
0x7a4: {  	v3 =	vmax.f32 v3, $0.0e+00;
	[tilespmem:s14+$0x90] =	vst v5;
	v5 =	vld [tilespmem:s12+$0x60]  }
0x7a5: {  	[tilespmem:s2+$0xFFFFFF60] =	vst v3;
	v3 =	vshll.u32 v8, $0x10;
	v0 =	vmax.f32 v0, $0.0e+00;
	v7 =	vld [tilespmem:s8+$0xD0]  }
0x7a6: {  	v60 =	vld [tilespmem:s29+$0xFFFFFF30];
	v11 =	vshll.u32 v9, $0x10;
	[tilespmem:s2+$0xFFFFFFE0] =	vst v0;
	v0 =	vadd.f32 v3, v59  }
0x7a7: {  	v3 =	vshll.u32 v2, $0x10;
	v10 =	vadd.f32 v11, v10;
	v11 =	vld [tilespmem:s29+$0xFFFFFFB0]  }
0x7a8: {  	v14 =	vand.u32 $0xFFFF0000, v56;
	v0 =	vmax.f32 v0, $0.0e+00;
	v1 =	vadd.f32 v3, v1;
	v3 =	vld [tilespmem:s12+$0xFFFFFF30]  }
0x7a9: {  	v6 =	vand.u32 $0xFFFF0000, v6;
	[tilespmem:s14+$0xFFFFFF10] =	vst v0;
	v0 =	vmax.f32 v10, $0.0e+00;
	v10 =	vld [tilespmem:s12+$0xFFFFFFB0];
	v5 =	vadd.f32 v14, v5  }
0x7aa: {  	v61 =	vld [tilespmem:s8+$0xFFFFFF50];
	[tilespmem:s14+$0xFFFFFF90] =	vst v0;
	v0 =	vmax.f32 v1, $0.0e+00;
	v1 =	vadd.f32 v6, v7  }
0x7ab: {  	v6 =	vld [tilespmem:s8+$0xFFFFFFD0];
	[tilespmem:s14+$0x10] =	vst v0;
	v0 =	vmax.f32 v5, $0.0e+00  }
0x7ac: {  	v5 =	vshll.u32 v60, $0x10;
	v7 =	vld [tilespmem:s8+$0x50];
	v1 =	vmax.f32 v1, $0.0e+00;
	[tilespmem:s2+$0x60] =	vst v0  }
0x7ad: {  	v0 =	vshll.u32 v11, $0x10;
	[tilespmem:s14+$0xD0] =	vst v1;
	v1 =	vadd.f32 v5, v3;
	v62 =	vld [tilespmem:s29+$0x30]  }
0x7ae: {  	v8 =	vand.u32 $0xFFFF0000, v8;
	v9 =	vand.u32 $0xFFFF0000, v9;
	v0 =	vadd.f32 v0, v10;
	v3 =	vld [tilespmem:s16+$0xA0]  }
0x7af: {  	v2 =	vand.u32 $0xFFFF0000, v2;
	v8 =	vadd.f32 v8, v61;
	v10 =	vld [tilespmem:s8+$0xA0];
	v1 =	vmax.f32 v1, $0.0e+00  }
0x7b0: {  	v5 =	vand.u32 $0xFFFF0000, v55;
	v6 =	vadd.f32 v9, v6;
	v0 =	vmax.f32 v0, $0.0e+00;
	v9 =	vld [tilespmem:s12+$0x30];
	[tilespmem:s2+$0xFFFFFF30] =	vst v1  }
0x7b1: {  	v1 =	vadd.f32 v5, v4;
	v5 =	vmax.f32 v8, $0.0e+00;
	v2 =	vadd.f32 v2, v7;
	[tilespmem:s2+$0xFFFFFFB0] =	vst v0;
	v4 =	vld [tilespmem:s12+$0xFFFFFF70]  }
0x7b2: {  	[tilespmem:s14+$0xFFFFFF50] =	vst v5;
	v0 =	vmax.f32 v6, $0.0e+00;
	v5 =	vld [tilespmem:s12+$0xFFFFFFF0]  }
0x7b3: {  	v6 =	vmax.f32 v1, $0.0e+00;
	v7 =	vld [tilespmem:s16+$0xFFFFFF20];
	[tilespmem:s14+$0xFFFFFFD0] =	vst v0;
	v0 =	vmax.f32 v2, $0.0e+00;
	v63 =	vshll.u32 v3, $0x10  }
0x7b4: {  	s3 =	simm.s32 $0x3000;
	v2 =	vand.u32 $0xFFFF0000, v11;
	v11 =	vshll.u32 v62, $0x10;
	v8 =	vld [tilespmem:s16+$0xFFFFFFA0];
	[tilespmem:s14+$0x50] =	vst v0;
	v10 =	vadd.f32 v63, v10  }
0x7b5: {  	s0 =	simm.s32 $0x1A00;
	s20 =	simm.s32 $0x7E00;
	s1 =	simm.s32 $0x4;
	v1 =	vand.u32 $0xFFFF0000, v60;
	[tilespmem:s2+$0xF0] =	vst v6;
	v0 =	vand.u32 $0xFFFF0000, v62;
	v6 =	vld [tilespmem:s16+$0x20];
	v9 =	vadd.f32 v11, v9  }
.LBB2_22:
0x7b6: {  	v11 =	vld [tilespmem:s3+$0x80];
	v10 =	vmax.f32 v10, $0.0e+00;
	s8 =	sadd.s32 $0x200, s8;
	v1 =	vadd.f32 v1, v4  }
0x7b7: {  	v4 =	vld [tilespmem:s8+$0x80];
	[tilespmem:s14+$0xA0] =	vst v10;
	v2 =	vadd.f32 v2, v5;
	v5 =	vmax.f32 v9, $0.0e+00  }
0x7b8: {  	s1 =	sadd.s32 $0x4, s1;
	v9 =	vshll.u32 v7, $0x10;
	v7 =	vand.u32 $0xFFFF0000, v7;
	v10 =	vld [tilespmem:s0+$0xE0];
	v1 =	vmax.f32 v1, $0.0e+00;
	[tilespmem:s2+$0x30] =	vst v5  }
0x7b9: {  	p0 =	slt.u32 s1, $0x24;
	v5 =	vld [tilespmem:s3+$0xFFFFFF80];
	v12 =	vshll.u32 v8, $0x10;
	v8 =	vand.u32 $0xFFFF0000, v8;
	[tilespmem:s2+$0xFFFFFF70] =	vst v1;
	v2 =	vmax.f32 v2, $0.0e+00  }
0x7ba: {  	v13 =	vld [tilespmem:s3+$0x0];
	v14 =	vshll.u32 v6, $0x10;
	v1 =	vand.u32 $0xFFFF0000, v6;
	[tilespmem:s2+$0xFFFFFFF0] =	vst v2  }
0x7bb: {  	v2 =	vld [tilespmem:s3+$0xFFFFFF00];
	v6 =	vshll.u32 v11, $0x10  }
0x7bc: {  	v3 =	vand.u32 $0xFFFF0000, v3;
	v15 =	vld [tilespmem:s8+$0xFFFFFF00];
	v4 =	vadd.f32 v6, v4  }
0x7bd: {  	v6 =	vld [tilespmem:s8+$0xFFFFFF80];
	v3 =	vadd.f32 v3, v10  }
0x7be: {  	s14 =	sadd.s32 $0x200, s14;
	v10 =	vshll.u32 v5, $0x10;
	v5 =	vand.u32 $0xFFFF0000, v5;
	v16 =	vld [tilespmem:s8+$0x0];
	v4 =	vmax.f32 v4, $0.0e+00  }
0x7bf: {  	v17 =	vshll.u32 v13, $0x10;
	v13 =	vand.u32 $0xFFFF0000, v13;
	[tilespmem:s14+$0x80] =	vst v4;
	v4 =	vld [tilespmem:s0+$0xFFFFFF20];
	v3 =	vmax.f32 v3, $0.0e+00  }
0x7c0: {  	v18 =	vshll.u32 v2, $0x10;
	v2 =	vand.u32 $0xFFFF0000, v2;
	v19 =	vld [tilespmem:s8+$0xC0];
	[tilespmem:s20+$0xE0] =	vst v3  }
0x7c1: {  	v3 =	vadd.f32 v18, v15;
	v15 =	vld [tilespmem:s16+$0xB0]  }
0x7c2: {  	v6 =	vadd.f32 v10, v6;
	v10 =	vld [tilespmem:s0+$0xB0]  }
0x7c3: {  	v3 =	vmax.f32 v3, $0.0e+00;
	v16 =	vadd.f32 v17, v16;
	v17 =	vld [tilespmem:s0+$0xFFFFFFA0]  }
0x7c4: {  	[tilespmem:s14+$0xFFFFFF00] =	vst v3;
	v3 =	vmax.f32 v6, $0.0e+00;
	v4 =	vadd.f32 v9, v4;
	v6 =	vld [tilespmem:s0+$0x20]  }
0x7c5: {  	v11 =	vand.u32 $0xFFFF0000, v11;
	v9 =	vld [tilespmem:s8+$0xFFFFFF40];
	[tilespmem:s14+$0xFFFFFF80] =	vst v3;
	v3 =	vmax.f32 v16, $0.0e+00  }
0x7c6: {  	v16 =	vld [tilespmem:s8+$0xFFFFFFC0];
	[tilespmem:s14+$0x0] =	vst v3;
	v3 =	vadd.f32 v11, v19;
	v4 =	vmax.f32 v4, $0.0e+00;
	v11 =	vshll.u32 v15, $0x10  }
0x7c7: {  	v18 =	vld [tilespmem:s8+$0x40];
	[tilespmem:s20+$0xFFFFFF20] =	vst v4;
	v4 =	vadd.f32 v11, v10  }
0x7c8: {  	v3 =	vmax.f32 v3, $0.0e+00;
	v10 =	vld [tilespmem:s0+$0xFFFFFF60];
	v11 =	vadd.f32 v12, v17  }
0x7c9: {  	[tilespmem:s14+$0xC0] =	vst v3;
	v3 =	vadd.f32 v14, v6;
	v4 =	vmax.f32 v4, $0.0e+00;
	v6 =	vld [tilespmem:s12+$0x70];
	s12 =	smov.u32 s0;
	s0 =	smov.u32 s8  }
0x7ca: {  	v2 =	vadd.f32 v2, v9;
	v9 =	vld [tilespmem:s3+$0x90];
	v11 =	vmax.f32 v11, $0.0e+00;
	[tilespmem:s20+$0xB0] =	vst v4  }
0x7cb: {  	v4 =	vadd.f32 v5, v16;
	[tilespmem:s20+$0xFFFFFFA0] =	vst v11;
	v3 =	vmax.f32 v3, $0.0e+00;
	v5 =	vld [tilespmem:s12+$0xF0]  }
0x7cc: {  	v2 =	vmax.f32 v2, $0.0e+00;
	v11 =	vadd.f32 v13, v18;
	v12 =	vld [tilespmem:s8+$0x90];
	[tilespmem:s20+$0x20] =	vst v3  }
0x7cd: {  	[tilespmem:s14+$0xFFFFFF40] =	vst v2;
	v2 =	vmax.f32 v4, $0.0e+00;
	v3 =	vadd.f32 v7, v10;
	v4 =	vld [tilespmem:s12+$0xFFFFFFE0]  }
0x7ce: {  	v7 =	vld [tilespmem:s3+$0xFFFFFF10];
	[tilespmem:s14+$0xFFFFFFC0] =	vst v2;
	v2 =	vmax.f32 v11, $0.0e+00;
	v0 =	vadd.f32 v0, v6  }
0x7cf: {  	v6 =	vld [tilespmem:s3+$0xFFFFFF90];
	[tilespmem:s14+$0x40] =	vst v2;
	v2 =	vmax.f32 v3, $0.0e+00;
	v3 =	vand.u32 $0xFFFF0000, v15  }
0x7d0: {  	v11 =	vshll.u32 v9, $0x10;
	v10 =	vld [tilespmem:s3+$0x10];
	[tilespmem:s20+$0xFFFFFF60] =	vst v2;
	v2 =	vadd.f32 v3, v5;
	v0 =	vmax.f32 v0, $0.0e+00  }
0x7d1: {  	v3 =	vld [tilespmem:s8+$0xFFFFFF10];
	v5 =	vadd.f32 v11, v12;
	[tilespmem:s2+$0x70] =	vst v0;
	s2 =	smov.u32 s20;
	s20 =	smov.u32 s14  }
0x7d2: {  	v0 =	vld [tilespmem:s8+$0xFFFFFF90];
	v4 =	vadd.f32 v8, v4;
	v2 =	vmax.f32 v2, $0.0e+00  }
0x7d3: {  	v8 =	vshll.u32 v7, $0x10;
	v7 =	vand.u32 $0xFFFF0000, v7;
	v11 =	vld [tilespmem:s8+$0x10];
	v5 =	vmax.f32 v5, $0.0e+00;
	[tilespmem:s2+$0xF0] =	vst v2  }
0x7d4: {  	v2 =	vshll.u32 v6, $0x10;
	v6 =	vand.u32 $0xFFFF0000, v6;
	[tilespmem:s14+$0x90] =	vst v5;
	v4 =	vmax.f32 v4, $0.0e+00;
	v5 =	vld [tilespmem:s12+$0x60]  }
0x7d5: {  	v12 =	vshll.u32 v10, $0x10;
	v10 =	vand.u32 $0xFFFF0000, v10;
	v13 =	vld [tilespmem:s8+$0xD0];
	[tilespmem:s2+$0xFFFFFFE0] =	vst v4  }
0x7d6: {  	v3 =	vadd.f32 v8, v3;
	v4 =	vld [tilespmem:s16+$0xFFFFFF30]  }
0x7d7: {  	v0 =	vadd.f32 v2, v0;
	v2 =	vld [tilespmem:s16+$0xFFFFFFB0]  }
0x7d8: {  	v3 =	vmax.f32 v3, $0.0e+00;
	v8 =	vadd.f32 v12, v11;
	v11 =	vld [tilespmem:s12+$0xFFFFFF30]  }
0x7d9: {  	[tilespmem:s14+$0xFFFFFF10] =	vst v3;
	v0 =	vmax.f32 v0, $0.0e+00;
	v3 =	vand.u32 $0xFFFF0000, v9;
	v9 =	vld [tilespmem:s12+$0xFFFFFFB0];
	v5 =	vadd.f32 v1, v5  }
0x7da: {  	v12 =	vld [tilespmem:s8+$0xFFFFFF50];
	[tilespmem:s14+$0xFFFFFF90] =	vst v0;
	v0 =	vmax.f32 v8, $0.0e+00;
	v3 =	vadd.f32 v3, v13  }
0x7db: {  	v8 =	vld [tilespmem:s8+$0xFFFFFFD0];
	[tilespmem:s14+$0x10] =	vst v0;
	v0 =	vshll.u32 v4, $0x10;
	v1 =	vand.u32 $0xFFFF0000, v4;
	v4 =	vmax.f32 v5, $0.0e+00  }
0x7dc: {  	v5 =	vld [tilespmem:s8+$0x50];
	v3 =	vmax.f32 v3, $0.0e+00;
	v13 =	vshll.u32 v2, $0x10;
	v2 =	vand.u32 $0xFFFF0000, v2;
	[tilespmem:s2+$0x60] =	vst v4  }
0x7dd: {  	[tilespmem:s14+$0xD0] =	vst v3;
	v0 =	vadd.f32 v0, v11;
	v11 =	vld [tilespmem:s16+$0x30];
	s16 =	smov.u32 s3  }
0x7de: {  	v3 =	vld [tilespmem:s3+$0xA0];
	v4 =	vadd.f32 v13, v9  }
0x7df: {  	v7 =	vadd.f32 v7, v12;
	v9 =	vld [tilespmem:s8+$0xA0];
	v0 =	vmax.f32 v0, $0.0e+00  }
0x7e0: {  	v6 =	vadd.f32 v6, v8;
	[tilespmem:s2+$0xFFFFFF30] =	vst v0;
	v0 =	vmax.f32 v4, $0.0e+00;
	v12 =	vld [tilespmem:s12+$0x30]  }
.Ltmp10:
0x7e1: {  	v7 =	vmax.f32 v7, $0.0e+00;
	v8 =	vadd.f32 v10, v5;
	v4 =	vld [tilespmem:s12+$0xFFFFFF70];
	[tilespmem:s2+$0xFFFFFFB0] =	vst v0;
	(pc) =	sbr.rel @p0 .LBB2_22-.Ltmp10, $4  }
0x7e2: {  	[tilespmem:s14+$0xFFFFFF50] =	vst v7;
	v6 =	vmax.f32 v6, $0.0e+00;
	v5 =	vld [tilespmem:s12+$0xFFFFFFF0];
	v13 =	vshll.u32 v11, $0x10;
	v0 =	vand.u32 $0xFFFF0000, v11  }
0x7e3: {  	v7 =	vld [tilespmem:s3+$0xFFFFFF20];
	[tilespmem:s14+$0xFFFFFFD0] =	vst v6;
	v6 =	vmax.f32 v8, $0.0e+00;
	v10 =	vshll.u32 v3, $0x10  }
0x7e4: {  	v8 =	vld [tilespmem:s3+$0xFFFFFFA0];
	[tilespmem:s14+$0x50] =	vst v6;
	v10 =	vadd.f32 v10, v9  }
0x7e5: {  	s3 =	sadd.s32 $0x200, s3;
	v6 =	vld [tilespmem:s16+$0x20];
	v9 =	vadd.f32 v13, v12  }
0x7e6: {  	v11 =	vld [tilespmem:s0+$0xFFFFFF20]  }
0x7e7: {  	v12 =	vld [tilespmem:s0+$0xFFFFFFA0];
	_ =	sdelay $0x2  }
0x7e8: {  	v14 =	vld [tilespmem:s0+$0x20];
	v13 =	vshll.u32 v7, $0x10  }
0x7e9: {  	v10 =	vmax.f32 v10, $0.0e+00;
	v29 =	vshll.u32 v8, $0x10;
	v11 =	vadd.f32 v13, v11  }
0x7ea: {  	[tilespmem:s14+$0xA0] =	vst v10;
	v30 =	vadd.f32 v29, v12  }
0x7eb: {  	v31 =	vld [tilespmem:s0+$0xE0];
	v11 =	vmax.f32 v11, $0.0e+00  }
0x7ec: {  	v32 =	vshll.u32 v6, $0x10;
	v10 =	vmax.f32 v30, $0.0e+00;
	[tilespmem:s20+$0xFFFFFF20] =	vst v11  }
0x7ed: {  	v13 =	vadd.f32 v32, v14;
	[tilespmem:s20+$0xFFFFFFA0] =	vst v10;
	v11 =	vld [tilespmem:s0+$0xFFFFFF60]  }
0x7ee: {  	v10 =	vld [tilespmem:s0+$0xFFFFFFE0]  }
0x7ef: {  	v3 =	vand.u32 $0xFFFF0000, v3;
	v13 =	vmax.f32 v13, $0.0e+00  }
0x7f0: {  	v3 =	vadd.f32 v3, v31;
	[tilespmem:s20+$0x20] =	vst v13  }
0x7f1: {  	v33 =	vand.u32 $0xFFFF0000, v7;
	v34 =	vld [tilespmem:s0+$0x60]  }
0x7f2: {  	v35 =	vand.u32 $0xFFFF0000, v8;
	v3 =	vmax.f32 v3, $0.0e+00;
	v7 =	vadd.f32 v33, v11  }
0x7f3: {  	[tilespmem:s20+$0xE0] =	vst v3;
	v36 =	vadd.f32 v35, v10  }
0x7f4: {  	v37 =	vld [tilespmem:s16+$0xB0];
	v7 =	vmax.f32 v7, $0.0e+00  }
0x7f5: {  	v38 =	vand.u32 $0xFFFF0000, v6;
	v39 =	vld [tilespmem:s0+$0xB0];
	v3 =	vmax.f32 v36, $0.0e+00;
	[tilespmem:s20+$0xFFFFFF60] =	vst v7  }
0x7f6: {  	v6 =	vadd.f32 v38, v34;
	[tilespmem:s20+$0xFFFFFFE0] =	vst v3;
	v40 =	vld [tilespmem:s16+$0xFFFFFF30]  }
0x7f7: {  	v41 =	vld [tilespmem:s16+$0xFFFFFFB0]  }
0x7f8: {  	v6 =	vmax.f32 v6, $0.0e+00;
	v42 =	vld [tilespmem:s0+$0xFFFFFF30]  }
0x7f9: {  	[tilespmem:s20+$0x60] =	vst v6;
	v43 =	vld [tilespmem:s0+$0xFFFFFFB0]  }
0x7fa: {  	v6 =	vld [tilespmem:s16+$0x30]  }
0x7fb: {  	v13 =	vld [tilespmem:s0+$0x30]  }
0x7fc: {  	v44 =	vshll.u32 v37, $0x10  }
0x7fd: {  	v10 =	vadd.f32 v44, v39;
	v45 =	vshll.u32 v40, $0x10  }
0x7fe: {  	v9 =	vmax.f32 v9, $0.0e+00;
	v46 =	vshll.u32 v41, $0x10;
	v11 =	vadd.f32 v45, v42  }
0x7ff: {  	[tilespmem:s2+$0x30] =	vst v9;
	v47 =	vmax.f32 v10, $0.0e+00;
	v49 =	vshll.u32 v6, $0x10;
	v48 =	vadd.f32 v46, v43  }
0x800: {  	v51 =	vld [tilespmem:s12+$0x70];
	[tilespmem:s20+$0xB0] =	vst v47;
	v50 =	vadd.f32 v49, v13;
	v11 =	vmax.f32 v11, $0.0e+00  }
0x801: {  	v52 =	vld [tilespmem:s0+$0xF0];
	v10 =	vmax.f32 v48, $0.0e+00;
	[tilespmem:s20+$0xFFFFFF30] =	vst v11  }
0x802: {  	v9 =	vmax.f32 v50, $0.0e+00;
	[tilespmem:s20+$0xFFFFFFB0] =	vst v10;
	v53 =	vld [tilespmem:s0+$0xFFFFFF70]  }
0x803: {  	v1 =	vadd.f32 v1, v4;
	[tilespmem:s20+$0x30] =	vst v9;
	v54 =	vld [tilespmem:s0+$0xFFFFFFF0]  }
0x804: {  	v2 =	vadd.f32 v2, v5;
	v55 =	vld [tilespmem:s0+$0x70]  }
0x805: {  	v1 =	vmax.f32 v1, $0.0e+00;
	v0 =	vadd.f32 v0, v51;
	v8 =	vand.u32 $0xFFFF0000, v37  }
0x806: {  	[tilespmem:s2+$0xFFFFFF70] =	vst v1;
	v56 =	vmax.f32 v2, $0.0e+00;
	v3 =	vand.u32 $0xFFFF0000, v40;
	v57 =	vadd.f32 v8, v52  }
0x807: {  	[tilespmem:s2+$0xFFFFFFF0] =	vst v56;
	v0 =	vmax.f32 v0, $0.0e+00;
	v58 =	vand.u32 $0xFFFF0000, v41;
	v3 =	vadd.f32 v3, v53  }
0x808: {  	[tilespmem:s2+$0x70] =	vst v0;
	v60 =	vand.u32 $0xFFFF0000, v6;
	v59 =	vmax.f32 v57, $0.0e+00;
	v1 =	vadd.f32 v58, v54  }
0x809: {  	[tilespmem:s20+$0xF0] =	vst v59;
	v2 =	vadd.f32 v60, v55;
	v61 =	vmax.f32 v3, $0.0e+00  }
0x80a: {  	v62 =	vmax.f32 v1, $0.0e+00;
	[tilespmem:s20+$0xFFFFFF70] =	vst v61  }
0x80b: {  	v63 =	vmax.f32 v2, $0.0e+00;
	[tilespmem:s20+$0xFFFFFFF0] =	vst v62  }
0x80c: {  	s16 =	simm.s32 $0x7B00;
	[tilespmem:s20+$0x70] =	vst v63  }
0x80d: {  	[spmem:s15] =	stream.indirect.scatter.add.f32 [tilespmem:s16], [sflag:$0xD], $0x80, s31, s11, $0xb8;
	[tilespmem:$0x1CF00] =	vst v63  }
0x80e: {  	_ =	swait.ge [sflag:s25], $0x1400  }
0x80f: {  	[sflag:s25] =	ssyncset.done $0x0  }
0x810: {  	[sflag:s25] =	ssyncadd.s32 $0xFFFFEC00  }
0x811: {  	_ =	swait.ge [sflag:s9], $0x1400  }
0x812: {  	[sflag:s9] =	ssyncset.done $0x0  }
0x813: {  	[sflag:s9] =	ssyncadd.s32 $0xFFFFEC00  }
0x814: {  	[bflag:$0x0] =	sbarrier.arrive $0xFFFF  }
0x815: {  	s20 =	rddreg [dreg:$0x18]  }
0x816: {  	s1 =	rddreg [dreg:$0x1b]  }
0x817: {  	s3 =	simm.s32 $0xE;
	s21 =	rddreg [dreg:$0x1c]  }
0x818: {  	[hbm:s20], [sflag:s1] =	dma.local [spmem:s21], $0x2800  }
0x819: {  	_ =	swait.ge [sflag:s3], $0x2800  }
0x81a: {  	s24 =	rddreg [dreg:$0x1a]  }
0x81b: {  	s29 =	rddreg [dreg:$0x19];
	s1 =	sadd.s32 $0x1, s24  }
0x81c: {  	p0 =	sne.s32 s1, s29  }
.Ltmp11:
0x81d: {  	_ = 	snop;
	(pc) =	sbr.rel @p0 .LBB2_1-.Ltmp11, $3  }
0x81e: {  	_ =	sdelay $0x1  }
0x81f: {  	[sflag:s3] =	ssyncset.done $0x0  }
0x820: {  	[sflag:s3] =	ssyncadd.s32 $0xFFFFD800  }
0x821: {  	_ =	sfence.sel $0x180000  }
0x822: {  	[bflag:$0x0] =	sbarrier.arrive $0xFFFF  }
0x823: {  	_ =	strace $0x90000047  }
0x824: {  	s0 =	stileid.u32;
	[bflag:$0x2] =	sbarrier.arrive $0xFFFF  }
0x825: {  	p0 =	sne.s32 s0, $0x0;
	s0 =	rddreg [dreg:$0x3]  }
0x826: {  	s0 =	sadd.s32 @!p0 $0x100000, s0  }
0x827: {  	[sflag:s0] =	ssyncadd.tile.s32 @!p0 $0x1;
	_ =	shalt  }
.Lfunc_end2:
_tile_overlayer_lowered:
.L_overlay_start_2:
0x828: {  	(tag) =	ssettag $0x2  }
0x829: {  	s0 =	rddreg [dreg:$0x0];
	s2 =	stileid.u32  }
0x82a: {  	s1 =	rddreg [dreg:$0x1];
	p0 =	sne.s32 s2, $0x0  }
0x82b: {  	s3 =	rddreg [dreg:$0x2];
	[bflag:$0x3] =	sbarrier.arrive $0xFFFF;
	s2 =	simm.s32 @!p0 $0x1C0E  }
0x82c: {  	[timem:s3], [sflag:s2] =	dma.local @!p0 [hbm:s0], s1  }
0x82d: {  	s0 =	simm.s32 @!p0 $0xE  }
0x82e: {  	_ =	swait.ge @!p0 [sflag:s0], s1  }
0x82f: {  	s1 =	ssub.s32 @!p0 $0x0, s1;
	[sflag:s0] =	ssyncset.done @!p0 $0x0  }
0x830: {  	[sflag:s0] =	ssyncadd.s32 @!p0 s1  }
0x831: {  	[bflag:$0x3] =	sbarrier.arrive $0xFFFF  }
0x832: {  	_ =	shalt  }

</sc_bundles>
